<compile_context>
chip_gen: v7x
topology: tpu7x:2x2x1
jax: 0.10.2.dev20260603
libtpu: 0.0.44.dev20260713+nightly
codegen_flags: <defaults>
</compile_context>

<pallas_src>
import functools

import jax
import jax.numpy as jnp
from jax import lax
from jax.experimental import pallas as pl
from jax.experimental.pallas import tpu as pltpu
from jax.experimental.pallas import tpu_sc as plsc

N = 10000
E = 320000
D = 128
L = 16
NC = 2
NS = 16
NW = NC * NS
KE = 128
NCHUNK = E // KE
FULL_T = NCHUNK // NW
REM = NCHUNK - FULL_T * NW
NPAD = 10240
RPT = NPAD // NS
EPW = E // NW
NFULL = EPW // KE
TAIL = EPW - NFULL * KE

_mesh = plsc.VectorSubcoreMesh(core_axis_name="c", subcore_axis_name="s")
_params = pltpu.CompilerParams(needs_layout_passes=False)


def _splat(ewv, j):
    return plsc.load_gather(ewv, [jnp.full((L,), j, jnp.int32)])


NROW = NPAD // D


@functools.partial(
    pl.kernel,
    out_type=jax.ShapeDtypeStruct((NC, NROW, D), jnp.float32),
    mesh=_mesh,
    compiler_params=_params,
    scratch_types=[
        pltpu.VMEM((EPW,), jnp.int32),
        pltpu.VMEM((EPW,), jnp.float32),
        pltpu.VMEM((N * 8,), jnp.float32),
        pltpu.VMEM((NROW, D), jnp.float32),
        pltpu.VMEM((NROW,), jnp.int32),
        pltpu.VMEM_SHARED((NROW, D), jnp.float32),
    ],
)
def _sc_degree(dst_hbm, ew_hbm, out_hbm, dstall, ewall, acc8, stag, idv, acc):
    c = lax.axis_index("c")
    s = lax.axis_index("s")
    w = c * NS + s
    e0 = w * EPW

    pltpu.sync_copy(dst_hbm.at[pl.ds(e0, EPW)], dstall)
    pltpu.sync_copy(ew_hbm.at[pl.ds(e0, EPW)], ewall)

    zero16 = jnp.zeros((L,), jnp.float32)
    lane = lax.broadcasted_iota(jnp.int32, (L,), 0)

    @pl.loop(0, N * 8 // L)
    def _(i):
        acc8[pl.ds(i * L, L)] = zero16

    @pl.loop(0, NROW)
    def _(q):
        for r in range(D // L):
            stag[q, pl.ds(r * L, L)] = zero16

    @pl.loop(0, NROW // L)
    def _(g):
        idv[pl.ds(g * L, L)] = lane + g * L

    @pl.when(s == 0)
    def _():
        pltpu.sync_copy(stag, acc)

    plsc.subcore_barrier()

    m_lo = lane < 8
    m_hi = lane >= 8
    col_lo = lane
    col_hi = lane - 8

    @pl.loop(0, EPW // L, unroll=4)
    def _(g):
        gofs = pl.ds(g * L, L)
        dstv = dstall[gofs]
        ewv = ewall[gofs]
        base8 = dstv * 8
        plsc.addupdate_scatter(acc8, [base8 + col_lo], ewv, mask=m_lo)
        plsc.addupdate_scatter(acc8, [base8 + col_hi], ewv, mask=m_hi)

    @pl.loop(0, N // L, unroll=2)
    def _(m):
        tot = zero16
        for cc in range(8):
            tot = tot + plsc.load_gather(acc8, [(lane + m * L) * 8 + cc])
        stag[m // 8, pl.ds((m % 8) * L, L)] = tot

    pltpu.sync_copy(stag, acc.at[idv], add=True)
    plsc.subcore_barrier()

    @pl.when(s < NROW // 8)
    def _():
        pltpu.sync_copy(acc.at[pl.ds(s * 8, 8)], out_hbm.at[c, pl.ds(s * 8, 8)])


@functools.partial(
    pl.kernel,
    out_type=jax.ShapeDtypeStruct((NC, NPAD, D), jnp.float32),
    mesh=_mesh,
    compiler_params=_params,
    scratch_types=[
        pltpu.VMEM((KE,), jnp.int32),
        pltpu.VMEM((KE,), jnp.int32),
        pltpu.VMEM((KE,), jnp.int32),
        pltpu.VMEM((KE,), jnp.int32),
        pltpu.VMEM((KE,), jnp.float32),
        pltpu.VMEM((KE,), jnp.float32),
        pltpu.VMEM((TAIL,), jnp.int32),
        pltpu.VMEM((TAIL,), jnp.int32),
        pltpu.VMEM((TAIL,), jnp.float32),
        pltpu.VMEM((KE, D), jnp.float32),
        pltpu.VMEM((KE, D), jnp.float32),
        pltpu.SemaphoreType.DMA,
        pltpu.SemaphoreType.DMA,
        pltpu.SemaphoreType.DMA,
        pltpu.SemaphoreType.DMA,
        pltpu.SemaphoreType.DMA,
        pltpu.SemaphoreType.DMA,
        pltpu.SemaphoreType.DMA,
        pltpu.VMEM_SHARED((NPAD, D), jnp.float32),
    ],
)
def _sc_propagate(y_hbm, src_hbm, dst_hbm, ew_hbm, out_hbm,
                  srcA, srcB, dstA, dstB, ewA, ewB,
                  srcT, dstT, ewT, rowsA, rowsB,
                  isemA, isemB, gsemA, gsemB, ssemA, ssemB, semT, acc):
    c = lax.axis_index("c")
    s = lax.axis_index("s")
    w = c * NS + s
    e0 = w * EPW

    @pl.loop(0, KE)
    def _(i):
        for r in range(D // L):
            rowsA[i, pl.ds(r * L, L)] = jnp.zeros((L,), jnp.float32)

    @pl.loop(0, RPT // KE)
    def _(k):
        pltpu.sync_copy(rowsA, acc.at[pl.ds(s * RPT + k * KE, KE)])

    plsc.subcore_barrier()

    bufs = ((srcA, dstA, ewA, rowsA, isemA, gsemA, ssemA),
            (srcB, dstB, ewB, rowsB, isemB, gsemB, ssemB))

    def start_chunk(b, t, drain_scatter):
        srcc, dstc, ewc, rows, isem, gsem, ssem = bufs[b]
        if drain_scatter:
            pltpu.make_async_copy(rows, acc.at[dstc], ssem).wait()
        base = e0 + t * KE
        csrc = pltpu.make_async_copy(src_hbm.at[pl.ds(base, KE)], srcc, isem)
        cdst = pltpu.make_async_copy(dst_hbm.at[pl.ds(base, KE)], dstc, isem)
        cew = pltpu.make_async_copy(ew_hbm.at[pl.ds(base, KE)], ewc, isem)
        csrc.start()
        cdst.start()
        cew.start()
        csrc.wait()
        cdst.wait()
        cew.wait()
        pltpu.async_copy(y_hbm.at[srcc], rows, gsem)

    def finish_chunk(b, t):
        srcc, dstc, ewc, rows, isem, gsem, ssem = bufs[b]
        pltpu.make_async_copy(y_hbm.at[srcc], rows, gsem).wait()

        @pl.loop(0, KE, unroll=4)
        def _(j):
            spl = _splat(ewc, j)
            for r in range(D // L):
                rows[j, pl.ds(r * L, L)] = rows[j, pl.ds(r * L, L)] * spl

        pltpu.async_copy(rows, acc.at[dstc], ssem, add=True)

    start_chunk(0, 0, False)
    start_chunk(1, 1, False)

    @pl.loop(0, NFULL, step=2)
    def _(t):
        for b in (0, 1):
            tt = t + b
            finish_chunk(b, tt)

            @pl.when(tt + 2 < NFULL)
            def _():
                start_chunk(b, tt + 2, True)

    pltpu.make_async_copy(rowsA, acc.at[dstA], ssemA).wait()
    pltpu.make_async_copy(rowsB, acc.at[dstB], ssemB).wait()

    tbase = e0 + NFULL * KE
    pltpu.sync_copy(src_hbm.at[pl.ds(tbase, TAIL)], srcT)
    pltpu.sync_copy(dst_hbm.at[pl.ds(tbase, TAIL)], dstT)
    pltpu.sync_copy(ew_hbm.at[pl.ds(tbase, TAIL)], ewT)
    rowsT = rowsA.at[pl.ds(0, TAIL)]
    pltpu.async_copy(y_hbm.at[srcT], rowsT, semT).wait()

    @pl.loop(0, TAIL)
    def _(j):
        spl = _splat(ewT, j)
        for r in range(D // L):
            rowsA[j, pl.ds(r * L, L)] = rowsA[j, pl.ds(r * L, L)] * spl

    pltpu.sync_copy(rowsT, acc.at[dstT], add=True)

    plsc.subcore_barrier()

    @pl.loop(0, RPT // KE)
    def _(k):
        off = s * RPT + k * KE
        pltpu.sync_copy(acc.at[pl.ds(off, KE)], out_hbm.at[c, pl.ds(off, KE)])


def _tc_stage1_body(degp_ref, x_ref, w1_ref, y_ref, dis_ref):
    deg = degp_ref[0] + degp_ref[1] + 1.0
    dis = jnp.where(deg > 0, lax.rsqrt(jnp.maximum(deg, 1e-12)), 0.0)
    y = jnp.dot(x_ref[...], w1_ref[...], preferred_element_type=jnp.float32)
    y_ref[...] = y * dis
    dis_ref[...] = dis


def _tc_stage2_body(agg_ref, y_ref, dis_ref, b1_ref, w2_ref, y2_ref):
    dis = dis_ref[...]
    h = dis * (agg_ref[0, :N] + agg_ref[1, :N] + y_ref[...]) + b1_ref[...]
    h = jnp.maximum(h, 0.0)
    y2 = jnp.dot(h, w2_ref[...], preferred_element_type=jnp.float32)
    y2_ref[...] = y2 * dis


def _tc_stage3_body(agg_ref, y2_ref, dis_ref, bcat_ref, mu_ref, lv_ref):
    dis = dis_ref[...]
    out2 = dis * (agg_ref[0, :N] + agg_ref[1, :N] + y2_ref[...]) \
        + bcat_ref[...]
    mu_ref[...] = out2[:, :D // 2]
    lv_ref[...] = out2[:, D // 2:]


def _tc_stage1(deg_parts, x, W1):
    return pl.pallas_call(
        _tc_stage1_body,
        out_shape=(
            jax.ShapeDtypeStruct((N, D), jnp.float32),
            jax.ShapeDtypeStruct((N, 1), jnp.float32),
        ),
    )(deg_parts, x, W1)


def _tc_stage2(agg, y, dis, b1, W2):
    return pl.pallas_call(
        _tc_stage2_body,
        out_shape=jax.ShapeDtypeStruct((N, D), jnp.float32),
    )(agg, y, dis, b1, W2)


def _tc_stage3(agg, y2, dis, bcat):
    return pl.pallas_call(
        _tc_stage3_body,
        out_shape=(
            jax.ShapeDtypeStruct((N, D // 2), jnp.float32),
            jax.ShapeDtypeStruct((N, D // 2), jnp.float32),
        ),
    )(agg, y2, dis, bcat)


@jax.jit
def kernel(x, edge_index, edge_attr, W1, b1, Wmu, bmu, Wlv, blv):
    src = edge_index[0]
    dst = edge_index[1]
    W2 = jnp.concatenate([Wmu, Wlv], axis=1)
    bcat = jnp.concatenate([bmu, blv])[None, :]

    deg_parts = _sc_degree(dst, edge_attr)
    deg_lin = deg_parts.reshape(NC, NPAD)[:, :N, None]
    y1, dis = _tc_stage1(deg_lin, x, W1)
    agg1 = _sc_propagate(y1, src, dst, edge_attr)
    y2 = _tc_stage2(agg1, y1, dis, b1[None, :], W2)
    agg2 = _sc_propagate(y2, src, dst, edge_attr)
    mu, logvar = _tc_stage3(agg2, y2, dis, bcat)
    return mu, logvar

# --- scband reference (transcript-rebuilt; emitter-appended) ---
"""Pipeline reference for scband-encoder-61649960567159 (READ-ONLY COPY).

The authoritative reference and input builder live on the scoring server;
editing this copy changes nothing except your own understanding.
"""

import jax, jax.numpy as jnp
import numpy as np

N = 10000
E = 320000
D_IN, D_HID, D_LAT = 128, 128, 64


def _glorot(key, shape):
    fan_in, fan_out = shape[0], shape[1]
    limit = np.sqrt(6.0 / (fan_in + fan_out))
    return jax.random.uniform(key, shape, jnp.float32, -limit, limit)


def setup_inputs(seed: int = 0) -> dict:
    key = jax.random.key(seed)
    ks = jax.random.split(key, 9)
    x = jax.random.normal(ks[0], (N, D_IN), dtype=jnp.float32)
    edge_index = jax.random.randint(ks[1], (2, E), 0, N)
    edge_attr = jax.random.uniform(ks[2], (E,), dtype=jnp.float32)
    W1 = _glorot(ks[3], (D_IN, D_HID))
    b1 = jnp.zeros((D_HID,), jnp.float32)
    Wmu = _glorot(ks[4], (D_HID, D_LAT))
    bmu = jnp.zeros((D_LAT,), jnp.float32)
    Wlv = _glorot(ks[5], (D_HID, D_LAT))
    blv = jnp.zeros((D_LAT,), jnp.float32)
    return {"x": x, "edge_index": edge_index, "edge_attr": edge_attr,
            "W1": W1, "b1": b1, "Wmu": Wmu, "bmu": bmu, "Wlv": Wlv, "blv": blv}


def _gcn_conv(x, W, b, src, dst, ew, num_nodes):
    # PyG GCNConv: x @ W, symmetric gcn_norm with edge weights + self loops, scatter-add, + bias
    deg = jax.ops.segment_sum(ew, dst, num_segments=num_nodes)
    dis = jnp.where(deg > 0, jax.lax.rsqrt(jnp.maximum(deg, 1e-12)), 0.0)
    norm = dis[src] * ew * dis[dst]
    xW = x @ W
    msg = jnp.take(xW, src, axis=0) * norm[:, None]
    out = jax.ops.segment_sum(msg, dst, num_segments=num_nodes)
    return out + b


def reference(x, edge_index, edge_attr, W1, b1, Wmu, bmu, Wlv, blv):
    num_nodes = x.shape[0]
    loop = jnp.arange(num_nodes)
    src = jnp.concatenate([edge_index[0], loop])
    dst = jnp.concatenate([edge_index[1], loop])
    ew = jnp.concatenate([edge_attr, jnp.ones((num_nodes,), x.dtype)])
    hidden = jax.nn.relu(_gcn_conv(x, W1, b1, src, dst, ew, num_nodes))
    # dropout(p=0.2) is identity in eval mode
    mu = _gcn_conv(hidden, Wmu, bmu, src, dst, ew, num_nodes)
    logvar = _gcn_conv(hidden, Wlv, blv, src, dst, ew, num_nodes)
    return (mu, logvar)

if __name__ == "__main__":
    import jax
    _d = setup_inputs()
    print(jax.jit(kernel)(*tuple(_d.values())))

</pallas_src>

<mosaic_0001>
#map = affine_map<(d0, d1) -> (0, 0)>
#map1 = affine_map<(d0, d1) -> (0)>
#map2 = affine_map<(d0, d1) -> (0, 0, 0)>
module attributes {stable_mosaic.version = 14 : i64} {
  func.func @_sc_propagate(%arg0: i32, %arg1: i32, %arg2: memref<10000x128xf32, #tpu.memory_space<hbm>>, %arg3: memref<320000xi32, #tpu.memory_space<hbm>>, %arg4: memref<320000xi32, #tpu.memory_space<hbm>>, %arg5: memref<320000xf32, #tpu.memory_space<hbm>>, %arg6: memref<2x10240x128xf32, #tpu.memory_space<hbm>>, %arg7: memref<128xi32, #tpu.memory_space<vmem>>, %arg8: memref<128xi32, #tpu.memory_space<vmem>>, %arg9: memref<128xi32, #tpu.memory_space<vmem>>, %arg10: memref<128xi32, #tpu.memory_space<vmem>>, %arg11: memref<128xf32, #tpu.memory_space<vmem>>, %arg12: memref<128xf32, #tpu.memory_space<vmem>>, %arg13: memref<16xi32, #tpu.memory_space<vmem>>, %arg14: memref<16xi32, #tpu.memory_space<vmem>>, %arg15: memref<16xf32, #tpu.memory_space<vmem>>, %arg16: memref<128x128xf32, #tpu.memory_space<vmem>>, %arg17: memref<128x128xf32, #tpu.memory_space<vmem>>, %arg18: memref<!tpu.dma_semaphore, #tpu.memory_space<semaphore_mem>>, %arg19: memref<!tpu.dma_semaphore, #tpu.memory_space<semaphore_mem>>, %arg20: memref<!tpu.dma_semaphore, #tpu.memory_space<semaphore_mem>>, %arg21: memref<!tpu.dma_semaphore, #tpu.memory_space<semaphore_mem>>, %arg22: memref<!tpu.dma_semaphore, #tpu.memory_space<semaphore_mem>>, %arg23: memref<!tpu.dma_semaphore, #tpu.memory_space<semaphore_mem>>, %arg24: memref<!tpu.dma_semaphore, #tpu.memory_space<semaphore_mem>>, %arg25: memref<10240x128xf32, #tpu.memory_space<vmem_shared>>) attributes {dimension_semantics = [#tpu.dimension_semantics<core_parallel>, #tpu.dimension_semantics<subcore_parallel>], iteration_bounds = array<i64: 2, 16>, scalar_prefetch = 0 : i64, scratch_operands = 19 : i64, tpu.core_type = #tpu.core_type<sc_vector_subcore>, window_params = [{transform_indices = #map}, {transform_indices = #map1}, {transform_indices = #map1}, {transform_indices = #map1}, {transform_indices = #map2}]} {
    %mul3A = arith.constant 16 : i32
    %mul3A_0 = arith.muli %arg0, %mul3A : i32
    %add3A = arith.addi %mul3A_0, %arg1 : i32
    %mul3A_1 = arith.constant 10000 : i32
    %mul3A_2 = arith.muli %add3A, %mul3A_1 : i32
    %scan3A = arith.constant 0 : i32
    %scan3A_3 = arith.constant 128 : i32
    %scan3A_4 = arith.addi %scan3A, %scan3A_3 : i32
    %scan3A_5 = arith.constant 1 : i32
    scf.for %scan3A_80 = %scan3A to %scan3A_4 step %scan3A_5  : i32 {
      %mul3A_81 = arith.constant 1 : i32
      %mul3A_82 = arith.muli %scan3A_80, %mul3A_81 : i32
      %add3A_83 = arith.constant 0 : i32
      %add3A_84 = arith.addi %add3A_83, %mul3A_82 : i32
      %broadcast_in_dim3A = arith.constant 0.000000e+00 : f32
      %broadcast_in_dim3A_85 = vector.broadcast %broadcast_in_dim3A : f32 to vector<16xf32>
      %swap3A = arith.index_cast %add3A_84 : i32 to index
      %swap3A_86 = arith.constant 0 : index
      %swap3A_87 = tpu.vector_load %arg16[%swap3A, %swap3A_86] {strides = array<i32>} : memref<128x128xf32, #tpu.memory_space<vmem>>, vector<16xf32>,
      tpu.vector_store %arg16[%swap3A, %swap3A_86], %broadcast_in_dim3A_85 {strides = array<i32>} : memref<128x128xf32, #tpu.memory_space<vmem>>, vector<16xf32>,
      %broadcast_in_dim3A_88 = arith.constant 0.000000e+00 : f32
      %broadcast_in_dim3A_89 = vector.broadcast %broadcast_in_dim3A_88 : f32 to vector<16xf32>
      %swap3A_90 = arith.index_cast %add3A_84 : i32 to index
      %swap3A_91 = arith.constant 16 : index
      %swap3A_92 = tpu.vector_load %arg16[%swap3A_90, %swap3A_91] {strides = array<i32>} : memref<128x128xf32, #tpu.memory_space<vmem>>, vector<16xf32>,
      tpu.vector_store %arg16[%swap3A_90, %swap3A_91], %broadcast_in_dim3A_89 {strides = array<i32>} : memref<128x128xf32, #tpu.memory_space<vmem>>, vector<16xf32>,
      %broadcast_in_dim3A_93 = arith.constant 0.000000e+00 : f32
      %broadcast_in_dim3A_94 = vector.broadcast %broadcast_in_dim3A_93 : f32 to vector<16xf32>
      %swap3A_95 = arith.index_cast %add3A_84 : i32 to index
      %swap3A_96 = arith.constant 32 : index
      %swap3A_97 = tpu.vector_load %arg16[%swap3A_95, %swap3A_96] {strides = array<i32>} : memref<128x128xf32, #tpu.memory_space<vmem>>, vector<16xf32>,
      tpu.vector_store %arg16[%swap3A_95, %swap3A_96], %broadcast_in_dim3A_94 {strides = array<i32>} : memref<128x128xf32, #tpu.memory_space<vmem>>, vector<16xf32>,
      %broadcast_in_dim3A_98 = arith.constant 0.000000e+00 : f32
      %broadcast_in_dim3A_99 = vector.broadcast %broadcast_in_dim3A_98 : f32 to vector<16xf32>
      %swap3A_100 = arith.index_cast %add3A_84 : i32 to index
      %swap3A_101 = arith.constant 48 : index
      %swap3A_102 = tpu.vector_load %arg16[%swap3A_100, %swap3A_101] {strides = array<i32>} : memref<128x128xf32, #tpu.memory_space<vmem>>, vector<16xf32>,
      tpu.vector_store %arg16[%swap3A_100, %swap3A_101], %broadcast_in_dim3A_99 {strides = array<i32>} : memref<128x128xf32, #tpu.memory_space<vmem>>, vector<16xf32>,
      %broadcast_in_dim3A_103 = arith.constant 0.000000e+00 : f32
      %broadcast_in_dim3A_104 = vector.broadcast %broadcast_in_dim3A_103 : f32 to vector<16xf32>
      %swap3A_105 = arith.index_cast %add3A_84 : i32 to index
      %swap3A_106 = arith.constant 64 : index
      %swap3A_107 = tpu.vector_load %arg16[%swap3A_105, %swap3A_106] {strides = array<i32>} : memref<128x128xf32, #tpu.memory_space<vmem>>, vector<16xf32>,
      tpu.vector_store %arg16[%swap3A_105, %swap3A_106], %broadcast_in_dim3A_104 {strides = array<i32>} : memref<128x128xf32, #tpu.memory_space<vmem>>, vector<16xf32>,
      %broadcast_in_dim3A_108 = arith.constant 0.000000e+00 : f32
      %broadcast_in_dim3A_109 = vector.broadcast %broadcast_in_dim3A_108 : f32 to vector<16xf32>
      %swap3A_110 = arith.index_cast %add3A_84 : i32 to index
      %swap3A_111 = arith.constant 80 : index
      %swap3A_112 = tpu.vector_load %arg16[%swap3A_110, %swap3A_111] {strides = array<i32>} : memref<128x128xf32, #tpu.memory_space<vmem>>, vector<16xf32>,
      tpu.vector_store %arg16[%swap3A_110, %swap3A_111], %broadcast_in_dim3A_109 {strides = array<i32>} : memref<128x128xf32, #tpu.memory_space<vmem>>, vector<16xf32>,
      %broadcast_in_dim3A_113 = arith.constant 0.000000e+00 : f32
      %broadcast_in_dim3A_114 = vector.broadcast %broadcast_in_dim3A_113 : f32 to vector<16xf32>
      %swap3A_115 = arith.index_cast %add3A_84 : i32 to index
      %swap3A_116 = arith.constant 96 : index
      %swap3A_117 = tpu.vector_load %arg16[%swap3A_115, %swap3A_116] {strides = array<i32>} : memref<128x128xf32, #tpu.memory_space<vmem>>, vector<16xf32>,
      tpu.vector_store %arg16[%swap3A_115, %swap3A_116], %broadcast_in_dim3A_114 {strides = array<i32>} : memref<128x128xf32, #tpu.memory_space<vmem>>, vector<16xf32>,
      %broadcast_in_dim3A_118 = arith.constant 0.000000e+00 : f32
      %broadcast_in_dim3A_119 = vector.broadcast %broadcast_in_dim3A_118 : f32 to vector<16xf32>
      %swap3A_120 = arith.index_cast %add3A_84 : i32 to index
      %swap3A_121 = arith.constant 112 : index
      %swap3A_122 = tpu.vector_load %arg16[%swap3A_120, %swap3A_121] {strides = array<i32>} : memref<128x128xf32, #tpu.memory_space<vmem>>, vector<16xf32>,
      tpu.vector_store %arg16[%swap3A_120, %swap3A_121], %broadcast_in_dim3A_119 {strides = array<i32>} : memref<128x128xf32, #tpu.memory_space<vmem>>, vector<16xf32>,
    }
    %scan3A_6 = arith.constant 128 : i32
    %scan3A_7 = arith.constant 0 : i32
    %scan3A_8 = arith.constant 5 : i32
    %scan3A_9 = arith.addi %scan3A_7, %scan3A_8 : i32
    %scan3A_10 = arith.constant 1 : i32
    scf.for %scan3A_80 = %scan3A_7 to %scan3A_9 step %scan3A_10  : i32 {
      %mul3A_81 = arith.constant 1 : i32
      %mul3A_82 = arith.muli %scan3A_80, %mul3A_81 : i32
      %add3A_83 = arith.constant 0 : i32
      %add3A_84 = arith.addi %add3A_83, %mul3A_82 : i32
      %mul3A_85 = arith.constant 640 : i32
      %mul3A_86 = arith.muli %arg1, %mul3A_85 : i32
      %mul3A_87 = arith.constant 128 : i32
      %mul3A_88 = arith.muli %add3A_84, %mul3A_87 : i32
      %add3A_89 = arith.addi %mul3A_86, %mul3A_88 : i32
      "tpu.region"() ({
        %run_scoped3A = tpu.sem_alloc : memref<!tpu.dma_semaphore, #tpu.memory_space<semaphore_mem>>
        %dma_start3A_90 = arith.constant 0 : i32
        %dma_start3A_91 = tpu.memref_slice %arg25[%add3A_89, %dma_start3A_90] : memref<10240x128xf32, #tpu.memory_space<vmem_shared>> -> memref<128x128xf32, #tpu.memory_space<vmem_shared>>
        %dma_start3A_92 = arith.constant 0 : i32
        %dma_start3A_93 = tpu.memref_slice %arg25[%add3A_89, %dma_start3A_92] : memref<10240x128xf32, #tpu.memory_space<vmem_shared>> -> memref<128x128xf32, #tpu.memory_space<vmem_shared>>
        tpu.enqueue_dma source(%arg16 : memref<128x128xf32, #tpu.memory_space<vmem>>) target(%dma_start3A_93 : memref<128x128xf32, #tpu.memory_space<vmem_shared>>) target_semaphore(%run_scoped3A : memref<!tpu.dma_semaphore, #tpu.memory_space<semaphore_mem>>)
        %dma_wait3A_94 = arith.constant 0 : i32
        %dma_wait3A_95 = tpu.memref_slice %arg25[%add3A_89, %dma_wait3A_94] : memref<10240x128xf32, #tpu.memory_space<vmem_shared>> -> memref<128x128xf32, #tpu.memory_space<vmem_shared>>
        %dma_wait3A_96 = arith.constant 0 : i32
        %dma_wait3A_97 = tpu.memref_slice %arg25[%add3A_89, %dma_wait3A_96] : memref<10240x128xf32, #tpu.memory_space<vmem_shared>> -> memref<128x128xf32, #tpu.memory_space<vmem_shared>>
        tpu.wait_dma2 semaphore(%run_scoped3A : memref<!tpu.dma_semaphore, #tpu.memory_space<semaphore_mem>>) src(%arg16 : memref<128x128xf32, #tpu.memory_space<vmem>>) dst(%dma_wait3A_97 : memref<128x128xf32, #tpu.memory_space<vmem_shared>>)
        tpu.yield
      }) : () -> ()
    }
    %scan3A_11 = arith.constant 5 : i32
    %barrier3A = arith.constant 0 : index
    tpu.barrier barrier_id(%barrier3A)
    %add3A_12 = arith.constant 0 : i32
    %add3A_13 = arith.addi %mul3A_2, %add3A_12 : i32
    %dma_start3A = tpu.memref_slice %arg3[%add3A_13] : memref<320000xi32, #tpu.memory_space<hbm>> -> memref<128xi32, #tpu.memory_space<hbm>>
    %dma_start3A_14 = tpu.memref_slice %arg3[%add3A_13] : memref<320000xi32, #tpu.memory_space<hbm>> -> memref<128xi32, #tpu.memory_space<hbm>>
    tpu.enqueue_dma source(%dma_start3A_14 : memref<128xi32, #tpu.memory_space<hbm>>) target(%arg7 : memref<128xi32, #tpu.memory_space<vmem>>) target_semaphore(%arg18 : memref<!tpu.dma_semaphore, #tpu.memory_space<semaphore_mem>>)
    %dma_start3A_15 = tpu.memref_slice %arg4[%add3A_13] : memref<320000xi32, #tpu.memory_space<hbm>> -> memref<128xi32, #tpu.memory_space<hbm>>
    %dma_start3A_16 = tpu.memref_slice %arg4[%add3A_13] : memref<320000xi32, #tpu.memory_space<hbm>> -> memref<128xi32, #tpu.memory_space<hbm>>
    tpu.enqueue_dma source(%dma_start3A_16 : memref<128xi32, #tpu.memory_space<hbm>>) target(%arg9 : memref<128xi32, #tpu.memory_space<vmem>>) target_semaphore(%arg18 : memref<!tpu.dma_semaphore, #tpu.memory_space<semaphore_mem>>)
    %dma_start3A_17 = tpu.memref_slice %arg5[%add3A_13] : memref<320000xf32, #tpu.memory_space<hbm>> -> memref<128xf32, #tpu.memory_space<hbm>>
    %dma_start3A_18 = tpu.memref_slice %arg5[%add3A_13] : memref<320000xf32, #tpu.memory_space<hbm>> -> memref<128xf32, #tpu.memory_space<hbm>>
    tpu.enqueue_dma source(%dma_start3A_18 : memref<128xf32, #tpu.memory_space<hbm>>) target(%arg11 : memref<128xf32, #tpu.memory_space<vmem>>) target_semaphore(%arg18 : memref<!tpu.dma_semaphore, #tpu.memory_space<semaphore_mem>>)
    %dma_wait3A = tpu.memref_slice %arg3[%add3A_13] : memref<320000xi32, #tpu.memory_space<hbm>> -> memref<128xi32, #tpu.memory_space<hbm>>
    %dma_wait3A_19 = tpu.memref_slice %arg3[%add3A_13] : memref<320000xi32, #tpu.memory_space<hbm>> -> memref<128xi32, #tpu.memory_space<hbm>>
    tpu.wait_dma2 semaphore(%arg18 : memref<!tpu.dma_semaphore, #tpu.memory_space<semaphore_mem>>) src(%dma_wait3A_19 : memref<128xi32, #tpu.memory_space<hbm>>) dst(%arg7 : memref<128xi32, #tpu.memory_space<vmem>>)
    %dma_wait3A_20 = tpu.memref_slice %arg4[%add3A_13] : memref<320000xi32, #tpu.memory_space<hbm>> -> memref<128xi32, #tpu.memory_space<hbm>>
    %dma_wait3A_21 = tpu.memref_slice %arg4[%add3A_13] : memref<320000xi32, #tpu.memory_space<hbm>> -> memref<128xi32, #tpu.memory_space<hbm>>
    tpu.wait_dma2 semaphore(%arg18 : memref<!tpu.dma_semaphore, #tpu.memory_space<semaphore_mem>>) src(%dma_wait3A_21 : memref<128xi32, #tpu.memory_space<hbm>>) dst(%arg9 : memref<128xi32, #tpu.memory_space<vmem>>)
    %dma_wait3A_22 = tpu.memref_slice %arg5[%add3A_13] : memref<320000xf32, #tpu.memory_space<hbm>> -> memref<128xf32, #tpu.memory_space<hbm>>
    %dma_wait3A_23 = tpu.memref_slice %arg5[%add3A_13] : memref<320000xf32, #tpu.memory_space<hbm>> -> memref<128xf32, #tpu.memory_space<hbm>>
    tpu.wait_dma2 semaphore(%arg18 : memref<!tpu.dma_semaphore, #tpu.memory_space<semaphore_mem>>) src(%dma_wait3A_23 : memref<128xf32, #tpu.memory_space<hbm>>) dst(%arg11 : memref<128xf32, #tpu.memory_space<vmem>>)
    %dma_start3A_24 = arith.constant 0 : i32
    %dma_start3A_25 = arith.constant 0 : i32
    %dma_start3A_26 = tpu.memref_slice %arg2[%dma_start3A_24, %dma_start3A_25] : memref<10000x128xf32, #tpu.memory_space<hbm>> -> memref<10000x128xf32, #tpu.memory_space<hbm>>
    tpu.enqueue_indirect_dma source(%dma_start3A_26 : memref<10000x128xf32, #tpu.memory_space<hbm>>) target(%arg16 : memref<128x128xf32, #tpu.memory_space<vmem>>) offsets(%arg7 : memref<128xi32, #tpu.memory_space<vmem>>) semaphore(%arg20 : memref<!tpu.dma_semaphore, #tpu.memory_space<semaphore_mem>>)
    %add3A_27 = arith.constant 128 : i32
    %add3A_28 = arith.addi %mul3A_2, %add3A_27 : i32
    %dma_start3A_29 = tpu.memref_slice %arg3[%add3A_28] : memref<320000xi32, #tpu.memory_space<hbm>> -> memref<128xi32, #tpu.memory_space<hbm>>
    %dma_start3A_30 = tpu.memref_slice %arg3[%add3A_28] : memref<320000xi32, #tpu.memory_space<hbm>> -> memref<128xi32, #tpu.memory_space<hbm>>
    tpu.enqueue_dma source(%dma_start3A_30 : memref<128xi32, #tpu.memory_space<hbm>>) target(%arg8 : memref<128xi32, #tpu.memory_space<vmem>>) target_semaphore(%arg19 : memref<!tpu.dma_semaphore, #tpu.memory_space<semaphore_mem>>)
    %dma_start3A_31 = tpu.memref_slice %arg4[%add3A_28] : memref<320000xi32, #tpu.memory_space<hbm>> -> memref<128xi32, #tpu.memory_space<hbm>>
    %dma_start3A_32 = tpu.memref_slice %arg4[%add3A_28] : memref<320000xi32, #tpu.memory_space<hbm>> -> memref<128xi32, #tpu.memory_space<hbm>>
    tpu.enqueue_dma source(%dma_start3A_32 : memref<128xi32, #tpu.memory_space<hbm>>) target(%arg10 : memref<128xi32, #tpu.memory_space<vmem>>) target_semaphore(%arg19 : memref<!tpu.dma_semaphore, #tpu.memory_space<semaphore_mem>>)
    %dma_start3A_33 = tpu.memref_slice %arg5[%add3A_28] : memref<320000xf32, #tpu.memory_space<hbm>> -> memref<128xf32, #tpu.memory_space<hbm>>
    %dma_start3A_34 = tpu.memref_slice %arg5[%add3A_28] : memref<320000xf32, #tpu.memory_space<hbm>> -> memref<128xf32, #tpu.memory_space<hbm>>
    tpu.enqueue_dma source(%dma_start3A_34 : memref<128xf32, #tpu.memory_space<hbm>>) target(%arg12 : memref<128xf32, #tpu.memory_space<vmem>>) target_semaphore(%arg19 : memref<!tpu.dma_semaphore, #tpu.memory_space<semaphore_mem>>)
    %dma_wait3A_35 = tpu.memref_slice %arg3[%add3A_28] : memref<320000xi32, #tpu.memory_space<hbm>> -> memref<128xi32, #tpu.memory_space<hbm>>
    %dma_wait3A_36 = tpu.memref_slice %arg3[%add3A_28] : memref<320000xi32, #tpu.memory_space<hbm>> -> memref<128xi32, #tpu.memory_space<hbm>>
    tpu.wait_dma2 semaphore(%arg19 : memref<!tpu.dma_semaphore, #tpu.memory_space<semaphore_mem>>) src(%dma_wait3A_36 : memref<128xi32, #tpu.memory_space<hbm>>) dst(%arg8 : memref<128xi32, #tpu.memory_space<vmem>>)
    %dma_wait3A_37 = tpu.memref_slice %arg4[%add3A_28] : memref<320000xi32, #tpu.memory_space<hbm>> -> memref<128xi32, #tpu.memory_space<hbm>>
    %dma_wait3A_38 = tpu.memref_slice %arg4[%add3A_28] : memref<320000xi32, #tpu.memory_space<hbm>> -> memref<128xi32, #tpu.memory_space<hbm>>
    tpu.wait_dma2 semaphore(%arg19 : memref<!tpu.dma_semaphore, #tpu.memory_space<semaphore_mem>>) src(%dma_wait3A_38 : memref<128xi32, #tpu.memory_space<hbm>>) dst(%arg10 : memref<128xi32, #tpu.memory_space<vmem>>)
    %dma_wait3A_39 = tpu.memref_slice %arg5[%add3A_28] : memref<320000xf32, #tpu.memory_space<hbm>> -> memref<128xf32, #tpu.memory_space<hbm>>
    %dma_wait3A_40 = tpu.memref_slice %arg5[%add3A_28] : memref<320000xf32, #tpu.memory_space<hbm>> -> memref<128xf32, #tpu.memory_space<hbm>>
    tpu.wait_dma2 semaphore(%arg19 : memref<!tpu.dma_semaphore, #tpu.memory_space<semaphore_mem>>) src(%dma_wait3A_40 : memref<128xf32, #tpu.memory_space<hbm>>) dst(%arg12 : memref<128xf32, #tpu.memory_space<vmem>>)
    %dma_start3A_41 = arith.constant 0 : i32
    %dma_start3A_42 = arith.constant 0 : i32
    %dma_start3A_43 = tpu.memref_slice %arg2[%dma_start3A_41, %dma_start3A_42] : memref<10000x128xf32, #tpu.memory_space<hbm>> -> memref<10000x128xf32, #tpu.memory_space<hbm>>
    tpu.enqueue_indirect_dma source(%dma_start3A_43 : memref<10000x128xf32, #tpu.memory_space<hbm>>) target(%arg17 : memref<128x128xf32, #tpu.memory_space<vmem>>) offsets(%arg8 : memref<128xi32, #tpu.memory_space<vmem>>) semaphore(%arg21 : memref<!tpu.dma_semaphore, #tpu.memory_space<semaphore_mem>>)
    %scan3A_44 = arith.constant 0 : i32
    %scan3A_45 = arith.constant 39 : i32
    %scan3A_46 = arith.addi %scan3A_44, %scan3A_45 : i32
    %scan3A_47 = arith.constant 1 : i32
    scf.for %scan3A_80 = %scan3A_44 to %scan3A_46 step %scan3A_47  : i32 {
      %mul3A_81 = arith.constant 2 : i32
      %mul3A_82 = arith.muli %scan3A_80, %mul3A_81 : i32
      %add3A_83 = arith.constant 0 : i32
      %add3A_84 = arith.addi %add3A_83, %mul3A_82 : i32
      %add3A_85 = arith.constant 0 : i32
      %add3A_86 = arith.addi %add3A_84, %add3A_85 : i32
      %dma_wait3A_87 = arith.constant 0 : i32
      %dma_wait3A_88 = arith.constant 0 : i32
      %dma_wait3A_89 = tpu.memref_slice %arg2[%dma_wait3A_87, %dma_wait3A_88] : memref<10000x128xf32, #tpu.memory_space<hbm>> -> memref<10000x128xf32, #tpu.memory_space<hbm>>
      tpu.wait_indirect_dma semaphore(%arg20 : memref<!tpu.dma_semaphore, #tpu.memory_space<semaphore_mem>>) src(%dma_wait3A_89 : memref<10000x128xf32, #tpu.memory_space<hbm>>) dst(%arg16 : memref<128x128xf32, #tpu.memory_space<vmem>>)
      %scan3A_90 = arith.constant 0 : i32
      %scan3A_91 = arith.constant 128 : i32
      %scan3A_92 = arith.addi %scan3A_90, %scan3A_91 : i32
      %scan3A_93 = arith.constant 4 : i32
      scf.for %scan3A_122 = %scan3A_90 to %scan3A_92 step %scan3A_93  : i32 {
        %mul3A_123 = arith.constant 1 : i32
        %mul3A_124 = arith.muli %scan3A_122, %mul3A_123 : i32
        %add3A_125 = arith.constant 0 : i32
        %add3A_126 = arith.addi %add3A_125, %mul3A_124 : i32
        %broadcast_in_dim3A = vector.broadcast %add3A_126 : i32 to vector<16xi32>
        %gather3A = tpu.vector_load_idx %arg11[%broadcast_in_dim3A] : memref<128xf32, #tpu.memory_space<vmem>>[vector<16xi32>], vector<16xf32>,
        %get3A = arith.index_cast %add3A_126 : i32 to index
        %get3A_127 = arith.constant 0 : index
        %get3A_128 = tpu.vector_load %arg16[%get3A, %get3A_127] {strides = array<i32>} : memref<128x128xf32, #tpu.memory_space<vmem>>, vector<16xf32>,
        %mul3A_129 = arith.mulf %get3A_128, %gather3A : vector<16xf32>
        %swap3A = arith.index_cast %add3A_126 : i32 to index
        %swap3A_130 = arith.constant 0 : index
        %swap3A_131 = tpu.vector_load %arg16[%swap3A, %swap3A_130] {strides = array<i32>} : memref<128x128xf32, #tpu.memory_space<vmem>>, vector<16xf32>,
        tpu.vector_store %arg16[%swap3A, %swap3A_130], %mul3A_129 {strides = array<i32>} : memref<128x128xf32, #tpu.memory_space<vmem>>, vector<16xf32>,
        %get3A_132 = arith.index_cast %add3A_126 : i32 to index
        %get3A_133 = arith.constant 16 : index
        %get3A_134 = tpu.vector_load %arg16[%get3A_132, %get3A_133] {strides = array<i32>} : memref<128x128xf32, #tpu.memory_space<vmem>>, vector<16xf32>,
        %mul3A_135 = arith.mulf %get3A_134, %gather3A : vector<16xf32>
        %swap3A_136 = arith.index_cast %add3A_126 : i32 to index
        %swap3A_137 = arith.constant 16 : index
        %swap3A_138 = tpu.vector_load %arg16[%swap3A_136, %swap3A_137] {strides = array<i32>} : memref<128x128xf32, #tpu.memory_space<vmem>>, vector<16xf32>,
        tpu.vector_store %arg16[%swap3A_136, %swap3A_137], %mul3A_135 {strides = array<i32>} : memref<128x128xf32, #tpu.memory_space<vmem>>, vector<16xf32>,
        %get3A_139 = arith.index_cast %add3A_126 : i32 to index
        %get3A_140 = arith.constant 32 : index
        %get3A_141 = tpu.vector_load %arg16[%get3A_139, %get3A_140] {strides = array<i32>} : memref<128x128xf32, #tpu.memory_space<vmem>>, vector<16xf32>,
        %mul3A_142 = arith.mulf %get3A_141, %gather3A : vector<16xf32>
        %swap3A_143 = arith.index_cast %add3A_126 : i32 to index
        %swap3A_144 = arith.constant 32 : index
        %swap3A_145 = tpu.vector_load %arg16[%swap3A_143, %swap3A_144] {strides = array<i32>} : memref<128x128xf32, #tpu.memory_space<vmem>>, vector<16xf32>,
        tpu.vector_store %arg16[%swap3A_143, %swap3A_144], %mul3A_142 {strides = array<i32>} : memref<128x128xf32, #tpu.memory_space<vmem>>, vector<16xf32>,
        %get3A_146 = arith.index_cast %add3A_126 : i32 to index
        %get3A_147 = arith.constant 48 : index
        %get3A_148 = tpu.vector_load %arg16[%get3A_146, %get3A_147] {strides = array<i32>} : memref<128x128xf32, #tpu.memory_space<vmem>>, vector<16xf32>,
        %mul3A_149 = arith.mulf %get3A_148, %gather3A : vector<16xf32>
        %swap3A_150 = arith.index_cast %add3A_126 : i32 to index
        %swap3A_151 = arith.constant 48 : index
        %swap3A_152 = tpu.vector_load %arg16[%swap3A_150, %swap3A_151] {strides = array<i32>} : memref<128x128xf32, #tpu.memory_space<vmem>>, vector<16xf32>,
        tpu.vector_store %arg16[%swap3A_150, %swap3A_151], %mul3A_149 {strides = array<i32>} : memref<128x128xf32, #tpu.memory_space<vmem>>, vector<16xf32>,
        %get3A_153 = arith.index_cast %add3A_126 : i32 to index
        %get3A_154 = arith.constant 64 : index
        %get3A_155 = tpu.vector_load %arg16[%get3A_153, %get3A_154] {strides = array<i32>} : memref<128x128xf32, #tpu.memory_space<vmem>>, vector<16xf32>,
        %mul3A_156 = arith.mulf %get3A_155, %gather3A : vector<16xf32>
        %swap3A_157 = arith.index_cast %add3A_126 : i32 to index
        %swap3A_158 = arith.constant 64 : index
        %swap3A_159 = tpu.vector_load %arg16[%swap3A_157, %swap3A_158] {strides = array<i32>} : memref<128x128xf32, #tpu.memory_space<vmem>>, vector<16xf32>,
        tpu.vector_store %arg16[%swap3A_157, %swap3A_158], %mul3A_156 {strides = array<i32>} : memref<128x128xf32, #tpu.memory_space<vmem>>, vector<16xf32>,
        %get3A_160 = arith.index_cast %add3A_126 : i32 to index
        %get3A_161 = arith.constant 80 : index
        %get3A_162 = tpu.vector_load %arg16[%get3A_160, %get3A_161] {strides = array<i32>} : memref<128x128xf32, #tpu.memory_space<vmem>>, vector<16xf32>,
        %mul3A_163 = arith.mulf %get3A_162, %gather3A : vector<16xf32>
        %swap3A_164 = arith.index_cast %add3A_126 : i32 to index
        %swap3A_165 = arith.constant 80 : index
        %swap3A_166 = tpu.vector_load %arg16[%swap3A_164, %swap3A_165] {strides = array<i32>} : memref<128x128xf32, #tpu.memory_space<vmem>>, vector<16xf32>,
        tpu.vector_store %arg16[%swap3A_164, %swap3A_165], %mul3A_163 {strides = array<i32>} : memref<128x128xf32, #tpu.memory_space<vmem>>, vector<16xf32>,
        %get3A_167 = arith.index_cast %add3A_126 : i32 to index
        %get3A_168 = arith.constant 96 : index
        %get3A_169 = tpu.vector_load %arg16[%get3A_167, %get3A_168] {strides = array<i32>} : memref<128x128xf32, #tpu.memory_space<vmem>>, vector<16xf32>,
        %mul3A_170 = arith.mulf %get3A_169, %gather3A : vector<16xf32>
        %swap3A_171 = arith.index_cast %add3A_126 : i32 to index
        %swap3A_172 = arith.constant 96 : index
        %swap3A_173 = tpu.vector_load %arg16[%swap3A_171, %swap3A_172] {strides = array<i32>} : memref<128x128xf32, #tpu.memory_space<vmem>>, vector<16xf32>,
        tpu.vector_store %arg16[%swap3A_171, %swap3A_172], %mul3A_170 {strides = array<i32>} : memref<128x128xf32, #tpu.memory_space<vmem>>, vector<16xf32>,
        %get3A_174 = arith.index_cast %add3A_126 : i32 to index
        %get3A_175 = arith.constant 112 : index
        %get3A_176 = tpu.vector_load %arg16[%get3A_174, %get3A_175] {strides = array<i32>} : memref<128x128xf32, #tpu.memory_space<vmem>>, vector<16xf32>,
        %mul3A_177 = arith.mulf %get3A_176, %gather3A : vector<16xf32>
        %swap3A_178 = arith.index_cast %add3A_126 : i32 to index
        %swap3A_179 = arith.constant 112 : index
        %swap3A_180 = tpu.vector_load %arg16[%swap3A_178, %swap3A_179] {strides = array<i32>} : memref<128x128xf32, #tpu.memory_space<vmem>>, vector<16xf32>,
        tpu.vector_store %arg16[%swap3A_178, %swap3A_179], %mul3A_177 {strides = array<i32>} : memref<128x128xf32, #tpu.memory_space<vmem>>, vector<16xf32>,
        %scan3A_181 = arith.constant 1 : i32
        %scan3A_182 = arith.addi %scan3A_122, %scan3A_181 : i32
        %mul3A_183 = arith.constant 1 : i32
        %mul3A_184 = arith.muli %scan3A_182, %mul3A_183 : i32
        %add3A_185 = arith.constant 0 : i32
        %add3A_186 = arith.addi %add3A_185, %mul3A_184 : i32
        %broadcast_in_dim3A_187 = vector.broadcast %add3A_186 : i32 to vector<16xi32>
        %gather3A_188 = tpu.vector_load_idx %arg11[%broadcast_in_dim3A_187] : memref<128xf32, #tpu.memory_space<vmem>>[vector<16xi32>], vector<16xf32>,
        %get3A_189 = arith.index_cast %add3A_186 : i32 to index
        %get3A_190 = arith.constant 0 : index
        %get3A_191 = tpu.vector_load %arg16[%get3A_189, %get3A_190] {strides = array<i32>} : memref<128x128xf32, #tpu.memory_space<vmem>>, vector<16xf32>,
        %mul3A_192 = arith.mulf %get3A_191, %gather3A_188 : vector<16xf32>
        %swap3A_193 = arith.index_cast %add3A_186 : i32 to index
        %swap3A_194 = arith.constant 0 : index
        %swap3A_195 = tpu.vector_load %arg16[%swap3A_193, %swap3A_194] {strides = array<i32>} : memref<128x128xf32, #tpu.memory_space<vmem>>, vector<16xf32>,
        tpu.vector_store %arg16[%swap3A_193, %swap3A_194], %mul3A_192 {strides = array<i32>} : memref<128x128xf32, #tpu.memory_space<vmem>>, vector<16xf32>,
        %get3A_196 = arith.index_cast %add3A_186 : i32 to index
        %get3A_197 = arith.constant 16 : index
        %get3A_198 = tpu.vector_load %arg16[%get3A_196, %get3A_197] {strides = array<i32>} : memref<128x128xf32, #tpu.memory_space<vmem>>, vector<16xf32>,
        %mul3A_199 = arith.mulf %get3A_198, %gather3A_188 : vector<16xf32>
        %swap3A_200 = arith.index_cast %add3A_186 : i32 to index
        %swap3A_201 = arith.constant 16 : index
        %swap3A_202 = tpu.vector_load %arg16[%swap3A_200, %swap3A_201] {strides = array<i32>} : memref<128x128xf32, #tpu.memory_space<vmem>>, vector<16xf32>,
        tpu.vector_store %arg16[%swap3A_200, %swap3A_201], %mul3A_199 {strides = array<i32>} : memref<128x128xf32, #tpu.memory_space<vmem>>, vector<16xf32>,
        %get3A_203 = arith.index_cast %add3A_186 : i32 to index
        %get3A_204 = arith.constant 32 : index
        %get3A_205 = tpu.vector_load %arg16[%get3A_203, %get3A_204] {strides = array<i32>} : memref<128x128xf32, #tpu.memory_space<vmem>>, vector<16xf32>,
        %mul3A_206 = arith.mulf %get3A_205, %gather3A_188 : vector<16xf32>
        %swap3A_207 = arith.index_cast %add3A_186 : i32 to index
        %swap3A_208 = arith.constant 32 : index
        %swap3A_209 = tpu.vector_load %arg16[%swap3A_207, %swap3A_208] {strides = array<i32>} : memref<128x128xf32, #tpu.memory_space<vmem>>, vector<16xf32>,
        tpu.vector_store %arg16[%swap3A_207, %swap3A_208], %mul3A_206 {strides = array<i32>} : memref<128x128xf32, #tpu.memory_space<vmem>>, vector<16xf32>,
        %get3A_210 = arith.index_cast %add3A_186 : i32 to index
        %get3A_211 = arith.constant 48 : index
        %get3A_212 = tpu.vector_load %arg16[%get3A_210, %get3A_211] {strides = array<i32>} : memref<128x128xf32, #tpu.memory_space<vmem>>, vector<16xf32>,
        %mul3A_213 = arith.mulf %get3A_212, %gather3A_188 : vector<16xf32>
        %swap3A_214 = arith.index_cast %add3A_186 : i32 to index
        %swap3A_215 = arith.constant 48 : index
        %swap3A_216 = tpu.vector_load %arg16[%swap3A_214, %swap3A_215] {strides = array<i32>} : memref<128x128xf32, #tpu.memory_space<vmem>>, vector<16xf32>,
        tpu.vector_store %arg16[%swap3A_214, %swap3A_215], %mul3A_213 {strides = array<i32>} : memref<128x128xf32, #tpu.memory_space<vmem>>, vector<16xf32>,
        %get3A_217 = arith.index_cast %add3A_186 : i32 to index
        %get3A_218 = arith.constant 64 : index
        %get3A_219 = tpu.vector_load %arg16[%get3A_217, %get3A_218] {strides = array<i32>} : memref<128x128xf32, #tpu.memory_space<vmem>>, vector<16xf32>,
        %mul3A_220 = arith.mulf %get3A_219, %gather3A_188 : vector<16xf32>
        %swap3A_221 = arith.index_cast %add3A_186 : i32 to index
        %swap3A_222 = arith.constant 64 : index
        %swap3A_223 = tpu.vector_load %arg16[%swap3A_221, %swap3A_222] {strides = array<i32>} : memref<128x128xf32, #tpu.memory_space<vmem>>, vector<16xf32>,
        tpu.vector_store %arg16[%swap3A_221, %swap3A_222], %mul3A_220 {strides = array<i32>} : memref<128x128xf32, #tpu.memory_space<vmem>>, vector<16xf32>,
        %get3A_224 = arith.index_cast %add3A_186 : i32 to index
        %get3A_225 = arith.constant 80 : index
        %get3A_226 = tpu.vector_load %arg16[%get3A_224, %get3A_225] {strides = array<i32>} : memref<128x128xf32, #tpu.memory_space<vmem>>, vector<16xf32>,
        %mul3A_227 = arith.mulf %get3A_226, %gather3A_188 : vector<16xf32>
        %swap3A_228 = arith.index_cast %add3A_186 : i32 to index
        %swap3A_229 = arith.constant 80 : index
        %swap3A_230 = tpu.vector_load %arg16[%swap3A_228, %swap3A_229] {strides = array<i32>} : memref<128x128xf32, #tpu.memory_space<vmem>>, vector<16xf32>,
        tpu.vector_store %arg16[%swap3A_228, %swap3A_229], %mul3A_227 {strides = array<i32>} : memref<128x128xf32, #tpu.memory_space<vmem>>, vector<16xf32>,
        %get3A_231 = arith.index_cast %add3A_186 : i32 to index
        %get3A_232 = arith.constant 96 : index
        %get3A_233 = tpu.vector_load %arg16[%get3A_231, %get3A_232] {strides = array<i32>} : memref<128x128xf32, #tpu.memory_space<vmem>>, vector<16xf32>,
        %mul3A_234 = arith.mulf %get3A_233, %gather3A_188 : vector<16xf32>
        %swap3A_235 = arith.index_cast %add3A_186 : i32 to index
        %swap3A_236 = arith.constant 96 : index
        %swap3A_237 = tpu.vector_load %arg16[%swap3A_235, %swap3A_236] {strides = array<i32>} : memref<128x128xf32, #tpu.memory_space<vmem>>, vector<16xf32>,
        tpu.vector_store %arg16[%swap3A_235, %swap3A_236], %mul3A_234 {strides = array<i32>} : memref<128x128xf32, #tpu.memory_space<vmem>>, vector<16xf32>,
        %get3A_238 = arith.index_cast %add3A_186 : i32 to index
        %get3A_239 = arith.constant 112 : index
        %get3A_240 = tpu.vector_load %arg16[%get3A_238, %get3A_239] {strides = array<i32>} : memref<128x128xf32, #tpu.memory_space<vmem>>, vector<16xf32>,
        %mul3A_241 = arith.mulf %get3A_240, %gather3A_188 : vector<16xf32>
        %swap3A_242 = arith.index_cast %add3A_186 : i32 to index
        %swap3A_243 = arith.constant 112 : index
        %swap3A_244 = tpu.vector_load %arg16[%swap3A_242, %swap3A_243] {strides = array<i32>} : memref<128x128xf32, #tpu.memory_space<vmem>>, vector<16xf32>,
        tpu.vector_store %arg16[%swap3A_242, %swap3A_243], %mul3A_241 {strides = array<i32>} : memref<128x128xf32, #tpu.memory_space<vmem>>, vector<16xf32>,
        %scan3A_245 = arith.constant 2 : i32
        %scan3A_246 = arith.addi %scan3A_122, %scan3A_245 : i32
        %mul3A_247 = arith.constant 1 : i32
        %mul3A_248 = arith.muli %scan3A_246, %mul3A_247 : i32
        %add3A_249 = arith.constant 0 : i32
        %add3A_250 = arith.addi %add3A_249, %mul3A_248 : i32
        %broadcast_in_dim3A_251 = vector.broadcast %add3A_250 : i32 to vector<16xi32>
        %gather3A_252 = tpu.vector_load_idx %arg11[%broadcast_in_dim3A_251] : memref<128xf32, #tpu.memory_space<vmem>>[vector<16xi32>], vector<16xf32>,
        %get3A_253 = arith.index_cast %add3A_250 : i32 to index
        %get3A_254 = arith.constant 0 : index
        %get3A_255 = tpu.vector_load %arg16[%get3A_253, %get3A_254] {strides = array<i32>} : memref<128x128xf32, #tpu.memory_space<vmem>>, vector<16xf32>,
        %mul3A_256 = arith.mulf %get3A_255, %gather3A_252 : vector<16xf32>
        %swap3A_257 = arith.index_cast %add3A_250 : i32 to index
        %swap3A_258 = arith.constant 0 : index
        %swap3A_259 = tpu.vector_load %arg16[%swap3A_257, %swap3A_258] {strides = array<i32>} : memref<128x128xf32, #tpu.memory_space<vmem>>, vector<16xf32>,
        tpu.vector_store %arg16[%swap3A_257, %swap3A_258], %mul3A_256 {strides = array<i32>} : memref<128x128xf32, #tpu.memory_space<vmem>>, vector<16xf32>,
        %get3A_260 = arith.index_cast %add3A_250 : i32 to index
        %get3A_261 = arith.constant 16 : index
        %get3A_262 = tpu.vector_load %arg16[%get3A_260, %get3A_261] {strides = array<i32>} : memref<128x128xf32, #tpu.memory_space<vmem>>, vector<16xf32>,
        %mul3A_263 = arith.mulf %get3A_262, %gather3A_252 : vector<16xf32>
        %swap3A_264 = arith.index_cast %add3A_250 : i32 to index
        %swap3A_265 = arith.constant 16 : index
        %swap3A_266 = tpu.vector_load %arg16[%swap3A_264, %swap3A_265] {strides = array<i32>} : memref<128x128xf32, #tpu.memory_space<vmem>>, vector<16xf32>,
        tpu.vector_store %arg16[%swap3A_264, %swap3A_265], %mul3A_263 {strides = array<i32>} : memref<128x128xf32, #tpu.memory_space<vmem>>, vector<16xf32>,
        %get3A_267 = arith.index_cast %add3A_250 : i32 to index
        %get3A_268 = arith.constant 32 : index
        %get3A_269 = tpu.vector_load %arg16[%get3A_267, %get3A_268] {strides = array<i32>} : memref<128x128xf32, #tpu.memory_space<vmem>>, vector<16xf32>,
        %mul3A_270 = arith.mulf %get3A_269, %gather3A_252 : vector<16xf32>
        %swap3A_271 = arith.index_cast %add3A_250 : i32 to index
        %swap3A_272 = arith.constant 32 : index
        %swap3A_273 = tpu.vector_load %arg16[%swap3A_271, %swap3A_272] {strides = array<i32>} : memref<128x128xf32, #tpu.memory_space<vmem>>, vector<16xf32>,
        tpu.vector_store %arg16[%swap3A_271, %swap3A_272], %mul3A_270 {strides = array<i32>} : memref<128x128xf32, #tpu.memory_space<vmem>>, vector<16xf32>,
        %get3A_274 = arith.index_cast %add3A_250 : i32 to index
        %get3A_275 = arith.constant 48 : index
        %get3A_276 = tpu.vector_load %arg16[%get3A_274, %get3A_275] {strides = array<i32>} : memref<128x128xf32, #tpu.memory_space<vmem>>, vector<16xf32>,
        %mul3A_277 = arith.mulf %get3A_276, %gather3A_252 : vector<16xf32>
        %swap3A_278 = arith.index_cast %add3A_250 : i32 to index
        %swap3A_279 = arith.constant 48 : index
        %swap3A_280 = tpu.vector_load %arg16[%swap3A_278, %swap3A_279] {strides = array<i32>} : memref<128x128xf32, #tpu.memory_space<vmem>>, vector<16xf32>,
        tpu.vector_store %arg16[%swap3A_278, %swap3A_279], %mul3A_277 {strides = array<i32>} : memref<128x128xf32, #tpu.memory_space<vmem>>, vector<16xf32>,
        %get3A_281 = arith.index_cast %add3A_250 : i32 to index
        %get3A_282 = arith.constant 64 : index
        %get3A_283 = tpu.vector_load %arg16[%get3A_281, %get3A_282] {strides = array<i32>} : memref<128x128xf32, #tpu.memory_space<vmem>>, vector<16xf32>,
        %mul3A_284 = arith.mulf %get3A_283, %gather3A_252 : vector<16xf32>
        %swap3A_285 = arith.index_cast %add3A_250 : i32 to index
        %swap3A_286 = arith.constant 64 : index
        %swap3A_287 = tpu.vector_load %arg16[%swap3A_285, %swap3A_286] {strides = array<i32>} : memref<128x128xf32, #tpu.memory_space<vmem>>, vector<16xf32>,
        tpu.vector_store %arg16[%swap3A_285, %swap3A_286], %mul3A_284 {strides = array<i32>} : memref<128x128xf32, #tpu.memory_space<vmem>>, vector<16xf32>,
        %get3A_288 = arith.index_cast %add3A_250 : i32 to index
        %get3A_289 = arith.constant 80 : index
        %get3A_290 = tpu.vector_load %arg16[%get3A_288, %get3A_289] {strides = array<i32>} : memref<128x128xf32, #tpu.memory_space<vmem>>, vector<16xf32>,
        %mul3A_291 = arith.mulf %get3A_290, %gather3A_252 : vector<16xf32>
        %swap3A_292 = arith.index_cast %add3A_250 : i32 to index
        %swap3A_293 = arith.constant 80 : index
        %swap3A_294 = tpu.vector_load %arg16[%swap3A_292, %swap3A_293] {strides = array<i32>} : memref<128x128xf32, #tpu.memory_space<vmem>>, vector<16xf32>,
        tpu.vector_store %arg16[%swap3A_292, %swap3A_293], %mul3A_291 {strides = array<i32>} : memref<128x128xf32, #tpu.memory_space<vmem>>, vector<16xf32>,
        %get3A_295 = arith.index_cast %add3A_250 : i32 to index
        %get3A_296 = arith.constant 96 : index
        %get3A_297 = tpu.vector_load %arg16[%get3A_295, %get3A_296] {strides = array<i32>} : memref<128x128xf32, #tpu.memory_space<vmem>>, vector<16xf32>,
        %mul3A_298 = arith.mulf %get3A_297, %gather3A_252 : vector<16xf32>
        %swap3A_299 = arith.index_cast %add3A_250 : i32 to index
        %swap3A_300 = arith.constant 96 : index
        %swap3A_301 = tpu.vector_load %arg16[%swap3A_299, %swap3A_300] {strides = array<i32>} : memref<128x128xf32, #tpu.memory_space<vmem>>, vector<16xf32>,
        tpu.vector_store %arg16[%swap3A_299, %swap3A_300], %mul3A_298 {strides = array<i32>} : memref<128x128xf32, #tpu.memory_space<vmem>>, vector<16xf32>,
        %get3A_302 = arith.index_cast %add3A_250 : i32 to index
        %get3A_303 = arith.constant 112 : index
        %get3A_304 = tpu.vector_load %arg16[%get3A_302, %get3A_303] {strides = array<i32>} : memref<128x128xf32, #tpu.memory_space<vmem>>, vector<16xf32>,
        %mul3A_305 = arith.mulf %get3A_304, %gather3A_252 : vector<16xf32>
        %swap3A_306 = arith.index_cast %add3A_250 : i32 to index
        %swap3A_307 = arith.constant 112 : index
        %swap3A_308 = tpu.vector_load %arg16[%swap3A_306, %swap3A_307] {strides = array<i32>} : memref<128x128xf32, #tpu.memory_space<vmem>>, vector<16xf32>,
        tpu.vector_store %arg16[%swap3A_306, %swap3A_307], %mul3A_305 {strides = array<i32>} : memref<128x128xf32, #tpu.memory_space<vmem>>, vector<16xf32>,
        %scan3A_309 = arith.constant 3 : i32
        %scan3A_310 = arith.addi %scan3A_122, %scan3A_309 : i32
        %mul3A_311 = arith.constant 1 : i32
        %mul3A_312 = arith.muli %scan3A_310, %mul3A_311 : i32
        %add3A_313 = arith.constant 0 : i32
        %add3A_314 = arith.addi %add3A_313, %mul3A_312 : i32
        %broadcast_in_dim3A_315 = vector.broadcast %add3A_314 : i32 to vector<16xi32>
        %gather3A_316 = tpu.vector_load_idx %arg11[%broadcast_in_dim3A_315] : memref<128xf32, #tpu.memory_space<vmem>>[vector<16xi32>], vector<16xf32>,
        %get3A_317 = arith.index_cast %add3A_314 : i32 to index
        %get3A_318 = arith.constant 0 : index
        %get3A_319 = tpu.vector_load %arg16[%get3A_317, %get3A_318] {strides = array<i32>} : memref<128x128xf32, #tpu.memory_space<vmem>>, vector<16xf32>,
        %mul3A_320 = arith.mulf %get3A_319, %gather3A_316 : vector<16xf32>
        %swap3A_321 = arith.index_cast %add3A_314 : i32 to index
        %swap3A_322 = arith.constant 0 : index
        %swap3A_323 = tpu.vector_load %arg16[%swap3A_321, %swap3A_322] {strides = array<i32>} : memref<128x128xf32, #tpu.memory_space<vmem>>, vector<16xf32>,
        tpu.vector_store %arg16[%swap3A_321, %swap3A_322], %mul3A_320 {strides = array<i32>} : memref<128x128xf32, #tpu.memory_space<vmem>>, vector<16xf32>,
        %get3A_324 = arith.index_cast %add3A_314 : i32 to index
        %get3A_325 = arith.constant 16 : index
        %get3A_326 = tpu.vector_load %arg16[%get3A_324, %get3A_325] {strides = array<i32>} : memref<128x128xf32, #tpu.memory_space<vmem>>, vector<16xf32>,
        %mul3A_327 = arith.mulf %get3A_326, %gather3A_316 : vector<16xf32>
        %swap3A_328 = arith.index_cast %add3A_314 : i32 to index
        %swap3A_329 = arith.constant 16 : index
        %swap3A_330 = tpu.vector_load %arg16[%swap3A_328, %swap3A_329] {strides = array<i32>} : memref<128x128xf32, #tpu.memory_space<vmem>>, vector<16xf32>,
        tpu.vector_store %arg16[%swap3A_328, %swap3A_329], %mul3A_327 {strides = array<i32>} : memref<128x128xf32, #tpu.memory_space<vmem>>, vector<16xf32>,
        %get3A_331 = arith.index_cast %add3A_314 : i32 to index
        %get3A_332 = arith.constant 32 : index
        %get3A_333 = tpu.vector_load %arg16[%get3A_331, %get3A_332] {strides = array<i32>} : memref<128x128xf32, #tpu.memory_space<vmem>>, vector<16xf32>,
        %mul3A_334 = arith.mulf %get3A_333, %gather3A_316 : vector<16xf32>
        %swap3A_335 = arith.index_cast %add3A_314 : i32 to index
        %swap3A_336 = arith.constant 32 : index
        %swap3A_337 = tpu.vector_load %arg16[%swap3A_335, %swap3A_336] {strides = array<i32>} : memref<128x128xf32, #tpu.memory_space<vmem>>, vector<16xf32>,
        tpu.vector_store %arg16[%swap3A_335, %swap3A_336], %mul3A_334 {strides = array<i32>} : memref<128x128xf32, #tpu.memory_space<vmem>>, vector<16xf32>,
        %get3A_338 = arith.index_cast %add3A_314 : i32 to index
        %get3A_339 = arith.constant 48 : index
        %get3A_340 = tpu.vector_load %arg16[%get3A_338, %get3A_339] {strides = array<i32>} : memref<128x128xf32, #tpu.memory_space<vmem>>, vector<16xf32>,
        %mul3A_341 = arith.mulf %get3A_340, %gather3A_316 : vector<16xf32>
        %swap3A_342 = arith.index_cast %add3A_314 : i32 to index
        %swap3A_343 = arith.constant 48 : index
        %swap3A_344 = tpu.vector_load %arg16[%swap3A_342, %swap3A_343] {strides = array<i32>} : memref<128x128xf32, #tpu.memory_space<vmem>>, vector<16xf32>,
        tpu.vector_store %arg16[%swap3A_342, %swap3A_343], %mul3A_341 {strides = array<i32>} : memref<128x128xf32, #tpu.memory_space<vmem>>, vector<16xf32>,
        %get3A_345 = arith.index_cast %add3A_314 : i32 to index
        %get3A_346 = arith.constant 64 : index
        %get3A_347 = tpu.vector_load %arg16[%get3A_345, %get3A_346] {strides = array<i32>} : memref<128x128xf32, #tpu.memory_space<vmem>>, vector<16xf32>,
        %mul3A_348 = arith.mulf %get3A_347, %gather3A_316 : vector<16xf32>
        %swap3A_349 = arith.index_cast %add3A_314 : i32 to index
        %swap3A_350 = arith.constant 64 : index
        %swap3A_351 = tpu.vector_load %arg16[%swap3A_349, %swap3A_350] {strides = array<i32>} : memref<128x128xf32, #tpu.memory_space<vmem>>, vector<16xf32>,
        tpu.vector_store %arg16[%swap3A_349, %swap3A_350], %mul3A_348 {strides = array<i32>} : memref<128x128xf32, #tpu.memory_space<vmem>>, vector<16xf32>,
        %get3A_352 = arith.index_cast %add3A_314 : i32 to index
        %get3A_353 = arith.constant 80 : index
        %get3A_354 = tpu.vector_load %arg16[%get3A_352, %get3A_353] {strides = array<i32>} : memref<128x128xf32, #tpu.memory_space<vmem>>, vector<16xf32>,
        %mul3A_355 = arith.mulf %get3A_354, %gather3A_316 : vector<16xf32>
        %swap3A_356 = arith.index_cast %add3A_314 : i32 to index
        %swap3A_357 = arith.constant 80 : index
        %swap3A_358 = tpu.vector_load %arg16[%swap3A_356, %swap3A_357] {strides = array<i32>} : memref<128x128xf32, #tpu.memory_space<vmem>>, vector<16xf32>,
        tpu.vector_store %arg16[%swap3A_356, %swap3A_357], %mul3A_355 {strides = array<i32>} : memref<128x128xf32, #tpu.memory_space<vmem>>, vector<16xf32>,
        %get3A_359 = arith.index_cast %add3A_314 : i32 to index
        %get3A_360 = arith.constant 96 : index
        %get3A_361 = tpu.vector_load %arg16[%get3A_359, %get3A_360] {strides = array<i32>} : memref<128x128xf32, #tpu.memory_space<vmem>>, vector<16xf32>,
        %mul3A_362 = arith.mulf %get3A_361, %gather3A_316 : vector<16xf32>
        %swap3A_363 = arith.index_cast %add3A_314 : i32 to index
        %swap3A_364 = arith.constant 96 : index
        %swap3A_365 = tpu.vector_load %arg16[%swap3A_363, %swap3A_364] {strides = array<i32>} : memref<128x128xf32, #tpu.memory_space<vmem>>, vector<16xf32>,
        tpu.vector_store %arg16[%swap3A_363, %swap3A_364], %mul3A_362 {strides = array<i32>} : memref<128x128xf32, #tpu.memory_space<vmem>>, vector<16xf32>,
        %get3A_366 = arith.index_cast %add3A_314 : i32 to index
        %get3A_367 = arith.constant 112 : index
        %get3A_368 = tpu.vector_load %arg16[%get3A_366, %get3A_367] {strides = array<i32>} : memref<128x128xf32, #tpu.memory_space<vmem>>, vector<16xf32>,
        %mul3A_369 = arith.mulf %get3A_368, %gather3A_316 : vector<16xf32>
        %swap3A_370 = arith.index_cast %add3A_314 : i32 to index
        %swap3A_371 = arith.constant 112 : index
        %swap3A_372 = tpu.vector_load %arg16[%swap3A_370, %swap3A_371] {strides = array<i32>} : memref<128x128xf32, #tpu.memory_space<vmem>>, vector<16xf32>,
        tpu.vector_store %arg16[%swap3A_370, %swap3A_371], %mul3A_369 {strides = array<i32>} : memref<128x128xf32, #tpu.memory_space<vmem>>, vector<16xf32>,
      }
      %scan3A_94 = arith.constant 128 : i32
      %dma_start3A_95 = arith.constant 0 : i32
      %dma_start3A_96 = arith.constant 0 : i32
      %dma_start3A_97 = tpu.memref_slice %arg25[%dma_start3A_95, %dma_start3A_96] : memref<10240x128xf32, #tpu.memory_space<vmem_shared>> -> memref<10240x128xf32, #tpu.memory_space<vmem_shared>>
      tpu.enqueue_indirect_dma source(%arg16 : memref<128x128xf32, #tpu.memory_space<vmem>>) target(%dma_start3A_97 : memref<10240x128xf32, #tpu.memory_space<vmem_shared>>) offsets(%arg9 : memref<128xi32, #tpu.memory_space<vmem>>) semaphore(%arg22 : memref<!tpu.dma_semaphore, #tpu.memory_space<semaphore_mem>>) {add = true}
      %add3A_98 = arith.constant 2 : i32
      %add3A_99 = arith.addi %add3A_86, %add3A_98 : i32
      %lt3A = arith.constant 78 : i32
      %lt3A_100 = arith.cmpi slt, %add3A_99, %lt3A : i32
      %convert_element_type3A = arith.extui %lt3A_100 : i1 to i32
      %cond3A = arith.constant 0 : i32
      %cond3A_101 = arith.cmpi ne, %convert_element_type3A, %cond3A : i32
      scf.if %cond3A_101 {
        %add3A_122 = arith.constant 2 : i32
        %add3A_123 = arith.addi %add3A_86, %add3A_122 : i32
        %dma_wait3A_124 = arith.constant 0 : i32
        %dma_wait3A_125 = arith.constant 0 : i32
        %dma_wait3A_126 = tpu.memref_slice %arg25[%dma_wait3A_124, %dma_wait3A_125] : memref<10240x128xf32, #tpu.memory_space<vmem_shared>> -> memref<10240x128xf32, #tpu.memory_space<vmem_shared>>
        tpu.wait_indirect_dma semaphore(%arg22 : memref<!tpu.dma_semaphore, #tpu.memory_space<semaphore_mem>>) src(%arg16 : memref<128x128xf32, #tpu.memory_space<vmem>>) dst(%dma_wait3A_126 : memref<10240x128xf32, #tpu.memory_space<vmem_shared>>)
        %mul3A_127 = arith.constant 128 : i32
        %mul3A_128 = arith.muli %add3A_123, %mul3A_127 : i32
        %add3A_129 = arith.addi %mul3A_2, %mul3A_128 : i32
        %dma_start3A_130 = tpu.memref_slice %arg3[%add3A_129] : memref<320000xi32, #tpu.memory_space<hbm>> -> memref<128xi32, #tpu.memory_space<hbm>>
        %dma_start3A_131 = tpu.memref_slice %arg3[%add3A_129] : memref<320000xi32, #tpu.memory_space<hbm>> -> memref<128xi32, #tpu.memory_space<hbm>>
        tpu.enqueue_dma source(%dma_start3A_131 : memref<128xi32, #tpu.memory_space<hbm>>) target(%arg7 : memref<128xi32, #tpu.memory_space<vmem>>) target_semaphore(%arg18 : memref<!tpu.dma_semaphore, #tpu.memory_space<semaphore_mem>>)
        %dma_start3A_132 = tpu.memref_slice %arg4[%add3A_129] : memref<320000xi32, #tpu.memory_space<hbm>> -> memref<128xi32, #tpu.memory_space<hbm>>
        %dma_start3A_133 = tpu.memref_slice %arg4[%add3A_129] : memref<320000xi32, #tpu.memory_space<hbm>> -> memref<128xi32, #tpu.memory_space<hbm>>
        tpu.enqueue_dma source(%dma_start3A_133 : memref<128xi32, #tpu.memory_space<hbm>>) target(%arg9 : memref<128xi32, #tpu.memory_space<vmem>>) target_semaphore(%arg18 : memref<!tpu.dma_semaphore, #tpu.memory_space<semaphore_mem>>)
        %dma_start3A_134 = tpu.memref_slice %arg5[%add3A_129] : memref<320000xf32, #tpu.memory_space<hbm>> -> memref<128xf32, #tpu.memory_space<hbm>>
        %dma_start3A_135 = tpu.memref_slice %arg5[%add3A_129] : memref<320000xf32, #tpu.memory_space<hbm>> -> memref<128xf32, #tpu.memory_space<hbm>>
        tpu.enqueue_dma source(%dma_start3A_135 : memref<128xf32, #tpu.memory_space<hbm>>) target(%arg11 : memref<128xf32, #tpu.memory_space<vmem>>) target_semaphore(%arg18 : memref<!tpu.dma_semaphore, #tpu.memory_space<semaphore_mem>>)
        %dma_wait3A_136 = tpu.memref_slice %arg3[%add3A_129] : memref<320000xi32, #tpu.memory_space<hbm>> -> memref<128xi32, #tpu.memory_space<hbm>>
        %dma_wait3A_137 = tpu.memref_slice %arg3[%add3A_129] : memref<320000xi32, #tpu.memory_space<hbm>> -> memref<128xi32, #tpu.memory_space<hbm>>
        tpu.wait_dma2 semaphore(%arg18 : memref<!tpu.dma_semaphore, #tpu.memory_space<semaphore_mem>>) src(%dma_wait3A_137 : memref<128xi32, #tpu.memory_space<hbm>>) dst(%arg7 : memref<128xi32, #tpu.memory_space<vmem>>)
        %dma_wait3A_138 = tpu.memref_slice %arg4[%add3A_129] : memref<320000xi32, #tpu.memory_space<hbm>> -> memref<128xi32, #tpu.memory_space<hbm>>
        %dma_wait3A_139 = tpu.memref_slice %arg4[%add3A_129] : memref<320000xi32, #tpu.memory_space<hbm>> -> memref<128xi32, #tpu.memory_space<hbm>>
        tpu.wait_dma2 semaphore(%arg18 : memref<!tpu.dma_semaphore, #tpu.memory_space<semaphore_mem>>) src(%dma_wait3A_139 : memref<128xi32, #tpu.memory_space<hbm>>) dst(%arg9 : memref<128xi32, #tpu.memory_space<vmem>>)
        %dma_wait3A_140 = tpu.memref_slice %arg5[%add3A_129] : memref<320000xf32, #tpu.memory_space<hbm>> -> memref<128xf32, #tpu.memory_space<hbm>>
        %dma_wait3A_141 = tpu.memref_slice %arg5[%add3A_129] : memref<320000xf32, #tpu.memory_space<hbm>> -> memref<128xf32, #tpu.memory_space<hbm>>
        tpu.wait_dma2 semaphore(%arg18 : memref<!tpu.dma_semaphore, #tpu.memory_space<semaphore_mem>>) src(%dma_wait3A_141 : memref<128xf32, #tpu.memory_space<hbm>>) dst(%arg11 : memref<128xf32, #tpu.memory_space<vmem>>)
        %dma_start3A_142 = arith.constant 0 : i32
        %dma_start3A_143 = arith.constant 0 : i32
        %dma_start3A_144 = tpu.memref_slice %arg2[%dma_start3A_142, %dma_start3A_143] : memref<10000x128xf32, #tpu.memory_space<hbm>> -> memref<10000x128xf32, #tpu.memory_space<hbm>>
        tpu.enqueue_indirect_dma source(%dma_start3A_144 : memref<10000x128xf32, #tpu.memory_space<hbm>>) target(%arg16 : memref<128x128xf32, #tpu.memory_space<vmem>>) offsets(%arg7 : memref<128xi32, #tpu.memory_space<vmem>>) semaphore(%arg20 : memref<!tpu.dma_semaphore, #tpu.memory_space<semaphore_mem>>)
      } else {
      }
      %add3A_102 = arith.constant 1 : i32
      %add3A_103 = arith.addi %add3A_84, %add3A_102 : i32
      %dma_wait3A_104 = arith.constant 0 : i32
      %dma_wait3A_105 = arith.constant 0 : i32
      %dma_wait3A_106 = tpu.memref_slice %arg2[%dma_wait3A_104, %dma_wait3A_105] : memref<10000x128xf32, #tpu.memory_space<hbm>> -> memref<10000x128xf32, #tpu.memory_space<hbm>>
      tpu.wait_indirect_dma semaphore(%arg21 : memref<!tpu.dma_semaphore, #tpu.memory_space<semaphore_mem>>) src(%dma_wait3A_106 : memref<10000x128xf32, #tpu.memory_space<hbm>>) dst(%arg17 : memref<128x128xf32, #tpu.memory_space<vmem>>)
      %scan3A_107 = arith.constant 0 : i32
      %scan3A_108 = arith.constant 128 : i32
      %scan3A_109 = arith.addi %scan3A_107, %scan3A_108 : i32
      %scan3A_110 = arith.constant 4 : i32
      scf.for %scan3A_122 = %scan3A_107 to %scan3A_109 step %scan3A_110  : i32 {
        %mul3A_123 = arith.constant 1 : i32
        %mul3A_124 = arith.muli %scan3A_122, %mul3A_123 : i32
        %add3A_125 = arith.constant 0 : i32
        %add3A_126 = arith.addi %add3A_125, %mul3A_124 : i32
        %broadcast_in_dim3A = vector.broadcast %add3A_126 : i32 to vector<16xi32>
        %gather3A = tpu.vector_load_idx %arg12[%broadcast_in_dim3A] : memref<128xf32, #tpu.memory_space<vmem>>[vector<16xi32>], vector<16xf32>,
        %get3A = arith.index_cast %add3A_126 : i32 to index
        %get3A_127 = arith.constant 0 : index
        %get3A_128 = tpu.vector_load %arg17[%get3A, %get3A_127] {strides = array<i32>} : memref<128x128xf32, #tpu.memory_space<vmem>>, vector<16xf32>,
        %mul3A_129 = arith.mulf %get3A_128, %gather3A : vector<16xf32>
        %swap3A = arith.index_cast %add3A_126 : i32 to index
        %swap3A_130 = arith.constant 0 : index
        %swap3A_131 = tpu.vector_load %arg17[%swap3A, %swap3A_130] {strides = array<i32>} : memref<128x128xf32, #tpu.memory_space<vmem>>, vector<16xf32>,
        tpu.vector_store %arg17[%swap3A, %swap3A_130], %mul3A_129 {strides = array<i32>} : memref<128x128xf32, #tpu.memory_space<vmem>>, vector<16xf32>,
        %get3A_132 = arith.index_cast %add3A_126 : i32 to index
        %get3A_133 = arith.constant 16 : index
        %get3A_134 = tpu.vector_load %arg17[%get3A_132, %get3A_133] {strides = array<i32>} : memref<128x128xf32, #tpu.memory_space<vmem>>, vector<16xf32>,
        %mul3A_135 = arith.mulf %get3A_134, %gather3A : vector<16xf32>
        %swap3A_136 = arith.index_cast %add3A_126 : i32 to index
        %swap3A_137 = arith.constant 16 : index
        %swap3A_138 = tpu.vector_load %arg17[%swap3A_136, %swap3A_137] {strides = array<i32>} : memref<128x128xf32, #tpu.memory_space<vmem>>, vector<16xf32>,
        tpu.vector_store %arg17[%swap3A_136, %swap3A_137], %mul3A_135 {strides = array<i32>} : memref<128x128xf32, #tpu.memory_space<vmem>>, vector<16xf32>,
        %get3A_139 = arith.index_cast %add3A_126 : i32 to index
        %get3A_140 = arith.constant 32 : index
        %get3A_141 = tpu.vector_load %arg17[%get3A_139, %get3A_140] {strides = array<i32>} : memref<128x128xf32, #tpu.memory_space<vmem>>, vector<16xf32>,
        %mul3A_142 = arith.mulf %get3A_141, %gather3A : vector<16xf32>
        %swap3A_143 = arith.index_cast %add3A_126 : i32 to index
        %swap3A_144 = arith.constant 32 : index
        %swap3A_145 = tpu.vector_load %arg17[%swap3A_143, %swap3A_144] {strides = array<i32>} : memref<128x128xf32, #tpu.memory_space<vmem>>, vector<16xf32>,
        tpu.vector_store %arg17[%swap3A_143, %swap3A_144], %mul3A_142 {strides = array<i32>} : memref<128x128xf32, #tpu.memory_space<vmem>>, vector<16xf32>,
        %get3A_146 = arith.index_cast %add3A_126 : i32 to index
        %get3A_147 = arith.constant 48 : index
        %get3A_148 = tpu.vector_load %arg17[%get3A_146, %get3A_147] {strides = array<i32>} : memref<128x128xf32, #tpu.memory_space<vmem>>, vector<16xf32>,
        %mul3A_149 = arith.mulf %get3A_148, %gather3A : vector<16xf32>
        %swap3A_150 = arith.index_cast %add3A_126 : i32 to index
        %swap3A_151 = arith.constant 48 : index
        %swap3A_152 = tpu.vector_load %arg17[%swap3A_150, %swap3A_151] {strides = array<i32>} : memref<128x128xf32, #tpu.memory_space<vmem>>, vector<16xf32>,
        tpu.vector_store %arg17[%swap3A_150, %swap3A_151], %mul3A_149 {strides = array<i32>} : memref<128x128xf32, #tpu.memory_space<vmem>>, vector<16xf32>,
        %get3A_153 = arith.index_cast %add3A_126 : i32 to index
        %get3A_154 = arith.constant 64 : index
        %get3A_155 = tpu.vector_load %arg17[%get3A_153, %get3A_154] {strides = array<i32>} : memref<128x128xf32, #tpu.memory_space<vmem>>, vector<16xf32>,
        %mul3A_156 = arith.mulf %get3A_155, %gather3A : vector<16xf32>
        %swap3A_157 = arith.index_cast %add3A_126 : i32 to index
        %swap3A_158 = arith.constant 64 : index
        %swap3A_159 = tpu.vector_load %arg17[%swap3A_157, %swap3A_158] {strides = array<i32>} : memref<128x128xf32, #tpu.memory_space<vmem>>, vector<16xf32>,
        tpu.vector_store %arg17[%swap3A_157, %swap3A_158], %mul3A_156 {strides = array<i32>} : memref<128x128xf32, #tpu.memory_space<vmem>>, vector<16xf32>,
        %get3A_160 = arith.index_cast %add3A_126 : i32 to index
        %get3A_161 = arith.constant 80 : index
        %get3A_162 = tpu.vector_load %arg17[%get3A_160, %get3A_161] {strides = array<i32>} : memref<128x128xf32, #tpu.memory_space<vmem>>, vector<16xf32>,
        %mul3A_163 = arith.mulf %get3A_162, %gather3A : vector<16xf32>
        %swap3A_164 = arith.index_cast %add3A_126 : i32 to index
        %swap3A_165 = arith.constant 80 : index
        %swap3A_166 = tpu.vector_load %arg17[%swap3A_164, %swap3A_165] {strides = array<i32>} : memref<128x128xf32, #tpu.memory_space<vmem>>, vector<16xf32>,
        tpu.vector_store %arg17[%swap3A_164, %swap3A_165], %mul3A_163 {strides = array<i32>} : memref<128x128xf32, #tpu.memory_space<vmem>>, vector<16xf32>,
        %get3A_167 = arith.index_cast %add3A_126 : i32 to index
        %get3A_168 = arith.constant 96 : index
        %get3A_169 = tpu.vector_load %arg17[%get3A_167, %get3A_168] {strides = array<i32>} : memref<128x128xf32, #tpu.memory_space<vmem>>, vector<16xf32>,
        %mul3A_170 = arith.mulf %get3A_169, %gather3A : vector<16xf32>
        %swap3A_171 = arith.index_cast %add3A_126 : i32 to index
        %swap3A_172 = arith.constant 96 : index
        %swap3A_173 = tpu.vector_load %arg17[%swap3A_171, %swap3A_172] {strides = array<i32>} : memref<128x128xf32, #tpu.memory_space<vmem>>, vector<16xf32>,
        tpu.vector_store %arg17[%swap3A_171, %swap3A_172], %mul3A_170 {strides = array<i32>} : memref<128x128xf32, #tpu.memory_space<vmem>>, vector<16xf32>,
        %get3A_174 = arith.index_cast %add3A_126 : i32 to index
        %get3A_175 = arith.constant 112 : index
        %get3A_176 = tpu.vector_load %arg17[%get3A_174, %get3A_175] {strides = array<i32>} : memref<128x128xf32, #tpu.memory_space<vmem>>, vector<16xf32>,
        %mul3A_177 = arith.mulf %get3A_176, %gather3A : vector<16xf32>
        %swap3A_178 = arith.index_cast %add3A_126 : i32 to index
        %swap3A_179 = arith.constant 112 : index
        %swap3A_180 = tpu.vector_load %arg17[%swap3A_178, %swap3A_179] {strides = array<i32>} : memref<128x128xf32, #tpu.memory_space<vmem>>, vector<16xf32>,
        tpu.vector_store %arg17[%swap3A_178, %swap3A_179], %mul3A_177 {strides = array<i32>} : memref<128x128xf32, #tpu.memory_space<vmem>>, vector<16xf32>,
        %scan3A_181 = arith.constant 1 : i32
        %scan3A_182 = arith.addi %scan3A_122, %scan3A_181 : i32
        %mul3A_183 = arith.constant 1 : i32
        %mul3A_184 = arith.muli %scan3A_182, %mul3A_183 : i32
        %add3A_185 = arith.constant 0 : i32
        %add3A_186 = arith.addi %add3A_185, %mul3A_184 : i32
        %broadcast_in_dim3A_187 = vector.broadcast %add3A_186 : i32 to vector<16xi32>
        %gather3A_188 = tpu.vector_load_idx %arg12[%broadcast_in_dim3A_187] : memref<128xf32, #tpu.memory_space<vmem>>[vector<16xi32>], vector<16xf32>,
        %get3A_189 = arith.index_cast %add3A_186 : i32 to index
        %get3A_190 = arith.constant 0 : index
        %get3A_191 = tpu.vector_load %arg17[%get3A_189, %get3A_190] {strides = array<i32>} : memref<128x128xf32, #tpu.memory_space<vmem>>, vector<16xf32>,
        %mul3A_192 = arith.mulf %get3A_191, %gather3A_188 : vector<16xf32>
        %swap3A_193 = arith.index_cast %add3A_186 : i32 to index
        %swap3A_194 = arith.constant 0 : index
        %swap3A_195 = tpu.vector_load %arg17[%swap3A_193, %swap3A_194] {strides = array<i32>} : memref<128x128xf32, #tpu.memory_space<vmem>>, vector<16xf32>,
        tpu.vector_store %arg17[%swap3A_193, %swap3A_194], %mul3A_192 {strides = array<i32>} : memref<128x128xf32, #tpu.memory_space<vmem>>, vector<16xf32>,
        %get3A_196 = arith.index_cast %add3A_186 : i32 to index
        %get3A_197 = arith.constant 16 : index
        %get3A_198 = tpu.vector_load %arg17[%get3A_196, %get3A_197] {strides = array<i32>} : memref<128x128xf32, #tpu.memory_space<vmem>>, vector<16xf32>,
        %mul3A_199 = arith.mulf %get3A_198, %gather3A_188 : vector<16xf32>
        %swap3A_200 = arith.index_cast %add3A_186 : i32 to index
        %swap3A_201 = arith.constant 16 : index
        %swap3A_202 = tpu.vector_load %arg17[%swap3A_200, %swap3A_201] {strides = array<i32>} : memref<128x128xf32, #tpu.memory_space<vmem>>, vector<16xf32>,
        tpu.vector_store %arg17[%swap3A_200, %swap3A_201], %mul3A_199 {strides = array<i32>} : memref<128x128xf32, #tpu.memory_space<vmem>>, vector<16xf32>,
        %get3A_203 = arith.index_cast %add3A_186 : i32 to index
        %get3A_204 = arith.constant 32 : index
        %get3A_205 = tpu.vector_load %arg17[%get3A_203, %get3A_204] {strides = array<i32>} : memref<128x128xf32, #tpu.memory_space<vmem>>, vector<16xf32>,
        %mul3A_206 = arith.mulf %get3A_205, %gather3A_188 : vector<16xf32>
        %swap3A_207 = arith.index_cast %add3A_186 : i32 to index
        %swap3A_208 = arith.constant 32 : index
        %swap3A_209 = tpu.vector_load %arg17[%swap3A_207, %swap3A_208] {strides = array<i32>} : memref<128x128xf32, #tpu.memory_space<vmem>>, vector<16xf32>,
        tpu.vector_store %arg17[%swap3A_207, %swap3A_208], %mul3A_206 {strides = array<i32>} : memref<128x128xf32, #tpu.memory_space<vmem>>, vector<16xf32>,
        %get3A_210 = arith.index_cast %add3A_186 : i32 to index
        %get3A_211 = arith.constant 48 : index
        %get3A_212 = tpu.vector_load %arg17[%get3A_210, %get3A_211] {strides = array<i32>} : memref<128x128xf32, #tpu.memory_space<vmem>>, vector<16xf32>,
        %mul3A_213 = arith.mulf %get3A_212, %gather3A_188 : vector<16xf32>
        %swap3A_214 = arith.index_cast %add3A_186 : i32 to index
        %swap3A_215 = arith.constant 48 : index
        %swap3A_216 = tpu.vector_load %arg17[%swap3A_214, %swap3A_215] {strides = array<i32>} : memref<128x128xf32, #tpu.memory_space<vmem>>, vector<16xf32>,
        tpu.vector_store %arg17[%swap3A_214, %swap3A_215], %mul3A_213 {strides = array<i32>} : memref<128x128xf32, #tpu.memory_space<vmem>>, vector<16xf32>,
        %get3A_217 = arith.index_cast %add3A_186 : i32 to index
        %get3A_218 = arith.constant 64 : index
        %get3A_219 = tpu.vector_load %arg17[%get3A_217, %get3A_218] {strides = array<i32>} : memref<128x128xf32, #tpu.memory_space<vmem>>, vector<16xf32>,
        %mul3A_220 = arith.mulf %get3A_219, %gather3A_188 : vector<16xf32>
        %swap3A_221 = arith.index_cast %add3A_186 : i32 to index
        %swap3A_222 = arith.constant 64 : index
        %swap3A_223 = tpu.vector_load %arg17[%swap3A_221, %swap3A_222] {strides = array<i32>} : memref<128x128xf32, #tpu.memory_space<vmem>>, vector<16xf32>,
        tpu.vector_store %arg17[%swap3A_221, %swap3A_222], %mul3A_220 {strides = array<i32>} : memref<128x128xf32, #tpu.memory_space<vmem>>, vector<16xf32>,
        %get3A_224 = arith.index_cast %add3A_186 : i32 to index
        %get3A_225 = arith.constant 80 : index
        %get3A_226 = tpu.vector_load %arg17[%get3A_224, %get3A_225] {strides = array<i32>} : memref<128x128xf32, #tpu.memory_space<vmem>>, vector<16xf32>,
        %mul3A_227 = arith.mulf %get3A_226, %gather3A_188 : vector<16xf32>
        %swap3A_228 = arith.index_cast %add3A_186 : i32 to index
        %swap3A_229 = arith.constant 80 : index
        %swap3A_230 = tpu.vector_load %arg17[%swap3A_228, %swap3A_229] {strides = array<i32>} : memref<128x128xf32, #tpu.memory_space<vmem>>, vector<16xf32>,
        tpu.vector_store %arg17[%swap3A_228, %swap3A_229], %mul3A_227 {strides = array<i32>} : memref<128x128xf32, #tpu.memory_space<vmem>>, vector<16xf32>,
        %get3A_231 = arith.index_cast %add3A_186 : i32 to index
        %get3A_232 = arith.constant 96 : index
        %get3A_233 = tpu.vector_load %arg17[%get3A_231, %get3A_232] {strides = array<i32>} : memref<128x128xf32, #tpu.memory_space<vmem>>, vector<16xf32>,
        %mul3A_234 = arith.mulf %get3A_233, %gather3A_188 : vector<16xf32>
        %swap3A_235 = arith.index_cast %add3A_186 : i32 to index
        %swap3A_236 = arith.constant 96 : index
        %swap3A_237 = tpu.vector_load %arg17[%swap3A_235, %swap3A_236] {strides = array<i32>} : memref<128x128xf32, #tpu.memory_space<vmem>>, vector<16xf32>,
        tpu.vector_store %arg17[%swap3A_235, %swap3A_236], %mul3A_234 {strides = array<i32>} : memref<128x128xf32, #tpu.memory_space<vmem>>, vector<16xf32>,
        %get3A_238 = arith.index_cast %add3A_186 : i32 to index
        %get3A_239 = arith.constant 112 : index
        %get3A_240 = tpu.vector_load %arg17[%get3A_238, %get3A_239] {strides = array<i32>} : memref<128x128xf32, #tpu.memory_space<vmem>>, vector<16xf32>,
        %mul3A_241 = arith.mulf %get3A_240, %gather3A_188 : vector<16xf32>
        %swap3A_242 = arith.index_cast %add3A_186 : i32 to index
        %swap3A_243 = arith.constant 112 : index
        %swap3A_244 = tpu.vector_load %arg17[%swap3A_242, %swap3A_243] {strides = array<i32>} : memref<128x128xf32, #tpu.memory_space<vmem>>, vector<16xf32>,
        tpu.vector_store %arg17[%swap3A_242, %swap3A_243], %mul3A_241 {strides = array<i32>} : memref<128x128xf32, #tpu.memory_space<vmem>>, vector<16xf32>,
        %scan3A_245 = arith.constant 2 : i32
        %scan3A_246 = arith.addi %scan3A_122, %scan3A_245 : i32
        %mul3A_247 = arith.constant 1 : i32
        %mul3A_248 = arith.muli %scan3A_246, %mul3A_247 : i32
        %add3A_249 = arith.constant 0 : i32
        %add3A_250 = arith.addi %add3A_249, %mul3A_248 : i32
        %broadcast_in_dim3A_251 = vector.broadcast %add3A_250 : i32 to vector<16xi32>
        %gather3A_252 = tpu.vector_load_idx %arg12[%broadcast_in_dim3A_251] : memref<128xf32, #tpu.memory_space<vmem>>[vector<16xi32>], vector<16xf32>,
        %get3A_253 = arith.index_cast %add3A_250 : i32 to index
        %get3A_254 = arith.constant 0 : index
        %get3A_255 = tpu.vector_load %arg17[%get3A_253, %get3A_254] {strides = array<i32>} : memref<128x128xf32, #tpu.memory_space<vmem>>, vector<16xf32>,
        %mul3A_256 = arith.mulf %get3A_255, %gather3A_252 : vector<16xf32>
        %swap3A_257 = arith.index_cast %add3A_250 : i32 to index
        %swap3A_258 = arith.constant 0 : index
        %swap3A_259 = tpu.vector_load %arg17[%swap3A_257, %swap3A_258] {strides = array<i32>} : memref<128x128xf32, #tpu.memory_space<vmem>>, vector<16xf32>,
        tpu.vector_store %arg17[%swap3A_257, %swap3A_258], %mul3A_256 {strides = array<i32>} : memref<128x128xf32, #tpu.memory_space<vmem>>, vector<16xf32>,
        %get3A_260 = arith.index_cast %add3A_250 : i32 to index
        %get3A_261 = arith.constant 16 : index
        %get3A_262 = tpu.vector_load %arg17[%get3A_260, %get3A_261] {strides = array<i32>} : memref<128x128xf32, #tpu.memory_space<vmem>>, vector<16xf32>,
        %mul3A_263 = arith.mulf %get3A_262, %gather3A_252 : vector<16xf32>
        %swap3A_264 = arith.index_cast %add3A_250 : i32 to index
        %swap3A_265 = arith.constant 16 : index
        %swap3A_266 = tpu.vector_load %arg17[%swap3A_264, %swap3A_265] {strides = array<i32>} : memref<128x128xf32, #tpu.memory_space<vmem>>, vector<16xf32>,
        tpu.vector_store %arg17[%swap3A_264, %swap3A_265], %mul3A_263 {strides = array<i32>} : memref<128x128xf32, #tpu.memory_space<vmem>>, vector<16xf32>,
        %get3A_267 = arith.index_cast %add3A_250 : i32 to index
        %get3A_268 = arith.constant 32 : index
        %get3A_269 = tpu.vector_load %arg17[%get3A_267, %get3A_268] {strides = array<i32>} : memref<128x128xf32, #tpu.memory_space<vmem>>, vector<16xf32>,
        %mul3A_270 = arith.mulf %get3A_269, %gather3A_252 : vector<16xf32>
        %swap3A_271 = arith.index_cast %add3A_250 : i32 to index
        %swap3A_272 = arith.constant 32 : index
        %swap3A_273 = tpu.vector_load %arg17[%swap3A_271, %swap3A_272] {strides = array<i32>} : memref<128x128xf32, #tpu.memory_space<vmem>>, vector<16xf32>,
        tpu.vector_store %arg17[%swap3A_271, %swap3A_272], %mul3A_270 {strides = array<i32>} : memref<128x128xf32, #tpu.memory_space<vmem>>, vector<16xf32>,
        %get3A_274 = arith.index_cast %add3A_250 : i32 to index
        %get3A_275 = arith.constant 48 : index
        %get3A_276 = tpu.vector_load %arg17[%get3A_274, %get3A_275] {strides = array<i32>} : memref<128x128xf32, #tpu.memory_space<vmem>>, vector<16xf32>,
        %mul3A_277 = arith.mulf %get3A_276, %gather3A_252 : vector<16xf32>
        %swap3A_278 = arith.index_cast %add3A_250 : i32 to index
        %swap3A_279 = arith.constant 48 : index
        %swap3A_280 = tpu.vector_load %arg17[%swap3A_278, %swap3A_279] {strides = array<i32>} : memref<128x128xf32, #tpu.memory_space<vmem>>, vector<16xf32>,
        tpu.vector_store %arg17[%swap3A_278, %swap3A_279], %mul3A_277 {strides = array<i32>} : memref<128x128xf32, #tpu.memory_space<vmem>>, vector<16xf32>,
        %get3A_281 = arith.index_cast %add3A_250 : i32 to index
        %get3A_282 = arith.constant 64 : index
        %get3A_283 = tpu.vector_load %arg17[%get3A_281, %get3A_282] {strides = array<i32>} : memref<128x128xf32, #tpu.memory_space<vmem>>, vector<16xf32>,
        %mul3A_284 = arith.mulf %get3A_283, %gather3A_252 : vector<16xf32>
        %swap3A_285 = arith.index_cast %add3A_250 : i32 to index
        %swap3A_286 = arith.constant 64 : index
        %swap3A_287 = tpu.vector_load %arg17[%swap3A_285, %swap3A_286] {strides = array<i32>} : memref<128x128xf32, #tpu.memory_space<vmem>>, vector<16xf32>,
        tpu.vector_store %arg17[%swap3A_285, %swap3A_286], %mul3A_284 {strides = array<i32>} : memref<128x128xf32, #tpu.memory_space<vmem>>, vector<16xf32>,
        %get3A_288 = arith.index_cast %add3A_250 : i32 to index
        %get3A_289 = arith.constant 80 : index
        %get3A_290 = tpu.vector_load %arg17[%get3A_288, %get3A_289] {strides = array<i32>} : memref<128x128xf32, #tpu.memory_space<vmem>>, vector<16xf32>,
        %mul3A_291 = arith.mulf %get3A_290, %gather3A_252 : vector<16xf32>
        %swap3A_292 = arith.index_cast %add3A_250 : i32 to index
        %swap3A_293 = arith.constant 80 : index
        %swap3A_294 = tpu.vector_load %arg17[%swap3A_292, %swap3A_293] {strides = array<i32>} : memref<128x128xf32, #tpu.memory_space<vmem>>, vector<16xf32>,
        tpu.vector_store %arg17[%swap3A_292, %swap3A_293], %mul3A_291 {strides = array<i32>} : memref<128x128xf32, #tpu.memory_space<vmem>>, vector<16xf32>,
        %get3A_295 = arith.index_cast %add3A_250 : i32 to index
        %get3A_296 = arith.constant 96 : index
        %get3A_297 = tpu.vector_load %arg17[%get3A_295, %get3A_296] {strides = array<i32>} : memref<128x128xf32, #tpu.memory_space<vmem>>, vector<16xf32>,
        %mul3A_298 = arith.mulf %get3A_297, %gather3A_252 : vector<16xf32>
        %swap3A_299 = arith.index_cast %add3A_250 : i32 to index
        %swap3A_300 = arith.constant 96 : index
        %swap3A_301 = tpu.vector_load %arg17[%swap3A_299, %swap3A_300] {strides = array<i32>} : memref<128x128xf32, #tpu.memory_space<vmem>>, vector<16xf32>,
        tpu.vector_store %arg17[%swap3A_299, %swap3A_300], %mul3A_298 {strides = array<i32>} : memref<128x128xf32, #tpu.memory_space<vmem>>, vector<16xf32>,
        %get3A_302 = arith.index_cast %add3A_250 : i32 to index
        %get3A_303 = arith.constant 112 : index
        %get3A_304 = tpu.vector_load %arg17[%get3A_302, %get3A_303] {strides = array<i32>} : memref<128x128xf32, #tpu.memory_space<vmem>>, vector<16xf32>,
        %mul3A_305 = arith.mulf %get3A_304, %gather3A_252 : vector<16xf32>
        %swap3A_306 = arith.index_cast %add3A_250 : i32 to index
        %swap3A_307 = arith.constant 112 : index
        %swap3A_308 = tpu.vector_load %arg17[%swap3A_306, %swap3A_307] {strides = array<i32>} : memref<128x128xf32, #tpu.memory_space<vmem>>, vector<16xf32>,
        tpu.vector_store %arg17[%swap3A_306, %swap3A_307], %mul3A_305 {strides = array<i32>} : memref<128x128xf32, #tpu.memory_space<vmem>>, vector<16xf32>,
        %scan3A_309 = arith.constant 3 : i32
        %scan3A_310 = arith.addi %scan3A_122, %scan3A_309 : i32
        %mul3A_311 = arith.constant 1 : i32
        %mul3A_312 = arith.muli %scan3A_310, %mul3A_311 : i32
        %add3A_313 = arith.constant 0 : i32
        %add3A_314 = arith.addi %add3A_313, %mul3A_312 : i32
        %broadcast_in_dim3A_315 = vector.broadcast %add3A_314 : i32 to vector<16xi32>
        %gather3A_316 = tpu.vector_load_idx %arg12[%broadcast_in_dim3A_315] : memref<128xf32, #tpu.memory_space<vmem>>[vector<16xi32>], vector<16xf32>,
        %get3A_317 = arith.index_cast %add3A_314 : i32 to index
        %get3A_318 = arith.constant 0 : index
        %get3A_319 = tpu.vector_load %arg17[%get3A_317, %get3A_318] {strides = array<i32>} : memref<128x128xf32, #tpu.memory_space<vmem>>, vector<16xf32>,
        %mul3A_320 = arith.mulf %get3A_319, %gather3A_316 : vector<16xf32>
        %swap3A_321 = arith.index_cast %add3A_314 : i32 to index
        %swap3A_322 = arith.constant 0 : index
        %swap3A_323 = tpu.vector_load %arg17[%swap3A_321, %swap3A_322] {strides = array<i32>} : memref<128x128xf32, #tpu.memory_space<vmem>>, vector<16xf32>,
        tpu.vector_store %arg17[%swap3A_321, %swap3A_322], %mul3A_320 {strides = array<i32>} : memref<128x128xf32, #tpu.memory_space<vmem>>, vector<16xf32>,
        %get3A_324 = arith.index_cast %add3A_314 : i32 to index
        %get3A_325 = arith.constant 16 : index
        %get3A_326 = tpu.vector_load %arg17[%get3A_324, %get3A_325] {strides = array<i32>} : memref<128x128xf32, #tpu.memory_space<vmem>>, vector<16xf32>,
        %mul3A_327 = arith.mulf %get3A_326, %gather3A_316 : vector<16xf32>
        %swap3A_328 = arith.index_cast %add3A_314 : i32 to index
        %swap3A_329 = arith.constant 16 : index
        %swap3A_330 = tpu.vector_load %arg17[%swap3A_328, %swap3A_329] {strides = array<i32>} : memref<128x128xf32, #tpu.memory_space<vmem>>, vector<16xf32>,
        tpu.vector_store %arg17[%swap3A_328, %swap3A_329], %mul3A_327 {strides = array<i32>} : memref<128x128xf32, #tpu.memory_space<vmem>>, vector<16xf32>,
        %get3A_331 = arith.index_cast %add3A_314 : i32 to index
        %get3A_332 = arith.constant 32 : index
        %get3A_333 = tpu.vector_load %arg17[%get3A_331, %get3A_332] {strides = array<i32>} : memref<128x128xf32, #tpu.memory_space<vmem>>, vector<16xf32>,
        %mul3A_334 = arith.mulf %get3A_333, %gather3A_316 : vector<16xf32>
        %swap3A_335 = arith.index_cast %add3A_314 : i32 to index
        %swap3A_336 = arith.constant 32 : index
        %swap3A_337 = tpu.vector_load %arg17[%swap3A_335, %swap3A_336] {strides = array<i32>} : memref<128x128xf32, #tpu.memory_space<vmem>>, vector<16xf32>,
        tpu.vector_store %arg17[%swap3A_335, %swap3A_336], %mul3A_334 {strides = array<i32>} : memref<128x128xf32, #tpu.memory_space<vmem>>, vector<16xf32>,
        %get3A_338 = arith.index_cast %add3A_314 : i32 to index
        %get3A_339 = arith.constant 48 : index
        %get3A_340 = tpu.vector_load %arg17[%get3A_338, %get3A_339] {strides = array<i32>} : memref<128x128xf32, #tpu.memory_space<vmem>>, vector<16xf32>,
        %mul3A_341 = arith.mulf %get3A_340, %gather3A_316 : vector<16xf32>
        %swap3A_342 = arith.index_cast %add3A_314 : i32 to index
        %swap3A_343 = arith.constant 48 : index
        %swap3A_344 = tpu.vector_load %arg17[%swap3A_342, %swap3A_343] {strides = array<i32>} : memref<128x128xf32, #tpu.memory_space<vmem>>, vector<16xf32>,
        tpu.vector_store %arg17[%swap3A_342, %swap3A_343], %mul3A_341 {strides = array<i32>} : memref<128x128xf32, #tpu.memory_space<vmem>>, vector<16xf32>,
        %get3A_345 = arith.index_cast %add3A_314 : i32 to index
        %get3A_346 = arith.constant 64 : index
        %get3A_347 = tpu.vector_load %arg17[%get3A_345, %get3A_346] {strides = array<i32>} : memref<128x128xf32, #tpu.memory_space<vmem>>, vector<16xf32>,
        %mul3A_348 = arith.mulf %get3A_347, %gather3A_316 : vector<16xf32>
        %swap3A_349 = arith.index_cast %add3A_314 : i32 to index
        %swap3A_350 = arith.constant 64 : index
        %swap3A_351 = tpu.vector_load %arg17[%swap3A_349, %swap3A_350] {strides = array<i32>} : memref<128x128xf32, #tpu.memory_space<vmem>>, vector<16xf32>,
        tpu.vector_store %arg17[%swap3A_349, %swap3A_350], %mul3A_348 {strides = array<i32>} : memref<128x128xf32, #tpu.memory_space<vmem>>, vector<16xf32>,
        %get3A_352 = arith.index_cast %add3A_314 : i32 to index
        %get3A_353 = arith.constant 80 : index
        %get3A_354 = tpu.vector_load %arg17[%get3A_352, %get3A_353] {strides = array<i32>} : memref<128x128xf32, #tpu.memory_space<vmem>>, vector<16xf32>,
        %mul3A_355 = arith.mulf %get3A_354, %gather3A_316 : vector<16xf32>
        %swap3A_356 = arith.index_cast %add3A_314 : i32 to index
        %swap3A_357 = arith.constant 80 : index
        %swap3A_358 = tpu.vector_load %arg17[%swap3A_356, %swap3A_357] {strides = array<i32>} : memref<128x128xf32, #tpu.memory_space<vmem>>, vector<16xf32>,
        tpu.vector_store %arg17[%swap3A_356, %swap3A_357], %mul3A_355 {strides = array<i32>} : memref<128x128xf32, #tpu.memory_space<vmem>>, vector<16xf32>,
        %get3A_359 = arith.index_cast %add3A_314 : i32 to index
        %get3A_360 = arith.constant 96 : index
        %get3A_361 = tpu.vector_load %arg17[%get3A_359, %get3A_360] {strides = array<i32>} : memref<128x128xf32, #tpu.memory_space<vmem>>, vector<16xf32>,
        %mul3A_362 = arith.mulf %get3A_361, %gather3A_316 : vector<16xf32>
        %swap3A_363 = arith.index_cast %add3A_314 : i32 to index
        %swap3A_364 = arith.constant 96 : index
        %swap3A_365 = tpu.vector_load %arg17[%swap3A_363, %swap3A_364] {strides = array<i32>} : memref<128x128xf32, #tpu.memory_space<vmem>>, vector<16xf32>,
        tpu.vector_store %arg17[%swap3A_363, %swap3A_364], %mul3A_362 {strides = array<i32>} : memref<128x128xf32, #tpu.memory_space<vmem>>, vector<16xf32>,
        %get3A_366 = arith.index_cast %add3A_314 : i32 to index
        %get3A_367 = arith.constant 112 : index
        %get3A_368 = tpu.vector_load %arg17[%get3A_366, %get3A_367] {strides = array<i32>} : memref<128x128xf32, #tpu.memory_space<vmem>>, vector<16xf32>,
        %mul3A_369 = arith.mulf %get3A_368, %gather3A_316 : vector<16xf32>
        %swap3A_370 = arith.index_cast %add3A_314 : i32 to index
        %swap3A_371 = arith.constant 112 : index
        %swap3A_372 = tpu.vector_load %arg17[%swap3A_370, %swap3A_371] {strides = array<i32>} : memref<128x128xf32, #tpu.memory_space<vmem>>, vector<16xf32>,
        tpu.vector_store %arg17[%swap3A_370, %swap3A_371], %mul3A_369 {strides = array<i32>} : memref<128x128xf32, #tpu.memory_space<vmem>>, vector<16xf32>,
      }
      %scan3A_111 = arith.constant 128 : i32
      %dma_start3A_112 = arith.constant 0 : i32
      %dma_start3A_113 = arith.constant 0 : i32
      %dma_start3A_114 = tpu.memref_slice %arg25[%dma_start3A_112, %dma_start3A_113] : memref<10240x128xf32, #tpu.memory_space<vmem_shared>> -> memref<10240x128xf32, #tpu.memory_space<vmem_shared>>
      tpu.enqueue_indirect_dma source(%arg17 : memref<128x128xf32, #tpu.memory_space<vmem>>) target(%dma_start3A_114 : memref<10240x128xf32, #tpu.memory_space<vmem_shared>>) offsets(%arg10 : memref<128xi32, #tpu.memory_space<vmem>>) semaphore(%arg23 : memref<!tpu.dma_semaphore, #tpu.memory_space<semaphore_mem>>) {add = true}
      %add3A_115 = arith.constant 2 : i32
      %add3A_116 = arith.addi %add3A_103, %add3A_115 : i32
      %lt3A_117 = arith.constant 78 : i32
      %lt3A_118 = arith.cmpi slt, %add3A_116, %lt3A_117 : i32
      %convert_element_type3A_119 = arith.extui %lt3A_118 : i1 to i32
      %cond3A_120 = arith.constant 0 : i32
      %cond3A_121 = arith.cmpi ne, %convert_element_type3A_119, %cond3A_120 : i32
      scf.if %cond3A_121 {
        %add3A_122 = arith.constant 2 : i32
        %add3A_123 = arith.addi %add3A_103, %add3A_122 : i32
        %dma_wait3A_124 = arith.constant 0 : i32
        %dma_wait3A_125 = arith.constant 0 : i32
        %dma_wait3A_126 = tpu.memref_slice %arg25[%dma_wait3A_124, %dma_wait3A_125] : memref<10240x128xf32, #tpu.memory_space<vmem_shared>> -> memref<10240x128xf32, #tpu.memory_space<vmem_shared>>
        tpu.wait_indirect_dma semaphore(%arg23 : memref<!tpu.dma_semaphore, #tpu.memory_space<semaphore_mem>>) src(%arg17 : memref<128x128xf32, #tpu.memory_space<vmem>>) dst(%dma_wait3A_126 : memref<10240x128xf32, #tpu.memory_space<vmem_shared>>)
        %mul3A_127 = arith.constant 128 : i32
        %mul3A_128 = arith.muli %add3A_123, %mul3A_127 : i32
        %add3A_129 = arith.addi %mul3A_2, %mul3A_128 : i32
        %dma_start3A_130 = tpu.memref_slice %arg3[%add3A_129] : memref<320000xi32, #tpu.memory_space<hbm>> -> memref<128xi32, #tpu.memory_space<hbm>>
        %dma_start3A_131 = tpu.memref_slice %arg3[%add3A_129] : memref<320000xi32, #tpu.memory_space<hbm>> -> memref<128xi32, #tpu.memory_space<hbm>>
        tpu.enqueue_dma source(%dma_start3A_131 : memref<128xi32, #tpu.memory_space<hbm>>) target(%arg8 : memref<128xi32, #tpu.memory_space<vmem>>) target_semaphore(%arg19 : memref<!tpu.dma_semaphore, #tpu.memory_space<semaphore_mem>>)
        %dma_start3A_132 = tpu.memref_slice %arg4[%add3A_129] : memref<320000xi32, #tpu.memory_space<hbm>> -> memref<128xi32, #tpu.memory_space<hbm>>
        %dma_start3A_133 = tpu.memref_slice %arg4[%add3A_129] : memref<320000xi32, #tpu.memory_space<hbm>> -> memref<128xi32, #tpu.memory_space<hbm>>
        tpu.enqueue_dma source(%dma_start3A_133 : memref<128xi32, #tpu.memory_space<hbm>>) target(%arg10 : memref<128xi32, #tpu.memory_space<vmem>>) target_semaphore(%arg19 : memref<!tpu.dma_semaphore, #tpu.memory_space<semaphore_mem>>)
        %dma_start3A_134 = tpu.memref_slice %arg5[%add3A_129] : memref<320000xf32, #tpu.memory_space<hbm>> -> memref<128xf32, #tpu.memory_space<hbm>>
        %dma_start3A_135 = tpu.memref_slice %arg5[%add3A_129] : memref<320000xf32, #tpu.memory_space<hbm>> -> memref<128xf32, #tpu.memory_space<hbm>>
        tpu.enqueue_dma source(%dma_start3A_135 : memref<128xf32, #tpu.memory_space<hbm>>) target(%arg12 : memref<128xf32, #tpu.memory_space<vmem>>) target_semaphore(%arg19 : memref<!tpu.dma_semaphore, #tpu.memory_space<semaphore_mem>>)
        %dma_wait3A_136 = tpu.memref_slice %arg3[%add3A_129] : memref<320000xi32, #tpu.memory_space<hbm>> -> memref<128xi32, #tpu.memory_space<hbm>>
        %dma_wait3A_137 = tpu.memref_slice %arg3[%add3A_129] : memref<320000xi32, #tpu.memory_space<hbm>> -> memref<128xi32, #tpu.memory_space<hbm>>
        tpu.wait_dma2 semaphore(%arg19 : memref<!tpu.dma_semaphore, #tpu.memory_space<semaphore_mem>>) src(%dma_wait3A_137 : memref<128xi32, #tpu.memory_space<hbm>>) dst(%arg8 : memref<128xi32, #tpu.memory_space<vmem>>)
        %dma_wait3A_138 = tpu.memref_slice %arg4[%add3A_129] : memref<320000xi32, #tpu.memory_space<hbm>> -> memref<128xi32, #tpu.memory_space<hbm>>
        %dma_wait3A_139 = tpu.memref_slice %arg4[%add3A_129] : memref<320000xi32, #tpu.memory_space<hbm>> -> memref<128xi32, #tpu.memory_space<hbm>>
        tpu.wait_dma2 semaphore(%arg19 : memref<!tpu.dma_semaphore, #tpu.memory_space<semaphore_mem>>) src(%dma_wait3A_139 : memref<128xi32, #tpu.memory_space<hbm>>) dst(%arg10 : memref<128xi32, #tpu.memory_space<vmem>>)
        %dma_wait3A_140 = tpu.memref_slice %arg5[%add3A_129] : memref<320000xf32, #tpu.memory_space<hbm>> -> memref<128xf32, #tpu.memory_space<hbm>>
        %dma_wait3A_141 = tpu.memref_slice %arg5[%add3A_129] : memref<320000xf32, #tpu.memory_space<hbm>> -> memref<128xf32, #tpu.memory_space<hbm>>
        tpu.wait_dma2 semaphore(%arg19 : memref<!tpu.dma_semaphore, #tpu.memory_space<semaphore_mem>>) src(%dma_wait3A_141 : memref<128xf32, #tpu.memory_space<hbm>>) dst(%arg12 : memref<128xf32, #tpu.memory_space<vmem>>)
        %dma_start3A_142 = arith.constant 0 : i32
        %dma_start3A_143 = arith.constant 0 : i32
        %dma_start3A_144 = tpu.memref_slice %arg2[%dma_start3A_142, %dma_start3A_143] : memref<10000x128xf32, #tpu.memory_space<hbm>> -> memref<10000x128xf32, #tpu.memory_space<hbm>>
        tpu.enqueue_indirect_dma source(%dma_start3A_144 : memref<10000x128xf32, #tpu.memory_space<hbm>>) target(%arg17 : memref<128x128xf32, #tpu.memory_space<vmem>>) offsets(%arg8 : memref<128xi32, #tpu.memory_space<vmem>>) semaphore(%arg21 : memref<!tpu.dma_semaphore, #tpu.memory_space<semaphore_mem>>)
      } else {
      }
    }
    %scan3A_48 = arith.constant 39 : i32
    %dma_wait3A_49 = arith.constant 0 : i32
    %dma_wait3A_50 = arith.constant 0 : i32
    %dma_wait3A_51 = tpu.memref_slice %arg25[%dma_wait3A_49, %dma_wait3A_50] : memref<10240x128xf32, #tpu.memory_space<vmem_shared>> -> memref<10240x128xf32, #tpu.memory_space<vmem_shared>>
    tpu.wait_indirect_dma semaphore(%arg22 : memref<!tpu.dma_semaphore, #tpu.memory_space<semaphore_mem>>) src(%arg16 : memref<128x128xf32, #tpu.memory_space<vmem>>) dst(%dma_wait3A_51 : memref<10240x128xf32, #tpu.memory_space<vmem_shared>>)
    %dma_wait3A_52 = arith.constant 0 : i32
    %dma_wait3A_53 = arith.constant 0 : i32
    %dma_wait3A_54 = tpu.memref_slice %arg25[%dma_wait3A_52, %dma_wait3A_53] : memref<10240x128xf32, #tpu.memory_space<vmem_shared>> -> memref<10240x128xf32, #tpu.memory_space<vmem_shared>>
    tpu.wait_indirect_dma semaphore(%arg23 : memref<!tpu.dma_semaphore, #tpu.memory_space<semaphore_mem>>) src(%arg17 : memref<128x128xf32, #tpu.memory_space<vmem>>) dst(%dma_wait3A_54 : memref<10240x128xf32, #tpu.memory_space<vmem_shared>>)
    %add3A_55 = arith.constant 9984 : i32
    %add3A_56 = arith.addi %mul3A_2, %add3A_55 : i32
    "tpu.region"() ({
      %run_scoped3A = tpu.sem_alloc : memref<!tpu.dma_semaphore, #tpu.memory_space<semaphore_mem>>
      %dma_start3A_80 = tpu.memref_slice %arg3[%add3A_56] : memref<320000xi32, #tpu.memory_space<hbm>> -> memref<16xi32, #tpu.memory_space<hbm>>
      %dma_start3A_81 = tpu.memref_slice %arg3[%add3A_56] : memref<320000xi32, #tpu.memory_space<hbm>> -> memref<16xi32, #tpu.memory_space<hbm>>
      tpu.enqueue_dma source(%dma_start3A_81 : memref<16xi32, #tpu.memory_space<hbm>>) target(%arg13 : memref<16xi32, #tpu.memory_space<vmem>>) target_semaphore(%run_scoped3A : memref<!tpu.dma_semaphore, #tpu.memory_space<semaphore_mem>>)
      %dma_wait3A_82 = tpu.memref_slice %arg3[%add3A_56] : memref<320000xi32, #tpu.memory_space<hbm>> -> memref<16xi32, #tpu.memory_space<hbm>>
      %dma_wait3A_83 = tpu.memref_slice %arg3[%add3A_56] : memref<320000xi32, #tpu.memory_space<hbm>> -> memref<16xi32, #tpu.memory_space<hbm>>
      tpu.wait_dma2 semaphore(%run_scoped3A : memref<!tpu.dma_semaphore, #tpu.memory_space<semaphore_mem>>) src(%dma_wait3A_83 : memref<16xi32, #tpu.memory_space<hbm>>) dst(%arg13 : memref<16xi32, #tpu.memory_space<vmem>>)
      tpu.yield
    }) : () -> ()
    "tpu.region"() ({
      %run_scoped3A = tpu.sem_alloc : memref<!tpu.dma_semaphore, #tpu.memory_space<semaphore_mem>>
      %dma_start3A_80 = tpu.memref_slice %arg4[%add3A_56] : memref<320000xi32, #tpu.memory_space<hbm>> -> memref<16xi32, #tpu.memory_space<hbm>>
      %dma_start3A_81 = tpu.memref_slice %arg4[%add3A_56] : memref<320000xi32, #tpu.memory_space<hbm>> -> memref<16xi32, #tpu.memory_space<hbm>>
      tpu.enqueue_dma source(%dma_start3A_81 : memref<16xi32, #tpu.memory_space<hbm>>) target(%arg14 : memref<16xi32, #tpu.memory_space<vmem>>) target_semaphore(%run_scoped3A : memref<!tpu.dma_semaphore, #tpu.memory_space<semaphore_mem>>)
      %dma_wait3A_82 = tpu.memref_slice %arg4[%add3A_56] : memref<320000xi32, #tpu.memory_space<hbm>> -> memref<16xi32, #tpu.memory_space<hbm>>
      %dma_wait3A_83 = tpu.memref_slice %arg4[%add3A_56] : memref<320000xi32, #tpu.memory_space<hbm>> -> memref<16xi32, #tpu.memory_space<hbm>>
      tpu.wait_dma2 semaphore(%run_scoped3A : memref<!tpu.dma_semaphore, #tpu.memory_space<semaphore_mem>>) src(%dma_wait3A_83 : memref<16xi32, #tpu.memory_space<hbm>>) dst(%arg14 : memref<16xi32, #tpu.memory_space<vmem>>)
      tpu.yield
    }) : () -> ()
    "tpu.region"() ({
      %run_scoped3A = tpu.sem_alloc : memref<!tpu.dma_semaphore, #tpu.memory_space<semaphore_mem>>
      %dma_start3A_80 = tpu.memref_slice %arg5[%add3A_56] : memref<320000xf32, #tpu.memory_space<hbm>> -> memref<16xf32, #tpu.memory_space<hbm>>
      %dma_start3A_81 = tpu.memref_slice %arg5[%add3A_56] : memref<320000xf32, #tpu.memory_space<hbm>> -> memref<16xf32, #tpu.memory_space<hbm>>
      tpu.enqueue_dma source(%dma_start3A_81 : memref<16xf32, #tpu.memory_space<hbm>>) target(%arg15 : memref<16xf32, #tpu.memory_space<vmem>>) target_semaphore(%run_scoped3A : memref<!tpu.dma_semaphore, #tpu.memory_space<semaphore_mem>>)
      %dma_wait3A_82 = tpu.memref_slice %arg5[%add3A_56] : memref<320000xf32, #tpu.memory_space<hbm>> -> memref<16xf32, #tpu.memory_space<hbm>>
      %dma_wait3A_83 = tpu.memref_slice %arg5[%add3A_56] : memref<320000xf32, #tpu.memory_space<hbm>> -> memref<16xf32, #tpu.memory_space<hbm>>
      tpu.wait_dma2 semaphore(%run_scoped3A : memref<!tpu.dma_semaphore, #tpu.memory_space<semaphore_mem>>) src(%dma_wait3A_83 : memref<16xf32, #tpu.memory_space<hbm>>) dst(%arg15 : memref<16xf32, #tpu.memory_space<vmem>>)
      tpu.yield
    }) : () -> ()
    %dma_start3A_57 = arith.constant 0 : i32
    %dma_start3A_58 = arith.constant 0 : i32
    %dma_start3A_59 = tpu.memref_slice %arg16[%dma_start3A_57, %dma_start3A_58] : memref<128x128xf32, #tpu.memory_space<vmem>> -> memref<16x128xf32, #tpu.memory_space<vmem>>
    %dma_start3A_60 = arith.constant 0 : i32
    %dma_start3A_61 = arith.constant 0 : i32
    %dma_start3A_62 = tpu.memref_slice %arg2[%dma_start3A_60, %dma_start3A_61] : memref<10000x128xf32, #tpu.memory_space<hbm>> -> memref<10000x128xf32, #tpu.memory_space<hbm>>
    tpu.enqueue_indirect_dma source(%dma_start3A_62 : memref<10000x128xf32, #tpu.memory_space<hbm>>) target(%dma_start3A_59 : memref<16x128xf32, #tpu.memory_space<vmem>>) offsets(%arg13 : memref<16xi32, #tpu.memory_space<vmem>>) semaphore(%arg24 : memref<!tpu.dma_semaphore, #tpu.memory_space<semaphore_mem>>)
    %dma_wait3A_63 = arith.constant 0 : i32
    %dma_wait3A_64 = arith.constant 0 : i32
    %dma_wait3A_65 = tpu.memref_slice %arg16[%dma_wait3A_63, %dma_wait3A_64] : memref<128x128xf32, #tpu.memory_space<vmem>> -> memref<16x128xf32, #tpu.memory_space<vmem>>
    %dma_wait3A_66 = arith.constant 0 : i32
    %dma_wait3A_67 = arith.constant 0 : i32
    %dma_wait3A_68 = tpu.memref_slice %arg2[%dma_wait3A_66, %dma_wait3A_67] : memref<10000x128xf32, #tpu.memory_space<hbm>> -> memref<10000x128xf32, #tpu.memory_space<hbm>>
    tpu.wait_indirect_dma semaphore(%arg24 : memref<!tpu.dma_semaphore, #tpu.memory_space<semaphore_mem>>) src(%dma_wait3A_68 : memref<10000x128xf32, #tpu.memory_space<hbm>>) dst(%dma_wait3A_65 : memref<16x128xf32, #tpu.memory_space<vmem>>)
    %scan3A_69 = arith.constant 0 : i32
    %scan3A_70 = arith.constant 16 : i32
    %scan3A_71 = arith.addi %scan3A_69, %scan3A_70 : i32
    %scan3A_72 = arith.constant 1 : i32
    scf.for %scan3A_80 = %scan3A_69 to %scan3A_71 step %scan3A_72  : i32 {
      %mul3A_81 = arith.constant 1 : i32
      %mul3A_82 = arith.muli %scan3A_80, %mul3A_81 : i32
      %add3A_83 = arith.constant 0 : i32
      %add3A_84 = arith.addi %add3A_83, %mul3A_82 : i32
      %broadcast_in_dim3A = vector.broadcast %add3A_84 : i32 to vector<16xi32>
      %gather3A = tpu.vector_load_idx %arg15[%broadcast_in_dim3A] : memref<16xf32, #tpu.memory_space<vmem>>[vector<16xi32>], vector<16xf32>,
      %get3A = arith.index_cast %add3A_84 : i32 to index
      %get3A_85 = arith.constant 0 : index
      %get3A_86 = tpu.vector_load %arg16[%get3A, %get3A_85] {strides = array<i32>} : memref<128x128xf32, #tpu.memory_space<vmem>>, vector<16xf32>,
      %mul3A_87 = arith.mulf %get3A_86, %gather3A : vector<16xf32>
      %swap3A = arith.index_cast %add3A_84 : i32 to index
      %swap3A_88 = arith.constant 0 : index
      %swap3A_89 = tpu.vector_load %arg16[%swap3A, %swap3A_88] {strides = array<i32>} : memref<128x128xf32, #tpu.memory_space<vmem>>, vector<16xf32>,
      tpu.vector_store %arg16[%swap3A, %swap3A_88], %mul3A_87 {strides = array<i32>} : memref<128x128xf32, #tpu.memory_space<vmem>>, vector<16xf32>,
      %get3A_90 = arith.index_cast %add3A_84 : i32 to index
      %get3A_91 = arith.constant 16 : index
      %get3A_92 = tpu.vector_load %arg16[%get3A_90, %get3A_91] {strides = array<i32>} : memref<128x128xf32, #tpu.memory_space<vmem>>, vector<16xf32>,
      %mul3A_93 = arith.mulf %get3A_92, %gather3A : vector<16xf32>
      %swap3A_94 = arith.index_cast %add3A_84 : i32 to index
      %swap3A_95 = arith.constant 16 : index
      %swap3A_96 = tpu.vector_load %arg16[%swap3A_94, %swap3A_95] {strides = array<i32>} : memref<128x128xf32, #tpu.memory_space<vmem>>, vector<16xf32>,
      tpu.vector_store %arg16[%swap3A_94, %swap3A_95], %mul3A_93 {strides = array<i32>} : memref<128x128xf32, #tpu.memory_space<vmem>>, vector<16xf32>,
      %get3A_97 = arith.index_cast %add3A_84 : i32 to index
      %get3A_98 = arith.constant 32 : index
      %get3A_99 = tpu.vector_load %arg16[%get3A_97, %get3A_98] {strides = array<i32>} : memref<128x128xf32, #tpu.memory_space<vmem>>, vector<16xf32>,
      %mul3A_100 = arith.mulf %get3A_99, %gather3A : vector<16xf32>
      %swap3A_101 = arith.index_cast %add3A_84 : i32 to index
      %swap3A_102 = arith.constant 32 : index
      %swap3A_103 = tpu.vector_load %arg16[%swap3A_101, %swap3A_102] {strides = array<i32>} : memref<128x128xf32, #tpu.memory_space<vmem>>, vector<16xf32>,
      tpu.vector_store %arg16[%swap3A_101, %swap3A_102], %mul3A_100 {strides = array<i32>} : memref<128x128xf32, #tpu.memory_space<vmem>>, vector<16xf32>,
      %get3A_104 = arith.index_cast %add3A_84 : i32 to index
      %get3A_105 = arith.constant 48 : index
      %get3A_106 = tpu.vector_load %arg16[%get3A_104, %get3A_105] {strides = array<i32>} : memref<128x128xf32, #tpu.memory_space<vmem>>, vector<16xf32>,
      %mul3A_107 = arith.mulf %get3A_106, %gather3A : vector<16xf32>
      %swap3A_108 = arith.index_cast %add3A_84 : i32 to index
      %swap3A_109 = arith.constant 48 : index
      %swap3A_110 = tpu.vector_load %arg16[%swap3A_108, %swap3A_109] {strides = array<i32>} : memref<128x128xf32, #tpu.memory_space<vmem>>, vector<16xf32>,
      tpu.vector_store %arg16[%swap3A_108, %swap3A_109], %mul3A_107 {strides = array<i32>} : memref<128x128xf32, #tpu.memory_space<vmem>>, vector<16xf32>,
      %get3A_111 = arith.index_cast %add3A_84 : i32 to index
      %get3A_112 = arith.constant 64 : index
      %get3A_113 = tpu.vector_load %arg16[%get3A_111, %get3A_112] {strides = array<i32>} : memref<128x128xf32, #tpu.memory_space<vmem>>, vector<16xf32>,
      %mul3A_114 = arith.mulf %get3A_113, %gather3A : vector<16xf32>
      %swap3A_115 = arith.index_cast %add3A_84 : i32 to index
      %swap3A_116 = arith.constant 64 : index
      %swap3A_117 = tpu.vector_load %arg16[%swap3A_115, %swap3A_116] {strides = array<i32>} : memref<128x128xf32, #tpu.memory_space<vmem>>, vector<16xf32>,
      tpu.vector_store %arg16[%swap3A_115, %swap3A_116], %mul3A_114 {strides = array<i32>} : memref<128x128xf32, #tpu.memory_space<vmem>>, vector<16xf32>,
      %get3A_118 = arith.index_cast %add3A_84 : i32 to index
      %get3A_119 = arith.constant 80 : index
      %get3A_120 = tpu.vector_load %arg16[%get3A_118, %get3A_119] {strides = array<i32>} : memref<128x128xf32, #tpu.memory_space<vmem>>, vector<16xf32>,
      %mul3A_121 = arith.mulf %get3A_120, %gather3A : vector<16xf32>
      %swap3A_122 = arith.index_cast %add3A_84 : i32 to index
      %swap3A_123 = arith.constant 80 : index
      %swap3A_124 = tpu.vector_load %arg16[%swap3A_122, %swap3A_123] {strides = array<i32>} : memref<128x128xf32, #tpu.memory_space<vmem>>, vector<16xf32>,
      tpu.vector_store %arg16[%swap3A_122, %swap3A_123], %mul3A_121 {strides = array<i32>} : memref<128x128xf32, #tpu.memory_space<vmem>>, vector<16xf32>,
      %get3A_125 = arith.index_cast %add3A_84 : i32 to index
      %get3A_126 = arith.constant 96 : index
      %get3A_127 = tpu.vector_load %arg16[%get3A_125, %get3A_126] {strides = array<i32>} : memref<128x128xf32, #tpu.memory_space<vmem>>, vector<16xf32>,
      %mul3A_128 = arith.mulf %get3A_127, %gather3A : vector<16xf32>
      %swap3A_129 = arith.index_cast %add3A_84 : i32 to index
      %swap3A_130 = arith.constant 96 : index
      %swap3A_131 = tpu.vector_load %arg16[%swap3A_129, %swap3A_130] {strides = array<i32>} : memref<128x128xf32, #tpu.memory_space<vmem>>, vector<16xf32>,
      tpu.vector_store %arg16[%swap3A_129, %swap3A_130], %mul3A_128 {strides = array<i32>} : memref<128x128xf32, #tpu.memory_space<vmem>>, vector<16xf32>,
      %get3A_132 = arith.index_cast %add3A_84 : i32 to index
      %get3A_133 = arith.constant 112 : index
      %get3A_134 = tpu.vector_load %arg16[%get3A_132, %get3A_133] {strides = array<i32>} : memref<128x128xf32, #tpu.memory_space<vmem>>, vector<16xf32>,
      %mul3A_135 = arith.mulf %get3A_134, %gather3A : vector<16xf32>
      %swap3A_136 = arith.index_cast %add3A_84 : i32 to index
      %swap3A_137 = arith.constant 112 : index
      %swap3A_138 = tpu.vector_load %arg16[%swap3A_136, %swap3A_137] {strides = array<i32>} : memref<128x128xf32, #tpu.memory_space<vmem>>, vector<16xf32>,
      tpu.vector_store %arg16[%swap3A_136, %swap3A_137], %mul3A_135 {strides = array<i32>} : memref<128x128xf32, #tpu.memory_space<vmem>>, vector<16xf32>,
    }
    %scan3A_73 = arith.constant 16 : i32
    "tpu.region"() ({
      %run_scoped3A = tpu.sem_alloc : memref<!tpu.dma_semaphore, #tpu.memory_space<semaphore_mem>>
      %dma_start3A_80 = arith.constant 0 : i32
      %dma_start3A_81 = arith.constant 0 : i32
      %dma_start3A_82 = tpu.memref_slice %arg16[%dma_start3A_80, %dma_start3A_81] : memref<128x128xf32, #tpu.memory_space<vmem>> -> memref<16x128xf32, #tpu.memory_space<vmem>>
      %dma_start3A_83 = arith.constant 0 : i32
      %dma_start3A_84 = arith.constant 0 : i32
      %dma_start3A_85 = tpu.memref_slice %arg25[%dma_start3A_83, %dma_start3A_84] : memref<10240x128xf32, #tpu.memory_space<vmem_shared>> -> memref<10240x128xf32, #tpu.memory_space<vmem_shared>>
      tpu.enqueue_indirect_dma source(%dma_start3A_82 : memref<16x128xf32, #tpu.memory_space<vmem>>) target(%dma_start3A_85 : memref<10240x128xf32, #tpu.memory_space<vmem_shared>>) offsets(%arg14 : memref<16xi32, #tpu.memory_space<vmem>>) semaphore(%run_scoped3A : memref<!tpu.dma_semaphore, #tpu.memory_space<semaphore_mem>>) {add = true}
      %dma_wait3A_86 = arith.constant 0 : i32
      %dma_wait3A_87 = arith.constant 0 : i32
      %dma_wait3A_88 = tpu.memref_slice %arg16[%dma_wait3A_86, %dma_wait3A_87] : memref<128x128xf32, #tpu.memory_space<vmem>> -> memref<16x128xf32, #tpu.memory_space<vmem>>
      %dma_wait3A_89 = arith.constant 0 : i32
      %dma_wait3A_90 = arith.constant 0 : i32
      %dma_wait3A_91 = tpu.memref_slice %arg25[%dma_wait3A_89, %dma_wait3A_90] : memref<10240x128xf32, #tpu.memory_space<vmem_shared>> -> memref<10240x128xf32, #tpu.memory_space<vmem_shared>>
      tpu.wait_indirect_dma semaphore(%run_scoped3A : memref<!tpu.dma_semaphore, #tpu.memory_space<semaphore_mem>>) src(%dma_wait3A_88 : memref<16x128xf32, #tpu.memory_space<vmem>>) dst(%dma_wait3A_91 : memref<10240x128xf32, #tpu.memory_space<vmem_shared>>)
      tpu.yield
    }) : () -> ()
    %barrier3A_74 = arith.constant 0 : index
    tpu.barrier barrier_id(%barrier3A_74)
    %scan3A_75 = arith.constant 0 : i32
    %scan3A_76 = arith.constant 5 : i32
    %scan3A_77 = arith.addi %scan3A_75, %scan3A_76 : i32
    %scan3A_78 = arith.constant 1 : i32
    scf.for %scan3A_80 = %scan3A_75 to %scan3A_77 step %scan3A_78  : i32 {
      %mul3A_81 = arith.constant 1 : i32
      %mul3A_82 = arith.muli %scan3A_80, %mul3A_81 : i32
      %add3A_83 = arith.constant 0 : i32
      %add3A_84 = arith.addi %add3A_83, %mul3A_82 : i32
      %mul3A_85 = arith.constant 640 : i32
      %mul3A_86 = arith.muli %arg1, %mul3A_85 : i32
      %mul3A_87 = arith.constant 128 : i32
      %mul3A_88 = arith.muli %add3A_84, %mul3A_87 : i32
      %add3A_89 = arith.addi %mul3A_86, %mul3A_88 : i32
      "tpu.region"() ({
        %run_scoped3A = tpu.sem_alloc : memref<!tpu.dma_semaphore, #tpu.memory_space<semaphore_mem>>
        %dma_start3A_90 = arith.constant 0 : i32
        %dma_start3A_91 = tpu.memref_slice %arg6[%arg0, %add3A_89, %dma_start3A_90] : memref<2x10240x128xf32, #tpu.memory_space<hbm>> -> memref<1x128x128xf32, #tpu.memory_space<hbm>>
        %dma_start3A_92 = tpu.memref_squeeze %dma_start3A_91 : memref<1x128x128xf32, #tpu.memory_space<hbm>> -> memref<128x128xf32, #tpu.memory_space<hbm>>
        %dma_start3A_93 = arith.constant 0 : i32
        %dma_start3A_94 = tpu.memref_slice %arg25[%add3A_89, %dma_start3A_93] : memref<10240x128xf32, #tpu.memory_space<vmem_shared>> -> memref<128x128xf32, #tpu.memory_space<vmem_shared>>
        tpu.enqueue_dma source(%dma_start3A_94 : memref<128x128xf32, #tpu.memory_space<vmem_shared>>) target(%dma_start3A_92 : memref<128x128xf32, #tpu.memory_space<hbm>>) target_semaphore(%run_scoped3A : memref<!tpu.dma_semaphore, #tpu.memory_space<semaphore_mem>>)
        %dma_wait3A_95 = arith.constant 0 : i32
        %dma_wait3A_96 = tpu.memref_slice %arg6[%arg0, %add3A_89, %dma_wait3A_95] : memref<2x10240x128xf32, #tpu.memory_space<hbm>> -> memref<1x128x128xf32, #tpu.memory_space<hbm>>
        %dma_wait3A_97 = tpu.memref_squeeze %dma_wait3A_96 : memref<1x128x128xf32, #tpu.memory_space<hbm>> -> memref<128x128xf32, #tpu.memory_space<hbm>>
        %dma_wait3A_98 = arith.constant 0 : i32
        %dma_wait3A_99 = tpu.memref_slice %arg25[%add3A_89, %dma_wait3A_98] : memref<10240x128xf32, #tpu.memory_space<vmem_shared>> -> memref<128x128xf32, #tpu.memory_space<vmem_shared>>
        tpu.wait_dma2 semaphore(%run_scoped3A : memref<!tpu.dma_semaphore, #tpu.memory_space<semaphore_mem>>) src(%dma_wait3A_99 : memref<128x128xf32, #tpu.memory_space<vmem_shared>>) dst(%dma_wait3A_97 : memref<128x128xf32, #tpu.memory_space<hbm>>)
        tpu.yield
      }) : () -> ()
    }
    %scan3A_79 = arith.constant 5 : i32
    return
  }
}

#map = affine_map<(d0, d1) -> (0)>
#map1 = affine_map<(d0, d1) -> (0, 0, 0)>
module attributes {stable_mosaic.version = 14 : i64} {
  func.func @_sc_degree(%arg0: i32, %arg1: i32, %arg2: memref<320000xi32, #tpu.memory_space<hbm>>, %arg3: memref<320000xf32, #tpu.memory_space<hbm>>, %arg4: memref<2x80x128xf32, #tpu.memory_space<hbm>>, %arg5: memref<10000xi32, #tpu.memory_space<vmem>>, %arg6: memref<10000xf32, #tpu.memory_space<vmem>>, %arg7: memref<80000xf32, #tpu.memory_space<vmem>>, %arg8: memref<80x128xf32, #tpu.memory_space<vmem>>, %arg9: memref<80xi32, #tpu.memory_space<vmem>>, %arg10: memref<80x128xf32, #tpu.memory_space<vmem_shared>>) attributes {dimension_semantics = [#tpu.dimension_semantics<core_parallel>, #tpu.dimension_semantics<subcore_parallel>], iteration_bounds = array<i64: 2, 16>, scalar_prefetch = 0 : i64, scratch_operands = 6 : i64, tpu.core_type = #tpu.core_type<sc_vector_subcore>, window_params = [{transform_indices = #map}, {transform_indices = #map}, {transform_indices = #map1}]} {
    %mul3A = arith.constant 16 : i32
    %mul3A_0 = arith.muli %arg0, %mul3A : i32
    %add3A = arith.addi %mul3A_0, %arg1 : i32
    %mul3A_1 = arith.constant 10000 : i32
    %mul3A_2 = arith.muli %add3A, %mul3A_1 : i32
    "tpu.region"() ({
      %run_scoped3A = tpu.sem_alloc : memref<!tpu.dma_semaphore, #tpu.memory_space<semaphore_mem>>
      %dma_start3A = tpu.memref_slice %arg2[%mul3A_2] : memref<320000xi32, #tpu.memory_space<hbm>> -> memref<10000xi32, #tpu.memory_space<hbm>>
      %dma_start3A_196 = tpu.memref_slice %arg2[%mul3A_2] : memref<320000xi32, #tpu.memory_space<hbm>> -> memref<10000xi32, #tpu.memory_space<hbm>>
      tpu.enqueue_dma source(%dma_start3A_196 : memref<10000xi32, #tpu.memory_space<hbm>>) target(%arg5 : memref<10000xi32, #tpu.memory_space<vmem>>) target_semaphore(%run_scoped3A : memref<!tpu.dma_semaphore, #tpu.memory_space<semaphore_mem>>)
      %dma_wait3A = tpu.memref_slice %arg2[%mul3A_2] : memref<320000xi32, #tpu.memory_space<hbm>> -> memref<10000xi32, #tpu.memory_space<hbm>>
      %dma_wait3A_197 = tpu.memref_slice %arg2[%mul3A_2] : memref<320000xi32, #tpu.memory_space<hbm>> -> memref<10000xi32, #tpu.memory_space<hbm>>
      tpu.wait_dma2 semaphore(%run_scoped3A : memref<!tpu.dma_semaphore, #tpu.memory_space<semaphore_mem>>) src(%dma_wait3A_197 : memref<10000xi32, #tpu.memory_space<hbm>>) dst(%arg5 : memref<10000xi32, #tpu.memory_space<vmem>>)
      tpu.yield
    }) : () -> ()
    "tpu.region"() ({
      %run_scoped3A = tpu.sem_alloc : memref<!tpu.dma_semaphore, #tpu.memory_space<semaphore_mem>>
      %dma_start3A = tpu.memref_slice %arg3[%mul3A_2] : memref<320000xf32, #tpu.memory_space<hbm>> -> memref<10000xf32, #tpu.memory_space<hbm>>
      %dma_start3A_196 = tpu.memref_slice %arg3[%mul3A_2] : memref<320000xf32, #tpu.memory_space<hbm>> -> memref<10000xf32, #tpu.memory_space<hbm>>
      tpu.enqueue_dma source(%dma_start3A_196 : memref<10000xf32, #tpu.memory_space<hbm>>) target(%arg6 : memref<10000xf32, #tpu.memory_space<vmem>>) target_semaphore(%run_scoped3A : memref<!tpu.dma_semaphore, #tpu.memory_space<semaphore_mem>>)
      %dma_wait3A = tpu.memref_slice %arg3[%mul3A_2] : memref<320000xf32, #tpu.memory_space<hbm>> -> memref<10000xf32, #tpu.memory_space<hbm>>
      %dma_wait3A_197 = tpu.memref_slice %arg3[%mul3A_2] : memref<320000xf32, #tpu.memory_space<hbm>> -> memref<10000xf32, #tpu.memory_space<hbm>>
      tpu.wait_dma2 semaphore(%run_scoped3A : memref<!tpu.dma_semaphore, #tpu.memory_space<semaphore_mem>>) src(%dma_wait3A_197 : memref<10000xf32, #tpu.memory_space<hbm>>) dst(%arg6 : memref<10000xf32, #tpu.memory_space<vmem>>)
      tpu.yield
    }) : () -> ()
    %broadcast_in_dim3A = arith.constant 0.000000e+00 : f32
    %broadcast_in_dim3A_3 = vector.broadcast %broadcast_in_dim3A : f32 to vector<16xf32>
    %iota3A = tpu.iota {dimensions = array<i32: 0>} : vector<16xi32>
    %scan3A = arith.constant 0 : i32
    %scan3A_4 = arith.constant 5000 : i32
    %scan3A_5 = arith.addi %scan3A, %scan3A_4 : i32
    %scan3A_6 = arith.constant 1 : i32
    scf.for %scan3A_196 = %scan3A to %scan3A_5 step %scan3A_6  : i32 {
      %mul3A_197 = arith.constant 1 : i32
      %mul3A_198 = arith.muli %scan3A_196, %mul3A_197 : i32
      %add3A_199 = arith.constant 0 : i32
      %add3A_200 = arith.addi %add3A_199, %mul3A_198 : i32
      %mul3A_201 = arith.constant 16 : i32
      %mul3A_202 = arith.muli %add3A_200, %mul3A_201 : i32
      %swap3A_203 = arith.index_cast %mul3A_202 : i32 to index
      %swap3A_204 = tpu.vector_load %arg7[%swap3A_203] {strides = array<i32>} : memref<80000xf32, #tpu.memory_space<vmem>>, vector<16xf32>,
      tpu.vector_store %arg7[%swap3A_203], %broadcast_in_dim3A_3 {strides = array<i32>} : memref<80000xf32, #tpu.memory_space<vmem>>, vector<16xf32>,
    }
    %scan3A_7 = arith.constant 5000 : i32
    %scan3A_8 = arith.constant 0 : i32
    %scan3A_9 = arith.constant 80 : i32
    %scan3A_10 = arith.addi %scan3A_8, %scan3A_9 : i32
    %scan3A_11 = arith.constant 1 : i32
    scf.for %scan3A_196 = %scan3A_8 to %scan3A_10 step %scan3A_11  : i32 {
      %mul3A_197 = arith.constant 1 : i32
      %mul3A_198 = arith.muli %scan3A_196, %mul3A_197 : i32
      %add3A_199 = arith.constant 0 : i32
      %add3A_200 = arith.addi %add3A_199, %mul3A_198 : i32
      %swap3A_201 = arith.index_cast %add3A_200 : i32 to index
      %swap3A_202 = arith.constant 0 : index
      %swap3A_203 = tpu.vector_load %arg8[%swap3A_201, %swap3A_202] {strides = array<i32>} : memref<80x128xf32, #tpu.memory_space<vmem>>, vector<16xf32>,
      tpu.vector_store %arg8[%swap3A_201, %swap3A_202], %broadcast_in_dim3A_3 {strides = array<i32>} : memref<80x128xf32, #tpu.memory_space<vmem>>, vector<16xf32>,
      %swap3A_204 = arith.index_cast %add3A_200 : i32 to index
      %swap3A_205 = arith.constant 16 : index
      %swap3A_206 = tpu.vector_load %arg8[%swap3A_204, %swap3A_205] {strides = array<i32>} : memref<80x128xf32, #tpu.memory_space<vmem>>, vector<16xf32>,
      tpu.vector_store %arg8[%swap3A_204, %swap3A_205], %broadcast_in_dim3A_3 {strides = array<i32>} : memref<80x128xf32, #tpu.memory_space<vmem>>, vector<16xf32>,
      %swap3A_207 = arith.index_cast %add3A_200 : i32 to index
      %swap3A_208 = arith.constant 32 : index
      %swap3A_209 = tpu.vector_load %arg8[%swap3A_207, %swap3A_208] {strides = array<i32>} : memref<80x128xf32, #tpu.memory_space<vmem>>, vector<16xf32>,
      tpu.vector_store %arg8[%swap3A_207, %swap3A_208], %broadcast_in_dim3A_3 {strides = array<i32>} : memref<80x128xf32, #tpu.memory_space<vmem>>, vector<16xf32>,
      %swap3A_210 = arith.index_cast %add3A_200 : i32 to index
      %swap3A_211 = arith.constant 48 : index
      %swap3A_212 = tpu.vector_load %arg8[%swap3A_210, %swap3A_211] {strides = array<i32>} : memref<80x128xf32, #tpu.memory_space<vmem>>, vector<16xf32>,
      tpu.vector_store %arg8[%swap3A_210, %swap3A_211], %broadcast_in_dim3A_3 {strides = array<i32>} : memref<80x128xf32, #tpu.memory_space<vmem>>, vector<16xf32>,
      %swap3A_213 = arith.index_cast %add3A_200 : i32 to index
      %swap3A_214 = arith.constant 64 : index
      %swap3A_215 = tpu.vector_load %arg8[%swap3A_213, %swap3A_214] {strides = array<i32>} : memref<80x128xf32, #tpu.memory_space<vmem>>, vector<16xf32>,
      tpu.vector_store %arg8[%swap3A_213, %swap3A_214], %broadcast_in_dim3A_3 {strides = array<i32>} : memref<80x128xf32, #tpu.memory_space<vmem>>, vector<16xf32>,
      %swap3A_216 = arith.index_cast %add3A_200 : i32 to index
      %swap3A_217 = arith.constant 80 : index
      %swap3A_218 = tpu.vector_load %arg8[%swap3A_216, %swap3A_217] {strides = array<i32>} : memref<80x128xf32, #tpu.memory_space<vmem>>, vector<16xf32>,
      tpu.vector_store %arg8[%swap3A_216, %swap3A_217], %broadcast_in_dim3A_3 {strides = array<i32>} : memref<80x128xf32, #tpu.memory_space<vmem>>, vector<16xf32>,
      %swap3A_219 = arith.index_cast %add3A_200 : i32 to index
      %swap3A_220 = arith.constant 96 : index
      %swap3A_221 = tpu.vector_load %arg8[%swap3A_219, %swap3A_220] {strides = array<i32>} : memref<80x128xf32, #tpu.memory_space<vmem>>, vector<16xf32>,
      tpu.vector_store %arg8[%swap3A_219, %swap3A_220], %broadcast_in_dim3A_3 {strides = array<i32>} : memref<80x128xf32, #tpu.memory_space<vmem>>, vector<16xf32>,
      %swap3A_222 = arith.index_cast %add3A_200 : i32 to index
      %swap3A_223 = arith.constant 112 : index
      %swap3A_224 = tpu.vector_load %arg8[%swap3A_222, %swap3A_223] {strides = array<i32>} : memref<80x128xf32, #tpu.memory_space<vmem>>, vector<16xf32>,
      tpu.vector_store %arg8[%swap3A_222, %swap3A_223], %broadcast_in_dim3A_3 {strides = array<i32>} : memref<80x128xf32, #tpu.memory_space<vmem>>, vector<16xf32>,
    }
    %scan3A_12 = arith.constant 80 : i32
    %scan3A_13 = arith.constant 0 : i32
    %scan3A_14 = arith.constant 5 : i32
    %scan3A_15 = arith.addi %scan3A_13, %scan3A_14 : i32
    %scan3A_16 = arith.constant 1 : i32
    scf.for %scan3A_196 = %scan3A_13 to %scan3A_15 step %scan3A_16  : i32 {
      %mul3A_197 = arith.constant 1 : i32
      %mul3A_198 = arith.muli %scan3A_196, %mul3A_197 : i32
      %add3A_199 = arith.constant 0 : i32
      %add3A_200 = arith.addi %add3A_199, %mul3A_198 : i32
      %mul3A_201 = arith.constant 16 : i32
      %mul3A_202 = arith.muli %add3A_200, %mul3A_201 : i32
      %add3A_203 = vector.broadcast %mul3A_202 : i32 to vector<16xi32>
      %add3A_204 = arith.addi %iota3A, %add3A_203 : vector<16xi32>
      %mul3A_205 = arith.constant 16 : i32
      %mul3A_206 = arith.muli %add3A_200, %mul3A_205 : i32
      %swap3A_207 = arith.index_cast %mul3A_206 : i32 to index
      %swap3A_208 = tpu.vector_load %arg9[%swap3A_207] {strides = array<i32>} : memref<80xi32, #tpu.memory_space<vmem>>, vector<16xi32>,
      tpu.vector_store %arg9[%swap3A_207], %add3A_204 {strides = array<i32>} : memref<80xi32, #tpu.memory_space<vmem>>, vector<16xi32>,
    }
    %scan3A_17 = arith.constant 5 : i32
    %eq3A = arith.constant 0 : i32
    %eq3A_18 = arith.cmpi eq, %arg1, %eq3A : i32
    %convert_element_type3A = arith.extui %eq3A_18 : i1 to i32
    %cond3A = arith.constant 0 : i32
    %cond3A_19 = arith.cmpi ne, %convert_element_type3A, %cond3A : i32
    scf.if %cond3A_19 {
      "tpu.region"() ({
        %run_scoped3A = tpu.sem_alloc : memref<!tpu.dma_semaphore, #tpu.memory_space<semaphore_mem>>
        tpu.enqueue_dma source(%arg8 : memref<80x128xf32, #tpu.memory_space<vmem>>) target(%arg10 : memref<80x128xf32, #tpu.memory_space<vmem_shared>>) target_semaphore(%run_scoped3A : memref<!tpu.dma_semaphore, #tpu.memory_space<semaphore_mem>>)
        tpu.wait_dma2 semaphore(%run_scoped3A : memref<!tpu.dma_semaphore, #tpu.memory_space<semaphore_mem>>) src(%arg8 : memref<80x128xf32, #tpu.memory_space<vmem>>) dst(%arg10 : memref<80x128xf32, #tpu.memory_space<vmem_shared>>)
        tpu.yield
      }) : () -> ()
    } else {
    }
    %barrier3A = arith.constant 0 : index
    tpu.barrier barrier_id(%barrier3A)
    %lt3A = arith.constant 8 : i32
    %lt3A_20 = vector.broadcast %lt3A : i32 to vector<16xi32>
    %lt3A_21 = arith.cmpi slt, %iota3A, %lt3A_20 : vector<16xi32>
    %ge3A = arith.constant 8 : i32
    %ge3A_22 = vector.broadcast %ge3A : i32 to vector<16xi32>
    %ge3A_23 = arith.cmpi sge, %iota3A, %ge3A_22 : vector<16xi32>
    %sub3A = arith.constant 8 : i32
    %sub3A_24 = vector.broadcast %sub3A : i32 to vector<16xi32>
    %sub3A_25 = arith.subi %iota3A, %sub3A_24 : vector<16xi32>
    %scan3A_26 = arith.constant 0 : i32
    %scan3A_27 = arith.constant 624 : i32
    %scan3A_28 = arith.addi %scan3A_26, %scan3A_27 : i32
    %scan3A_29 = arith.constant 4 : i32
    scf.for %scan3A_196 = %scan3A_26 to %scan3A_28 step %scan3A_29  : i32 {
      %mul3A_197 = arith.constant 1 : i32
      %mul3A_198 = arith.muli %scan3A_196, %mul3A_197 : i32
      %add3A_199 = arith.constant 0 : i32
      %add3A_200 = arith.addi %add3A_199, %mul3A_198 : i32
      %mul3A_201 = arith.constant 16 : i32
      %mul3A_202 = arith.muli %add3A_200, %mul3A_201 : i32
      %get3A_203 = arith.index_cast %mul3A_202 : i32 to index
      %get3A_204 = tpu.vector_load %arg5[%get3A_203] {strides = array<i32>} : memref<10000xi32, #tpu.memory_space<vmem>>, vector<16xi32>,
      %get3A_205 = arith.index_cast %mul3A_202 : i32 to index
      %get3A_206 = tpu.vector_load %arg6[%get3A_205] {strides = array<i32>} : memref<10000xf32, #tpu.memory_space<vmem>>, vector<16xf32>,
      %mul3A_207 = arith.constant 8 : i32
      %mul3A_208 = vector.broadcast %mul3A_207 : i32 to vector<16xi32>
      %mul3A_209 = arith.muli %get3A_204, %mul3A_208 : vector<16xi32>
      %add3A_210 = arith.addi %mul3A_209, %iota3A : vector<16xi32>
      tpu.vector_store_idx %arg7[%add3A_210], %get3A_206 masked %lt3A_21 {add = true} : memref<80000xf32, #tpu.memory_space<vmem>>[vector<16xi32>], vector<16xf32>, vector<16xi1>
      %add3A_211 = arith.addi %mul3A_209, %sub3A_25 : vector<16xi32>
      tpu.vector_store_idx %arg7[%add3A_211], %get3A_206 masked %ge3A_23 {add = true} : memref<80000xf32, #tpu.memory_space<vmem>>[vector<16xi32>], vector<16xf32>, vector<16xi1>
      %scan3A_212 = arith.constant 1 : i32
      %scan3A_213 = arith.addi %scan3A_196, %scan3A_212 : i32
      %mul3A_214 = arith.constant 1 : i32
      %mul3A_215 = arith.muli %scan3A_213, %mul3A_214 : i32
      %add3A_216 = arith.constant 0 : i32
      %add3A_217 = arith.addi %add3A_216, %mul3A_215 : i32
      %mul3A_218 = arith.constant 16 : i32
      %mul3A_219 = arith.muli %add3A_217, %mul3A_218 : i32
      %get3A_220 = arith.index_cast %mul3A_219 : i32 to index
      %get3A_221 = tpu.vector_load %arg5[%get3A_220] {strides = array<i32>} : memref<10000xi32, #tpu.memory_space<vmem>>, vector<16xi32>,
      %get3A_222 = arith.index_cast %mul3A_219 : i32 to index
      %get3A_223 = tpu.vector_load %arg6[%get3A_222] {strides = array<i32>} : memref<10000xf32, #tpu.memory_space<vmem>>, vector<16xf32>,
      %mul3A_224 = arith.constant 8 : i32
      %mul3A_225 = vector.broadcast %mul3A_224 : i32 to vector<16xi32>
      %mul3A_226 = arith.muli %get3A_221, %mul3A_225 : vector<16xi32>
      %add3A_227 = arith.addi %mul3A_226, %iota3A : vector<16xi32>
      tpu.vector_store_idx %arg7[%add3A_227], %get3A_223 masked %lt3A_21 {add = true} : memref<80000xf32, #tpu.memory_space<vmem>>[vector<16xi32>], vector<16xf32>, vector<16xi1>
      %add3A_228 = arith.addi %mul3A_226, %sub3A_25 : vector<16xi32>
      tpu.vector_store_idx %arg7[%add3A_228], %get3A_223 masked %ge3A_23 {add = true} : memref<80000xf32, #tpu.memory_space<vmem>>[vector<16xi32>], vector<16xf32>, vector<16xi1>
      %scan3A_229 = arith.constant 2 : i32
      %scan3A_230 = arith.addi %scan3A_196, %scan3A_229 : i32
      %mul3A_231 = arith.constant 1 : i32
      %mul3A_232 = arith.muli %scan3A_230, %mul3A_231 : i32
      %add3A_233 = arith.constant 0 : i32
      %add3A_234 = arith.addi %add3A_233, %mul3A_232 : i32
      %mul3A_235 = arith.constant 16 : i32
      %mul3A_236 = arith.muli %add3A_234, %mul3A_235 : i32
      %get3A_237 = arith.index_cast %mul3A_236 : i32 to index
      %get3A_238 = tpu.vector_load %arg5[%get3A_237] {strides = array<i32>} : memref<10000xi32, #tpu.memory_space<vmem>>, vector<16xi32>,
      %get3A_239 = arith.index_cast %mul3A_236 : i32 to index
      %get3A_240 = tpu.vector_load %arg6[%get3A_239] {strides = array<i32>} : memref<10000xf32, #tpu.memory_space<vmem>>, vector<16xf32>,
      %mul3A_241 = arith.constant 8 : i32
      %mul3A_242 = vector.broadcast %mul3A_241 : i32 to vector<16xi32>
      %mul3A_243 = arith.muli %get3A_238, %mul3A_242 : vector<16xi32>
      %add3A_244 = arith.addi %mul3A_243, %iota3A : vector<16xi32>
      tpu.vector_store_idx %arg7[%add3A_244], %get3A_240 masked %lt3A_21 {add = true} : memref<80000xf32, #tpu.memory_space<vmem>>[vector<16xi32>], vector<16xf32>, vector<16xi1>
      %add3A_245 = arith.addi %mul3A_243, %sub3A_25 : vector<16xi32>
      tpu.vector_store_idx %arg7[%add3A_245], %get3A_240 masked %ge3A_23 {add = true} : memref<80000xf32, #tpu.memory_space<vmem>>[vector<16xi32>], vector<16xf32>, vector<16xi1>
      %scan3A_246 = arith.constant 3 : i32
      %scan3A_247 = arith.addi %scan3A_196, %scan3A_246 : i32
      %mul3A_248 = arith.constant 1 : i32
      %mul3A_249 = arith.muli %scan3A_247, %mul3A_248 : i32
      %add3A_250 = arith.constant 0 : i32
      %add3A_251 = arith.addi %add3A_250, %mul3A_249 : i32
      %mul3A_252 = arith.constant 16 : i32
      %mul3A_253 = arith.muli %add3A_251, %mul3A_252 : i32
      %get3A_254 = arith.index_cast %mul3A_253 : i32 to index
      %get3A_255 = tpu.vector_load %arg5[%get3A_254] {strides = array<i32>} : memref<10000xi32, #tpu.memory_space<vmem>>, vector<16xi32>,
      %get3A_256 = arith.index_cast %mul3A_253 : i32 to index
      %get3A_257 = tpu.vector_load %arg6[%get3A_256] {strides = array<i32>} : memref<10000xf32, #tpu.memory_space<vmem>>, vector<16xf32>,
      %mul3A_258 = arith.constant 8 : i32
      %mul3A_259 = vector.broadcast %mul3A_258 : i32 to vector<16xi32>
      %mul3A_260 = arith.muli %get3A_255, %mul3A_259 : vector<16xi32>
      %add3A_261 = arith.addi %mul3A_260, %iota3A : vector<16xi32>
      tpu.vector_store_idx %arg7[%add3A_261], %get3A_257 masked %lt3A_21 {add = true} : memref<80000xf32, #tpu.memory_space<vmem>>[vector<16xi32>], vector<16xf32>, vector<16xi1>
      %add3A_262 = arith.addi %mul3A_260, %sub3A_25 : vector<16xi32>
      tpu.vector_store_idx %arg7[%add3A_262], %get3A_257 masked %ge3A_23 {add = true} : memref<80000xf32, #tpu.memory_space<vmem>>[vector<16xi32>], vector<16xf32>, vector<16xi1>
    }
    %scan3A_30 = arith.constant 624 : i32
    %scan3A_31 = arith.addi %scan3A_26, %scan3A_30 : i32
    %mul3A_32 = arith.constant 1 : i32
    %mul3A_33 = arith.muli %scan3A_31, %mul3A_32 : i32
    %add3A_34 = arith.constant 0 : i32
    %add3A_35 = arith.addi %add3A_34, %mul3A_33 : i32
    %mul3A_36 = arith.constant 16 : i32
    %mul3A_37 = arith.muli %add3A_35, %mul3A_36 : i32
    %get3A = arith.index_cast %mul3A_37 : i32 to index
    %get3A_38 = tpu.vector_load %arg5[%get3A] {strides = array<i32>} : memref<10000xi32, #tpu.memory_space<vmem>>, vector<16xi32>,
    %get3A_39 = arith.index_cast %mul3A_37 : i32 to index
    %get3A_40 = tpu.vector_load %arg6[%get3A_39] {strides = array<i32>} : memref<10000xf32, #tpu.memory_space<vmem>>, vector<16xf32>,
    %mul3A_41 = arith.constant 8 : i32
    %mul3A_42 = vector.broadcast %mul3A_41 : i32 to vector<16xi32>
    %mul3A_43 = arith.muli %get3A_38, %mul3A_42 : vector<16xi32>
    %add3A_44 = arith.addi %mul3A_43, %iota3A : vector<16xi32>
    tpu.vector_store_idx %arg7[%add3A_44], %get3A_40 masked %lt3A_21 {add = true} : memref<80000xf32, #tpu.memory_space<vmem>>[vector<16xi32>], vector<16xf32>, vector<16xi1>
    %add3A_45 = arith.addi %mul3A_43, %sub3A_25 : vector<16xi32>
    tpu.vector_store_idx %arg7[%add3A_45], %get3A_40 masked %ge3A_23 {add = true} : memref<80000xf32, #tpu.memory_space<vmem>>[vector<16xi32>], vector<16xf32>, vector<16xi1>
    %scan3A_46 = arith.constant 625 : i32
    %scan3A_47 = arith.constant 0 : i32
    %scan3A_48 = arith.constant 624 : i32
    %scan3A_49 = arith.addi %scan3A_47, %scan3A_48 : i32
    %scan3A_50 = arith.constant 2 : i32
    scf.for %scan3A_196 = %scan3A_47 to %scan3A_49 step %scan3A_50  : i32 {
      %mul3A_197 = arith.constant 1 : i32
      %mul3A_198 = arith.muli %scan3A_196, %mul3A_197 : i32
      %add3A_199 = arith.constant 0 : i32
      %add3A_200 = arith.addi %add3A_199, %mul3A_198 : i32
      %mul3A_201 = arith.constant 16 : i32
      %mul3A_202 = arith.muli %add3A_200, %mul3A_201 : i32
      %add3A_203 = vector.broadcast %mul3A_202 : i32 to vector<16xi32>
      %add3A_204 = arith.addi %iota3A, %add3A_203 : vector<16xi32>
      %mul3A_205 = arith.constant 8 : i32
      %mul3A_206 = vector.broadcast %mul3A_205 : i32 to vector<16xi32>
      %mul3A_207 = arith.muli %add3A_204, %mul3A_206 : vector<16xi32>
      %add3A_208 = arith.constant 0 : i32
      %add3A_209 = vector.broadcast %add3A_208 : i32 to vector<16xi32>
      %add3A_210 = arith.addi %mul3A_207, %add3A_209 : vector<16xi32>
      %gather3A_211 = tpu.vector_load_idx %arg7[%add3A_210] : memref<80000xf32, #tpu.memory_space<vmem>>[vector<16xi32>], vector<16xf32>,
      %add3A_212 = arith.addf %broadcast_in_dim3A_3, %gather3A_211 : vector<16xf32>
      %mul3A_213 = arith.constant 16 : i32
      %mul3A_214 = arith.muli %add3A_200, %mul3A_213 : i32
      %add3A_215 = vector.broadcast %mul3A_214 : i32 to vector<16xi32>
      %add3A_216 = arith.addi %iota3A, %add3A_215 : vector<16xi32>
      %mul3A_217 = arith.constant 8 : i32
      %mul3A_218 = vector.broadcast %mul3A_217 : i32 to vector<16xi32>
      %mul3A_219 = arith.muli %add3A_216, %mul3A_218 : vector<16xi32>
      %add3A_220 = arith.constant 1 : i32
      %add3A_221 = vector.broadcast %add3A_220 : i32 to vector<16xi32>
      %add3A_222 = arith.addi %mul3A_219, %add3A_221 : vector<16xi32>
      %gather3A_223 = tpu.vector_load_idx %arg7[%add3A_222] : memref<80000xf32, #tpu.memory_space<vmem>>[vector<16xi32>], vector<16xf32>,
      %add3A_224 = arith.addf %add3A_212, %gather3A_223 : vector<16xf32>
      %mul3A_225 = arith.constant 16 : i32
      %mul3A_226 = arith.muli %add3A_200, %mul3A_225 : i32
      %add3A_227 = vector.broadcast %mul3A_226 : i32 to vector<16xi32>
      %add3A_228 = arith.addi %iota3A, %add3A_227 : vector<16xi32>
      %mul3A_229 = arith.constant 8 : i32
      %mul3A_230 = vector.broadcast %mul3A_229 : i32 to vector<16xi32>
      %mul3A_231 = arith.muli %add3A_228, %mul3A_230 : vector<16xi32>
      %add3A_232 = arith.constant 2 : i32
      %add3A_233 = vector.broadcast %add3A_232 : i32 to vector<16xi32>
      %add3A_234 = arith.addi %mul3A_231, %add3A_233 : vector<16xi32>
      %gather3A_235 = tpu.vector_load_idx %arg7[%add3A_234] : memref<80000xf32, #tpu.memory_space<vmem>>[vector<16xi32>], vector<16xf32>,
      %add3A_236 = arith.addf %add3A_224, %gather3A_235 : vector<16xf32>
      %mul3A_237 = arith.constant 16 : i32
      %mul3A_238 = arith.muli %add3A_200, %mul3A_237 : i32
      %add3A_239 = vector.broadcast %mul3A_238 : i32 to vector<16xi32>
      %add3A_240 = arith.addi %iota3A, %add3A_239 : vector<16xi32>
      %mul3A_241 = arith.constant 8 : i32
      %mul3A_242 = vector.broadcast %mul3A_241 : i32 to vector<16xi32>
      %mul3A_243 = arith.muli %add3A_240, %mul3A_242 : vector<16xi32>
      %add3A_244 = arith.constant 3 : i32
      %add3A_245 = vector.broadcast %add3A_244 : i32 to vector<16xi32>
      %add3A_246 = arith.addi %mul3A_243, %add3A_245 : vector<16xi32>
      %gather3A_247 = tpu.vector_load_idx %arg7[%add3A_246] : memref<80000xf32, #tpu.memory_space<vmem>>[vector<16xi32>], vector<16xf32>,
      %add3A_248 = arith.addf %add3A_236, %gather3A_247 : vector<16xf32>
      %mul3A_249 = arith.constant 16 : i32
      %mul3A_250 = arith.muli %add3A_200, %mul3A_249 : i32
      %add3A_251 = vector.broadcast %mul3A_250 : i32 to vector<16xi32>
      %add3A_252 = arith.addi %iota3A, %add3A_251 : vector<16xi32>
      %mul3A_253 = arith.constant 8 : i32
      %mul3A_254 = vector.broadcast %mul3A_253 : i32 to vector<16xi32>
      %mul3A_255 = arith.muli %add3A_252, %mul3A_254 : vector<16xi32>
      %add3A_256 = arith.constant 4 : i32
      %add3A_257 = vector.broadcast %add3A_256 : i32 to vector<16xi32>
      %add3A_258 = arith.addi %mul3A_255, %add3A_257 : vector<16xi32>
      %gather3A_259 = tpu.vector_load_idx %arg7[%add3A_258] : memref<80000xf32, #tpu.memory_space<vmem>>[vector<16xi32>], vector<16xf32>,
      %add3A_260 = arith.addf %add3A_248, %gather3A_259 : vector<16xf32>
      %mul3A_261 = arith.constant 16 : i32
      %mul3A_262 = arith.muli %add3A_200, %mul3A_261 : i32
      %add3A_263 = vector.broadcast %mul3A_262 : i32 to vector<16xi32>
      %add3A_264 = arith.addi %iota3A, %add3A_263 : vector<16xi32>
      %mul3A_265 = arith.constant 8 : i32
      %mul3A_266 = vector.broadcast %mul3A_265 : i32 to vector<16xi32>
      %mul3A_267 = arith.muli %add3A_264, %mul3A_266 : vector<16xi32>
      %add3A_268 = arith.constant 5 : i32
      %add3A_269 = vector.broadcast %add3A_268 : i32 to vector<16xi32>
      %add3A_270 = arith.addi %mul3A_267, %add3A_269 : vector<16xi32>
      %gather3A_271 = tpu.vector_load_idx %arg7[%add3A_270] : memref<80000xf32, #tpu.memory_space<vmem>>[vector<16xi32>], vector<16xf32>,
      %add3A_272 = arith.addf %add3A_260, %gather3A_271 : vector<16xf32>
      %mul3A_273 = arith.constant 16 : i32
      %mul3A_274 = arith.muli %add3A_200, %mul3A_273 : i32
      %add3A_275 = vector.broadcast %mul3A_274 : i32 to vector<16xi32>
      %add3A_276 = arith.addi %iota3A, %add3A_275 : vector<16xi32>
      %mul3A_277 = arith.constant 8 : i32
      %mul3A_278 = vector.broadcast %mul3A_277 : i32 to vector<16xi32>
      %mul3A_279 = arith.muli %add3A_276, %mul3A_278 : vector<16xi32>
      %add3A_280 = arith.constant 6 : i32
      %add3A_281 = vector.broadcast %add3A_280 : i32 to vector<16xi32>
      %add3A_282 = arith.addi %mul3A_279, %add3A_281 : vector<16xi32>
      %gather3A_283 = tpu.vector_load_idx %arg7[%add3A_282] : memref<80000xf32, #tpu.memory_space<vmem>>[vector<16xi32>], vector<16xf32>,
      %add3A_284 = arith.addf %add3A_272, %gather3A_283 : vector<16xf32>
      %mul3A_285 = arith.constant 16 : i32
      %mul3A_286 = arith.muli %add3A_200, %mul3A_285 : i32
      %add3A_287 = vector.broadcast %mul3A_286 : i32 to vector<16xi32>
      %add3A_288 = arith.addi %iota3A, %add3A_287 : vector<16xi32>
      %mul3A_289 = arith.constant 8 : i32
      %mul3A_290 = vector.broadcast %mul3A_289 : i32 to vector<16xi32>
      %mul3A_291 = arith.muli %add3A_288, %mul3A_290 : vector<16xi32>
      %add3A_292 = arith.constant 7 : i32
      %add3A_293 = vector.broadcast %add3A_292 : i32 to vector<16xi32>
      %add3A_294 = arith.addi %mul3A_291, %add3A_293 : vector<16xi32>
      %gather3A_295 = tpu.vector_load_idx %arg7[%add3A_294] : memref<80000xf32, #tpu.memory_space<vmem>>[vector<16xi32>], vector<16xf32>,
      %add3A_296 = arith.addf %add3A_284, %gather3A_295 : vector<16xf32>
      %jit3A_297 = arith.constant 8 : i32
      %div3A_298 = arith.divsi %add3A_200, %jit3A_297 : i32
      %sign3A_299 = arith.constant 0 : i32
      %sign3A_300 = arith.cmpi sgt, %add3A_200, %sign3A_299 : i32
      %sign3A_301 = arith.extui %sign3A_300 : i1 to i32
      %sign3A_302 = arith.constant 0 : i32
      %sign3A_303 = arith.cmpi slt, %add3A_200, %sign3A_302 : i32
      %sign3A_304 = arith.extui %sign3A_303 : i1 to i32
      %sign3A_305 = arith.subi %sign3A_301, %sign3A_304 : i32
      %sign3A_306 = arith.constant 0 : i32
      %sign3A_307 = arith.cmpi sgt, %jit3A_297, %sign3A_306 : i32
      %sign3A_308 = arith.extui %sign3A_307 : i1 to i32
      %sign3A_309 = arith.constant 0 : i32
      %sign3A_310 = arith.cmpi slt, %jit3A_297, %sign3A_309 : i32
      %sign3A_311 = arith.extui %sign3A_310 : i1 to i32
      %sign3A_312 = arith.subi %sign3A_308, %sign3A_311 : i32
      %ne3A_313 = arith.cmpi ne, %sign3A_305, %sign3A_312 : i32
      %rem3A_314 = arith.remsi %add3A_200, %jit3A_297 : i32
      %ne3A_315 = arith.constant 0 : i32
      %ne3A_316 = arith.cmpi ne, %rem3A_314, %ne3A_315 : i32
      %and3A_317 = arith.andi %ne3A_313, %ne3A_316 : i1
      %sub3A_318 = arith.constant 1 : i32
      %sub3A_319 = arith.subi %div3A_298, %sub3A_318 : i32
      %select_n3A_320 = arith.select %and3A_317, %sub3A_319, %div3A_298 : i32
      %jit3A_321 = arith.constant 8 : i32
      %eq3A_322 = arith.constant 0 : i32
      %eq3A_323 = arith.cmpi eq, %jit3A_321, %eq3A_322 : i32
      %jit3A_324 = arith.constant 1 : i32
      %select_n3A_325 = arith.select %eq3A_323, %jit3A_324, %jit3A_321 : i32
      %rem3A_326 = arith.remsi %add3A_200, %select_n3A_325 : i32
      %ne3A_327 = arith.constant 0 : i32
      %ne3A_328 = arith.cmpi ne, %rem3A_326, %ne3A_327 : i32
      %lt3A_329 = arith.constant 0 : i32
      %lt3A_330 = arith.cmpi slt, %rem3A_326, %lt3A_329 : i32
      %lt3A_331 = arith.constant 0 : i32
      %lt3A_332 = arith.cmpi slt, %select_n3A_325, %lt3A_331 : i32
      %ne3A_333 = arith.xori %lt3A_330, %lt3A_332 : i1
      %and3A_334 = arith.andi %ne3A_333, %ne3A_328 : i1
      %add3A_335 = arith.addi %rem3A_326, %select_n3A_325 : i32
      %select_n3A_336 = arith.select %and3A_334, %add3A_335, %rem3A_326 : i32
      %mul3A_337 = arith.constant 16 : i32
      %mul3A_338 = arith.muli %select_n3A_336, %mul3A_337 : i32
      %swap3A_339 = arith.index_cast %select_n3A_320 : i32 to index
      %swap3A_340 = arith.index_cast %mul3A_338 : i32 to index
      %swap3A_341 = tpu.vector_load %arg8[%swap3A_339, %swap3A_340] {strides = array<i32>} : memref<80x128xf32, #tpu.memory_space<vmem>>, vector<16xf32>,
      tpu.vector_store %arg8[%swap3A_339, %swap3A_340], %add3A_296 {strides = array<i32>} : memref<80x128xf32, #tpu.memory_space<vmem>>, vector<16xf32>,
      %scan3A_342 = arith.constant 1 : i32
      %scan3A_343 = arith.addi %scan3A_196, %scan3A_342 : i32
      %mul3A_344 = arith.constant 1 : i32
      %mul3A_345 = arith.muli %scan3A_343, %mul3A_344 : i32
      %add3A_346 = arith.constant 0 : i32
      %add3A_347 = arith.addi %add3A_346, %mul3A_345 : i32
      %mul3A_348 = arith.constant 16 : i32
      %mul3A_349 = arith.muli %add3A_347, %mul3A_348 : i32
      %add3A_350 = vector.broadcast %mul3A_349 : i32 to vector<16xi32>
      %add3A_351 = arith.addi %iota3A, %add3A_350 : vector<16xi32>
      %mul3A_352 = arith.constant 8 : i32
      %mul3A_353 = vector.broadcast %mul3A_352 : i32 to vector<16xi32>
      %mul3A_354 = arith.muli %add3A_351, %mul3A_353 : vector<16xi32>
      %add3A_355 = arith.constant 0 : i32
      %add3A_356 = vector.broadcast %add3A_355 : i32 to vector<16xi32>
      %add3A_357 = arith.addi %mul3A_354, %add3A_356 : vector<16xi32>
      %gather3A_358 = tpu.vector_load_idx %arg7[%add3A_357] : memref<80000xf32, #tpu.memory_space<vmem>>[vector<16xi32>], vector<16xf32>,
      %add3A_359 = arith.addf %broadcast_in_dim3A_3, %gather3A_358 : vector<16xf32>
      %mul3A_360 = arith.constant 16 : i32
      %mul3A_361 = arith.muli %add3A_347, %mul3A_360 : i32
      %add3A_362 = vector.broadcast %mul3A_361 : i32 to vector<16xi32>
      %add3A_363 = arith.addi %iota3A, %add3A_362 : vector<16xi32>
      %mul3A_364 = arith.constant 8 : i32
      %mul3A_365 = vector.broadcast %mul3A_364 : i32 to vector<16xi32>
      %mul3A_366 = arith.muli %add3A_363, %mul3A_365 : vector<16xi32>
      %add3A_367 = arith.constant 1 : i32
      %add3A_368 = vector.broadcast %add3A_367 : i32 to vector<16xi32>
      %add3A_369 = arith.addi %mul3A_366, %add3A_368 : vector<16xi32>
      %gather3A_370 = tpu.vector_load_idx %arg7[%add3A_369] : memref<80000xf32, #tpu.memory_space<vmem>>[vector<16xi32>], vector<16xf32>,
      %add3A_371 = arith.addf %add3A_359, %gather3A_370 : vector<16xf32>
      %mul3A_372 = arith.constant 16 : i32
      %mul3A_373 = arith.muli %add3A_347, %mul3A_372 : i32
      %add3A_374 = vector.broadcast %mul3A_373 : i32 to vector<16xi32>
      %add3A_375 = arith.addi %iota3A, %add3A_374 : vector<16xi32>
      %mul3A_376 = arith.constant 8 : i32
      %mul3A_377 = vector.broadcast %mul3A_376 : i32 to vector<16xi32>
      %mul3A_378 = arith.muli %add3A_375, %mul3A_377 : vector<16xi32>
      %add3A_379 = arith.constant 2 : i32
      %add3A_380 = vector.broadcast %add3A_379 : i32 to vector<16xi32>
      %add3A_381 = arith.addi %mul3A_378, %add3A_380 : vector<16xi32>
      %gather3A_382 = tpu.vector_load_idx %arg7[%add3A_381] : memref<80000xf32, #tpu.memory_space<vmem>>[vector<16xi32>], vector<16xf32>,
      %add3A_383 = arith.addf %add3A_371, %gather3A_382 : vector<16xf32>
      %mul3A_384 = arith.constant 16 : i32
      %mul3A_385 = arith.muli %add3A_347, %mul3A_384 : i32
      %add3A_386 = vector.broadcast %mul3A_385 : i32 to vector<16xi32>
      %add3A_387 = arith.addi %iota3A, %add3A_386 : vector<16xi32>
      %mul3A_388 = arith.constant 8 : i32
      %mul3A_389 = vector.broadcast %mul3A_388 : i32 to vector<16xi32>
      %mul3A_390 = arith.muli %add3A_387, %mul3A_389 : vector<16xi32>
      %add3A_391 = arith.constant 3 : i32
      %add3A_392 = vector.broadcast %add3A_391 : i32 to vector<16xi32>
      %add3A_393 = arith.addi %mul3A_390, %add3A_392 : vector<16xi32>
      %gather3A_394 = tpu.vector_load_idx %arg7[%add3A_393] : memref<80000xf32, #tpu.memory_space<vmem>>[vector<16xi32>], vector<16xf32>,
      %add3A_395 = arith.addf %add3A_383, %gather3A_394 : vector<16xf32>
      %mul3A_396 = arith.constant 16 : i32
      %mul3A_397 = arith.muli %add3A_347, %mul3A_396 : i32
      %add3A_398 = vector.broadcast %mul3A_397 : i32 to vector<16xi32>
      %add3A_399 = arith.addi %iota3A, %add3A_398 : vector<16xi32>
      %mul3A_400 = arith.constant 8 : i32
      %mul3A_401 = vector.broadcast %mul3A_400 : i32 to vector<16xi32>
      %mul3A_402 = arith.muli %add3A_399, %mul3A_401 : vector<16xi32>
      %add3A_403 = arith.constant 4 : i32
      %add3A_404 = vector.broadcast %add3A_403 : i32 to vector<16xi32>
      %add3A_405 = arith.addi %mul3A_402, %add3A_404 : vector<16xi32>
      %gather3A_406 = tpu.vector_load_idx %arg7[%add3A_405] : memref<80000xf32, #tpu.memory_space<vmem>>[vector<16xi32>], vector<16xf32>,
      %add3A_407 = arith.addf %add3A_395, %gather3A_406 : vector<16xf32>
      %mul3A_408 = arith.constant 16 : i32
      %mul3A_409 = arith.muli %add3A_347, %mul3A_408 : i32
      %add3A_410 = vector.broadcast %mul3A_409 : i32 to vector<16xi32>
      %add3A_411 = arith.addi %iota3A, %add3A_410 : vector<16xi32>
      %mul3A_412 = arith.constant 8 : i32
      %mul3A_413 = vector.broadcast %mul3A_412 : i32 to vector<16xi32>
      %mul3A_414 = arith.muli %add3A_411, %mul3A_413 : vector<16xi32>
      %add3A_415 = arith.constant 5 : i32
      %add3A_416 = vector.broadcast %add3A_415 : i32 to vector<16xi32>
      %add3A_417 = arith.addi %mul3A_414, %add3A_416 : vector<16xi32>
      %gather3A_418 = tpu.vector_load_idx %arg7[%add3A_417] : memref<80000xf32, #tpu.memory_space<vmem>>[vector<16xi32>], vector<16xf32>,
      %add3A_419 = arith.addf %add3A_407, %gather3A_418 : vector<16xf32>
      %mul3A_420 = arith.constant 16 : i32
      %mul3A_421 = arith.muli %add3A_347, %mul3A_420 : i32
      %add3A_422 = vector.broadcast %mul3A_421 : i32 to vector<16xi32>
      %add3A_423 = arith.addi %iota3A, %add3A_422 : vector<16xi32>
      %mul3A_424 = arith.constant 8 : i32
      %mul3A_425 = vector.broadcast %mul3A_424 : i32 to vector<16xi32>
      %mul3A_426 = arith.muli %add3A_423, %mul3A_425 : vector<16xi32>
      %add3A_427 = arith.constant 6 : i32
      %add3A_428 = vector.broadcast %add3A_427 : i32 to vector<16xi32>
      %add3A_429 = arith.addi %mul3A_426, %add3A_428 : vector<16xi32>
      %gather3A_430 = tpu.vector_load_idx %arg7[%add3A_429] : memref<80000xf32, #tpu.memory_space<vmem>>[vector<16xi32>], vector<16xf32>,
      %add3A_431 = arith.addf %add3A_419, %gather3A_430 : vector<16xf32>
      %mul3A_432 = arith.constant 16 : i32
      %mul3A_433 = arith.muli %add3A_347, %mul3A_432 : i32
      %add3A_434 = vector.broadcast %mul3A_433 : i32 to vector<16xi32>
      %add3A_435 = arith.addi %iota3A, %add3A_434 : vector<16xi32>
      %mul3A_436 = arith.constant 8 : i32
      %mul3A_437 = vector.broadcast %mul3A_436 : i32 to vector<16xi32>
      %mul3A_438 = arith.muli %add3A_435, %mul3A_437 : vector<16xi32>
      %add3A_439 = arith.constant 7 : i32
      %add3A_440 = vector.broadcast %add3A_439 : i32 to vector<16xi32>
      %add3A_441 = arith.addi %mul3A_438, %add3A_440 : vector<16xi32>
      %gather3A_442 = tpu.vector_load_idx %arg7[%add3A_441] : memref<80000xf32, #tpu.memory_space<vmem>>[vector<16xi32>], vector<16xf32>,
      %add3A_443 = arith.addf %add3A_431, %gather3A_442 : vector<16xf32>
      %jit3A_444 = arith.constant 8 : i32
      %div3A_445 = arith.divsi %add3A_347, %jit3A_444 : i32
      %sign3A_446 = arith.constant 0 : i32
      %sign3A_447 = arith.cmpi sgt, %add3A_347, %sign3A_446 : i32
      %sign3A_448 = arith.extui %sign3A_447 : i1 to i32
      %sign3A_449 = arith.constant 0 : i32
      %sign3A_450 = arith.cmpi slt, %add3A_347, %sign3A_449 : i32
      %sign3A_451 = arith.extui %sign3A_450 : i1 to i32
      %sign3A_452 = arith.subi %sign3A_448, %sign3A_451 : i32
      %sign3A_453 = arith.constant 0 : i32
      %sign3A_454 = arith.cmpi sgt, %jit3A_444, %sign3A_453 : i32
      %sign3A_455 = arith.extui %sign3A_454 : i1 to i32
      %sign3A_456 = arith.constant 0 : i32
      %sign3A_457 = arith.cmpi slt, %jit3A_444, %sign3A_456 : i32
      %sign3A_458 = arith.extui %sign3A_457 : i1 to i32
      %sign3A_459 = arith.subi %sign3A_455, %sign3A_458 : i32
      %ne3A_460 = arith.cmpi ne, %sign3A_452, %sign3A_459 : i32
      %rem3A_461 = arith.remsi %add3A_347, %jit3A_444 : i32
      %ne3A_462 = arith.constant 0 : i32
      %ne3A_463 = arith.cmpi ne, %rem3A_461, %ne3A_462 : i32
      %and3A_464 = arith.andi %ne3A_460, %ne3A_463 : i1
      %sub3A_465 = arith.constant 1 : i32
      %sub3A_466 = arith.subi %div3A_445, %sub3A_465 : i32
      %select_n3A_467 = arith.select %and3A_464, %sub3A_466, %div3A_445 : i32
      %jit3A_468 = arith.constant 8 : i32
      %eq3A_469 = arith.constant 0 : i32
      %eq3A_470 = arith.cmpi eq, %jit3A_468, %eq3A_469 : i32
      %jit3A_471 = arith.constant 1 : i32
      %select_n3A_472 = arith.select %eq3A_470, %jit3A_471, %jit3A_468 : i32
      %rem3A_473 = arith.remsi %add3A_347, %select_n3A_472 : i32
      %ne3A_474 = arith.constant 0 : i32
      %ne3A_475 = arith.cmpi ne, %rem3A_473, %ne3A_474 : i32
      %lt3A_476 = arith.constant 0 : i32
      %lt3A_477 = arith.cmpi slt, %rem3A_473, %lt3A_476 : i32
      %lt3A_478 = arith.constant 0 : i32
      %lt3A_479 = arith.cmpi slt, %select_n3A_472, %lt3A_478 : i32
      %ne3A_480 = arith.xori %lt3A_477, %lt3A_479 : i1
      %and3A_481 = arith.andi %ne3A_480, %ne3A_475 : i1
      %add3A_482 = arith.addi %rem3A_473, %select_n3A_472 : i32
      %select_n3A_483 = arith.select %and3A_481, %add3A_482, %rem3A_473 : i32
      %mul3A_484 = arith.constant 16 : i32
      %mul3A_485 = arith.muli %select_n3A_483, %mul3A_484 : i32
      %swap3A_486 = arith.index_cast %select_n3A_467 : i32 to index
      %swap3A_487 = arith.index_cast %mul3A_485 : i32 to index
      %swap3A_488 = tpu.vector_load %arg8[%swap3A_486, %swap3A_487] {strides = array<i32>} : memref<80x128xf32, #tpu.memory_space<vmem>>, vector<16xf32>,
      tpu.vector_store %arg8[%swap3A_486, %swap3A_487], %add3A_443 {strides = array<i32>} : memref<80x128xf32, #tpu.memory_space<vmem>>, vector<16xf32>,
    }
    %scan3A_51 = arith.constant 624 : i32
    %scan3A_52 = arith.addi %scan3A_47, %scan3A_51 : i32
    %mul3A_53 = arith.constant 1 : i32
    %mul3A_54 = arith.muli %scan3A_52, %mul3A_53 : i32
    %add3A_55 = arith.constant 0 : i32
    %add3A_56 = arith.addi %add3A_55, %mul3A_54 : i32
    %mul3A_57 = arith.constant 16 : i32
    %mul3A_58 = arith.muli %add3A_56, %mul3A_57 : i32
    %add3A_59 = vector.broadcast %mul3A_58 : i32 to vector<16xi32>
    %add3A_60 = arith.addi %iota3A, %add3A_59 : vector<16xi32>
    %mul3A_61 = arith.constant 8 : i32
    %mul3A_62 = vector.broadcast %mul3A_61 : i32 to vector<16xi32>
    %mul3A_63 = arith.muli %add3A_60, %mul3A_62 : vector<16xi32>
    %add3A_64 = arith.constant 0 : i32
    %add3A_65 = vector.broadcast %add3A_64 : i32 to vector<16xi32>
    %add3A_66 = arith.addi %mul3A_63, %add3A_65 : vector<16xi32>
    %gather3A = tpu.vector_load_idx %arg7[%add3A_66] : memref<80000xf32, #tpu.memory_space<vmem>>[vector<16xi32>], vector<16xf32>,
    %add3A_67 = arith.addf %broadcast_in_dim3A_3, %gather3A : vector<16xf32>
    %mul3A_68 = arith.constant 16 : i32
    %mul3A_69 = arith.muli %add3A_56, %mul3A_68 : i32
    %add3A_70 = vector.broadcast %mul3A_69 : i32 to vector<16xi32>
    %add3A_71 = arith.addi %iota3A, %add3A_70 : vector<16xi32>
    %mul3A_72 = arith.constant 8 : i32
    %mul3A_73 = vector.broadcast %mul3A_72 : i32 to vector<16xi32>
    %mul3A_74 = arith.muli %add3A_71, %mul3A_73 : vector<16xi32>
    %add3A_75 = arith.constant 1 : i32
    %add3A_76 = vector.broadcast %add3A_75 : i32 to vector<16xi32>
    %add3A_77 = arith.addi %mul3A_74, %add3A_76 : vector<16xi32>
    %gather3A_78 = tpu.vector_load_idx %arg7[%add3A_77] : memref<80000xf32, #tpu.memory_space<vmem>>[vector<16xi32>], vector<16xf32>,
    %add3A_79 = arith.addf %add3A_67, %gather3A_78 : vector<16xf32>
    %mul3A_80 = arith.constant 16 : i32
    %mul3A_81 = arith.muli %add3A_56, %mul3A_80 : i32
    %add3A_82 = vector.broadcast %mul3A_81 : i32 to vector<16xi32>
    %add3A_83 = arith.addi %iota3A, %add3A_82 : vector<16xi32>
    %mul3A_84 = arith.constant 8 : i32
    %mul3A_85 = vector.broadcast %mul3A_84 : i32 to vector<16xi32>
    %mul3A_86 = arith.muli %add3A_83, %mul3A_85 : vector<16xi32>
    %add3A_87 = arith.constant 2 : i32
    %add3A_88 = vector.broadcast %add3A_87 : i32 to vector<16xi32>
    %add3A_89 = arith.addi %mul3A_86, %add3A_88 : vector<16xi32>
    %gather3A_90 = tpu.vector_load_idx %arg7[%add3A_89] : memref<80000xf32, #tpu.memory_space<vmem>>[vector<16xi32>], vector<16xf32>,
    %add3A_91 = arith.addf %add3A_79, %gather3A_90 : vector<16xf32>
    %mul3A_92 = arith.constant 16 : i32
    %mul3A_93 = arith.muli %add3A_56, %mul3A_92 : i32
    %add3A_94 = vector.broadcast %mul3A_93 : i32 to vector<16xi32>
    %add3A_95 = arith.addi %iota3A, %add3A_94 : vector<16xi32>
    %mul3A_96 = arith.constant 8 : i32
    %mul3A_97 = vector.broadcast %mul3A_96 : i32 to vector<16xi32>
    %mul3A_98 = arith.muli %add3A_95, %mul3A_97 : vector<16xi32>
    %add3A_99 = arith.constant 3 : i32
    %add3A_100 = vector.broadcast %add3A_99 : i32 to vector<16xi32>
    %add3A_101 = arith.addi %mul3A_98, %add3A_100 : vector<16xi32>
    %gather3A_102 = tpu.vector_load_idx %arg7[%add3A_101] : memref<80000xf32, #tpu.memory_space<vmem>>[vector<16xi32>], vector<16xf32>,
    %add3A_103 = arith.addf %add3A_91, %gather3A_102 : vector<16xf32>
    %mul3A_104 = arith.constant 16 : i32
    %mul3A_105 = arith.muli %add3A_56, %mul3A_104 : i32
    %add3A_106 = vector.broadcast %mul3A_105 : i32 to vector<16xi32>
    %add3A_107 = arith.addi %iota3A, %add3A_106 : vector<16xi32>
    %mul3A_108 = arith.constant 8 : i32
    %mul3A_109 = vector.broadcast %mul3A_108 : i32 to vector<16xi32>
    %mul3A_110 = arith.muli %add3A_107, %mul3A_109 : vector<16xi32>
    %add3A_111 = arith.constant 4 : i32
    %add3A_112 = vector.broadcast %add3A_111 : i32 to vector<16xi32>
    %add3A_113 = arith.addi %mul3A_110, %add3A_112 : vector<16xi32>
    %gather3A_114 = tpu.vector_load_idx %arg7[%add3A_113] : memref<80000xf32, #tpu.memory_space<vmem>>[vector<16xi32>], vector<16xf32>,
    %add3A_115 = arith.addf %add3A_103, %gather3A_114 : vector<16xf32>
    %mul3A_116 = arith.constant 16 : i32
    %mul3A_117 = arith.muli %add3A_56, %mul3A_116 : i32
    %add3A_118 = vector.broadcast %mul3A_117 : i32 to vector<16xi32>
    %add3A_119 = arith.addi %iota3A, %add3A_118 : vector<16xi32>
    %mul3A_120 = arith.constant 8 : i32
    %mul3A_121 = vector.broadcast %mul3A_120 : i32 to vector<16xi32>
    %mul3A_122 = arith.muli %add3A_119, %mul3A_121 : vector<16xi32>
    %add3A_123 = arith.constant 5 : i32
    %add3A_124 = vector.broadcast %add3A_123 : i32 to vector<16xi32>
    %add3A_125 = arith.addi %mul3A_122, %add3A_124 : vector<16xi32>
    %gather3A_126 = tpu.vector_load_idx %arg7[%add3A_125] : memref<80000xf32, #tpu.memory_space<vmem>>[vector<16xi32>], vector<16xf32>,
    %add3A_127 = arith.addf %add3A_115, %gather3A_126 : vector<16xf32>
    %mul3A_128 = arith.constant 16 : i32
    %mul3A_129 = arith.muli %add3A_56, %mul3A_128 : i32
    %add3A_130 = vector.broadcast %mul3A_129 : i32 to vector<16xi32>
    %add3A_131 = arith.addi %iota3A, %add3A_130 : vector<16xi32>
    %mul3A_132 = arith.constant 8 : i32
    %mul3A_133 = vector.broadcast %mul3A_132 : i32 to vector<16xi32>
    %mul3A_134 = arith.muli %add3A_131, %mul3A_133 : vector<16xi32>
    %add3A_135 = arith.constant 6 : i32
    %add3A_136 = vector.broadcast %add3A_135 : i32 to vector<16xi32>
    %add3A_137 = arith.addi %mul3A_134, %add3A_136 : vector<16xi32>
    %gather3A_138 = tpu.vector_load_idx %arg7[%add3A_137] : memref<80000xf32, #tpu.memory_space<vmem>>[vector<16xi32>], vector<16xf32>,
    %add3A_139 = arith.addf %add3A_127, %gather3A_138 : vector<16xf32>
    %mul3A_140 = arith.constant 16 : i32
    %mul3A_141 = arith.muli %add3A_56, %mul3A_140 : i32
    %add3A_142 = vector.broadcast %mul3A_141 : i32 to vector<16xi32>
    %add3A_143 = arith.addi %iota3A, %add3A_142 : vector<16xi32>
    %mul3A_144 = arith.constant 8 : i32
    %mul3A_145 = vector.broadcast %mul3A_144 : i32 to vector<16xi32>
    %mul3A_146 = arith.muli %add3A_143, %mul3A_145 : vector<16xi32>
    %add3A_147 = arith.constant 7 : i32
    %add3A_148 = vector.broadcast %add3A_147 : i32 to vector<16xi32>
    %add3A_149 = arith.addi %mul3A_146, %add3A_148 : vector<16xi32>
    %gather3A_150 = tpu.vector_load_idx %arg7[%add3A_149] : memref<80000xf32, #tpu.memory_space<vmem>>[vector<16xi32>], vector<16xf32>,
    %add3A_151 = arith.addf %add3A_139, %gather3A_150 : vector<16xf32>
    %jit3A = arith.constant 8 : i32
    %div3A = arith.divsi %add3A_56, %jit3A : i32
    %sign3A = arith.constant 0 : i32
    %sign3A_152 = arith.cmpi sgt, %add3A_56, %sign3A : i32
    %sign3A_153 = arith.extui %sign3A_152 : i1 to i32
    %sign3A_154 = arith.constant 0 : i32
    %sign3A_155 = arith.cmpi slt, %add3A_56, %sign3A_154 : i32
    %sign3A_156 = arith.extui %sign3A_155 : i1 to i32
    %sign3A_157 = arith.subi %sign3A_153, %sign3A_156 : i32
    %sign3A_158 = arith.constant 0 : i32
    %sign3A_159 = arith.cmpi sgt, %jit3A, %sign3A_158 : i32
    %sign3A_160 = arith.extui %sign3A_159 : i1 to i32
    %sign3A_161 = arith.constant 0 : i32
    %sign3A_162 = arith.cmpi slt, %jit3A, %sign3A_161 : i32
    %sign3A_163 = arith.extui %sign3A_162 : i1 to i32
    %sign3A_164 = arith.subi %sign3A_160, %sign3A_163 : i32
    %ne3A = arith.cmpi ne, %sign3A_157, %sign3A_164 : i32
    %rem3A = arith.remsi %add3A_56, %jit3A : i32
    %ne3A_165 = arith.constant 0 : i32
    %ne3A_166 = arith.cmpi ne, %rem3A, %ne3A_165 : i32
    %and3A = arith.andi %ne3A, %ne3A_166 : i1
    %sub3A_167 = arith.constant 1 : i32
    %sub3A_168 = arith.subi %div3A, %sub3A_167 : i32
    %select_n3A = arith.select %and3A, %sub3A_168, %div3A : i32
    %jit3A_169 = arith.constant 8 : i32
    %eq3A_170 = arith.constant 0 : i32
    %eq3A_171 = arith.cmpi eq, %jit3A_169, %eq3A_170 : i32
    %jit3A_172 = arith.constant 1 : i32
    %select_n3A_173 = arith.select %eq3A_171, %jit3A_172, %jit3A_169 : i32
    %rem3A_174 = arith.remsi %add3A_56, %select_n3A_173 : i32
    %ne3A_175 = arith.constant 0 : i32
    %ne3A_176 = arith.cmpi ne, %rem3A_174, %ne3A_175 : i32
    %lt3A_177 = arith.constant 0 : i32
    %lt3A_178 = arith.cmpi slt, %rem3A_174, %lt3A_177 : i32
    %lt3A_179 = arith.constant 0 : i32
    %lt3A_180 = arith.cmpi slt, %select_n3A_173, %lt3A_179 : i32
    %ne3A_181 = arith.xori %lt3A_178, %lt3A_180 : i1
    %and3A_182 = arith.andi %ne3A_181, %ne3A_176 : i1
    %add3A_183 = arith.addi %rem3A_174, %select_n3A_173 : i32
    %select_n3A_184 = arith.select %and3A_182, %add3A_183, %rem3A_174 : i32
    %mul3A_185 = arith.constant 16 : i32
    %mul3A_186 = arith.muli %select_n3A_184, %mul3A_185 : i32
    %swap3A = arith.index_cast %select_n3A : i32 to index
    %swap3A_187 = arith.index_cast %mul3A_186 : i32 to index
    %swap3A_188 = tpu.vector_load %arg8[%swap3A, %swap3A_187] {strides = array<i32>} : memref<80x128xf32, #tpu.memory_space<vmem>>, vector<16xf32>,
    tpu.vector_store %arg8[%swap3A, %swap3A_187], %add3A_151 {strides = array<i32>} : memref<80x128xf32, #tpu.memory_space<vmem>>, vector<16xf32>,
    %scan3A_189 = arith.constant 625 : i32
    "tpu.region"() ({
      %run_scoped3A = tpu.sem_alloc : memref<!tpu.dma_semaphore, #tpu.memory_space<semaphore_mem>>
      %dma_start3A = arith.constant 0 : i32
      %dma_start3A_196 = arith.constant 0 : i32
      %dma_start3A_197 = tpu.memref_slice %arg10[%dma_start3A, %dma_start3A_196] : memref<80x128xf32, #tpu.memory_space<vmem_shared>> -> memref<80x128xf32, #tpu.memory_space<vmem_shared>>
      tpu.enqueue_indirect_dma source(%arg8 : memref<80x128xf32, #tpu.memory_space<vmem>>) target(%dma_start3A_197 : memref<80x128xf32, #tpu.memory_space<vmem_shared>>) offsets(%arg9 : memref<80xi32, #tpu.memory_space<vmem>>) semaphore(%run_scoped3A : memref<!tpu.dma_semaphore, #tpu.memory_space<semaphore_mem>>) {add = true}
      %dma_wait3A = arith.constant 0 : i32
      %dma_wait3A_198 = arith.constant 0 : i32
      %dma_wait3A_199 = tpu.memref_slice %arg10[%dma_wait3A, %dma_wait3A_198] : memref<80x128xf32, #tpu.memory_space<vmem_shared>> -> memref<80x128xf32, #tpu.memory_space<vmem_shared>>
      tpu.wait_indirect_dma semaphore(%run_scoped3A : memref<!tpu.dma_semaphore, #tpu.memory_space<semaphore_mem>>) src(%arg8 : memref<80x128xf32, #tpu.memory_space<vmem>>) dst(%dma_wait3A_199 : memref<80x128xf32, #tpu.memory_space<vmem_shared>>)
      tpu.yield
    }) : () -> ()
    %barrier3A_190 = arith.constant 0 : index
    tpu.barrier barrier_id(%barrier3A_190)
    %lt3A_191 = arith.constant 10 : i32
    %lt3A_192 = arith.cmpi slt, %arg1, %lt3A_191 : i32
    %convert_element_type3A_193 = arith.extui %lt3A_192 : i1 to i32
    %cond3A_194 = arith.constant 0 : i32
    %cond3A_195 = arith.cmpi ne, %convert_element_type3A_193, %cond3A_194 : i32
    scf.if %cond3A_195 {
      %mul3A_196 = arith.constant 8 : i32
      %mul3A_197 = arith.muli %arg1, %mul3A_196 : i32
      %mul3A_198 = arith.constant 8 : i32
      %mul3A_199 = arith.muli %arg1, %mul3A_198 : i32
      "tpu.region"() ({
        %run_scoped3A = tpu.sem_alloc : memref<!tpu.dma_semaphore, #tpu.memory_space<semaphore_mem>>
        %dma_start3A = arith.constant 0 : i32
        %dma_start3A_200 = tpu.memref_slice %arg4[%arg0, %mul3A_199, %dma_start3A] : memref<2x80x128xf32, #tpu.memory_space<hbm>> -> memref<1x8x128xf32, #tpu.memory_space<hbm>>
        %dma_start3A_201 = tpu.memref_squeeze %dma_start3A_200 : memref<1x8x128xf32, #tpu.memory_space<hbm>> -> memref<8x128xf32, #tpu.memory_space<hbm>>
        %dma_start3A_202 = arith.constant 0 : i32
        %dma_start3A_203 = tpu.memref_slice %arg10[%mul3A_197, %dma_start3A_202] : memref<80x128xf32, #tpu.memory_space<vmem_shared>> -> memref<8x128xf32, #tpu.memory_space<vmem_shared>>
        tpu.enqueue_dma source(%dma_start3A_203 : memref<8x128xf32, #tpu.memory_space<vmem_shared>>) target(%dma_start3A_201 : memref<8x128xf32, #tpu.memory_space<hbm>>) target_semaphore(%run_scoped3A : memref<!tpu.dma_semaphore, #tpu.memory_space<semaphore_mem>>)
        %dma_wait3A = arith.constant 0 : i32
        %dma_wait3A_204 = tpu.memref_slice %arg4[%arg0, %mul3A_199, %dma_wait3A] : memref<2x80x128xf32, #tpu.memory_space<hbm>> -> memref<1x8x128xf32, #tpu.memory_space<hbm>>
        %dma_wait3A_205 = tpu.memref_squeeze %dma_wait3A_204 : memref<1x8x128xf32, #tpu.memory_space<hbm>> -> memref<8x128xf32, #tpu.memory_space<hbm>>
        %dma_wait3A_206 = arith.constant 0 : i32
        %dma_wait3A_207 = tpu.memref_slice %arg10[%mul3A_197, %dma_wait3A_206] : memref<80x128xf32, #tpu.memory_space<vmem_shared>> -> memref<8x128xf32, #tpu.memory_space<vmem_shared>>
        tpu.wait_dma2 semaphore(%run_scoped3A : memref<!tpu.dma_semaphore, #tpu.memory_space<semaphore_mem>>) src(%dma_wait3A_207 : memref<8x128xf32, #tpu.memory_space<vmem_shared>>) dst(%dma_wait3A_205 : memref<8x128xf32, #tpu.memory_space<hbm>>)
        tpu.yield
      }) : () -> ()
    } else {
    }
    return
  }
}

#map = affine_map<(d0, d1) -> (0, 0)>
#map1 = affine_map<(d0, d1) -> (0)>
#map2 = affine_map<(d0, d1) -> (0, 0, 0)>
module attributes {stable_mosaic.version = 14 : i64} {
  func.func @_sc_propagate(%arg0: i32, %arg1: i32, %arg2: memref<10000x128xf32, #tpu.memory_space<hbm>>, %arg3: memref<320000xi32, #tpu.memory_space<hbm>>, %arg4: memref<320000xi32, #tpu.memory_space<hbm>>, %arg5: memref<320000xf32, #tpu.memory_space<hbm>>, %arg6: memref<2x10240x128xf32, #tpu.memory_space<hbm>>, %arg7: memref<128xi32, #tpu.memory_space<vmem>>, %arg8: memref<128xi32, #tpu.memory_space<vmem>>, %arg9: memref<128xi32, #tpu.memory_space<vmem>>, %arg10: memref<128xi32, #tpu.memory_space<vmem>>, %arg11: memref<128xf32, #tpu.memory_space<vmem>>, %arg12: memref<128xf32, #tpu.memory_space<vmem>>, %arg13: memref<16xi32, #tpu.memory_space<vmem>>, %arg14: memref<16xi32, #tpu.memory_space<vmem>>, %arg15: memref<16xf32, #tpu.memory_space<vmem>>, %arg16: memref<128x128xf32, #tpu.memory_space<vmem>>, %arg17: memref<128x128xf32, #tpu.memory_space<vmem>>, %arg18: memref<!tpu.dma_semaphore, #tpu.memory_space<semaphore_mem>>, %arg19: memref<!tpu.dma_semaphore, #tpu.memory_space<semaphore_mem>>, %arg20: memref<!tpu.dma_semaphore, #tpu.memory_space<semaphore_mem>>, %arg21: memref<!tpu.dma_semaphore, #tpu.memory_space<semaphore_mem>>, %arg22: memref<!tpu.dma_semaphore, #tpu.memory_space<semaphore_mem>>, %arg23: memref<!tpu.dma_semaphore, #tpu.memory_space<semaphore_mem>>, %arg24: memref<!tpu.dma_semaphore, #tpu.memory_space<semaphore_mem>>, %arg25: memref<10240x128xf32, #tpu.memory_space<vmem_shared>>) attributes {dimension_semantics = [#tpu.dimension_semantics<core_parallel>, #tpu.dimension_semantics<subcore_parallel>], iteration_bounds = array<i64: 2, 16>, scalar_prefetch = 0 : i64, scratch_operands = 19 : i64, tpu.core_type = #tpu.core_type<sc_vector_subcore>, window_params = [{transform_indices = #map}, {transform_indices = #map1}, {transform_indices = #map1}, {transform_indices = #map1}, {transform_indices = #map2}]} {
    %mul3A = arith.constant 16 : i32
    %mul3A_0 = arith.muli %arg0, %mul3A : i32
    %add3A = arith.addi %mul3A_0, %arg1 : i32
    %mul3A_1 = arith.constant 10000 : i32
    %mul3A_2 = arith.muli %add3A, %mul3A_1 : i32
    %scan3A = arith.constant 0 : i32
    %scan3A_3 = arith.constant 128 : i32
    %scan3A_4 = arith.addi %scan3A, %scan3A_3 : i32
    %scan3A_5 = arith.constant 1 : i32
    scf.for %scan3A_80 = %scan3A to %scan3A_4 step %scan3A_5  : i32 {
      %mul3A_81 = arith.constant 1 : i32
      %mul3A_82 = arith.muli %scan3A_80, %mul3A_81 : i32
      %add3A_83 = arith.constant 0 : i32
      %add3A_84 = arith.addi %add3A_83, %mul3A_82 : i32
      %broadcast_in_dim3A = arith.constant 0.000000e+00 : f32
      %broadcast_in_dim3A_85 = vector.broadcast %broadcast_in_dim3A : f32 to vector<16xf32>
      %swap3A = arith.index_cast %add3A_84 : i32 to index
      %swap3A_86 = arith.constant 0 : index
      %swap3A_87 = tpu.vector_load %arg16[%swap3A, %swap3A_86] {strides = array<i32>} : memref<128x128xf32, #tpu.memory_space<vmem>>, vector<16xf32>,
      tpu.vector_store %arg16[%swap3A, %swap3A_86], %broadcast_in_dim3A_85 {strides = array<i32>} : memref<128x128xf32, #tpu.memory_space<vmem>>, vector<16xf32>,
      %broadcast_in_dim3A_88 = arith.constant 0.000000e+00 : f32
      %broadcast_in_dim3A_89 = vector.broadcast %broadcast_in_dim3A_88 : f32 to vector<16xf32>
      %swap3A_90 = arith.index_cast %add3A_84 : i32 to index
      %swap3A_91 = arith.constant 16 : index
      %swap3A_92 = tpu.vector_load %arg16[%swap3A_90, %swap3A_91] {strides = array<i32>} : memref<128x128xf32, #tpu.memory_space<vmem>>, vector<16xf32>,
      tpu.vector_store %arg16[%swap3A_90, %swap3A_91], %broadcast_in_dim3A_89 {strides = array<i32>} : memref<128x128xf32, #tpu.memory_space<vmem>>, vector<16xf32>,
      %broadcast_in_dim3A_93 = arith.constant 0.000000e+00 : f32
      %broadcast_in_dim3A_94 = vector.broadcast %broadcast_in_dim3A_93 : f32 to vector<16xf32>
      %swap3A_95 = arith.index_cast %add3A_84 : i32 to index
      %swap3A_96 = arith.constant 32 : index
      %swap3A_97 = tpu.vector_load %arg16[%swap3A_95, %swap3A_96] {strides = array<i32>} : memref<128x128xf32, #tpu.memory_space<vmem>>, vector<16xf32>,
      tpu.vector_store %arg16[%swap3A_95, %swap3A_96], %broadcast_in_dim3A_94 {strides = array<i32>} : memref<128x128xf32, #tpu.memory_space<vmem>>, vector<16xf32>,
      %broadcast_in_dim3A_98 = arith.constant 0.000000e+00 : f32
      %broadcast_in_dim3A_99 = vector.broadcast %broadcast_in_dim3A_98 : f32 to vector<16xf32>
      %swap3A_100 = arith.index_cast %add3A_84 : i32 to index
      %swap3A_101 = arith.constant 48 : index
      %swap3A_102 = tpu.vector_load %arg16[%swap3A_100, %swap3A_101] {strides = array<i32>} : memref<128x128xf32, #tpu.memory_space<vmem>>, vector<16xf32>,
      tpu.vector_store %arg16[%swap3A_100, %swap3A_101], %broadcast_in_dim3A_99 {strides = array<i32>} : memref<128x128xf32, #tpu.memory_space<vmem>>, vector<16xf32>,
      %broadcast_in_dim3A_103 = arith.constant 0.000000e+00 : f32
      %broadcast_in_dim3A_104 = vector.broadcast %broadcast_in_dim3A_103 : f32 to vector<16xf32>
      %swap3A_105 = arith.index_cast %add3A_84 : i32 to index
      %swap3A_106 = arith.constant 64 : index
      %swap3A_107 = tpu.vector_load %arg16[%swap3A_105, %swap3A_106] {strides = array<i32>} : memref<128x128xf32, #tpu.memory_space<vmem>>, vector<16xf32>,
      tpu.vector_store %arg16[%swap3A_105, %swap3A_106], %broadcast_in_dim3A_104 {strides = array<i32>} : memref<128x128xf32, #tpu.memory_space<vmem>>, vector<16xf32>,
      %broadcast_in_dim3A_108 = arith.constant 0.000000e+00 : f32
      %broadcast_in_dim3A_109 = vector.broadcast %broadcast_in_dim3A_108 : f32 to vector<16xf32>
      %swap3A_110 = arith.index_cast %add3A_84 : i32 to index
      %swap3A_111 = arith.constant 80 : index
      %swap3A_112 = tpu.vector_load %arg16[%swap3A_110, %swap3A_111] {strides = array<i32>} : memref<128x128xf32, #tpu.memory_space<vmem>>, vector<16xf32>,
      tpu.vector_store %arg16[%swap3A_110, %swap3A_111], %broadcast_in_dim3A_109 {strides = array<i32>} : memref<128x128xf32, #tpu.memory_space<vmem>>, vector<16xf32>,
      %broadcast_in_dim3A_113 = arith.constant 0.000000e+00 : f32
      %broadcast_in_dim3A_114 = vector.broadcast %broadcast_in_dim3A_113 : f32 to vector<16xf32>
      %swap3A_115 = arith.index_cast %add3A_84 : i32 to index
      %swap3A_116 = arith.constant 96 : index
      %swap3A_117 = tpu.vector_load %arg16[%swap3A_115, %swap3A_116] {strides = array<i32>} : memref<128x128xf32, #tpu.memory_space<vmem>>, vector<16xf32>,
      tpu.vector_store %arg16[%swap3A_115, %swap3A_116], %broadcast_in_dim3A_114 {strides = array<i32>} : memref<128x128xf32, #tpu.memory_space<vmem>>, vector<16xf32>,
      %broadcast_in_dim3A_118 = arith.constant 0.000000e+00 : f32
      %broadcast_in_dim3A_119 = vector.broadcast %broadcast_in_dim3A_118 : f32 to vector<16xf32>
      %swap3A_120 = arith.index_cast %add3A_84 : i32 to index
      %swap3A_121 = arith.constant 112 : index
      %swap3A_122 = tpu.vector_load %arg16[%swap3A_120, %swap3A_121] {strides = array<i32>} : memref<128x128xf32, #tpu.memory_space<vmem>>, vector<16xf32>,
      tpu.vector_store %arg16[%swap3A_120, %swap3A_121], %broadcast_in_dim3A_119 {strides = array<i32>} : memref<128x128xf32, #tpu.memory_space<vmem>>, vector<16xf32>,
    }
    %scan3A_6 = arith.constant 128 : i32
    %scan3A_7 = arith.constant 0 : i32
    %scan3A_8 = arith.constant 5 : i32
    %scan3A_9 = arith.addi %scan3A_7, %scan3A_8 : i32
    %scan3A_10 = arith.constant 1 : i32
    scf.for %scan3A_80 = %scan3A_7 to %scan3A_9 step %scan3A_10  : i32 {
      %mul3A_81 = arith.constant 1 : i32
      %mul3A_82 = arith.muli %scan3A_80, %mul3A_81 : i32
      %add3A_83 = arith.constant 0 : i32
      %add3A_84 = arith.addi %add3A_83, %mul3A_82 : i32
      %mul3A_85 = arith.constant 640 : i32
      %mul3A_86 = arith.muli %arg1, %mul3A_85 : i32
      %mul3A_87 = arith.constant 128 : i32
      %mul3A_88 = arith.muli %add3A_84, %mul3A_87 : i32
      %add3A_89 = arith.addi %mul3A_86, %mul3A_88 : i32
      "tpu.region"() ({
        %run_scoped3A = tpu.sem_alloc : memref<!tpu.dma_semaphore, #tpu.memory_space<semaphore_mem>>
        %dma_start3A_90 = arith.constant 0 : i32
        %dma_start3A_91 = tpu.memref_slice %arg25[%add3A_89, %dma_start3A_90] : memref<10240x128xf32, #tpu.memory_space<vmem_shared>> -> memref<128x128xf32, #tpu.memory_space<vmem_shared>>
        %dma_start3A_92 = arith.constant 0 : i32
        %dma_start3A_93 = tpu.memref_slice %arg25[%add3A_89, %dma_start3A_92] : memref<10240x128xf32, #tpu.memory_space<vmem_shared>> -> memref<128x128xf32, #tpu.memory_space<vmem_shared>>
        tpu.enqueue_dma source(%arg16 : memref<128x128xf32, #tpu.memory_space<vmem>>) target(%dma_start3A_93 : memref<128x128xf32, #tpu.memory_space<vmem_shared>>) target_semaphore(%run_scoped3A : memref<!tpu.dma_semaphore, #tpu.memory_space<semaphore_mem>>)
        %dma_wait3A_94 = arith.constant 0 : i32
        %dma_wait3A_95 = tpu.memref_slice %arg25[%add3A_89, %dma_wait3A_94] : memref<10240x128xf32, #tpu.memory_space<vmem_shared>> -> memref<128x128xf32, #tpu.memory_space<vmem_shared>>
        %dma_wait3A_96 = arith.constant 0 : i32
        %dma_wait3A_97 = tpu.memref_slice %arg25[%add3A_89, %dma_wait3A_96] : memref<10240x128xf32, #tpu.memory_space<vmem_shared>> -> memref<128x128xf32, #tpu.memory_space<vmem_shared>>
        tpu.wait_dma2 semaphore(%run_scoped3A : memref<!tpu.dma_semaphore, #tpu.memory_space<semaphore_mem>>) src(%arg16 : memref<128x128xf32, #tpu.memory_space<vmem>>) dst(%dma_wait3A_97 : memref<128x128xf32, #tpu.memory_space<vmem_shared>>)
        tpu.yield
      }) : () -> ()
    }
    %scan3A_11 = arith.constant 5 : i32
    %barrier3A = arith.constant 0 : index
    tpu.barrier barrier_id(%barrier3A)
    %add3A_12 = arith.constant 0 : i32
    %add3A_13 = arith.addi %mul3A_2, %add3A_12 : i32
    %dma_start3A = tpu.memref_slice %arg3[%add3A_13] : memref<320000xi32, #tpu.memory_space<hbm>> -> memref<128xi32, #tpu.memory_space<hbm>>
    %dma_start3A_14 = tpu.memref_slice %arg3[%add3A_13] : memref<320000xi32, #tpu.memory_space<hbm>> -> memref<128xi32, #tpu.memory_space<hbm>>
    tpu.enqueue_dma source(%dma_start3A_14 : memref<128xi32, #tpu.memory_space<hbm>>) target(%arg7 : memref<128xi32, #tpu.memory_space<vmem>>) target_semaphore(%arg18 : memref<!tpu.dma_semaphore, #tpu.memory_space<semaphore_mem>>)
    %dma_start3A_15 = tpu.memref_slice %arg4[%add3A_13] : memref<320000xi32, #tpu.memory_space<hbm>> -> memref<128xi32, #tpu.memory_space<hbm>>
    %dma_start3A_16 = tpu.memref_slice %arg4[%add3A_13] : memref<320000xi32, #tpu.memory_space<hbm>> -> memref<128xi32, #tpu.memory_space<hbm>>
    tpu.enqueue_dma source(%dma_start3A_16 : memref<128xi32, #tpu.memory_space<hbm>>) target(%arg9 : memref<128xi32, #tpu.memory_space<vmem>>) target_semaphore(%arg18 : memref<!tpu.dma_semaphore, #tpu.memory_space<semaphore_mem>>)
    %dma_start3A_17 = tpu.memref_slice %arg5[%add3A_13] : memref<320000xf32, #tpu.memory_space<hbm>> -> memref<128xf32, #tpu.memory_space<hbm>>
    %dma_start3A_18 = tpu.memref_slice %arg5[%add3A_13] : memref<320000xf32, #tpu.memory_space<hbm>> -> memref<128xf32, #tpu.memory_space<hbm>>
    tpu.enqueue_dma source(%dma_start3A_18 : memref<128xf32, #tpu.memory_space<hbm>>) target(%arg11 : memref<128xf32, #tpu.memory_space<vmem>>) target_semaphore(%arg18 : memref<!tpu.dma_semaphore, #tpu.memory_space<semaphore_mem>>)
    %dma_wait3A = tpu.memref_slice %arg3[%add3A_13] : memref<320000xi32, #tpu.memory_space<hbm>> -> memref<128xi32, #tpu.memory_space<hbm>>
    %dma_wait3A_19 = tpu.memref_slice %arg3[%add3A_13] : memref<320000xi32, #tpu.memory_space<hbm>> -> memref<128xi32, #tpu.memory_space<hbm>>
    tpu.wait_dma2 semaphore(%arg18 : memref<!tpu.dma_semaphore, #tpu.memory_space<semaphore_mem>>) src(%dma_wait3A_19 : memref<128xi32, #tpu.memory_space<hbm>>) dst(%arg7 : memref<128xi32, #tpu.memory_space<vmem>>)
    %dma_wait3A_20 = tpu.memref_slice %arg4[%add3A_13] : memref<320000xi32, #tpu.memory_space<hbm>> -> memref<128xi32, #tpu.memory_space<hbm>>
    %dma_wait3A_21 = tpu.memref_slice %arg4[%add3A_13] : memref<320000xi32, #tpu.memory_space<hbm>> -> memref<128xi32, #tpu.memory_space<hbm>>
    tpu.wait_dma2 semaphore(%arg18 : memref<!tpu.dma_semaphore, #tpu.memory_space<semaphore_mem>>) src(%dma_wait3A_21 : memref<128xi32, #tpu.memory_space<hbm>>) dst(%arg9 : memref<128xi32, #tpu.memory_space<vmem>>)
    %dma_wait3A_22 = tpu.memref_slice %arg5[%add3A_13] : memref<320000xf32, #tpu.memory_space<hbm>> -> memref<128xf32, #tpu.memory_space<hbm>>
    %dma_wait3A_23 = tpu.memref_slice %arg5[%add3A_13] : memref<320000xf32, #tpu.memory_space<hbm>> -> memref<128xf32, #tpu.memory_space<hbm>>
    tpu.wait_dma2 semaphore(%arg18 : memref<!tpu.dma_semaphore, #tpu.memory_space<semaphore_mem>>) src(%dma_wait3A_23 : memref<128xf32, #tpu.memory_space<hbm>>) dst(%arg11 : memref<128xf32, #tpu.memory_space<vmem>>)
    %dma_start3A_24 = arith.constant 0 : i32
    %dma_start3A_25 = arith.constant 0 : i32
    %dma_start3A_26 = tpu.memref_slice %arg2[%dma_start3A_24, %dma_start3A_25] : memref<10000x128xf32, #tpu.memory_space<hbm>> -> memref<10000x128xf32, #tpu.memory_space<hbm>>
    tpu.enqueue_indirect_dma source(%dma_start3A_26 : memref<10000x128xf32, #tpu.memory_space<hbm>>) target(%arg16 : memref<128x128xf32, #tpu.memory_space<vmem>>) offsets(%arg7 : memref<128xi32, #tpu.memory_space<vmem>>) semaphore(%arg20 : memref<!tpu.dma_semaphore, #tpu.memory_space<semaphore_mem>>)
    %add3A_27 = arith.constant 128 : i32
    %add3A_28 = arith.addi %mul3A_2, %add3A_27 : i32
    %dma_start3A_29 = tpu.memref_slice %arg3[%add3A_28] : memref<320000xi32, #tpu.memory_space<hbm>> -> memref<128xi32, #tpu.memory_space<hbm>>
    %dma_start3A_30 = tpu.memref_slice %arg3[%add3A_28] : memref<320000xi32, #tpu.memory_space<hbm>> -> memref<128xi32, #tpu.memory_space<hbm>>
    tpu.enqueue_dma source(%dma_start3A_30 : memref<128xi32, #tpu.memory_space<hbm>>) target(%arg8 : memref<128xi32, #tpu.memory_space<vmem>>) target_semaphore(%arg19 : memref<!tpu.dma_semaphore, #tpu.memory_space<semaphore_mem>>)
    %dma_start3A_31 = tpu.memref_slice %arg4[%add3A_28] : memref<320000xi32, #tpu.memory_space<hbm>> -> memref<128xi32, #tpu.memory_space<hbm>>
    %dma_start3A_32 = tpu.memref_slice %arg4[%add3A_28] : memref<320000xi32, #tpu.memory_space<hbm>> -> memref<128xi32, #tpu.memory_space<hbm>>
    tpu.enqueue_dma source(%dma_start3A_32 : memref<128xi32, #tpu.memory_space<hbm>>) target(%arg10 : memref<128xi32, #tpu.memory_space<vmem>>) target_semaphore(%arg19 : memref<!tpu.dma_semaphore, #tpu.memory_space<semaphore_mem>>)
    %dma_start3A_33 = tpu.memref_slice %arg5[%add3A_28] : memref<320000xf32, #tpu.memory_space<hbm>> -> memref<128xf32, #tpu.memory_space<hbm>>
    %dma_start3A_34 = tpu.memref_slice %arg5[%add3A_28] : memref<320000xf32, #tpu.memory_space<hbm>> -> memref<128xf32, #tpu.memory_space<hbm>>
    tpu.enqueue_dma source(%dma_start3A_34 : memref<128xf32, #tpu.memory_space<hbm>>) target(%arg12 : memref<128xf32, #tpu.memory_space<vmem>>) target_semaphore(%arg19 : memref<!tpu.dma_semaphore, #tpu.memory_space<semaphore_mem>>)
    %dma_wait3A_35 = tpu.memref_slice %arg3[%add3A_28] : memref<320000xi32, #tpu.memory_space<hbm>> -> memref<128xi32, #tpu.memory_space<hbm>>
    %dma_wait3A_36 = tpu.memref_slice %arg3[%add3A_28] : memref<320000xi32, #tpu.memory_space<hbm>> -> memref<128xi32, #tpu.memory_space<hbm>>
    tpu.wait_dma2 semaphore(%arg19 : memref<!tpu.dma_semaphore, #tpu.memory_space<semaphore_mem>>) src(%dma_wait3A_36 : memref<128xi32, #tpu.memory_space<hbm>>) dst(%arg8 : memref<128xi32, #tpu.memory_space<vmem>>)
    %dma_wait3A_37 = tpu.memref_slice %arg4[%add3A_28] : memref<320000xi32, #tpu.memory_space<hbm>> -> memref<128xi32, #tpu.memory_space<hbm>>
    %dma_wait3A_38 = tpu.memref_slice %arg4[%add3A_28] : memref<320000xi32, #tpu.memory_space<hbm>> -> memref<128xi32, #tpu.memory_space<hbm>>
    tpu.wait_dma2 semaphore(%arg19 : memref<!tpu.dma_semaphore, #tpu.memory_space<semaphore_mem>>) src(%dma_wait3A_38 : memref<128xi32, #tpu.memory_space<hbm>>) dst(%arg10 : memref<128xi32, #tpu.memory_space<vmem>>)
    %dma_wait3A_39 = tpu.memref_slice %arg5[%add3A_28] : memref<320000xf32, #tpu.memory_space<hbm>> -> memref<128xf32, #tpu.memory_space<hbm>>
    %dma_wait3A_40 = tpu.memref_slice %arg5[%add3A_28] : memref<320000xf32, #tpu.memory_space<hbm>> -> memref<128xf32, #tpu.memory_space<hbm>>
    tpu.wait_dma2 semaphore(%arg19 : memref<!tpu.dma_semaphore, #tpu.memory_space<semaphore_mem>>) src(%dma_wait3A_40 : memref<128xf32, #tpu.memory_space<hbm>>) dst(%arg12 : memref<128xf32, #tpu.memory_space<vmem>>)
    %dma_start3A_41 = arith.constant 0 : i32
    %dma_start3A_42 = arith.constant 0 : i32
    %dma_start3A_43 = tpu.memref_slice %arg2[%dma_start3A_41, %dma_start3A_42] : memref<10000x128xf32, #tpu.memory_space<hbm>> -> memref<10000x128xf32, #tpu.memory_space<hbm>>
    tpu.enqueue_indirect_dma source(%dma_start3A_43 : memref<10000x128xf32, #tpu.memory_space<hbm>>) target(%arg17 : memref<128x128xf32, #tpu.memory_space<vmem>>) offsets(%arg8 : memref<128xi32, #tpu.memory_space<vmem>>) semaphore(%arg21 : memref<!tpu.dma_semaphore, #tpu.memory_space<semaphore_mem>>)
    %scan3A_44 = arith.constant 0 : i32
    %scan3A_45 = arith.constant 39 : i32
    %scan3A_46 = arith.addi %scan3A_44, %scan3A_45 : i32
    %scan3A_47 = arith.constant 1 : i32
    scf.for %scan3A_80 = %scan3A_44 to %scan3A_46 step %scan3A_47  : i32 {
      %mul3A_81 = arith.constant 2 : i32
      %mul3A_82 = arith.muli %scan3A_80, %mul3A_81 : i32
      %add3A_83 = arith.constant 0 : i32
      %add3A_84 = arith.addi %add3A_83, %mul3A_82 : i32
      %add3A_85 = arith.constant 0 : i32
      %add3A_86 = arith.addi %add3A_84, %add3A_85 : i32
      %dma_wait3A_87 = arith.constant 0 : i32
      %dma_wait3A_88 = arith.constant 0 : i32
      %dma_wait3A_89 = tpu.memref_slice %arg2[%dma_wait3A_87, %dma_wait3A_88] : memref<10000x128xf32, #tpu.memory_space<hbm>> -> memref<10000x128xf32, #tpu.memory_space<hbm>>
      tpu.wait_indirect_dma semaphore(%arg20 : memref<!tpu.dma_semaphore, #tpu.memory_space<semaphore_mem>>) src(%dma_wait3A_89 : memref<10000x128xf32, #tpu.memory_space<hbm>>) dst(%arg16 : memref<128x128xf32, #tpu.memory_space<vmem>>)
      %scan3A_90 = arith.constant 0 : i32
      %scan3A_91 = arith.constant 128 : i32
      %scan3A_92 = arith.addi %scan3A_90, %scan3A_91 : i32
      %scan3A_93 = arith.constant 4 : i32
      scf.for %scan3A_122 = %scan3A_90 to %scan3A_92 step %scan3A_93  : i32 {
        %mul3A_123 = arith.constant 1 : i32
        %mul3A_124 = arith.muli %scan3A_122, %mul3A_123 : i32
        %add3A_125 = arith.constant 0 : i32
        %add3A_126 = arith.addi %add3A_125, %mul3A_124 : i32
        %broadcast_in_dim3A = vector.broadcast %add3A_126 : i32 to vector<16xi32>
        %gather3A = tpu.vector_load_idx %arg11[%broadcast_in_dim3A] : memref<128xf32, #tpu.memory_space<vmem>>[vector<16xi32>], vector<16xf32>,
        %get3A = arith.index_cast %add3A_126 : i32 to index
        %get3A_127 = arith.constant 0 : index
        %get3A_128 = tpu.vector_load %arg16[%get3A, %get3A_127] {strides = array<i32>} : memref<128x128xf32, #tpu.memory_space<vmem>>, vector<16xf32>,
        %mul3A_129 = arith.mulf %get3A_128, %gather3A : vector<16xf32>
        %swap3A = arith.index_cast %add3A_126 : i32 to index
        %swap3A_130 = arith.constant 0 : index
        %swap3A_131 = tpu.vector_load %arg16[%swap3A, %swap3A_130] {strides = array<i32>} : memref<128x128xf32, #tpu.memory_space<vmem>>, vector<16xf32>,
        tpu.vector_store %arg16[%swap3A, %swap3A_130], %mul3A_129 {strides = array<i32>} : memref<128x128xf32, #tpu.memory_space<vmem>>, vector<16xf32>,
        %get3A_132 = arith.index_cast %add3A_126 : i32 to index
        %get3A_133 = arith.constant 16 : index
        %get3A_134 = tpu.vector_load %arg16[%get3A_132, %get3A_133] {strides = array<i32>} : memref<128x128xf32, #tpu.memory_space<vmem>>, vector<16xf32>,
        %mul3A_135 = arith.mulf %get3A_134, %gather3A : vector<16xf32>
        %swap3A_136 = arith.index_cast %add3A_126 : i32 to index
        %swap3A_137 = arith.constant 16 : index
        %swap3A_138 = tpu.vector_load %arg16[%swap3A_136, %swap3A_137] {strides = array<i32>} : memref<128x128xf32, #tpu.memory_space<vmem>>, vector<16xf32>,
        tpu.vector_store %arg16[%swap3A_136, %swap3A_137], %mul3A_135 {strides = array<i32>} : memref<128x128xf32, #tpu.memory_space<vmem>>, vector<16xf32>,
        %get3A_139 = arith.index_cast %add3A_126 : i32 to index
        %get3A_140 = arith.constant 32 : index
        %get3A_141 = tpu.vector_load %arg16[%get3A_139, %get3A_140] {strides = array<i32>} : memref<128x128xf32, #tpu.memory_space<vmem>>, vector<16xf32>,
        %mul3A_142 = arith.mulf %get3A_141, %gather3A : vector<16xf32>
        %swap3A_143 = arith.index_cast %add3A_126 : i32 to index
        %swap3A_144 = arith.constant 32 : index
        %swap3A_145 = tpu.vector_load %arg16[%swap3A_143, %swap3A_144] {strides = array<i32>} : memref<128x128xf32, #tpu.memory_space<vmem>>, vector<16xf32>,
        tpu.vector_store %arg16[%swap3A_143, %swap3A_144], %mul3A_142 {strides = array<i32>} : memref<128x128xf32, #tpu.memory_space<vmem>>, vector<16xf32>,
        %get3A_146 = arith.index_cast %add3A_126 : i32 to index
        %get3A_147 = arith.constant 48 : index
        %get3A_148 = tpu.vector_load %arg16[%get3A_146, %get3A_147] {strides = array<i32>} : memref<128x128xf32, #tpu.memory_space<vmem>>, vector<16xf32>,
        %mul3A_149 = arith.mulf %get3A_148, %gather3A : vector<16xf32>
        %swap3A_150 = arith.index_cast %add3A_126 : i32 to index
        %swap3A_151 = arith.constant 48 : index
        %swap3A_152 = tpu.vector_load %arg16[%swap3A_150, %swap3A_151] {strides = array<i32>} : memref<128x128xf32, #tpu.memory_space<vmem>>, vector<16xf32>,
        tpu.vector_store %arg16[%swap3A_150, %swap3A_151], %mul3A_149 {strides = array<i32>} : memref<128x128xf32, #tpu.memory_space<vmem>>, vector<16xf32>,
        %get3A_153 = arith.index_cast %add3A_126 : i32 to index
        %get3A_154 = arith.constant 64 : index
        %get3A_155 = tpu.vector_load %arg16[%get3A_153, %get3A_154] {strides = array<i32>} : memref<128x128xf32, #tpu.memory_space<vmem>>, vector<16xf32>,
        %mul3A_156 = arith.mulf %get3A_155, %gather3A : vector<16xf32>
        %swap3A_157 = arith.index_cast %add3A_126 : i32 to index
        %swap3A_158 = arith.constant 64 : index
        %swap3A_159 = tpu.vector_load %arg16[%swap3A_157, %swap3A_158] {strides = array<i32>} : memref<128x128xf32, #tpu.memory_space<vmem>>, vector<16xf32>,
        tpu.vector_store %arg16[%swap3A_157, %swap3A_158], %mul3A_156 {strides = array<i32>} : memref<128x128xf32, #tpu.memory_space<vmem>>, vector<16xf32>,
        %get3A_160 = arith.index_cast %add3A_126 : i32 to index
        %get3A_161 = arith.constant 80 : index
        %get3A_162 = tpu.vector_load %arg16[%get3A_160, %get3A_161] {strides = array<i32>} : memref<128x128xf32, #tpu.memory_space<vmem>>, vector<16xf32>,
        %mul3A_163 = arith.mulf %get3A_162, %gather3A : vector<16xf32>
        %swap3A_164 = arith.index_cast %add3A_126 : i32 to index
        %swap3A_165 = arith.constant 80 : index
        %swap3A_166 = tpu.vector_load %arg16[%swap3A_164, %swap3A_165] {strides = array<i32>} : memref<128x128xf32, #tpu.memory_space<vmem>>, vector<16xf32>,
        tpu.vector_store %arg16[%swap3A_164, %swap3A_165], %mul3A_163 {strides = array<i32>} : memref<128x128xf32, #tpu.memory_space<vmem>>, vector<16xf32>,
        %get3A_167 = arith.index_cast %add3A_126 : i32 to index
        %get3A_168 = arith.constant 96 : index
        %get3A_169 = tpu.vector_load %arg16[%get3A_167, %get3A_168] {strides = array<i32>} : memref<128x128xf32, #tpu.memory_space<vmem>>, vector<16xf32>,
        %mul3A_170 = arith.mulf %get3A_169, %gather3A : vector<16xf32>
        %swap3A_171 = arith.index_cast %add3A_126 : i32 to index
        %swap3A_172 = arith.constant 96 : index
        %swap3A_173 = tpu.vector_load %arg16[%swap3A_171, %swap3A_172] {strides = array<i32>} : memref<128x128xf32, #tpu.memory_space<vmem>>, vector<16xf32>,
        tpu.vector_store %arg16[%swap3A_171, %swap3A_172], %mul3A_170 {strides = array<i32>} : memref<128x128xf32, #tpu.memory_space<vmem>>, vector<16xf32>,
        %get3A_174 = arith.index_cast %add3A_126 : i32 to index
        %get3A_175 = arith.constant 112 : index
        %get3A_176 = tpu.vector_load %arg16[%get3A_174, %get3A_175] {strides = array<i32>} : memref<128x128xf32, #tpu.memory_space<vmem>>, vector<16xf32>,
        %mul3A_177 = arith.mulf %get3A_176, %gather3A : vector<16xf32>
        %swap3A_178 = arith.index_cast %add3A_126 : i32 to index
        %swap3A_179 = arith.constant 112 : index
        %swap3A_180 = tpu.vector_load %arg16[%swap3A_178, %swap3A_179] {strides = array<i32>} : memref<128x128xf32, #tpu.memory_space<vmem>>, vector<16xf32>,
        tpu.vector_store %arg16[%swap3A_178, %swap3A_179], %mul3A_177 {strides = array<i32>} : memref<128x128xf32, #tpu.memory_space<vmem>>, vector<16xf32>,
        %scan3A_181 = arith.constant 1 : i32
        %scan3A_182 = arith.addi %scan3A_122, %scan3A_181 : i32
        %mul3A_183 = arith.constant 1 : i32
        %mul3A_184 = arith.muli %scan3A_182, %mul3A_183 : i32
        %add3A_185 = arith.constant 0 : i32
        %add3A_186 = arith.addi %add3A_185, %mul3A_184 : i32
        %broadcast_in_dim3A_187 = vector.broadcast %add3A_186 : i32 to vector<16xi32>
        %gather3A_188 = tpu.vector_load_idx %arg11[%broadcast_in_dim3A_187] : memref<128xf32, #tpu.memory_space<vmem>>[vector<16xi32>], vector<16xf32>,
        %get3A_189 = arith.index_cast %add3A_186 : i32 to index
        %get3A_190 = arith.constant 0 : index
        %get3A_191 = tpu.vector_load %arg16[%get3A_189, %get3A_190] {strides = array<i32>} : memref<128x128xf32, #tpu.memory_space<vmem>>, vector<16xf32>,
        %mul3A_192 = arith.mulf %get3A_191, %gather3A_188 : vector<16xf32>
        %swap3A_193 = arith.index_cast %add3A_186 : i32 to index
        %swap3A_194 = arith.constant 0 : index
        %swap3A_195 = tpu.vector_load %arg16[%swap3A_193, %swap3A_194] {strides = array<i32>} : memref<128x128xf32, #tpu.memory_space<vmem>>, vector<16xf32>,
        tpu.vector_store %arg16[%swap3A_193, %swap3A_194], %mul3A_192 {strides = array<i32>} : memref<128x128xf32, #tpu.memory_space<vmem>>, vector<16xf32>,
        %get3A_196 = arith.index_cast %add3A_186 : i32 to index
        %get3A_197 = arith.constant 16 : index
        %get3A_198 = tpu.vector_load %arg16[%get3A_196, %get3A_197] {strides = array<i32>} : memref<128x128xf32, #tpu.memory_space<vmem>>, vector<16xf32>,
        %mul3A_199 = arith.mulf %get3A_198, %gather3A_188 : vector<16xf32>
        %swap3A_200 = arith.index_cast %add3A_186 : i32 to index
        %swap3A_201 = arith.constant 16 : index
        %swap3A_202 = tpu.vector_load %arg16[%swap3A_200, %swap3A_201] {strides = array<i32>} : memref<128x128xf32, #tpu.memory_space<vmem>>, vector<16xf32>,
        tpu.vector_store %arg16[%swap3A_200, %swap3A_201], %mul3A_199 {strides = array<i32>} : memref<128x128xf32, #tpu.memory_space<vmem>>, vector<16xf32>,
        %get3A_203 = arith.index_cast %add3A_186 : i32 to index
        %get3A_204 = arith.constant 32 : index
        %get3A_205 = tpu.vector_load %arg16[%get3A_203, %get3A_204] {strides = array<i32>} : memref<128x128xf32, #tpu.memory_space<vmem>>, vector<16xf32>,
        %mul3A_206 = arith.mulf %get3A_205, %gather3A_188 : vector<16xf32>
        %swap3A_207 = arith.index_cast %add3A_186 : i32 to index
        %swap3A_208 = arith.constant 32 : index
        %swap3A_209 = tpu.vector_load %arg16[%swap3A_207, %swap3A_208] {strides = array<i32>} : memref<128x128xf32, #tpu.memory_space<vmem>>, vector<16xf32>,
        tpu.vector_store %arg16[%swap3A_207, %swap3A_208], %mul3A_206 {strides = array<i32>} : memref<128x128xf32, #tpu.memory_space<vmem>>, vector<16xf32>,
        %get3A_210 = arith.index_cast %add3A_186 : i32 to index
        %get3A_211 = arith.constant 48 : index
        %get3A_212 = tpu.vector_load %arg16[%get3A_210, %get3A_211] {strides = array<i32>} : memref<128x128xf32, #tpu.memory_space<vmem>>, vector<16xf32>,
        %mul3A_213 = arith.mulf %get3A_212, %gather3A_188 : vector<16xf32>
        %swap3A_214 = arith.index_cast %add3A_186 : i32 to index
        %swap3A_215 = arith.constant 48 : index
        %swap3A_216 = tpu.vector_load %arg16[%swap3A_214, %swap3A_215] {strides = array<i32>} : memref<128x128xf32, #tpu.memory_space<vmem>>, vector<16xf32>,
        tpu.vector_store %arg16[%swap3A_214, %swap3A_215], %mul3A_213 {strides = array<i32>} : memref<128x128xf32, #tpu.memory_space<vmem>>, vector<16xf32>,
        %get3A_217 = arith.index_cast %add3A_186 : i32 to index
        %get3A_218 = arith.constant 64 : index
        %get3A_219 = tpu.vector_load %arg16[%get3A_217, %get3A_218] {strides = array<i32>} : memref<128x128xf32, #tpu.memory_space<vmem>>, vector<16xf32>,
        %mul3A_220 = arith.mulf %get3A_219, %gather3A_188 : vector<16xf32>
        %swap3A_221 = arith.index_cast %add3A_186 : i32 to index
        %swap3A_222 = arith.constant 64 : index
        %swap3A_223 = tpu.vector_load %arg16[%swap3A_221, %swap3A_222] {strides = array<i32>} : memref<128x128xf32, #tpu.memory_space<vmem>>, vector<16xf32>,
        tpu.vector_store %arg16[%swap3A_221, %swap3A_222], %mul3A_220 {strides = array<i32>} : memref<128x128xf32, #tpu.memory_space<vmem>>, vector<16xf32>,
        %get3A_224 = arith.index_cast %add3A_186 : i32 to index
        %get3A_225 = arith.constant 80 : index
        %get3A_226 = tpu.vector_load %arg16[%get3A_224, %get3A_225] {strides = array<i32>} : memref<128x128xf32, #tpu.memory_space<vmem>>, vector<16xf32>,
        %mul3A_227 = arith.mulf %get3A_226, %gather3A_188 : vector<16xf32>
        %swap3A_228 = arith.index_cast %add3A_186 : i32 to index
        %swap3A_229 = arith.constant 80 : index
        %swap3A_230 = tpu.vector_load %arg16[%swap3A_228, %swap3A_229] {strides = array<i32>} : memref<128x128xf32, #tpu.memory_space<vmem>>, vector<16xf32>,
        tpu.vector_store %arg16[%swap3A_228, %swap3A_229], %mul3A_227 {strides = array<i32>} : memref<128x128xf32, #tpu.memory_space<vmem>>, vector<16xf32>,
        %get3A_231 = arith.index_cast %add3A_186 : i32 to index
        %get3A_232 = arith.constant 96 : index
        %get3A_233 = tpu.vector_load %arg16[%get3A_231, %get3A_232] {strides = array<i32>} : memref<128x128xf32, #tpu.memory_space<vmem>>, vector<16xf32>,
        %mul3A_234 = arith.mulf %get3A_233, %gather3A_188 : vector<16xf32>
        %swap3A_235 = arith.index_cast %add3A_186 : i32 to index
        %swap3A_236 = arith.constant 96 : index
        %swap3A_237 = tpu.vector_load %arg16[%swap3A_235, %swap3A_236] {strides = array<i32>} : memref<128x128xf32, #tpu.memory_space<vmem>>, vector<16xf32>,
        tpu.vector_store %arg16[%swap3A_235, %swap3A_236], %mul3A_234 {strides = array<i32>} : memref<128x128xf32, #tpu.memory_space<vmem>>, vector<16xf32>,
        %get3A_238 = arith.index_cast %add3A_186 : i32 to index
        %get3A_239 = arith.constant 112 : index
        %get3A_240 = tpu.vector_load %arg16[%get3A_238, %get3A_239] {strides = array<i32>} : memref<128x128xf32, #tpu.memory_space<vmem>>, vector<16xf32>,
        %mul3A_241 = arith.mulf %get3A_240, %gather3A_188 : vector<16xf32>
        %swap3A_242 = arith.index_cast %add3A_186 : i32 to index
        %swap3A_243 = arith.constant 112 : index
        %swap3A_244 = tpu.vector_load %arg16[%swap3A_242, %swap3A_243] {strides = array<i32>} : memref<128x128xf32, #tpu.memory_space<vmem>>, vector<16xf32>,
        tpu.vector_store %arg16[%swap3A_242, %swap3A_243], %mul3A_241 {strides = array<i32>} : memref<128x128xf32, #tpu.memory_space<vmem>>, vector<16xf32>,
        %scan3A_245 = arith.constant 2 : i32
        %scan3A_246 = arith.addi %scan3A_122, %scan3A_245 : i32
        %mul3A_247 = arith.constant 1 : i32
        %mul3A_248 = arith.muli %scan3A_246, %mul3A_247 : i32
        %add3A_249 = arith.constant 0 : i32
        %add3A_250 = arith.addi %add3A_249, %mul3A_248 : i32
        %broadcast_in_dim3A_251 = vector.broadcast %add3A_250 : i32 to vector<16xi32>
        %gather3A_252 = tpu.vector_load_idx %arg11[%broadcast_in_dim3A_251] : memref<128xf32, #tpu.memory_space<vmem>>[vector<16xi32>], vector<16xf32>,
        %get3A_253 = arith.index_cast %add3A_250 : i32 to index
        %get3A_254 = arith.constant 0 : index
        %get3A_255 = tpu.vector_load %arg16[%get3A_253, %get3A_254] {strides = array<i32>} : memref<128x128xf32, #tpu.memory_space<vmem>>, vector<16xf32>,
        %mul3A_256 = arith.mulf %get3A_255, %gather3A_252 : vector<16xf32>
        %swap3A_257 = arith.index_cast %add3A_250 : i32 to index
        %swap3A_258 = arith.constant 0 : index
        %swap3A_259 = tpu.vector_load %arg16[%swap3A_257, %swap3A_258] {strides = array<i32>} : memref<128x128xf32, #tpu.memory_space<vmem>>, vector<16xf32>,
        tpu.vector_store %arg16[%swap3A_257, %swap3A_258], %mul3A_256 {strides = array<i32>} : memref<128x128xf32, #tpu.memory_space<vmem>>, vector<16xf32>,
        %get3A_260 = arith.index_cast %add3A_250 : i32 to index
        %get3A_261 = arith.constant 16 : index
        %get3A_262 = tpu.vector_load %arg16[%get3A_260, %get3A_261] {strides = array<i32>} : memref<128x128xf32, #tpu.memory_space<vmem>>, vector<16xf32>,
        %mul3A_263 = arith.mulf %get3A_262, %gather3A_252 : vector<16xf32>
        %swap3A_264 = arith.index_cast %add3A_250 : i32 to index
        %swap3A_265 = arith.constant 16 : index
        %swap3A_266 = tpu.vector_load %arg16[%swap3A_264, %swap3A_265] {strides = array<i32>} : memref<128x128xf32, #tpu.memory_space<vmem>>, vector<16xf32>,
        tpu.vector_store %arg16[%swap3A_264, %swap3A_265], %mul3A_263 {strides = array<i32>} : memref<128x128xf32, #tpu.memory_space<vmem>>, vector<16xf32>,
        %get3A_267 = arith.index_cast %add3A_250 : i32 to index
        %get3A_268 = arith.constant 32 : index
        %get3A_269 = tpu.vector_load %arg16[%get3A_267, %get3A_268] {strides = array<i32>} : memref<128x128xf32, #tpu.memory_space<vmem>>, vector<16xf32>,
        %mul3A_270 = arith.mulf %get3A_269, %gather3A_252 : vector<16xf32>
        %swap3A_271 = arith.index_cast %add3A_250 : i32 to index
        %swap3A_272 = arith.constant 32 : index
        %swap3A_273 = tpu.vector_load %arg16[%swap3A_271, %swap3A_272] {strides = array<i32>} : memref<128x128xf32, #tpu.memory_space<vmem>>, vector<16xf32>,
        tpu.vector_store %arg16[%swap3A_271, %swap3A_272], %mul3A_270 {strides = array<i32>} : memref<128x128xf32, #tpu.memory_space<vmem>>, vector<16xf32>,
        %get3A_274 = arith.index_cast %add3A_250 : i32 to index
        %get3A_275 = arith.constant 48 : index
        %get3A_276 = tpu.vector_load %arg16[%get3A_274, %get3A_275] {strides = array<i32>} : memref<128x128xf32, #tpu.memory_space<vmem>>, vector<16xf32>,
        %mul3A_277 = arith.mulf %get3A_276, %gather3A_252 : vector<16xf32>
        %swap3A_278 = arith.index_cast %add3A_250 : i32 to index
        %swap3A_279 = arith.constant 48 : index
        %swap3A_280 = tpu.vector_load %arg16[%swap3A_278, %swap3A_279] {strides = array<i32>} : memref<128x128xf32, #tpu.memory_space<vmem>>, vector<16xf32>,
        tpu.vector_store %arg16[%swap3A_278, %swap3A_279], %mul3A_277 {strides = array<i32>} : memref<128x128xf32, #tpu.memory_space<vmem>>, vector<16xf32>,
        %get3A_281 = arith.index_cast %add3A_250 : i32 to index
        %get3A_282 = arith.constant 64 : index
        %get3A_283 = tpu.vector_load %arg16[%get3A_281, %get3A_282] {strides = array<i32>} : memref<128x128xf32, #tpu.memory_space<vmem>>, vector<16xf32>,
        %mul3A_284 = arith.mulf %get3A_283, %gather3A_252 : vector<16xf32>
        %swap3A_285 = arith.index_cast %add3A_250 : i32 to index
        %swap3A_286 = arith.constant 64 : index
        %swap3A_287 = tpu.vector_load %arg16[%swap3A_285, %swap3A_286] {strides = array<i32>} : memref<128x128xf32, #tpu.memory_space<vmem>>, vector<16xf32>,
        tpu.vector_store %arg16[%swap3A_285, %swap3A_286], %mul3A_284 {strides = array<i32>} : memref<128x128xf32, #tpu.memory_space<vmem>>, vector<16xf32>,
        %get3A_288 = arith.index_cast %add3A_250 : i32 to index
        %get3A_289 = arith.constant 80 : index
        %get3A_290 = tpu.vector_load %arg16[%get3A_288, %get3A_289] {strides = array<i32>} : memref<128x128xf32, #tpu.memory_space<vmem>>, vector<16xf32>,
        %mul3A_291 = arith.mulf %get3A_290, %gather3A_252 : vector<16xf32>
        %swap3A_292 = arith.index_cast %add3A_250 : i32 to index
        %swap3A_293 = arith.constant 80 : index
        %swap3A_294 = tpu.vector_load %arg16[%swap3A_292, %swap3A_293] {strides = array<i32>} : memref<128x128xf32, #tpu.memory_space<vmem>>, vector<16xf32>,
        tpu.vector_store %arg16[%swap3A_292, %swap3A_293], %mul3A_291 {strides = array<i32>} : memref<128x128xf32, #tpu.memory_space<vmem>>, vector<16xf32>,
        %get3A_295 = arith.index_cast %add3A_250 : i32 to index
        %get3A_296 = arith.constant 96 : index
        %get3A_297 = tpu.vector_load %arg16[%get3A_295, %get3A_296] {strides = array<i32>} : memref<128x128xf32, #tpu.memory_space<vmem>>, vector<16xf32>,
        %mul3A_298 = arith.mulf %get3A_297, %gather3A_252 : vector<16xf32>
        %swap3A_299 = arith.index_cast %add3A_250 : i32 to index
        %swap3A_300 = arith.constant 96 : index
        %swap3A_301 = tpu.vector_load %arg16[%swap3A_299, %swap3A_300] {strides = array<i32>} : memref<128x128xf32, #tpu.memory_space<vmem>>, vector<16xf32>,
        tpu.vector_store %arg16[%swap3A_299, %swap3A_300], %mul3A_298 {strides = array<i32>} : memref<128x128xf32, #tpu.memory_space<vmem>>, vector<16xf32>,
        %get3A_302 = arith.index_cast %add3A_250 : i32 to index
        %get3A_303 = arith.constant 112 : index
        %get3A_304 = tpu.vector_load %arg16[%get3A_302, %get3A_303] {strides = array<i32>} : memref<128x128xf32, #tpu.memory_space<vmem>>, vector<16xf32>,
        %mul3A_305 = arith.mulf %get3A_304, %gather3A_252 : vector<16xf32>
        %swap3A_306 = arith.index_cast %add3A_250 : i32 to index
        %swap3A_307 = arith.constant 112 : index
        %swap3A_308 = tpu.vector_load %arg16[%swap3A_306, %swap3A_307] {strides = array<i32>} : memref<128x128xf32, #tpu.memory_space<vmem>>, vector<16xf32>,
        tpu.vector_store %arg16[%swap3A_306, %swap3A_307], %mul3A_305 {strides = array<i32>} : memref<128x128xf32, #tpu.memory_space<vmem>>, vector<16xf32>,
        %scan3A_309 = arith.constant 3 : i32
        %scan3A_310 = arith.addi %scan3A_122, %scan3A_309 : i32
        %mul3A_311 = arith.constant 1 : i32
        %mul3A_312 = arith.muli %scan3A_310, %mul3A_311 : i32
        %add3A_313 = arith.constant 0 : i32
        %add3A_314 = arith.addi %add3A_313, %mul3A_312 : i32
        %broadcast_in_dim3A_315 = vector.broadcast %add3A_314 : i32 to vector<16xi32>
        %gather3A_316 = tpu.vector_load_idx %arg11[%broadcast_in_dim3A_315] : memref<128xf32, #tpu.memory_space<vmem>>[vector<16xi32>], vector<16xf32>,
        %get3A_317 = arith.index_cast %add3A_314 : i32 to index
        %get3A_318 = arith.constant 0 : index
        %get3A_319 = tpu.vector_load %arg16[%get3A_317, %get3A_318] {strides = array<i32>} : memref<128x128xf32, #tpu.memory_space<vmem>>, vector<16xf32>,
        %mul3A_320 = arith.mulf %get3A_319, %gather3A_316 : vector<16xf32>
        %swap3A_321 = arith.index_cast %add3A_314 : i32 to index
        %swap3A_322 = arith.constant 0 : index
        %swap3A_323 = tpu.vector_load %arg16[%swap3A_321, %swap3A_322] {strides = array<i32>} : memref<128x128xf32, #tpu.memory_space<vmem>>, vector<16xf32>,
        tpu.vector_store %arg16[%swap3A_321, %swap3A_322], %mul3A_320 {strides = array<i32>} : memref<128x128xf32, #tpu.memory_space<vmem>>, vector<16xf32>,
        %get3A_324 = arith.index_cast %add3A_314 : i32 to index
        %get3A_325 = arith.constant 16 : index
        %get3A_326 = tpu.vector_load %arg16[%get3A_324, %get3A_325] {strides = array<i32>} : memref<128x128xf32, #tpu.memory_space<vmem>>, vector<16xf32>,
        %mul3A_327 = arith.mulf %get3A_326, %gather3A_316 : vector<16xf32>
        %swap3A_328 = arith.index_cast %add3A_314 : i32 to index
        %swap3A_329 = arith.constant 16 : index
        %swap3A_330 = tpu.vector_load %arg16[%swap3A_328, %swap3A_329] {strides = array<i32>} : memref<128x128xf32, #tpu.memory_space<vmem>>, vector<16xf32>,
        tpu.vector_store %arg16[%swap3A_328, %swap3A_329], %mul3A_327 {strides = array<i32>} : memref<128x128xf32, #tpu.memory_space<vmem>>, vector<16xf32>,
        %get3A_331 = arith.index_cast %add3A_314 : i32 to index
        %get3A_332 = arith.constant 32 : index
        %get3A_333 = tpu.vector_load %arg16[%get3A_331, %get3A_332] {strides = array<i32>} : memref<128x128xf32, #tpu.memory_space<vmem>>, vector<16xf32>,
        %mul3A_334 = arith.mulf %get3A_333, %gather3A_316 : vector<16xf32>
        %swap3A_335 = arith.index_cast %add3A_314 : i32 to index
        %swap3A_336 = arith.constant 32 : index
        %swap3A_337 = tpu.vector_load %arg16[%swap3A_335, %swap3A_336] {strides = array<i32>} : memref<128x128xf32, #tpu.memory_space<vmem>>, vector<16xf32>,
        tpu.vector_store %arg16[%swap3A_335, %swap3A_336], %mul3A_334 {strides = array<i32>} : memref<128x128xf32, #tpu.memory_space<vmem>>, vector<16xf32>,
        %get3A_338 = arith.index_cast %add3A_314 : i32 to index
        %get3A_339 = arith.constant 48 : index
        %get3A_340 = tpu.vector_load %arg16[%get3A_338, %get3A_339] {strides = array<i32>} : memref<128x128xf32, #tpu.memory_space<vmem>>, vector<16xf32>,
        %mul3A_341 = arith.mulf %get3A_340, %gather3A_316 : vector<16xf32>
        %swap3A_342 = arith.index_cast %add3A_314 : i32 to index
        %swap3A_343 = arith.constant 48 : index
        %swap3A_344 = tpu.vector_load %arg16[%swap3A_342, %swap3A_343] {strides = array<i32>} : memref<128x128xf32, #tpu.memory_space<vmem>>, vector<16xf32>,
        tpu.vector_store %arg16[%swap3A_342, %swap3A_343], %mul3A_341 {strides = array<i32>} : memref<128x128xf32, #tpu.memory_space<vmem>>, vector<16xf32>,
        %get3A_345 = arith.index_cast %add3A_314 : i32 to index
        %get3A_346 = arith.constant 64 : index
        %get3A_347 = tpu.vector_load %arg16[%get3A_345, %get3A_346] {strides = array<i32>} : memref<128x128xf32, #tpu.memory_space<vmem>>, vector<16xf32>,
        %mul3A_348 = arith.mulf %get3A_347, %gather3A_316 : vector<16xf32>
        %swap3A_349 = arith.index_cast %add3A_314 : i32 to index
        %swap3A_350 = arith.constant 64 : index
        %swap3A_351 = tpu.vector_load %arg16[%swap3A_349, %swap3A_350] {strides = array<i32>} : memref<128x128xf32, #tpu.memory_space<vmem>>, vector<16xf32>,
        tpu.vector_store %arg16[%swap3A_349, %swap3A_350], %mul3A_348 {strides = array<i32>} : memref<128x128xf32, #tpu.memory_space<vmem>>, vector<16xf32>,
        %get3A_352 = arith.index_cast %add3A_314 : i32 to index
        %get3A_353 = arith.constant 80 : index
        %get3A_354 = tpu.vector_load %arg16[%get3A_352, %get3A_353] {strides = array<i32>} : memref<128x128xf32, #tpu.memory_space<vmem>>, vector<16xf32>,
        %mul3A_355 = arith.mulf %get3A_354, %gather3A_316 : vector<16xf32>
        %swap3A_356 = arith.index_cast %add3A_314 : i32 to index
        %swap3A_357 = arith.constant 80 : index
        %swap3A_358 = tpu.vector_load %arg16[%swap3A_356, %swap3A_357] {strides = array<i32>} : memref<128x128xf32, #tpu.memory_space<vmem>>, vector<16xf32>,
        tpu.vector_store %arg16[%swap3A_356, %swap3A_357], %mul3A_355 {strides = array<i32>} : memref<128x128xf32, #tpu.memory_space<vmem>>, vector<16xf32>,
        %get3A_359 = arith.index_cast %add3A_314 : i32 to index
        %get3A_360 = arith.constant 96 : index
        %get3A_361 = tpu.vector_load %arg16[%get3A_359, %get3A_360] {strides = array<i32>} : memref<128x128xf32, #tpu.memory_space<vmem>>, vector<16xf32>,
        %mul3A_362 = arith.mulf %get3A_361, %gather3A_316 : vector<16xf32>
        %swap3A_363 = arith.index_cast %add3A_314 : i32 to index
        %swap3A_364 = arith.constant 96 : index
        %swap3A_365 = tpu.vector_load %arg16[%swap3A_363, %swap3A_364] {strides = array<i32>} : memref<128x128xf32, #tpu.memory_space<vmem>>, vector<16xf32>,
        tpu.vector_store %arg16[%swap3A_363, %swap3A_364], %mul3A_362 {strides = array<i32>} : memref<128x128xf32, #tpu.memory_space<vmem>>, vector<16xf32>,
        %get3A_366 = arith.index_cast %add3A_314 : i32 to index
        %get3A_367 = arith.constant 112 : index
        %get3A_368 = tpu.vector_load %arg16[%get3A_366, %get3A_367] {strides = array<i32>} : memref<128x128xf32, #tpu.memory_space<vmem>>, vector<16xf32>,
        %mul3A_369 = arith.mulf %get3A_368, %gather3A_316 : vector<16xf32>
        %swap3A_370 = arith.index_cast %add3A_314 : i32 to index
        %swap3A_371 = arith.constant 112 : index
        %swap3A_372 = tpu.vector_load %arg16[%swap3A_370, %swap3A_371] {strides = array<i32>} : memref<128x128xf32, #tpu.memory_space<vmem>>, vector<16xf32>,
        tpu.vector_store %arg16[%swap3A_370, %swap3A_371], %mul3A_369 {strides = array<i32>} : memref<128x128xf32, #tpu.memory_space<vmem>>, vector<16xf32>,
      }
      %scan3A_94 = arith.constant 128 : i32
      %dma_start3A_95 = arith.constant 0 : i32
      %dma_start3A_96 = arith.constant 0 : i32
      %dma_start3A_97 = tpu.memref_slice %arg25[%dma_start3A_95, %dma_start3A_96] : memref<10240x128xf32, #tpu.memory_space<vmem_shared>> -> memref<10240x128xf32, #tpu.memory_space<vmem_shared>>
      tpu.enqueue_indirect_dma source(%arg16 : memref<128x128xf32, #tpu.memory_space<vmem>>) target(%dma_start3A_97 : memref<10240x128xf32, #tpu.memory_space<vmem_shared>>) offsets(%arg9 : memref<128xi32, #tpu.memory_space<vmem>>) semaphore(%arg22 : memref<!tpu.dma_semaphore, #tpu.memory_space<semaphore_mem>>) {add = true}
      %add3A_98 = arith.constant 2 : i32
      %add3A_99 = arith.addi %add3A_86, %add3A_98 : i32
      %lt3A = arith.constant 78 : i32
      %lt3A_100 = arith.cmpi slt, %add3A_99, %lt3A : i32
      %convert_element_type3A = arith.extui %lt3A_100 : i1 to i32
      %cond3A = arith.constant 0 : i32
      %cond3A_101 = arith.cmpi ne, %convert_element_type3A, %cond3A : i32
      scf.if %cond3A_101 {
        %add3A_122 = arith.constant 2 : i32
        %add3A_123 = arith.addi %add3A_86, %add3A_122 : i32
        %dma_wait3A_124 = arith.constant 0 : i32
        %dma_wait3A_125 = arith.constant 0 : i32
        %dma_wait3A_126 = tpu.memref_slice %arg25[%dma_wait3A_124, %dma_wait3A_125] : memref<10240x128xf32, #tpu.memory_space<vmem_shared>> -> memref<10240x128xf32, #tpu.memory_space<vmem_shared>>
        tpu.wait_indirect_dma semaphore(%arg22 : memref<!tpu.dma_semaphore, #tpu.memory_space<semaphore_mem>>) src(%arg16 : memref<128x128xf32, #tpu.memory_space<vmem>>) dst(%dma_wait3A_126 : memref<10240x128xf32, #tpu.memory_space<vmem_shared>>)
        %mul3A_127 = arith.constant 128 : i32
        %mul3A_128 = arith.muli %add3A_123, %mul3A_127 : i32
        %add3A_129 = arith.addi %mul3A_2, %mul3A_128 : i32
        %dma_start3A_130 = tpu.memref_slice %arg3[%add3A_129] : memref<320000xi32, #tpu.memory_space<hbm>> -> memref<128xi32, #tpu.memory_space<hbm>>
        %dma_start3A_131 = tpu.memref_slice %arg3[%add3A_129] : memref<320000xi32, #tpu.memory_space<hbm>> -> memref<128xi32, #tpu.memory_space<hbm>>
        tpu.enqueue_dma source(%dma_start3A_131 : memref<128xi32, #tpu.memory_space<hbm>>) target(%arg7 : memref<128xi32, #tpu.memory_space<vmem>>) target_semaphore(%arg18 : memref<!tpu.dma_semaphore, #tpu.memory_space<semaphore_mem>>)
        %dma_start3A_132 = tpu.memref_slice %arg4[%add3A_129] : memref<320000xi32, #tpu.memory_space<hbm>> -> memref<128xi32, #tpu.memory_space<hbm>>
        %dma_start3A_133 = tpu.memref_slice %arg4[%add3A_129] : memref<320000xi32, #tpu.memory_space<hbm>> -> memref<128xi32, #tpu.memory_space<hbm>>
        tpu.enqueue_dma source(%dma_start3A_133 : memref<128xi32, #tpu.memory_space<hbm>>) target(%arg9 : memref<128xi32, #tpu.memory_space<vmem>>) target_semaphore(%arg18 : memref<!tpu.dma_semaphore, #tpu.memory_space<semaphore_mem>>)
        %dma_start3A_134 = tpu.memref_slice %arg5[%add3A_129] : memref<320000xf32, #tpu.memory_space<hbm>> -> memref<128xf32, #tpu.memory_space<hbm>>
        %dma_start3A_135 = tpu.memref_slice %arg5[%add3A_129] : memref<320000xf32, #tpu.memory_space<hbm>> -> memref<128xf32, #tpu.memory_space<hbm>>
        tpu.enqueue_dma source(%dma_start3A_135 : memref<128xf32, #tpu.memory_space<hbm>>) target(%arg11 : memref<128xf32, #tpu.memory_space<vmem>>) target_semaphore(%arg18 : memref<!tpu.dma_semaphore, #tpu.memory_space<semaphore_mem>>)
        %dma_wait3A_136 = tpu.memref_slice %arg3[%add3A_129] : memref<320000xi32, #tpu.memory_space<hbm>> -> memref<128xi32, #tpu.memory_space<hbm>>
        %dma_wait3A_137 = tpu.memref_slice %arg3[%add3A_129] : memref<320000xi32, #tpu.memory_space<hbm>> -> memref<128xi32, #tpu.memory_space<hbm>>
        tpu.wait_dma2 semaphore(%arg18 : memref<!tpu.dma_semaphore, #tpu.memory_space<semaphore_mem>>) src(%dma_wait3A_137 : memref<128xi32, #tpu.memory_space<hbm>>) dst(%arg7 : memref<128xi32, #tpu.memory_space<vmem>>)
        %dma_wait3A_138 = tpu.memref_slice %arg4[%add3A_129] : memref<320000xi32, #tpu.memory_space<hbm>> -> memref<128xi32, #tpu.memory_space<hbm>>
        %dma_wait3A_139 = tpu.memref_slice %arg4[%add3A_129] : memref<320000xi32, #tpu.memory_space<hbm>> -> memref<128xi32, #tpu.memory_space<hbm>>
        tpu.wait_dma2 semaphore(%arg18 : memref<!tpu.dma_semaphore, #tpu.memory_space<semaphore_mem>>) src(%dma_wait3A_139 : memref<128xi32, #tpu.memory_space<hbm>>) dst(%arg9 : memref<128xi32, #tpu.memory_space<vmem>>)
        %dma_wait3A_140 = tpu.memref_slice %arg5[%add3A_129] : memref<320000xf32, #tpu.memory_space<hbm>> -> memref<128xf32, #tpu.memory_space<hbm>>
        %dma_wait3A_141 = tpu.memref_slice %arg5[%add3A_129] : memref<320000xf32, #tpu.memory_space<hbm>> -> memref<128xf32, #tpu.memory_space<hbm>>
        tpu.wait_dma2 semaphore(%arg18 : memref<!tpu.dma_semaphore, #tpu.memory_space<semaphore_mem>>) src(%dma_wait3A_141 : memref<128xf32, #tpu.memory_space<hbm>>) dst(%arg11 : memref<128xf32, #tpu.memory_space<vmem>>)
        %dma_start3A_142 = arith.constant 0 : i32
        %dma_start3A_143 = arith.constant 0 : i32
        %dma_start3A_144 = tpu.memref_slice %arg2[%dma_start3A_142, %dma_start3A_143] : memref<10000x128xf32, #tpu.memory_space<hbm>> -> memref<10000x128xf32, #tpu.memory_space<hbm>>
        tpu.enqueue_indirect_dma source(%dma_start3A_144 : memref<10000x128xf32, #tpu.memory_space<hbm>>) target(%arg16 : memref<128x128xf32, #tpu.memory_space<vmem>>) offsets(%arg7 : memref<128xi32, #tpu.memory_space<vmem>>) semaphore(%arg20 : memref<!tpu.dma_semaphore, #tpu.memory_space<semaphore_mem>>)
      } else {
      }
      %add3A_102 = arith.constant 1 : i32
      %add3A_103 = arith.addi %add3A_84, %add3A_102 : i32
      %dma_wait3A_104 = arith.constant 0 : i32
      %dma_wait3A_105 = arith.constant 0 : i32
      %dma_wait3A_106 = tpu.memref_slice %arg2[%dma_wait3A_104, %dma_wait3A_105] : memref<10000x128xf32, #tpu.memory_space<hbm>> -> memref<10000x128xf32, #tpu.memory_space<hbm>>
      tpu.wait_indirect_dma semaphore(%arg21 : memref<!tpu.dma_semaphore, #tpu.memory_space<semaphore_mem>>) src(%dma_wait3A_106 : memref<10000x128xf32, #tpu.memory_space<hbm>>) dst(%arg17 : memref<128x128xf32, #tpu.memory_space<vmem>>)
      %scan3A_107 = arith.constant 0 : i32
      %scan3A_108 = arith.constant 128 : i32
      %scan3A_109 = arith.addi %scan3A_107, %scan3A_108 : i32
      %scan3A_110 = arith.constant 4 : i32
      scf.for %scan3A_122 = %scan3A_107 to %scan3A_109 step %scan3A_110  : i32 {
        %mul3A_123 = arith.constant 1 : i32
        %mul3A_124 = arith.muli %scan3A_122, %mul3A_123 : i32
        %add3A_125 = arith.constant 0 : i32
        %add3A_126 = arith.addi %add3A_125, %mul3A_124 : i32
        %broadcast_in_dim3A = vector.broadcast %add3A_126 : i32 to vector<16xi32>
        %gather3A = tpu.vector_load_idx %arg12[%broadcast_in_dim3A] : memref<128xf32, #tpu.memory_space<vmem>>[vector<16xi32>], vector<16xf32>,
        %get3A = arith.index_cast %add3A_126 : i32 to index
        %get3A_127 = arith.constant 0 : index
        %get3A_128 = tpu.vector_load %arg17[%get3A, %get3A_127] {strides = array<i32>} : memref<128x128xf32, #tpu.memory_space<vmem>>, vector<16xf32>,
        %mul3A_129 = arith.mulf %get3A_128, %gather3A : vector<16xf32>
        %swap3A = arith.index_cast %add3A_126 : i32 to index
        %swap3A_130 = arith.constant 0 : index
        %swap3A_131 = tpu.vector_load %arg17[%swap3A, %swap3A_130] {strides = array<i32>} : memref<128x128xf32, #tpu.memory_space<vmem>>, vector<16xf32>,
        tpu.vector_store %arg17[%swap3A, %swap3A_130], %mul3A_129 {strides = array<i32>} : memref<128x128xf32, #tpu.memory_space<vmem>>, vector<16xf32>,
        %get3A_132 = arith.index_cast %add3A_126 : i32 to index
        %get3A_133 = arith.constant 16 : index
        %get3A_134 = tpu.vector_load %arg17[%get3A_132, %get3A_133] {strides = array<i32>} : memref<128x128xf32, #tpu.memory_space<vmem>>, vector<16xf32>,
        %mul3A_135 = arith.mulf %get3A_134, %gather3A : vector<16xf32>
        %swap3A_136 = arith.index_cast %add3A_126 : i32 to index
        %swap3A_137 = arith.constant 16 : index
        %swap3A_138 = tpu.vector_load %arg17[%swap3A_136, %swap3A_137] {strides = array<i32>} : memref<128x128xf32, #tpu.memory_space<vmem>>, vector<16xf32>,
        tpu.vector_store %arg17[%swap3A_136, %swap3A_137], %mul3A_135 {strides = array<i32>} : memref<128x128xf32, #tpu.memory_space<vmem>>, vector<16xf32>,
        %get3A_139 = arith.index_cast %add3A_126 : i32 to index
        %get3A_140 = arith.constant 32 : index
        %get3A_141 = tpu.vector_load %arg17[%get3A_139, %get3A_140] {strides = array<i32>} : memref<128x128xf32, #tpu.memory_space<vmem>>, vector<16xf32>,
        %mul3A_142 = arith.mulf %get3A_141, %gather3A : vector<16xf32>
        %swap3A_143 = arith.index_cast %add3A_126 : i32 to index
        %swap3A_144 = arith.constant 32 : index
        %swap3A_145 = tpu.vector_load %arg17[%swap3A_143, %swap3A_144] {strides = array<i32>} : memref<128x128xf32, #tpu.memory_space<vmem>>, vector<16xf32>,
        tpu.vector_store %arg17[%swap3A_143, %swap3A_144], %mul3A_142 {strides = array<i32>} : memref<128x128xf32, #tpu.memory_space<vmem>>, vector<16xf32>,
        %get3A_146 = arith.index_cast %add3A_126 : i32 to index
        %get3A_147 = arith.constant 48 : index
        %get3A_148 = tpu.vector_load %arg17[%get3A_146, %get3A_147] {strides = array<i32>} : memref<128x128xf32, #tpu.memory_space<vmem>>, vector<16xf32>,
        %mul3A_149 = arith.mulf %get3A_148, %gather3A : vector<16xf32>
        %swap3A_150 = arith.index_cast %add3A_126 : i32 to index
        %swap3A_151 = arith.constant 48 : index
        %swap3A_152 = tpu.vector_load %arg17[%swap3A_150, %swap3A_151] {strides = array<i32>} : memref<128x128xf32, #tpu.memory_space<vmem>>, vector<16xf32>,
        tpu.vector_store %arg17[%swap3A_150, %swap3A_151], %mul3A_149 {strides = array<i32>} : memref<128x128xf32, #tpu.memory_space<vmem>>, vector<16xf32>,
        %get3A_153 = arith.index_cast %add3A_126 : i32 to index
        %get3A_154 = arith.constant 64 : index
        %get3A_155 = tpu.vector_load %arg17[%get3A_153, %get3A_154] {strides = array<i32>} : memref<128x128xf32, #tpu.memory_space<vmem>>, vector<16xf32>,
        %mul3A_156 = arith.mulf %get3A_155, %gather3A : vector<16xf32>
        %swap3A_157 = arith.index_cast %add3A_126 : i32 to index
        %swap3A_158 = arith.constant 64 : index
        %swap3A_159 = tpu.vector_load %arg17[%swap3A_157, %swap3A_158] {strides = array<i32>} : memref<128x128xf32, #tpu.memory_space<vmem>>, vector<16xf32>,
        tpu.vector_store %arg17[%swap3A_157, %swap3A_158], %mul3A_156 {strides = array<i32>} : memref<128x128xf32, #tpu.memory_space<vmem>>, vector<16xf32>,
        %get3A_160 = arith.index_cast %add3A_126 : i32 to index
        %get3A_161 = arith.constant 80 : index
        %get3A_162 = tpu.vector_load %arg17[%get3A_160, %get3A_161] {strides = array<i32>} : memref<128x128xf32, #tpu.memory_space<vmem>>, vector<16xf32>,
        %mul3A_163 = arith.mulf %get3A_162, %gather3A : vector<16xf32>
        %swap3A_164 = arith.index_cast %add3A_126 : i32 to index
        %swap3A_165 = arith.constant 80 : index
        %swap3A_166 = tpu.vector_load %arg17[%swap3A_164, %swap3A_165] {strides = array<i32>} : memref<128x128xf32, #tpu.memory_space<vmem>>, vector<16xf32>,
        tpu.vector_store %arg17[%swap3A_164, %swap3A_165], %mul3A_163 {strides = array<i32>} : memref<128x128xf32, #tpu.memory_space<vmem>>, vector<16xf32>,
        %get3A_167 = arith.index_cast %add3A_126 : i32 to index
        %get3A_168 = arith.constant 96 : index
        %get3A_169 = tpu.vector_load %arg17[%get3A_167, %get3A_168] {strides = array<i32>} : memref<128x128xf32, #tpu.memory_space<vmem>>, vector<16xf32>,
        %mul3A_170 = arith.mulf %get3A_169, %gather3A : vector<16xf32>
        %swap3A_171 = arith.index_cast %add3A_126 : i32 to index
        %swap3A_172 = arith.constant 96 : index
        %swap3A_173 = tpu.vector_load %arg17[%swap3A_171, %swap3A_172] {strides = array<i32>} : memref<128x128xf32, #tpu.memory_space<vmem>>, vector<16xf32>,
        tpu.vector_store %arg17[%swap3A_171, %swap3A_172], %mul3A_170 {strides = array<i32>} : memref<128x128xf32, #tpu.memory_space<vmem>>, vector<16xf32>,
        %get3A_174 = arith.index_cast %add3A_126 : i32 to index
        %get3A_175 = arith.constant 112 : index
        %get3A_176 = tpu.vector_load %arg17[%get3A_174, %get3A_175] {strides = array<i32>} : memref<128x128xf32, #tpu.memory_space<vmem>>, vector<16xf32>,
        %mul3A_177 = arith.mulf %get3A_176, %gather3A : vector<16xf32>
        %swap3A_178 = arith.index_cast %add3A_126 : i32 to index
        %swap3A_179 = arith.constant 112 : index
        %swap3A_180 = tpu.vector_load %arg17[%swap3A_178, %swap3A_179] {strides = array<i32>} : memref<128x128xf32, #tpu.memory_space<vmem>>, vector<16xf32>,
        tpu.vector_store %arg17[%swap3A_178, %swap3A_179], %mul3A_177 {strides = array<i32>} : memref<128x128xf32, #tpu.memory_space<vmem>>, vector<16xf32>,
        %scan3A_181 = arith.constant 1 : i32
        %scan3A_182 = arith.addi %scan3A_122, %scan3A_181 : i32
        %mul3A_183 = arith.constant 1 : i32
        %mul3A_184 = arith.muli %scan3A_182, %mul3A_183 : i32
        %add3A_185 = arith.constant 0 : i32
        %add3A_186 = arith.addi %add3A_185, %mul3A_184 : i32
        %broadcast_in_dim3A_187 = vector.broadcast %add3A_186 : i32 to vector<16xi32>
        %gather3A_188 = tpu.vector_load_idx %arg12[%broadcast_in_dim3A_187] : memref<128xf32, #tpu.memory_space<vmem>>[vector<16xi32>], vector<16xf32>,
        %get3A_189 = arith.index_cast %add3A_186 : i32 to index
        %get3A_190 = arith.constant 0 : index
        %get3A_191 = tpu.vector_load %arg17[%get3A_189, %get3A_190] {strides = array<i32>} : memref<128x128xf32, #tpu.memory_space<vmem>>, vector<16xf32>,
        %mul3A_192 = arith.mulf %get3A_191, %gather3A_188 : vector<16xf32>
        %swap3A_193 = arith.index_cast %add3A_186 : i32 to index
        %swap3A_194 = arith.constant 0 : index
        %swap3A_195 = tpu.vector_load %arg17[%swap3A_193, %swap3A_194] {strides = array<i32>} : memref<128x128xf32, #tpu.memory_space<vmem>>, vector<16xf32>,
        tpu.vector_store %arg17[%swap3A_193, %swap3A_194], %mul3A_192 {strides = array<i32>} : memref<128x128xf32, #tpu.memory_space<vmem>>, vector<16xf32>,
        %get3A_196 = arith.index_cast %add3A_186 : i32 to index
        %get3A_197 = arith.constant 16 : index
        %get3A_198 = tpu.vector_load %arg17[%get3A_196, %get3A_197] {strides = array<i32>} : memref<128x128xf32, #tpu.memory_space<vmem>>, vector<16xf32>,
        %mul3A_199 = arith.mulf %get3A_198, %gather3A_188 : vector<16xf32>
        %swap3A_200 = arith.index_cast %add3A_186 : i32 to index
        %swap3A_201 = arith.constant 16 : index
        %swap3A_202 = tpu.vector_load %arg17[%swap3A_200, %swap3A_201] {strides = array<i32>} : memref<128x128xf32, #tpu.memory_space<vmem>>, vector<16xf32>,
        tpu.vector_store %arg17[%swap3A_200, %swap3A_201], %mul3A_199 {strides = array<i32>} : memref<128x128xf32, #tpu.memory_space<vmem>>, vector<16xf32>,
        %get3A_203 = arith.index_cast %add3A_186 : i32 to index
        %get3A_204 = arith.constant 32 : index
        %get3A_205 = tpu.vector_load %arg17[%get3A_203, %get3A_204] {strides = array<i32>} : memref<128x128xf32, #tpu.memory_space<vmem>>, vector<16xf32>,
        %mul3A_206 = arith.mulf %get3A_205, %gather3A_188 : vector<16xf32>
        %swap3A_207 = arith.index_cast %add3A_186 : i32 to index
        %swap3A_208 = arith.constant 32 : index
        %swap3A_209 = tpu.vector_load %arg17[%swap3A_207, %swap3A_208] {strides = array<i32>} : memref<128x128xf32, #tpu.memory_space<vmem>>, vector<16xf32>,
        tpu.vector_store %arg17[%swap3A_207, %swap3A_208], %mul3A_206 {strides = array<i32>} : memref<128x128xf32, #tpu.memory_space<vmem>>, vector<16xf32>,
        %get3A_210 = arith.index_cast %add3A_186 : i32 to index
        %get3A_211 = arith.constant 48 : index
        %get3A_212 = tpu.vector_load %arg17[%get3A_210, %get3A_211] {strides = array<i32>} : memref<128x128xf32, #tpu.memory_space<vmem>>, vector<16xf32>,
        %mul3A_213 = arith.mulf %get3A_212, %gather3A_188 : vector<16xf32>
        %swap3A_214 = arith.index_cast %add3A_186 : i32 to index
        %swap3A_215 = arith.constant 48 : index
        %swap3A_216 = tpu.vector_load %arg17[%swap3A_214, %swap3A_215] {strides = array<i32>} : memref<128x128xf32, #tpu.memory_space<vmem>>, vector<16xf32>,
        tpu.vector_store %arg17[%swap3A_214, %swap3A_215], %mul3A_213 {strides = array<i32>} : memref<128x128xf32, #tpu.memory_space<vmem>>, vector<16xf32>,
        %get3A_217 = arith.index_cast %add3A_186 : i32 to index
        %get3A_218 = arith.constant 64 : index
        %get3A_219 = tpu.vector_load %arg17[%get3A_217, %get3A_218] {strides = array<i32>} : memref<128x128xf32, #tpu.memory_space<vmem>>, vector<16xf32>,
        %mul3A_220 = arith.mulf %get3A_219, %gather3A_188 : vector<16xf32>
        %swap3A_221 = arith.index_cast %add3A_186 : i32 to index
        %swap3A_222 = arith.constant 64 : index
        %swap3A_223 = tpu.vector_load %arg17[%swap3A_221, %swap3A_222] {strides = array<i32>} : memref<128x128xf32, #tpu.memory_space<vmem>>, vector<16xf32>,
        tpu.vector_store %arg17[%swap3A_221, %swap3A_222], %mul3A_220 {strides = array<i32>} : memref<128x128xf32, #tpu.memory_space<vmem>>, vector<16xf32>,
        %get3A_224 = arith.index_cast %add3A_186 : i32 to index
        %get3A_225 = arith.constant 80 : index
        %get3A_226 = tpu.vector_load %arg17[%get3A_224, %get3A_225] {strides = array<i32>} : memref<128x128xf32, #tpu.memory_space<vmem>>, vector<16xf32>,
        %mul3A_227 = arith.mulf %get3A_226, %gather3A_188 : vector<16xf32>
        %swap3A_228 = arith.index_cast %add3A_186 : i32 to index
        %swap3A_229 = arith.constant 80 : index
        %swap3A_230 = tpu.vector_load %arg17[%swap3A_228, %swap3A_229] {strides = array<i32>} : memref<128x128xf32, #tpu.memory_space<vmem>>, vector<16xf32>,
        tpu.vector_store %arg17[%swap3A_228, %swap3A_229], %mul3A_227 {strides = array<i32>} : memref<128x128xf32, #tpu.memory_space<vmem>>, vector<16xf32>,
        %get3A_231 = arith.index_cast %add3A_186 : i32 to index
        %get3A_232 = arith.constant 96 : index
        %get3A_233 = tpu.vector_load %arg17[%get3A_231, %get3A_232] {strides = array<i32>} : memref<128x128xf32, #tpu.memory_space<vmem>>, vector<16xf32>,
        %mul3A_234 = arith.mulf %get3A_233, %gather3A_188 : vector<16xf32>
        %swap3A_235 = arith.index_cast %add3A_186 : i32 to index
        %swap3A_236 = arith.constant 96 : index
        %swap3A_237 = tpu.vector_load %arg17[%swap3A_235, %swap3A_236] {strides = array<i32>} : memref<128x128xf32, #tpu.memory_space<vmem>>, vector<16xf32>,
        tpu.vector_store %arg17[%swap3A_235, %swap3A_236], %mul3A_234 {strides = array<i32>} : memref<128x128xf32, #tpu.memory_space<vmem>>, vector<16xf32>,
        %get3A_238 = arith.index_cast %add3A_186 : i32 to index
        %get3A_239 = arith.constant 112 : index
        %get3A_240 = tpu.vector_load %arg17[%get3A_238, %get3A_239] {strides = array<i32>} : memref<128x128xf32, #tpu.memory_space<vmem>>, vector<16xf32>,
        %mul3A_241 = arith.mulf %get3A_240, %gather3A_188 : vector<16xf32>
        %swap3A_242 = arith.index_cast %add3A_186 : i32 to index
        %swap3A_243 = arith.constant 112 : index
        %swap3A_244 = tpu.vector_load %arg17[%swap3A_242, %swap3A_243] {strides = array<i32>} : memref<128x128xf32, #tpu.memory_space<vmem>>, vector<16xf32>,
        tpu.vector_store %arg17[%swap3A_242, %swap3A_243], %mul3A_241 {strides = array<i32>} : memref<128x128xf32, #tpu.memory_space<vmem>>, vector<16xf32>,
        %scan3A_245 = arith.constant 2 : i32
        %scan3A_246 = arith.addi %scan3A_122, %scan3A_245 : i32
        %mul3A_247 = arith.constant 1 : i32
        %mul3A_248 = arith.muli %scan3A_246, %mul3A_247 : i32
        %add3A_249 = arith.constant 0 : i32
        %add3A_250 = arith.addi %add3A_249, %mul3A_248 : i32
        %broadcast_in_dim3A_251 = vector.broadcast %add3A_250 : i32 to vector<16xi32>
        %gather3A_252 = tpu.vector_load_idx %arg12[%broadcast_in_dim3A_251] : memref<128xf32, #tpu.memory_space<vmem>>[vector<16xi32>], vector<16xf32>,
        %get3A_253 = arith.index_cast %add3A_250 : i32 to index
        %get3A_254 = arith.constant 0 : index
        %get3A_255 = tpu.vector_load %arg17[%get3A_253, %get3A_254] {strides = array<i32>} : memref<128x128xf32, #tpu.memory_space<vmem>>, vector<16xf32>,
        %mul3A_256 = arith.mulf %get3A_255, %gather3A_252 : vector<16xf32>
        %swap3A_257 = arith.index_cast %add3A_250 : i32 to index
        %swap3A_258 = arith.constant 0 : index
        %swap3A_259 = tpu.vector_load %arg17[%swap3A_257, %swap3A_258] {strides = array<i32>} : memref<128x128xf32, #tpu.memory_space<vmem>>, vector<16xf32>,
        tpu.vector_store %arg17[%swap3A_257, %swap3A_258], %mul3A_256 {strides = array<i32>} : memref<128x128xf32, #tpu.memory_space<vmem>>, vector<16xf32>,
        %get3A_260 = arith.index_cast %add3A_250 : i32 to index
        %get3A_261 = arith.constant 16 : index
        %get3A_262 = tpu.vector_load %arg17[%get3A_260, %get3A_261] {strides = array<i32>} : memref<128x128xf32, #tpu.memory_space<vmem>>, vector<16xf32>,
        %mul3A_263 = arith.mulf %get3A_262, %gather3A_252 : vector<16xf32>
        %swap3A_264 = arith.index_cast %add3A_250 : i32 to index
        %swap3A_265 = arith.constant 16 : index
        %swap3A_266 = tpu.vector_load %arg17[%swap3A_264, %swap3A_265] {strides = array<i32>} : memref<128x128xf32, #tpu.memory_space<vmem>>, vector<16xf32>,
        tpu.vector_store %arg17[%swap3A_264, %swap3A_265], %mul3A_263 {strides = array<i32>} : memref<128x128xf32, #tpu.memory_space<vmem>>, vector<16xf32>,
        %get3A_267 = arith.index_cast %add3A_250 : i32 to index
        %get3A_268 = arith.constant 32 : index
        %get3A_269 = tpu.vector_load %arg17[%get3A_267, %get3A_268] {strides = array<i32>} : memref<128x128xf32, #tpu.memory_space<vmem>>, vector<16xf32>,
        %mul3A_270 = arith.mulf %get3A_269, %gather3A_252 : vector<16xf32>
        %swap3A_271 = arith.index_cast %add3A_250 : i32 to index
        %swap3A_272 = arith.constant 32 : index
        %swap3A_273 = tpu.vector_load %arg17[%swap3A_271, %swap3A_272] {strides = array<i32>} : memref<128x128xf32, #tpu.memory_space<vmem>>, vector<16xf32>,
        tpu.vector_store %arg17[%swap3A_271, %swap3A_272], %mul3A_270 {strides = array<i32>} : memref<128x128xf32, #tpu.memory_space<vmem>>, vector<16xf32>,
        %get3A_274 = arith.index_cast %add3A_250 : i32 to index
        %get3A_275 = arith.constant 48 : index
        %get3A_276 = tpu.vector_load %arg17[%get3A_274, %get3A_275] {strides = array<i32>} : memref<128x128xf32, #tpu.memory_space<vmem>>, vector<16xf32>,
        %mul3A_277 = arith.mulf %get3A_276, %gather3A_252 : vector<16xf32>
        %swap3A_278 = arith.index_cast %add3A_250 : i32 to index
        %swap3A_279 = arith.constant 48 : index
        %swap3A_280 = tpu.vector_load %arg17[%swap3A_278, %swap3A_279] {strides = array<i32>} : memref<128x128xf32, #tpu.memory_space<vmem>>, vector<16xf32>,
        tpu.vector_store %arg17[%swap3A_278, %swap3A_279], %mul3A_277 {strides = array<i32>} : memref<128x128xf32, #tpu.memory_space<vmem>>, vector<16xf32>,
        %get3A_281 = arith.index_cast %add3A_250 : i32 to index
        %get3A_282 = arith.constant 64 : index
        %get3A_283 = tpu.vector_load %arg17[%get3A_281, %get3A_282] {strides = array<i32>} : memref<128x128xf32, #tpu.memory_space<vmem>>, vector<16xf32>,
        %mul3A_284 = arith.mulf %get3A_283, %gather3A_252 : vector<16xf32>
        %swap3A_285 = arith.index_cast %add3A_250 : i32 to index
        %swap3A_286 = arith.constant 64 : index
        %swap3A_287 = tpu.vector_load %arg17[%swap3A_285, %swap3A_286] {strides = array<i32>} : memref<128x128xf32, #tpu.memory_space<vmem>>, vector<16xf32>,
        tpu.vector_store %arg17[%swap3A_285, %swap3A_286], %mul3A_284 {strides = array<i32>} : memref<128x128xf32, #tpu.memory_space<vmem>>, vector<16xf32>,
        %get3A_288 = arith.index_cast %add3A_250 : i32 to index
        %get3A_289 = arith.constant 80 : index
        %get3A_290 = tpu.vector_load %arg17[%get3A_288, %get3A_289] {strides = array<i32>} : memref<128x128xf32, #tpu.memory_space<vmem>>, vector<16xf32>,
        %mul3A_291 = arith.mulf %get3A_290, %gather3A_252 : vector<16xf32>
        %swap3A_292 = arith.index_cast %add3A_250 : i32 to index
        %swap3A_293 = arith.constant 80 : index
        %swap3A_294 = tpu.vector_load %arg17[%swap3A_292, %swap3A_293] {strides = array<i32>} : memref<128x128xf32, #tpu.memory_space<vmem>>, vector<16xf32>,
        tpu.vector_store %arg17[%swap3A_292, %swap3A_293], %mul3A_291 {strides = array<i32>} : memref<128x128xf32, #tpu.memory_space<vmem>>, vector<16xf32>,
        %get3A_295 = arith.index_cast %add3A_250 : i32 to index
        %get3A_296 = arith.constant 96 : index
        %get3A_297 = tpu.vector_load %arg17[%get3A_295, %get3A_296] {strides = array<i32>} : memref<128x128xf32, #tpu.memory_space<vmem>>, vector<16xf32>,
        %mul3A_298 = arith.mulf %get3A_297, %gather3A_252 : vector<16xf32>
        %swap3A_299 = arith.index_cast %add3A_250 : i32 to index
        %swap3A_300 = arith.constant 96 : index
        %swap3A_301 = tpu.vector_load %arg17[%swap3A_299, %swap3A_300] {strides = array<i32>} : memref<128x128xf32, #tpu.memory_space<vmem>>, vector<16xf32>,
        tpu.vector_store %arg17[%swap3A_299, %swap3A_300], %mul3A_298 {strides = array<i32>} : memref<128x128xf32, #tpu.memory_space<vmem>>, vector<16xf32>,
        %get3A_302 = arith.index_cast %add3A_250 : i32 to index
        %get3A_303 = arith.constant 112 : index
        %get3A_304 = tpu.vector_load %arg17[%get3A_302, %get3A_303] {strides = array<i32>} : memref<128x128xf32, #tpu.memory_space<vmem>>, vector<16xf32>,
        %mul3A_305 = arith.mulf %get3A_304, %gather3A_252 : vector<16xf32>
        %swap3A_306 = arith.index_cast %add3A_250 : i32 to index
        %swap3A_307 = arith.constant 112 : index
        %swap3A_308 = tpu.vector_load %arg17[%swap3A_306, %swap3A_307] {strides = array<i32>} : memref<128x128xf32, #tpu.memory_space<vmem>>, vector<16xf32>,
        tpu.vector_store %arg17[%swap3A_306, %swap3A_307], %mul3A_305 {strides = array<i32>} : memref<128x128xf32, #tpu.memory_space<vmem>>, vector<16xf32>,
        %scan3A_309 = arith.constant 3 : i32
        %scan3A_310 = arith.addi %scan3A_122, %scan3A_309 : i32
        %mul3A_311 = arith.constant 1 : i32
        %mul3A_312 = arith.muli %scan3A_310, %mul3A_311 : i32
        %add3A_313 = arith.constant 0 : i32
        %add3A_314 = arith.addi %add3A_313, %mul3A_312 : i32
        %broadcast_in_dim3A_315 = vector.broadcast %add3A_314 : i32 to vector<16xi32>
        %gather3A_316 = tpu.vector_load_idx %arg12[%broadcast_in_dim3A_315] : memref<128xf32, #tpu.memory_space<vmem>>[vector<16xi32>], vector<16xf32>,
        %get3A_317 = arith.index_cast %add3A_314 : i32 to index
        %get3A_318 = arith.constant 0 : index
        %get3A_319 = tpu.vector_load %arg17[%get3A_317, %get3A_318] {strides = array<i32>} : memref<128x128xf32, #tpu.memory_space<vmem>>, vector<16xf32>,
        %mul3A_320 = arith.mulf %get3A_319, %gather3A_316 : vector<16xf32>
        %swap3A_321 = arith.index_cast %add3A_314 : i32 to index
        %swap3A_322 = arith.constant 0 : index
        %swap3A_323 = tpu.vector_load %arg17[%swap3A_321, %swap3A_322] {strides = array<i32>} : memref<128x128xf32, #tpu.memory_space<vmem>>, vector<16xf32>,
        tpu.vector_store %arg17[%swap3A_321, %swap3A_322], %mul3A_320 {strides = array<i32>} : memref<128x128xf32, #tpu.memory_space<vmem>>, vector<16xf32>,
        %get3A_324 = arith.index_cast %add3A_314 : i32 to index
        %get3A_325 = arith.constant 16 : index
        %get3A_326 = tpu.vector_load %arg17[%get3A_324, %get3A_325] {strides = array<i32>} : memref<128x128xf32, #tpu.memory_space<vmem>>, vector<16xf32>,
        %mul3A_327 = arith.mulf %get3A_326, %gather3A_316 : vector<16xf32>
        %swap3A_328 = arith.index_cast %add3A_314 : i32 to index
        %swap3A_329 = arith.constant 16 : index
        %swap3A_330 = tpu.vector_load %arg17[%swap3A_328, %swap3A_329] {strides = array<i32>} : memref<128x128xf32, #tpu.memory_space<vmem>>, vector<16xf32>,
        tpu.vector_store %arg17[%swap3A_328, %swap3A_329], %mul3A_327 {strides = array<i32>} : memref<128x128xf32, #tpu.memory_space<vmem>>, vector<16xf32>,
        %get3A_331 = arith.index_cast %add3A_314 : i32 to index
        %get3A_332 = arith.constant 32 : index
        %get3A_333 = tpu.vector_load %arg17[%get3A_331, %get3A_332] {strides = array<i32>} : memref<128x128xf32, #tpu.memory_space<vmem>>, vector<16xf32>,
        %mul3A_334 = arith.mulf %get3A_333, %gather3A_316 : vector<16xf32>
        %swap3A_335 = arith.index_cast %add3A_314 : i32 to index
        %swap3A_336 = arith.constant 32 : index
        %swap3A_337 = tpu.vector_load %arg17[%swap3A_335, %swap3A_336] {strides = array<i32>} : memref<128x128xf32, #tpu.memory_space<vmem>>, vector<16xf32>,
        tpu.vector_store %arg17[%swap3A_335, %swap3A_336], %mul3A_334 {strides = array<i32>} : memref<128x128xf32, #tpu.memory_space<vmem>>, vector<16xf32>,
        %get3A_338 = arith.index_cast %add3A_314 : i32 to index
        %get3A_339 = arith.constant 48 : index
        %get3A_340 = tpu.vector_load %arg17[%get3A_338, %get3A_339] {strides = array<i32>} : memref<128x128xf32, #tpu.memory_space<vmem>>, vector<16xf32>,
        %mul3A_341 = arith.mulf %get3A_340, %gather3A_316 : vector<16xf32>
        %swap3A_342 = arith.index_cast %add3A_314 : i32 to index
        %swap3A_343 = arith.constant 48 : index
        %swap3A_344 = tpu.vector_load %arg17[%swap3A_342, %swap3A_343] {strides = array<i32>} : memref<128x128xf32, #tpu.memory_space<vmem>>, vector<16xf32>,
        tpu.vector_store %arg17[%swap3A_342, %swap3A_343], %mul3A_341 {strides = array<i32>} : memref<128x128xf32, #tpu.memory_space<vmem>>, vector<16xf32>,
        %get3A_345 = arith.index_cast %add3A_314 : i32 to index
        %get3A_346 = arith.constant 64 : index
        %get3A_347 = tpu.vector_load %arg17[%get3A_345, %get3A_346] {strides = array<i32>} : memref<128x128xf32, #tpu.memory_space<vmem>>, vector<16xf32>,
        %mul3A_348 = arith.mulf %get3A_347, %gather3A_316 : vector<16xf32>
        %swap3A_349 = arith.index_cast %add3A_314 : i32 to index
        %swap3A_350 = arith.constant 64 : index
        %swap3A_351 = tpu.vector_load %arg17[%swap3A_349, %swap3A_350] {strides = array<i32>} : memref<128x128xf32, #tpu.memory_space<vmem>>, vector<16xf32>,
        tpu.vector_store %arg17[%swap3A_349, %swap3A_350], %mul3A_348 {strides = array<i32>} : memref<128x128xf32, #tpu.memory_space<vmem>>, vector<16xf32>,
        %get3A_352 = arith.index_cast %add3A_314 : i32 to index
        %get3A_353 = arith.constant 80 : index
        %get3A_354 = tpu.vector_load %arg17[%get3A_352, %get3A_353] {strides = array<i32>} : memref<128x128xf32, #tpu.memory_space<vmem>>, vector<16xf32>,
        %mul3A_355 = arith.mulf %get3A_354, %gather3A_316 : vector<16xf32>
        %swap3A_356 = arith.index_cast %add3A_314 : i32 to index
        %swap3A_357 = arith.constant 80 : index
        %swap3A_358 = tpu.vector_load %arg17[%swap3A_356, %swap3A_357] {strides = array<i32>} : memref<128x128xf32, #tpu.memory_space<vmem>>, vector<16xf32>,
        tpu.vector_store %arg17[%swap3A_356, %swap3A_357], %mul3A_355 {strides = array<i32>} : memref<128x128xf32, #tpu.memory_space<vmem>>, vector<16xf32>,
        %get3A_359 = arith.index_cast %add3A_314 : i32 to index
        %get3A_360 = arith.constant 96 : index
        %get3A_361 = tpu.vector_load %arg17[%get3A_359, %get3A_360] {strides = array<i32>} : memref<128x128xf32, #tpu.memory_space<vmem>>, vector<16xf32>,
        %mul3A_362 = arith.mulf %get3A_361, %gather3A_316 : vector<16xf32>
        %swap3A_363 = arith.index_cast %add3A_314 : i32 to index
        %swap3A_364 = arith.constant 96 : index
        %swap3A_365 = tpu.vector_load %arg17[%swap3A_363, %swap3A_364] {strides = array<i32>} : memref<128x128xf32, #tpu.memory_space<vmem>>, vector<16xf32>,
        tpu.vector_store %arg17[%swap3A_363, %swap3A_364], %mul3A_362 {strides = array<i32>} : memref<128x128xf32, #tpu.memory_space<vmem>>, vector<16xf32>,
        %get3A_366 = arith.index_cast %add3A_314 : i32 to index
        %get3A_367 = arith.constant 112 : index
        %get3A_368 = tpu.vector_load %arg17[%get3A_366, %get3A_367] {strides = array<i32>} : memref<128x128xf32, #tpu.memory_space<vmem>>, vector<16xf32>,
        %mul3A_369 = arith.mulf %get3A_368, %gather3A_316 : vector<16xf32>
        %swap3A_370 = arith.index_cast %add3A_314 : i32 to index
        %swap3A_371 = arith.constant 112 : index
        %swap3A_372 = tpu.vector_load %arg17[%swap3A_370, %swap3A_371] {strides = array<i32>} : memref<128x128xf32, #tpu.memory_space<vmem>>, vector<16xf32>,
        tpu.vector_store %arg17[%swap3A_370, %swap3A_371], %mul3A_369 {strides = array<i32>} : memref<128x128xf32, #tpu.memory_space<vmem>>, vector<16xf32>,
      }
      %scan3A_111 = arith.constant 128 : i32
      %dma_start3A_112 = arith.constant 0 : i32
      %dma_start3A_113 = arith.constant 0 : i32
      %dma_start3A_114 = tpu.memref_slice %arg25[%dma_start3A_112, %dma_start3A_113] : memref<10240x128xf32, #tpu.memory_space<vmem_shared>> -> memref<10240x128xf32, #tpu.memory_space<vmem_shared>>
      tpu.enqueue_indirect_dma source(%arg17 : memref<128x128xf32, #tpu.memory_space<vmem>>) target(%dma_start3A_114 : memref<10240x128xf32, #tpu.memory_space<vmem_shared>>) offsets(%arg10 : memref<128xi32, #tpu.memory_space<vmem>>) semaphore(%arg23 : memref<!tpu.dma_semaphore, #tpu.memory_space<semaphore_mem>>) {add = true}
      %add3A_115 = arith.constant 2 : i32
      %add3A_116 = arith.addi %add3A_103, %add3A_115 : i32
      %lt3A_117 = arith.constant 78 : i32
      %lt3A_118 = arith.cmpi slt, %add3A_116, %lt3A_117 : i32
      %convert_element_type3A_119 = arith.extui %lt3A_118 : i1 to i32
      %cond3A_120 = arith.constant 0 : i32
      %cond3A_121 = arith.cmpi ne, %convert_element_type3A_119, %cond3A_120 : i32
      scf.if %cond3A_121 {
        %add3A_122 = arith.constant 2 : i32
        %add3A_123 = arith.addi %add3A_103, %add3A_122 : i32
        %dma_wait3A_124 = arith.constant 0 : i32
        %dma_wait3A_125 = arith.constant 0 : i32
        %dma_wait3A_126 = tpu.memref_slice %arg25[%dma_wait3A_124, %dma_wait3A_125] : memref<10240x128xf32, #tpu.memory_space<vmem_shared>> -> memref<10240x128xf32, #tpu.memory_space<vmem_shared>>
        tpu.wait_indirect_dma semaphore(%arg23 : memref<!tpu.dma_semaphore, #tpu.memory_space<semaphore_mem>>) src(%arg17 : memref<128x128xf32, #tpu.memory_space<vmem>>) dst(%dma_wait3A_126 : memref<10240x128xf32, #tpu.memory_space<vmem_shared>>)
        %mul3A_127 = arith.constant 128 : i32
        %mul3A_128 = arith.muli %add3A_123, %mul3A_127 : i32
        %add3A_129 = arith.addi %mul3A_2, %mul3A_128 : i32
        %dma_start3A_130 = tpu.memref_slice %arg3[%add3A_129] : memref<320000xi32, #tpu.memory_space<hbm>> -> memref<128xi32, #tpu.memory_space<hbm>>
        %dma_start3A_131 = tpu.memref_slice %arg3[%add3A_129] : memref<320000xi32, #tpu.memory_space<hbm>> -> memref<128xi32, #tpu.memory_space<hbm>>
        tpu.enqueue_dma source(%dma_start3A_131 : memref<128xi32, #tpu.memory_space<hbm>>) target(%arg8 : memref<128xi32, #tpu.memory_space<vmem>>) target_semaphore(%arg19 : memref<!tpu.dma_semaphore, #tpu.memory_space<semaphore_mem>>)
        %dma_start3A_132 = tpu.memref_slice %arg4[%add3A_129] : memref<320000xi32, #tpu.memory_space<hbm>> -> memref<128xi32, #tpu.memory_space<hbm>>
        %dma_start3A_133 = tpu.memref_slice %arg4[%add3A_129] : memref<320000xi32, #tpu.memory_space<hbm>> -> memref<128xi32, #tpu.memory_space<hbm>>
        tpu.enqueue_dma source(%dma_start3A_133 : memref<128xi32, #tpu.memory_space<hbm>>) target(%arg10 : memref<128xi32, #tpu.memory_space<vmem>>) target_semaphore(%arg19 : memref<!tpu.dma_semaphore, #tpu.memory_space<semaphore_mem>>)
        %dma_start3A_134 = tpu.memref_slice %arg5[%add3A_129] : memref<320000xf32, #tpu.memory_space<hbm>> -> memref<128xf32, #tpu.memory_space<hbm>>
        %dma_start3A_135 = tpu.memref_slice %arg5[%add3A_129] : memref<320000xf32, #tpu.memory_space<hbm>> -> memref<128xf32, #tpu.memory_space<hbm>>
        tpu.enqueue_dma source(%dma_start3A_135 : memref<128xf32, #tpu.memory_space<hbm>>) target(%arg12 : memref<128xf32, #tpu.memory_space<vmem>>) target_semaphore(%arg19 : memref<!tpu.dma_semaphore, #tpu.memory_space<semaphore_mem>>)
        %dma_wait3A_136 = tpu.memref_slice %arg3[%add3A_129] : memref<320000xi32, #tpu.memory_space<hbm>> -> memref<128xi32, #tpu.memory_space<hbm>>
        %dma_wait3A_137 = tpu.memref_slice %arg3[%add3A_129] : memref<320000xi32, #tpu.memory_space<hbm>> -> memref<128xi32, #tpu.memory_space<hbm>>
        tpu.wait_dma2 semaphore(%arg19 : memref<!tpu.dma_semaphore, #tpu.memory_space<semaphore_mem>>) src(%dma_wait3A_137 : memref<128xi32, #tpu.memory_space<hbm>>) dst(%arg8 : memref<128xi32, #tpu.memory_space<vmem>>)
        %dma_wait3A_138 = tpu.memref_slice %arg4[%add3A_129] : memref<320000xi32, #tpu.memory_space<hbm>> -> memref<128xi32, #tpu.memory_space<hbm>>
        %dma_wait3A_139 = tpu.memref_slice %arg4[%add3A_129] : memref<320000xi32, #tpu.memory_space<hbm>> -> memref<128xi32, #tpu.memory_space<hbm>>
        tpu.wait_dma2 semaphore(%arg19 : memref<!tpu.dma_semaphore, #tpu.memory_space<semaphore_mem>>) src(%dma_wait3A_139 : memref<128xi32, #tpu.memory_space<hbm>>) dst(%arg10 : memref<128xi32, #tpu.memory_space<vmem>>)
        %dma_wait3A_140 = tpu.memref_slice %arg5[%add3A_129] : memref<320000xf32, #tpu.memory_space<hbm>> -> memref<128xf32, #tpu.memory_space<hbm>>
        %dma_wait3A_141 = tpu.memref_slice %arg5[%add3A_129] : memref<320000xf32, #tpu.memory_space<hbm>> -> memref<128xf32, #tpu.memory_space<hbm>>
        tpu.wait_dma2 semaphore(%arg19 : memref<!tpu.dma_semaphore, #tpu.memory_space<semaphore_mem>>) src(%dma_wait3A_141 : memref<128xf32, #tpu.memory_space<hbm>>) dst(%arg12 : memref<128xf32, #tpu.memory_space<vmem>>)
        %dma_start3A_142 = arith.constant 0 : i32
        %dma_start3A_143 = arith.constant 0 : i32
        %dma_start3A_144 = tpu.memref_slice %arg2[%dma_start3A_142, %dma_start3A_143] : memref<10000x128xf32, #tpu.memory_space<hbm>> -> memref<10000x128xf32, #tpu.memory_space<hbm>>
        tpu.enqueue_indirect_dma source(%dma_start3A_144 : memref<10000x128xf32, #tpu.memory_space<hbm>>) target(%arg17 : memref<128x128xf32, #tpu.memory_space<vmem>>) offsets(%arg8 : memref<128xi32, #tpu.memory_space<vmem>>) semaphore(%arg21 : memref<!tpu.dma_semaphore, #tpu.memory_space<semaphore_mem>>)
      } else {
      }
    }
    %scan3A_48 = arith.constant 39 : i32
    %dma_wait3A_49 = arith.constant 0 : i32
    %dma_wait3A_50 = arith.constant 0 : i32
    %dma_wait3A_51 = tpu.memref_slice %arg25[%dma_wait3A_49, %dma_wait3A_50] : memref<10240x128xf32, #tpu.memory_space<vmem_shared>> -> memref<10240x128xf32, #tpu.memory_space<vmem_shared>>
    tpu.wait_indirect_dma semaphore(%arg22 : memref<!tpu.dma_semaphore, #tpu.memory_space<semaphore_mem>>) src(%arg16 : memref<128x128xf32, #tpu.memory_space<vmem>>) dst(%dma_wait3A_51 : memref<10240x128xf32, #tpu.memory_space<vmem_shared>>)
    %dma_wait3A_52 = arith.constant 0 : i32
    %dma_wait3A_53 = arith.constant 0 : i32
    %dma_wait3A_54 = tpu.memref_slice %arg25[%dma_wait3A_52, %dma_wait3A_53] : memref<10240x128xf32, #tpu.memory_space<vmem_shared>> -> memref<10240x128xf32, #tpu.memory_space<vmem_shared>>
    tpu.wait_indirect_dma semaphore(%arg23 : memref<!tpu.dma_semaphore, #tpu.memory_space<semaphore_mem>>) src(%arg17 : memref<128x128xf32, #tpu.memory_space<vmem>>) dst(%dma_wait3A_54 : memref<10240x128xf32, #tpu.memory_space<vmem_shared>>)
    %add3A_55 = arith.constant 9984 : i32
    %add3A_56 = arith.addi %mul3A_2, %add3A_55 : i32
    "tpu.region"() ({
      %run_scoped3A = tpu.sem_alloc : memref<!tpu.dma_semaphore, #tpu.memory_space<semaphore_mem>>
      %dma_start3A_80 = tpu.memref_slice %arg3[%add3A_56] : memref<320000xi32, #tpu.memory_space<hbm>> -> memref<16xi32, #tpu.memory_space<hbm>>
      %dma_start3A_81 = tpu.memref_slice %arg3[%add3A_56] : memref<320000xi32, #tpu.memory_space<hbm>> -> memref<16xi32, #tpu.memory_space<hbm>>
      tpu.enqueue_dma source(%dma_start3A_81 : memref<16xi32, #tpu.memory_space<hbm>>) target(%arg13 : memref<16xi32, #tpu.memory_space<vmem>>) target_semaphore(%run_scoped3A : memref<!tpu.dma_semaphore, #tpu.memory_space<semaphore_mem>>)
      %dma_wait3A_82 = tpu.memref_slice %arg3[%add3A_56] : memref<320000xi32, #tpu.memory_space<hbm>> -> memref<16xi32, #tpu.memory_space<hbm>>
      %dma_wait3A_83 = tpu.memref_slice %arg3[%add3A_56] : memref<320000xi32, #tpu.memory_space<hbm>> -> memref<16xi32, #tpu.memory_space<hbm>>
      tpu.wait_dma2 semaphore(%run_scoped3A : memref<!tpu.dma_semaphore, #tpu.memory_space<semaphore_mem>>) src(%dma_wait3A_83 : memref<16xi32, #tpu.memory_space<hbm>>) dst(%arg13 : memref<16xi32, #tpu.memory_space<vmem>>)
      tpu.yield
    }) : () -> ()
    "tpu.region"() ({
      %run_scoped3A = tpu.sem_alloc : memref<!tpu.dma_semaphore, #tpu.memory_space<semaphore_mem>>
      %dma_start3A_80 = tpu.memref_slice %arg4[%add3A_56] : memref<320000xi32, #tpu.memory_space<hbm>> -> memref<16xi32, #tpu.memory_space<hbm>>
      %dma_start3A_81 = tpu.memref_slice %arg4[%add3A_56] : memref<320000xi32, #tpu.memory_space<hbm>> -> memref<16xi32, #tpu.memory_space<hbm>>
      tpu.enqueue_dma source(%dma_start3A_81 : memref<16xi32, #tpu.memory_space<hbm>>) target(%arg14 : memref<16xi32, #tpu.memory_space<vmem>>) target_semaphore(%run_scoped3A : memref<!tpu.dma_semaphore, #tpu.memory_space<semaphore_mem>>)
      %dma_wait3A_82 = tpu.memref_slice %arg4[%add3A_56] : memref<320000xi32, #tpu.memory_space<hbm>> -> memref<16xi32, #tpu.memory_space<hbm>>
      %dma_wait3A_83 = tpu.memref_slice %arg4[%add3A_56] : memref<320000xi32, #tpu.memory_space<hbm>> -> memref<16xi32, #tpu.memory_space<hbm>>
      tpu.wait_dma2 semaphore(%run_scoped3A : memref<!tpu.dma_semaphore, #tpu.memory_space<semaphore_mem>>) src(%dma_wait3A_83 : memref<16xi32, #tpu.memory_space<hbm>>) dst(%arg14 : memref<16xi32, #tpu.memory_space<vmem>>)
      tpu.yield
    }) : () -> ()
    "tpu.region"() ({
      %run_scoped3A = tpu.sem_alloc : memref<!tpu.dma_semaphore, #tpu.memory_space<semaphore_mem>>
      %dma_start3A_80 = tpu.memref_slice %arg5[%add3A_56] : memref<320000xf32, #tpu.memory_space<hbm>> -> memref<16xf32, #tpu.memory_space<hbm>>
      %dma_start3A_81 = tpu.memref_slice %arg5[%add3A_56] : memref<320000xf32, #tpu.memory_space<hbm>> -> memref<16xf32, #tpu.memory_space<hbm>>
      tpu.enqueue_dma source(%dma_start3A_81 : memref<16xf32, #tpu.memory_space<hbm>>) target(%arg15 : memref<16xf32, #tpu.memory_space<vmem>>) target_semaphore(%run_scoped3A : memref<!tpu.dma_semaphore, #tpu.memory_space<semaphore_mem>>)
      %dma_wait3A_82 = tpu.memref_slice %arg5[%add3A_56] : memref<320000xf32, #tpu.memory_space<hbm>> -> memref<16xf32, #tpu.memory_space<hbm>>
      %dma_wait3A_83 = tpu.memref_slice %arg5[%add3A_56] : memref<320000xf32, #tpu.memory_space<hbm>> -> memref<16xf32, #tpu.memory_space<hbm>>
      tpu.wait_dma2 semaphore(%run_scoped3A : memref<!tpu.dma_semaphore, #tpu.memory_space<semaphore_mem>>) src(%dma_wait3A_83 : memref<16xf32, #tpu.memory_space<hbm>>) dst(%arg15 : memref<16xf32, #tpu.memory_space<vmem>>)
      tpu.yield
    }) : () -> ()
    %dma_start3A_57 = arith.constant 0 : i32
    %dma_start3A_58 = arith.constant 0 : i32
    %dma_start3A_59 = tpu.memref_slice %arg16[%dma_start3A_57, %dma_start3A_58] : memref<128x128xf32, #tpu.memory_space<vmem>> -> memref<16x128xf32, #tpu.memory_space<vmem>>
    %dma_start3A_60 = arith.constant 0 : i32
    %dma_start3A_61 = arith.constant 0 : i32
    %dma_start3A_62 = tpu.memref_slice %arg2[%dma_start3A_60, %dma_start3A_61] : memref<10000x128xf32, #tpu.memory_space<hbm>> -> memref<10000x128xf32, #tpu.memory_space<hbm>>
    tpu.enqueue_indirect_dma source(%dma_start3A_62 : memref<10000x128xf32, #tpu.memory_space<hbm>>) target(%dma_start3A_59 : memref<16x128xf32, #tpu.memory_space<vmem>>) offsets(%arg13 : memref<16xi32, #tpu.memory_space<vmem>>) semaphore(%arg24 : memref<!tpu.dma_semaphore, #tpu.memory_space<semaphore_mem>>)
    %dma_wait3A_63 = arith.constant 0 : i32
    %dma_wait3A_64 = arith.constant 0 : i32
    %dma_wait3A_65 = tpu.memref_slice %arg16[%dma_wait3A_63, %dma_wait3A_64] : memref<128x128xf32, #tpu.memory_space<vmem>> -> memref<16x128xf32, #tpu.memory_space<vmem>>
    %dma_wait3A_66 = arith.constant 0 : i32
    %dma_wait3A_67 = arith.constant 0 : i32
    %dma_wait3A_68 = tpu.memref_slice %arg2[%dma_wait3A_66, %dma_wait3A_67] : memref<10000x128xf32, #tpu.memory_space<hbm>> -> memref<10000x128xf32, #tpu.memory_space<hbm>>
    tpu.wait_indirect_dma semaphore(%arg24 : memref<!tpu.dma_semaphore, #tpu.memory_space<semaphore_mem>>) src(%dma_wait3A_68 : memref<10000x128xf32, #tpu.memory_space<hbm>>) dst(%dma_wait3A_65 : memref<16x128xf32, #tpu.memory_space<vmem>>)
    %scan3A_69 = arith.constant 0 : i32
    %scan3A_70 = arith.constant 16 : i32
    %scan3A_71 = arith.addi %scan3A_69, %scan3A_70 : i32
    %scan3A_72 = arith.constant 1 : i32
    scf.for %scan3A_80 = %scan3A_69 to %scan3A_71 step %scan3A_72  : i32 {
      %mul3A_81 = arith.constant 1 : i32
      %mul3A_82 = arith.muli %scan3A_80, %mul3A_81 : i32
      %add3A_83 = arith.constant 0 : i32
      %add3A_84 = arith.addi %add3A_83, %mul3A_82 : i32
      %broadcast_in_dim3A = vector.broadcast %add3A_84 : i32 to vector<16xi32>
      %gather3A = tpu.vector_load_idx %arg15[%broadcast_in_dim3A] : memref<16xf32, #tpu.memory_space<vmem>>[vector<16xi32>], vector<16xf32>,
      %get3A = arith.index_cast %add3A_84 : i32 to index
      %get3A_85 = arith.constant 0 : index
      %get3A_86 = tpu.vector_load %arg16[%get3A, %get3A_85] {strides = array<i32>} : memref<128x128xf32, #tpu.memory_space<vmem>>, vector<16xf32>,
      %mul3A_87 = arith.mulf %get3A_86, %gather3A : vector<16xf32>
      %swap3A = arith.index_cast %add3A_84 : i32 to index
      %swap3A_88 = arith.constant 0 : index
      %swap3A_89 = tpu.vector_load %arg16[%swap3A, %swap3A_88] {strides = array<i32>} : memref<128x128xf32, #tpu.memory_space<vmem>>, vector<16xf32>,
      tpu.vector_store %arg16[%swap3A, %swap3A_88], %mul3A_87 {strides = array<i32>} : memref<128x128xf32, #tpu.memory_space<vmem>>, vector<16xf32>,
      %get3A_90 = arith.index_cast %add3A_84 : i32 to index
      %get3A_91 = arith.constant 16 : index
      %get3A_92 = tpu.vector_load %arg16[%get3A_90, %get3A_91] {strides = array<i32>} : memref<128x128xf32, #tpu.memory_space<vmem>>, vector<16xf32>,
      %mul3A_93 = arith.mulf %get3A_92, %gather3A : vector<16xf32>
      %swap3A_94 = arith.index_cast %add3A_84 : i32 to index
      %swap3A_95 = arith.constant 16 : index
      %swap3A_96 = tpu.vector_load %arg16[%swap3A_94, %swap3A_95] {strides = array<i32>} : memref<128x128xf32, #tpu.memory_space<vmem>>, vector<16xf32>,
      tpu.vector_store %arg16[%swap3A_94, %swap3A_95], %mul3A_93 {strides = array<i32>} : memref<128x128xf32, #tpu.memory_space<vmem>>, vector<16xf32>,
      %get3A_97 = arith.index_cast %add3A_84 : i32 to index
      %get3A_98 = arith.constant 32 : index
      %get3A_99 = tpu.vector_load %arg16[%get3A_97, %get3A_98] {strides = array<i32>} : memref<128x128xf32, #tpu.memory_space<vmem>>, vector<16xf32>,
      %mul3A_100 = arith.mulf %get3A_99, %gather3A : vector<16xf32>
      %swap3A_101 = arith.index_cast %add3A_84 : i32 to index
      %swap3A_102 = arith.constant 32 : index
      %swap3A_103 = tpu.vector_load %arg16[%swap3A_101, %swap3A_102] {strides = array<i32>} : memref<128x128xf32, #tpu.memory_space<vmem>>, vector<16xf32>,
      tpu.vector_store %arg16[%swap3A_101, %swap3A_102], %mul3A_100 {strides = array<i32>} : memref<128x128xf32, #tpu.memory_space<vmem>>, vector<16xf32>,
      %get3A_104 = arith.index_cast %add3A_84 : i32 to index
      %get3A_105 = arith.constant 48 : index
      %get3A_106 = tpu.vector_load %arg16[%get3A_104, %get3A_105] {strides = array<i32>} : memref<128x128xf32, #tpu.memory_space<vmem>>, vector<16xf32>,
      %mul3A_107 = arith.mulf %get3A_106, %gather3A : vector<16xf32>
      %swap3A_108 = arith.index_cast %add3A_84 : i32 to index
      %swap3A_109 = arith.constant 48 : index
      %swap3A_110 = tpu.vector_load %arg16[%swap3A_108, %swap3A_109] {strides = array<i32>} : memref<128x128xf32, #tpu.memory_space<vmem>>, vector<16xf32>,
      tpu.vector_store %arg16[%swap3A_108, %swap3A_109], %mul3A_107 {strides = array<i32>} : memref<128x128xf32, #tpu.memory_space<vmem>>, vector<16xf32>,
      %get3A_111 = arith.index_cast %add3A_84 : i32 to index
      %get3A_112 = arith.constant 64 : index
      %get3A_113 = tpu.vector_load %arg16[%get3A_111, %get3A_112] {strides = array<i32>} : memref<128x128xf32, #tpu.memory_space<vmem>>, vector<16xf32>,
      %mul3A_114 = arith.mulf %get3A_113, %gather3A : vector<16xf32>
      %swap3A_115 = arith.index_cast %add3A_84 : i32 to index
      %swap3A_116 = arith.constant 64 : index
      %swap3A_117 = tpu.vector_load %arg16[%swap3A_115, %swap3A_116] {strides = array<i32>} : memref<128x128xf32, #tpu.memory_space<vmem>>, vector<16xf32>,
      tpu.vector_store %arg16[%swap3A_115, %swap3A_116], %mul3A_114 {strides = array<i32>} : memref<128x128xf32, #tpu.memory_space<vmem>>, vector<16xf32>,
      %get3A_118 = arith.index_cast %add3A_84 : i32 to index
      %get3A_119 = arith.constant 80 : index
      %get3A_120 = tpu.vector_load %arg16[%get3A_118, %get3A_119] {strides = array<i32>} : memref<128x128xf32, #tpu.memory_space<vmem>>, vector<16xf32>,
      %mul3A_121 = arith.mulf %get3A_120, %gather3A : vector<16xf32>
      %swap3A_122 = arith.index_cast %add3A_84 : i32 to index
      %swap3A_123 = arith.constant 80 : index
      %swap3A_124 = tpu.vector_load %arg16[%swap3A_122, %swap3A_123] {strides = array<i32>} : memref<128x128xf32, #tpu.memory_space<vmem>>, vector<16xf32>,
      tpu.vector_store %arg16[%swap3A_122, %swap3A_123], %mul3A_121 {strides = array<i32>} : memref<128x128xf32, #tpu.memory_space<vmem>>, vector<16xf32>,
      %get3A_125 = arith.index_cast %add3A_84 : i32 to index
      %get3A_126 = arith.constant 96 : index
      %get3A_127 = tpu.vector_load %arg16[%get3A_125, %get3A_126] {strides = array<i32>} : memref<128x128xf32, #tpu.memory_space<vmem>>, vector<16xf32>,
      %mul3A_128 = arith.mulf %get3A_127, %gather3A : vector<16xf32>
      %swap3A_129 = arith.index_cast %add3A_84 : i32 to index
      %swap3A_130 = arith.constant 96 : index
      %swap3A_131 = tpu.vector_load %arg16[%swap3A_129, %swap3A_130] {strides = array<i32>} : memref<128x128xf32, #tpu.memory_space<vmem>>, vector<16xf32>,
      tpu.vector_store %arg16[%swap3A_129, %swap3A_130], %mul3A_128 {strides = array<i32>} : memref<128x128xf32, #tpu.memory_space<vmem>>, vector<16xf32>,
      %get3A_132 = arith.index_cast %add3A_84 : i32 to index
      %get3A_133 = arith.constant 112 : index
      %get3A_134 = tpu.vector_load %arg16[%get3A_132, %get3A_133] {strides = array<i32>} : memref<128x128xf32, #tpu.memory_space<vmem>>, vector<16xf32>,
      %mul3A_135 = arith.mulf %get3A_134, %gather3A : vector<16xf32>
      %swap3A_136 = arith.index_cast %add3A_84 : i32 to index
      %swap3A_137 = arith.constant 112 : index
      %swap3A_138 = tpu.vector_load %arg16[%swap3A_136, %swap3A_137] {strides = array<i32>} : memref<128x128xf32, #tpu.memory_space<vmem>>, vector<16xf32>,
      tpu.vector_store %arg16[%swap3A_136, %swap3A_137], %mul3A_135 {strides = array<i32>} : memref<128x128xf32, #tpu.memory_space<vmem>>, vector<16xf32>,
    }
    %scan3A_73 = arith.constant 16 : i32
    "tpu.region"() ({
      %run_scoped3A = tpu.sem_alloc : memref<!tpu.dma_semaphore, #tpu.memory_space<semaphore_mem>>
      %dma_start3A_80 = arith.constant 0 : i32
      %dma_start3A_81 = arith.constant 0 : i32
      %dma_start3A_82 = tpu.memref_slice %arg16[%dma_start3A_80, %dma_start3A_81] : memref<128x128xf32, #tpu.memory_space<vmem>> -> memref<16x128xf32, #tpu.memory_space<vmem>>
      %dma_start3A_83 = arith.constant 0 : i32
      %dma_start3A_84 = arith.constant 0 : i32
      %dma_start3A_85 = tpu.memref_slice %arg25[%dma_start3A_83, %dma_start3A_84] : memref<10240x128xf32, #tpu.memory_space<vmem_shared>> -> memref<10240x128xf32, #tpu.memory_space<vmem_shared>>
      tpu.enqueue_indirect_dma source(%dma_start3A_82 : memref<16x128xf32, #tpu.memory_space<vmem>>) target(%dma_start3A_85 : memref<10240x128xf32, #tpu.memory_space<vmem_shared>>) offsets(%arg14 : memref<16xi32, #tpu.memory_space<vmem>>) semaphore(%run_scoped3A : memref<!tpu.dma_semaphore, #tpu.memory_space<semaphore_mem>>) {add = true}
      %dma_wait3A_86 = arith.constant 0 : i32
      %dma_wait3A_87 = arith.constant 0 : i32
      %dma_wait3A_88 = tpu.memref_slice %arg16[%dma_wait3A_86, %dma_wait3A_87] : memref<128x128xf32, #tpu.memory_space<vmem>> -> memref<16x128xf32, #tpu.memory_space<vmem>>
      %dma_wait3A_89 = arith.constant 0 : i32
      %dma_wait3A_90 = arith.constant 0 : i32
      %dma_wait3A_91 = tpu.memref_slice %arg25[%dma_wait3A_89, %dma_wait3A_90] : memref<10240x128xf32, #tpu.memory_space<vmem_shared>> -> memref<10240x128xf32, #tpu.memory_space<vmem_shared>>
      tpu.wait_indirect_dma semaphore(%run_scoped3A : memref<!tpu.dma_semaphore, #tpu.memory_space<semaphore_mem>>) src(%dma_wait3A_88 : memref<16x128xf32, #tpu.memory_space<vmem>>) dst(%dma_wait3A_91 : memref<10240x128xf32, #tpu.memory_space<vmem_shared>>)
      tpu.yield
    }) : () -> ()
    %barrier3A_74 = arith.constant 0 : index
    tpu.barrier barrier_id(%barrier3A_74)
    %scan3A_75 = arith.constant 0 : i32
    %scan3A_76 = arith.constant 5 : i32
    %scan3A_77 = arith.addi %scan3A_75, %scan3A_76 : i32
    %scan3A_78 = arith.constant 1 : i32
    scf.for %scan3A_80 = %scan3A_75 to %scan3A_77 step %scan3A_78  : i32 {
      %mul3A_81 = arith.constant 1 : i32
      %mul3A_82 = arith.muli %scan3A_80, %mul3A_81 : i32
      %add3A_83 = arith.constant 0 : i32
      %add3A_84 = arith.addi %add3A_83, %mul3A_82 : i32
      %mul3A_85 = arith.constant 640 : i32
      %mul3A_86 = arith.muli %arg1, %mul3A_85 : i32
      %mul3A_87 = arith.constant 128 : i32
      %mul3A_88 = arith.muli %add3A_84, %mul3A_87 : i32
      %add3A_89 = arith.addi %mul3A_86, %mul3A_88 : i32
      "tpu.region"() ({
        %run_scoped3A = tpu.sem_alloc : memref<!tpu.dma_semaphore, #tpu.memory_space<semaphore_mem>>
        %dma_start3A_90 = arith.constant 0 : i32
        %dma_start3A_91 = tpu.memref_slice %arg6[%arg0, %add3A_89, %dma_start3A_90] : memref<2x10240x128xf32, #tpu.memory_space<hbm>> -> memref<1x128x128xf32, #tpu.memory_space<hbm>>
        %dma_start3A_92 = tpu.memref_squeeze %dma_start3A_91 : memref<1x128x128xf32, #tpu.memory_space<hbm>> -> memref<128x128xf32, #tpu.memory_space<hbm>>
        %dma_start3A_93 = arith.constant 0 : i32
        %dma_start3A_94 = tpu.memref_slice %arg25[%add3A_89, %dma_start3A_93] : memref<10240x128xf32, #tpu.memory_space<vmem_shared>> -> memref<128x128xf32, #tpu.memory_space<vmem_shared>>
        tpu.enqueue_dma source(%dma_start3A_94 : memref<128x128xf32, #tpu.memory_space<vmem_shared>>) target(%dma_start3A_92 : memref<128x128xf32, #tpu.memory_space<hbm>>) target_semaphore(%run_scoped3A : memref<!tpu.dma_semaphore, #tpu.memory_space<semaphore_mem>>)
        %dma_wait3A_95 = arith.constant 0 : i32
        %dma_wait3A_96 = tpu.memref_slice %arg6[%arg0, %add3A_89, %dma_wait3A_95] : memref<2x10240x128xf32, #tpu.memory_space<hbm>> -> memref<1x128x128xf32, #tpu.memory_space<hbm>>
        %dma_wait3A_97 = tpu.memref_squeeze %dma_wait3A_96 : memref<1x128x128xf32, #tpu.memory_space<hbm>> -> memref<128x128xf32, #tpu.memory_space<hbm>>
        %dma_wait3A_98 = arith.constant 0 : i32
        %dma_wait3A_99 = tpu.memref_slice %arg25[%add3A_89, %dma_wait3A_98] : memref<10240x128xf32, #tpu.memory_space<vmem_shared>> -> memref<128x128xf32, #tpu.memory_space<vmem_shared>>
        tpu.wait_dma2 semaphore(%run_scoped3A : memref<!tpu.dma_semaphore, #tpu.memory_space<semaphore_mem>>) src(%dma_wait3A_99 : memref<128x128xf32, #tpu.memory_space<vmem_shared>>) dst(%dma_wait3A_97 : memref<128x128xf32, #tpu.memory_space<hbm>>)
        tpu.yield
      }) : () -> ()
    }
    %scan3A_79 = arith.constant 5 : i32
    return
  }
}

module attributes {stable_mosaic.version = 14 : i64} {
  func.func @_tc_stage1_body(%arg0: memref<2x10000x1xf32, #tpu.memory_space<vmem>>, %arg1: memref<10000x128xf32, #tpu.memory_space<vmem>>, %arg2: memref<128x128xf32, #tpu.memory_space<vmem>>, %arg3: memref<10000x128xf32, #tpu.memory_space<vmem>>, %arg4: memref<10000x1xf32, #tpu.memory_space<vmem>>) attributes {dimension_semantics = [], scalar_prefetch = 0 : i64, scratch_operands = 0 : i64, tpu.core_type = #tpu.core_type<tc>} {
    %get3A = arith.constant 0 : index
    %get3A_0 = arith.constant 0 : index
    %get3A_1 = arith.constant 0 : index
    %get3A_2 = vector.load %arg0[%get3A, %get3A_0, %get3A_1] : memref<2x10000x1xf32, #tpu.memory_space<vmem>>, vector<1x10000x1xf32>
    %get3A_3 = vector.shape_cast %get3A_2 : vector<1x10000x1xf32> to vector<10000x1xf32>
    %get3A_4 = arith.constant 1 : index
    %get3A_5 = arith.constant 0 : index
    %get3A_6 = arith.constant 0 : index
    %get3A_7 = vector.load %arg0[%get3A_4, %get3A_5, %get3A_6] : memref<2x10000x1xf32, #tpu.memory_space<vmem>>, vector<1x10000x1xf32>
    %get3A_8 = vector.shape_cast %get3A_7 : vector<1x10000x1xf32> to vector<10000x1xf32>
    %add3A = arith.addf %get3A_3, %get3A_8 : vector<10000x1xf32>
    %add3A_9 = arith.constant 1.000000e+00 : f32
    %add3A_10 = vector.broadcast %add3A_9 : f32 to vector<10000x1xf32>
    %add3A_11 = arith.addf %add3A, %add3A_10 : vector<10000x1xf32>
    %gt3A = arith.constant 0.000000e+00 : f32
    %gt3A_12 = vector.broadcast %gt3A : f32 to vector<10000x1xf32>
    %gt3A_13 = arith.cmpf ogt, %add3A_11, %gt3A_12 : vector<10000x1xf32>
    %max3A = arith.constant 9.99999996E-13 : f32
    %max3A_14 = vector.broadcast %max3A : f32 to vector<10000x1xf32>
    %max3A_15 = arith.maximumf %add3A_11, %max3A_14 : vector<10000x1xf32>
    %rsqrt3A = math.rsqrt %max3A_15 : vector<10000x1xf32>
    %jit3A = arith.constant 0.000000e+00 : f32
    %broadcast_in_dim3A = vector.broadcast %jit3A : f32 to vector<10000x1xf32>
    %select_n3A = arith.select %gt3A_13, %rsqrt3A, %broadcast_in_dim3A : vector<10000x1xi1>, vector<10000x1xf32>
    %get3A_16 = arith.constant 0 : index
    %get3A_17 = arith.constant 0 : index
    %get3A_18 = vector.load %arg1[%get3A_16, %get3A_17] : memref<10000x128xf32, #tpu.memory_space<vmem>>, vector<10000x128xf32>
    %get3A_19 = arith.constant 0 : index
    %get3A_20 = arith.constant 0 : index
    %get3A_21 = vector.load %arg2[%get3A_19, %get3A_20] : memref<128x128xf32, #tpu.memory_space<vmem>>, vector<128x128xf32>
    %dot_general3A = arith.constant dense<0.000000e+00> : vector<10000x128xf32>
    %dot_general3A_22 = tpu.matmul %get3A_18, %get3A_21, %dot_general3A {dimension_numbers = #tpu.dot_dimension_numbers<[1], [0], [0], [1], [0, 0, 1, 1], [], []>, transpose_lhs_hint = false} : vector<10000x128xf32>, vector<128x128xf32>, vector<10000x128xf32> -> vector<10000x128xf32>
    %mul3A = vector.broadcast %select_n3A : vector<10000x1xf32> to vector<10000x128xf32>
    %mul3A_23 = arith.mulf %dot_general3A_22, %mul3A : vector<10000x128xf32>
    %swap3A = arith.constant 0 : index
    %swap3A_24 = arith.constant 0 : index
    %swap3A_25 = vector.load %arg3[%swap3A, %swap3A_24] : memref<10000x128xf32, #tpu.memory_space<vmem>>, vector<10000x128xf32>
    tpu.vector_store %arg3[%swap3A, %swap3A_24], %mul3A_23 {strides = array<i32>} : memref<10000x128xf32, #tpu.memory_space<vmem>>, vector<10000x128xf32>,
    %swap3A_26 = arith.constant 0 : index
    %swap3A_27 = arith.constant 0 : index
    %swap3A_28 = vector.load %arg4[%swap3A_26, %swap3A_27] : memref<10000x1xf32, #tpu.memory_space<vmem>>, vector<10000x1xf32>
    tpu.vector_store %arg4[%swap3A_26, %swap3A_27], %select_n3A {strides = array<i32>} : memref<10000x1xf32, #tpu.memory_space<vmem>>, vector<10000x1xf32>,
    return
  }
}

module attributes {stable_mosaic.version = 14 : i64} {
  func.func @_tc_stage2_body(%arg0: memref<2x10240x128xf32, #tpu.memory_space<vmem>>, %arg1: memref<10000x128xf32, #tpu.memory_space<vmem>>, %arg2: memref<10000x1xf32, #tpu.memory_space<vmem>>, %arg3: memref<1x128xf32, #tpu.memory_space<vmem>>, %arg4: memref<128x128xf32, #tpu.memory_space<vmem>>, %arg5: memref<10000x128xf32, #tpu.memory_space<vmem>>) attributes {dimension_semantics = [], scalar_prefetch = 0 : i64, scratch_operands = 0 : i64, tpu.core_type = #tpu.core_type<tc>} {
    %get3A = arith.constant 0 : index
    %get3A_0 = arith.constant 0 : index
    %get3A_1 = vector.load %arg2[%get3A, %get3A_0] : memref<10000x1xf32, #tpu.memory_space<vmem>>, vector<10000x1xf32>
    %get3A_2 = arith.constant 0 : index
    %get3A_3 = arith.constant 0 : index
    %get3A_4 = arith.constant 0 : index
    %get3A_5 = vector.load %arg0[%get3A_2, %get3A_3, %get3A_4] : memref<2x10240x128xf32, #tpu.memory_space<vmem>>, vector<1x10000x128xf32>
    %get3A_6 = vector.shape_cast %get3A_5 : vector<1x10000x128xf32> to vector<10000x128xf32>
    %get3A_7 = arith.constant 1 : index
    %get3A_8 = arith.constant 0 : index
    %get3A_9 = arith.constant 0 : index
    %get3A_10 = vector.load %arg0[%get3A_7, %get3A_8, %get3A_9] : memref<2x10240x128xf32, #tpu.memory_space<vmem>>, vector<1x10000x128xf32>
    %get3A_11 = vector.shape_cast %get3A_10 : vector<1x10000x128xf32> to vector<10000x128xf32>
    %add3A = arith.addf %get3A_6, %get3A_11 : vector<10000x128xf32>
    %get3A_12 = arith.constant 0 : index
    %get3A_13 = arith.constant 0 : index
    %get3A_14 = vector.load %arg1[%get3A_12, %get3A_13] : memref<10000x128xf32, #tpu.memory_space<vmem>>, vector<10000x128xf32>
    %add3A_15 = arith.addf %add3A, %get3A_14 : vector<10000x128xf32>
    %mul3A = vector.broadcast %get3A_1 : vector<10000x1xf32> to vector<10000x128xf32>
    %mul3A_16 = arith.mulf %mul3A, %add3A_15 : vector<10000x128xf32>
    %get3A_17 = arith.constant 0 : index
    %get3A_18 = arith.constant 0 : index
    %get3A_19 = vector.load %arg3[%get3A_17, %get3A_18] : memref<1x128xf32, #tpu.memory_space<vmem>>, vector<1x128xf32>
    %add3A_20 = vector.broadcast %get3A_19 : vector<1x128xf32> to vector<10000x128xf32>
    %add3A_21 = arith.addf %mul3A_16, %add3A_20 : vector<10000x128xf32>
    %max3A = arith.constant 0.000000e+00 : f32
    %max3A_22 = vector.broadcast %max3A : f32 to vector<10000x128xf32>
    %max3A_23 = arith.maximumf %add3A_21, %max3A_22 : vector<10000x128xf32>
    %get3A_24 = arith.constant 0 : index
    %get3A_25 = arith.constant 0 : index
    %get3A_26 = vector.load %arg4[%get3A_24, %get3A_25] : memref<128x128xf32, #tpu.memory_space<vmem>>, vector<128x128xf32>
    %dot_general3A = arith.constant dense<0.000000e+00> : vector<10000x128xf32>
    %dot_general3A_27 = tpu.matmul %max3A_23, %get3A_26, %dot_general3A {dimension_numbers = #tpu.dot_dimension_numbers<[1], [0], [0], [1], [0, 0, 1, 1], [], []>, transpose_lhs_hint = false} : vector<10000x128xf32>, vector<128x128xf32>, vector<10000x128xf32> -> vector<10000x128xf32>
    %mul3A_28 = vector.broadcast %get3A_1 : vector<10000x1xf32> to vector<10000x128xf32>
    %mul3A_29 = arith.mulf %dot_general3A_27, %mul3A_28 : vector<10000x128xf32>
    %swap3A = arith.constant 0 : index
    %swap3A_30 = arith.constant 0 : index
    %swap3A_31 = vector.load %arg5[%swap3A, %swap3A_30] : memref<10000x128xf32, #tpu.memory_space<vmem>>, vector<10000x128xf32>
    tpu.vector_store %arg5[%swap3A, %swap3A_30], %mul3A_29 {strides = array<i32>} : memref<10000x128xf32, #tpu.memory_space<vmem>>, vector<10000x128xf32>,
    return
  }
}

module attributes {stable_mosaic.version = 14 : i64} {
  func.func @_tc_stage3_body(%arg0: memref<2x10240x128xf32, #tpu.memory_space<vmem>>, %arg1: memref<10000x128xf32, #tpu.memory_space<vmem>>, %arg2: memref<10000x1xf32, #tpu.memory_space<vmem>>, %arg3: memref<1x128xf32, #tpu.memory_space<vmem>>, %arg4: memref<10000x64xf32, #tpu.memory_space<vmem>>, %arg5: memref<10000x64xf32, #tpu.memory_space<vmem>>) attributes {dimension_semantics = [], scalar_prefetch = 0 : i64, scratch_operands = 0 : i64, tpu.core_type = #tpu.core_type<tc>} {
    %get3A = arith.constant 0 : index
    %get3A_0 = arith.constant 0 : index
    %get3A_1 = vector.load %arg2[%get3A, %get3A_0] : memref<10000x1xf32, #tpu.memory_space<vmem>>, vector<10000x1xf32>
    %get3A_2 = arith.constant 0 : index
    %get3A_3 = arith.constant 0 : index
    %get3A_4 = arith.constant 0 : index
    %get3A_5 = vector.load %arg0[%get3A_2, %get3A_3, %get3A_4] : memref<2x10240x128xf32, #tpu.memory_space<vmem>>, vector<1x10000x128xf32>
    %get3A_6 = vector.shape_cast %get3A_5 : vector<1x10000x128xf32> to vector<10000x128xf32>
    %get3A_7 = arith.constant 1 : index
    %get3A_8 = arith.constant 0 : index
    %get3A_9 = arith.constant 0 : index
    %get3A_10 = vector.load %arg0[%get3A_7, %get3A_8, %get3A_9] : memref<2x10240x128xf32, #tpu.memory_space<vmem>>, vector<1x10000x128xf32>
    %get3A_11 = vector.shape_cast %get3A_10 : vector<1x10000x128xf32> to vector<10000x128xf32>
    %add3A = arith.addf %get3A_6, %get3A_11 : vector<10000x128xf32>
    %get3A_12 = arith.constant 0 : index
    %get3A_13 = arith.constant 0 : index
    %get3A_14 = vector.load %arg1[%get3A_12, %get3A_13] : memref<10000x128xf32, #tpu.memory_space<vmem>>, vector<10000x128xf32>
    %add3A_15 = arith.addf %add3A, %get3A_14 : vector<10000x128xf32>
    %mul3A = vector.broadcast %get3A_1 : vector<10000x1xf32> to vector<10000x128xf32>
    %mul3A_16 = arith.mulf %mul3A, %add3A_15 : vector<10000x128xf32>
    %get3A_17 = arith.constant 0 : index
    %get3A_18 = arith.constant 0 : index
    %get3A_19 = vector.load %arg3[%get3A_17, %get3A_18] : memref<1x128xf32, #tpu.memory_space<vmem>>, vector<1x128xf32>
    %add3A_20 = vector.broadcast %get3A_19 : vector<1x128xf32> to vector<10000x128xf32>
    %add3A_21 = arith.addf %mul3A_16, %add3A_20 : vector<10000x128xf32>
    %slice3A = vector.extract_strided_slice %add3A_21 {offsets = [0, 0], sizes = [10000, 64], strides = [1, 1]} : vector<10000x128xf32> to vector<10000x64xf32>
    %swap3A = arith.constant 0 : index
    %swap3A_22 = arith.constant 0 : index
    %swap3A_23 = vector.load %arg4[%swap3A, %swap3A_22] : memref<10000x64xf32, #tpu.memory_space<vmem>>, vector<10000x64xf32>
    tpu.vector_store %arg4[%swap3A, %swap3A_22], %slice3A {strides = array<i32>} : memref<10000x64xf32, #tpu.memory_space<vmem>>, vector<10000x64xf32>,
    %slice3A_24 = vector.extract_strided_slice %add3A_21 {offsets = [0, 64], sizes = [10000, 64], strides = [1, 1]} : vector<10000x128xf32> to vector<10000x64xf32>
    %swap3A_25 = arith.constant 0 : index
    %swap3A_26 = arith.constant 0 : index
    %swap3A_27 = vector.load %arg5[%swap3A_25, %swap3A_26] : memref<10000x64xf32, #tpu.memory_space<vmem>>, vector<10000x64xf32>
    tpu.vector_store %arg5[%swap3A_25, %swap3A_26], %slice3A_24 {strides = array<i32>} : memref<10000x64xf32, #tpu.memory_space<vmem>>, vector<10000x64xf32>,
    return
  }
}

</mosaic_0001>

<sc_bundles>
// kernel: kernel.11.cloned.1.call-start
scs
__scs_entry_jumppad:
0x0: {  	(pc) =	sbr.rel $0x88, $3  }
0x1: {  	(tag) =	ssettag $0x0;
	lr =	simm.s32 $0x1  }
0x2: {  	[smem:$0x3F98] =	sst lr;
	_ =	strace $0xD0000000  }
0x3: {  	_ = 	snop  }
0x4: {  	_ = 	snop  }
0x5: {  	_ = 	snop  }
0x6: {  	_ = 	snop  }
0x7: {  	_ = 	snop  }
__scs_overlays_trampoline_lowered:
0x8: {  	[smem:$0x3FA7] =	sst s0  }
0x9: {  	[smem:$0x3FA8] =	sst s1  }
0xa: {  	[smem:$0x3FA9] =	sst s2  }
0xb: {  	[smem:$0x3FAA] =	sst s3  }
0xc: {  	[smem:$0x3FAB] =	sst s4  }
0xd: {  	[smem:$0x3FAC] =	sst s5  }
0xe: {  	[smem:$0x3FAD] =	sst s6  }
0xf: {  	[smem:$0x3FAE] =	sst s7  }
0x10: {  	[smem:$0x3FAF] =	sst s8  }
0x11: {  	[smem:$0x3FB0] =	sst s9;
	s0 =	simm.s32 @!p0 $0x0  }
0x12: {  	s1 =	sld [smem:$0x3F96];
	s0 =	simm.s32 @p0 $0x1  }
0x13: {  	[smem:$0x3FB1] =	sst s0;
	s0 =	simm.s32 @!p1 $0x0  }
0x14: {  	s2 =	sld [smem:$0x3F95];
	s0 =	simm.s32 @p1 $0x1  }
0x15: {  	[smem:$0x3FB2] =	sst s0;
	s0 =	simm.s32 @!p2 $0x0  }
0x16: {  	s3 =	sld [smem:$0x3FDB];
	s0 =	simm.s32 @p2 $0x1  }
0x17: {  	s4 =	simm.s32 $0x1BF5;
	[smem:$0x3FB4] =	sst s0  }
0x18: {  	s0 =	sld [smem:$0x3F97];
	_ =	swait.ge [sflag:s4], $0x0  }
0x19: {  	s7 =	sld [smem:$0x3F98]  }
0x1a: {  	s8 =	sadd.s32 $0xFFFFE003, lr  }
0x1b: {  	s9 =	sadd.s32 $0xFFFFFEF7, lr;
	s5 =	simm.s32 $0xFFFFFFFF;
	p2 =	slt.u32 s8, $0xFFFFF086  }
0x1c: {  	p1 =	slt.u32 s9, $0xF7A;
	s5 =	simm.s32 @!p2 $0x0  }
0x1d: {  	s5 =	simm.s32 @p1 $0x1;
	p0 =	seq.s32 s7, s2  }
0x1e: {  	s7 =	smul.u32 @!p0 $0xF7A, s2;
	p2 =	seq.s32 @!p0 s5, $0x0  }
0x1f: {  	s9 =	smul.u32 $0xF7A, s1;
	s8 =	simm.s32 @!p0 $0x1BF5;
	p2 =	por !p2, p0  }
0x20: {  	[sflag:s8] =	ssyncset.s32 @!p0 $0xFFFFF086;
	s6 =	sadd.s32 @!p0 s3, s7;
	s7 =	simm.s32 @!p0 $0x108  }
0x21: {  	s3 =	sadd.s32 s3, s9;
	s6 =	sadd.s32 @!p0 $0x88, s6;
	s7 =	simm.s32 @p2 $0x1082  }
0x22: {  	[simem:s7], [sflag:s8] =	dma.local @!p0 [hbm:s6], $0xF7A  }
0x23: {  	s9 =	sor.u32 $0xD0000000, s2;
	s6 =	simm.s32 $0x108;
	_ =	swait.ge @!p0 [sflag:s8], $0x0  }
0x24: {  	s3 =	sadd.s32 $0x88, s3;
	s6 =	simm.s32 @!p1 $0x1082;
	[sflag:s4] =	ssyncset.s32 $0xFFFFF086  }
0x25: {  	[simem:s6], [sflag:s4] =	dma.local [hbm:s3], $0xF7A  }
0x26: {  	[smem:$0x3F98] =	sst s1;
	(tag) =	ssettag s2;
	_ =	strace s9  }
0x27: {  	s1 =	sld [smem:$0x3FA8]  }
0x28: {  	s2 =	sld [smem:$0x3FA9]  }
0x29: {  	s4 =	sld [smem:$0x3FAB]  }
0x2a: {  	p0 =	seq.s32 s5, $0x0;
	s5 =	sld [smem:$0x3FAC]  }
0x2b: {  	s6 =	sld [smem:$0x3FAD]  }
0x2c: {  	s7 =	sld [smem:$0x3FAE]  }
0x2d: {  	s3 =	simm.s32 $0x108;
	s8 =	sld [smem:$0x3FAF]  }
0x2e: {  	s3 =	simm.s32 @!p0 $0x1082;
	s9 =	sld [smem:$0x3FB0]  }
0x2f: {  	lr =	sadd.s32 s0, s3;
	s0 =	sld [smem:$0x3FA7]  }
0x30: {  	s3 =	sld [smem:$0x3FAA]  }
0x31: {  	[smem:$0x3FB3] =	sst s10  }
0x32: {  	s10 =	sld [smem:$0x3FB1];
	_ =	sdelay $0x3  }
0x33: {  	p0 =	seq.s32 s10, $0x1;
	s10 =	sld [smem:$0x3FB3];
	_ =	sdelay $0x3  }
0x34: {  	[smem:$0x3FB3] =	sst s10  }
0x35: {  	s10 =	sld [smem:$0x3FB2];
	_ =	sdelay $0x3  }
0x36: {  	p1 =	seq.s32 s10, $0x1;
	s10 =	sld [smem:$0x3FB3];
	_ =	sdelay $0x3  }
0x37: {  	[smem:$0x3FB3] =	sst s10  }
0x38: {  	s10 =	sld [smem:$0x3FB4]  }
0x39: {  	_ = 	snop;
	(pc) =	sbr.ind lr, $3  }
0x3a: {  	_ = 	snop  }
0x3b: {  	_ = 	snop  }
0x3c: {  	p2 =	seq.s32 s10, $0x1;
	s10 =	sld [smem:$0x3FB3]  }
0x3d: {  	_ =	shalt  }
0x3e: {  	_ =	shalt  }
0x3f: {  	_ =	shalt  }
0x40: {  	_ =	shalt  }
0x41: {  	_ =	shalt  }
0x42: {  	_ =	shalt  }
0x43: {  	_ =	shalt  }
0x44: {  	_ =	shalt  }
0x45: {  	_ =	shalt  }
0x46: {  	_ =	shalt  }
0x47: {  	_ =	shalt  }
0x48: {  	_ =	shalt  }
0x49: {  	_ =	shalt  }
0x4a: {  	_ =	shalt  }
0x4b: {  	_ =	shalt  }
0x4c: {  	_ =	shalt  }
0x4d: {  	_ =	shalt  }
0x4e: {  	_ =	shalt  }
0x4f: {  	_ =	shalt  }
0x50: {  	_ =	shalt  }
0x51: {  	_ =	shalt  }
0x52: {  	_ =	shalt  }
0x53: {  	_ =	shalt  }
0x54: {  	_ =	shalt  }
0x55: {  	_ =	shalt  }
0x56: {  	_ =	shalt  }
0x57: {  	_ =	shalt  }
0x58: {  	_ =	shalt  }
0x59: {  	_ =	shalt  }
0x5a: {  	_ =	shalt  }
0x5b: {  	_ =	shalt  }
0x5c: {  	_ =	shalt  }
0x5d: {  	_ =	shalt  }
0x5e: {  	_ =	shalt  }
0x5f: {  	_ =	shalt  }
0x60: {  	_ =	shalt  }
0x61: {  	_ =	shalt  }
0x62: {  	_ =	shalt  }
0x63: {  	_ =	shalt  }
0x64: {  	_ =	shalt  }
0x65: {  	_ =	shalt  }
0x66: {  	_ =	shalt  }
0x67: {  	_ =	shalt  }
0x68: {  	_ =	shalt  }
0x69: {  	_ =	shalt  }
0x6a: {  	_ =	shalt  }
0x6b: {  	_ =	shalt  }
0x6c: {  	_ =	shalt  }
0x6d: {  	_ =	shalt  }
0x6e: {  	_ =	shalt  }
0x6f: {  	_ =	shalt  }
0x70: {  	_ =	shalt  }
0x71: {  	_ =	shalt  }
0x72: {  	_ =	shalt  }
0x73: {  	_ =	shalt  }
0x74: {  	_ =	shalt  }
0x75: {  	_ =	shalt  }
0x76: {  	_ =	shalt  }
0x77: {  	_ =	shalt  }
0x78: {  	_ =	shalt  }
0x79: {  	_ =	shalt  }
0x7a: {  	_ =	shalt  }
0x7b: {  	_ =	shalt  }
0x7c: {  	_ =	shalt  }
0x7d: {  	_ =	shalt  }
0x7e: {  	_ =	shalt  }
0x7f: {  	_ =	shalt  }
0x80: {  	_ =	shalt  }
0x81: {  	_ =	shalt  }
0x82: {  	_ =	shalt  }
0x83: {  	_ =	shalt  }
0x84: {  	_ =	shalt  }
0x85: {  	_ =	shalt  }
0x86: {  	_ =	shalt  }
0x87: {  	_ =	shalt  }
.Lfunc_end0:
.L_simem_size_0:
called_computation.1_lowered:
.L_overlay_start_0:
0x88: {  	s2 =	sld [smem:$0x3FD9]  }
0x89: {  	s3 =	sld [smem:$0x3FFE];
	_ =	sdelay $0x1  }
0x8a: {  	s1 =	srdreg.scid  }
0x8b: {  	s0 =	sand.u32 $0x1, s1  }
0x8c: {  	s14 =	sshll.u32 s0, $0xA;
	s2 =	sadd.s32 s3, s2  }
0x8d: {  	s2 =	sadd.s32 s2, s14  }
0x8e: {  	[smem:$0x3FBF] =	sst s2  }
0x8f: {  	_ = 	snop  }
0x90: {  	s2 =	sld [smem:$0x3FD0];
	_ =	sdelay $0x2  }
0x91: {  	s4 =	simm.s32 $0xA;
	s5 =	simm.s32 $0x10;
	s15 =	sld [smem:$0x3FC7]  }
0x92: {  	[smem:s5], [sflag:s4] =	dma.local [hbm:s2], $0x1  }
0x93: {  	_ =	swait.eq [sflag:s4], $0x1  }
0x94: {  	[sflag:s4] =	ssyncset.done $0x0  }
0x95: {  	s16 =	sld [smem:$0x10];
	[sflag:s4] =	ssyncadd.s32 $0xFFFFFFFF  }
0x96: {  	s17 =	sld [smem:$0x11];
	(tm) =	ssettm $0x1  }
0x97: {  	s18 =	sld [smem:$0x3FFB];
	_ =	sdelay $0x3  }
0x98: {  	_ =	strace s18  }
0x99: {  	s5 =	sld [smem:$0x3FFC];
	_ =	sdelay $0x3  }
0x9a: {  	_ =	strace s5  }
0x9b: {  	s5 =	sld [smem:$0x3FFD];
	_ =	sdelay $0x3  }
0x9c: {  	_ =	strace s5  }
0x9d: {  	_ =	strace $0x8FFFFFFF  }
0x9e: {  	s19 =	sld [smem:$0x3FDB];
	_ =	sdelay $0x1  }
0x9f: {  	s6 =	simm.s32 $_scs_section_size  }
0xa0: {  	s7 =	simm.s32 $_size__tile_overlayer_lowered;
	s8 =	simm.s32 $_tile_overlayer_lowered  }
0xa1: {  	s22 =	simm.s32 $0x1BFF;
	s21 =	sshll.u32 s8, $0x1;
	s5 =	sadd.s32 s6, s19  }
0xa2: {  	s9 =	simm.s32 $0x0;
	s20 =	sshll.u32 s7, $0x1;
	s7 =	sadd.s32 s21, s5  }
0xa3: {  	[timem:s9], [sflag:s22] =	dma.local [hbm:s7], s20  }
0xa4: {  	_ =	swait.ge [sflag:s22], s20  }
0xa5: {  	s6 =	ssub.s32 $0x0, s20;
	[sflag:s22] =	ssyncset.done $0x0  }
0xa6: {  	[sflag:s22] =	ssyncadd.s32 s6;
	_ =	sdelay $0x1  }
0xa7: {  	s23 =	simm.s32 $0x1B8B  }
0xa8: {  	_ =	swait.ge [sflag:s23], $0x1  }
0xa9: {  	[sflag:s23] =	ssyncset.done $0x0  }
0xaa: {  	s25 =	simm.s32 $0x1B8E;
	s24 =	sld [smem:$0x3FFE];
	[sflag:s23] =	ssyncadd.s32 $0xFFFFFFFF  }
0xab: {  	s26 =	simm.s32 $execute0_lowered;
	[smem:$0x3FD2] =	sst s25  }
0xac: {  	s7 =	sshll.u32 s26, $0x1;
	_ =	strace $0x80000049;
	[dreg:$0x1] =	wrdreg $0xFFFFFFFF  }
0xad: {  	s28 =	simm.s32 $_size_execute0_lowered;
	s5 =	sadd.s32 s5, s7;
	[dreg:$0x0] =	wrdreg $0x0  }
0xae: {  	s7 =	sshll.u32 s28, $0x1;
	[dreg:$0x2] =	wrdreg s5  }
0xaf: {  	[dreg:$0x3] =	wrdreg s7  }
0xb0: {  	[dreg:$0x4] =	wrdreg $0xC0  }
0xb1: {  	_ =	task [dreg:s9], $0x5FFFF  }
0xb2: {  	[dreg:$0x1] =	wrdreg $0xFFFFFFFF  }
0xb3: {  	[dreg:$0x0] =	wrdreg $0x60  }
0xb4: {  	[dreg:$0x2] =	wrdreg s24  }
0xb5: {  	[dreg:$0x3] =	wrdreg s17  }
0xb6: {  	[dreg:$0x4] =	wrdreg s16  }
0xb7: {  	[dreg:$0x5] =	wrdreg s15  }
0xb8: {  	[dreg:$0x6] =	wrdreg $0x84800  }
0xb9: {  	[dreg:$0x7] =	wrdreg $0x9  }
0xba: {  	_ =	task.clear_ibuf [dreg:s9], $0x8FFFF;
	_ =	strace $0x90000049  }
0xbb: {  	s29 =	simm.s32 $0x9;
	_ =	strace $0x8000004B  }
0xbc: {  	_ =	swait.ge [sflag:s29], $0x1  }
0xbd: {  	[sflag:s29] =	ssyncadd.s32 $0xFFFFFFFF  }
0xbe: {  	_ =	strace $0x9000004B  }
0xbf: {  	_ =	sfence  }
0xc0: {  	s30 =	sld [smem:$0x0];
	_ =	sdelay $0x2  }
0xc1: {  	s31 =	sshll.u32 s1, $0xD;
	s1 =	sshrl.u32 s1, $0x2  }
0xc2: {  	s3 =	sand.u32 $0x4000, s31;
	s1 =	sadd.s32 s1, s30  }
0xc3: {  	s0 =	sor.u32 s3, s0;
	s1 =	sshll.u32 s1, $0x11  }
0xc4: {  	s0 =	sor.u32 s1, s0  }
0xc5: {  	s0 =	sadd.s32 $0x8F2B, s0  }
0xc6: {  	[sflag:s0] =	ssyncadd.remote.s32 $0x1  }
0xc7: {  	_ =	sfence.sel $0xFFFF  }
0xc8: {  	[dreg:$0x0] =	wrdreg $0xFFFFFFFF;
	(pc) =	sbr.abs _section_cstart, $3  }
0xc9: {  	[dreg:$0x1] =	wrdreg $0xFFFFFFFF  }
0xca: {  	_ =	task.clear_ibuf [dreg:s9], $0x2FFFF;
	_ =	strace $0x9FFFFFFF  }
0xcb: {  	(tm) =	ssettm $0x7FFFFFFF  }
tec
execute0_lowered:
.L_overlay_start_1:
0x0: {  	(tag) =	ssettag $0x1  }
0x1: {  	s0 =	rddreg [dreg:$0x0]  }
0x2: {  	s1 =	rddreg [dreg:$0x1]  }
0x3: {  	s2 =	rddreg [dreg:$0x2]  }
0x4: {  	s3 =	rddreg [dreg:$0x3]  }
0x5: {  	s4 =	rddreg [dreg:$0x4];
	s5 =	srdreg.scid  }
0x6: {  	s6 =	simm.s32 $0x0;
	s12 =	stileid.u32;
	s29 =	simm.s32 $0x400  }
0x7: {  	s5 =	sand.u32 $0x1, s5;
	[smem:$0x7FF] =	sst s6;
	s11 =	smul.u32 $0x50000, s12  }
0x8: {  	s7 =	sshll.u32 s5, $0x4;
	s8 =	ssub.s32 $0x2, s5;
	s5 =	smul.u32 $0x140000, s5  }
0x9: {  	_ =	strace $0x8000004A;
	s7 =	sor.u32 s12, s7;
	s12 =	smul.u32 $0x14000, s12  }
0xa: {  	s10 =	sshrl.u32 s8, $0x1;
	s30 =	sshrl.u32 s11, $0x2;
	s9 =	smul.u32 $0x2710, s7  }
0xb: {  	s7 =	sadd.s32 $0x2A00, s0;
	s0 =	sadd.s32 $0x29C00, s0;
	s10 =	ssub.s32 s8, s10  }
0xc: {  	s24 =	sadd.s32 s30, s4;
	s21 =	sadd.s32 $0x8000, s12;
	s22 =	sadd.s32 $0xC000, s12  }
0xd: {  	s11 =	smax.u32 s10, $0x1;
	[dreg:$0x6] =	wrdreg s24;
	s31 =	sshrl.u32 s9, $0x3  }
0xe: {  	s10 =	simm.s32 $0x480;
	[dreg:$0x15] =	wrdreg s11;
	s14 =	sadd.s32 s1, s31  }
0xf: {  	s23 =	sadd.s32 s5, s21;
	s28 =	sadd.s32 s2, s31;
	[dreg:$0x7] =	wrdreg s14  }
0x10: {  	s13 =	sadd.s32 $0x10, s31;
	s30 =	sadd.s32 s3, s31;
	[dreg:$0x10] =	wrdreg s28  }
0x11: {  	s11 =	simm.s32 $0x8;
	s15 =	sadd.s32 s1, s13;
	[dreg:$0x11] =	wrdreg s30  }
0x12: {  	s31 =	sadd.s32 $0x4E0, s31;
	s16 =	sadd.s32 s2, s13;
	[dreg:$0x8] =	wrdreg s15  }
0x13: {  	s14 =	sadd.s32 s5, s12;
	s17 =	sadd.s32 s3, s13;
	[dreg:$0x9] =	wrdreg s16  }
0x14: {  	s8 =	sadd.s32 s1, s31;
	s28 =	sadd.s32 $0x8000, s24;
	[dreg:$0xa] =	wrdreg s17  }
0x15: {  	s30 =	sadd.s32 $0xC000, s24;
	s13 =	simm.s32 $0x200;
	[dreg:$0x12] =	wrdreg s8  }
0x16: {  	s15 =	sadd.s32 $0x4000, s12;
	s14 =	sshrl.u32 s14, $0x3;
	[dreg:$0x1b] =	wrdreg s28  }
0x17: {  	s17 =	sadd.s32 s5, s22;
	s12 =	sadd.s32 $0x10000, s12;
	[dreg:$0x1c] =	wrdreg s30  }
0x18: {  	s16 =	sadd.s32 s5, s15;
	s18 =	sadd.s32 s0, s14;
	s17 =	sshrl.u32 s17, $0x3  }
0x19: {  	s5 =	sadd.s32 s5, s12;
	[dreg:$0xb] =	wrdreg s18;
	s19 =	sshrl.u32 s16, $0x3  }
0x1a: {  	s16 =	sshrl.u32 s23, $0x3;
	s26 =	sadd.s32 s0, s17;
	s5 =	sshrl.u32 s5, $0x3  }
0x1b: {  	s18 =	sadd.s32 $0x100, s9;
	s17 =	sadd.s32 s21, s4;
	s21 =	sadd.s32 s12, s4  }
0x1c: {  	s12 =	simm.s32 $0x100;
	s20 =	sadd.s32 s0, s19;
	[dreg:$0xe] =	wrdreg s26  }
0x1d: {  	s25 =	sadd.s32 s0, s16;
	s0 =	sadd.s32 s0, s5;
	[dreg:$0xc] =	wrdreg s20  }
0x1e: {  	s19 =	sadd.s32 $0x180, s9;
	s9 =	sadd.s32 s2, s31;
	[dreg:$0xd] =	wrdreg s25  }
0x1f: {  	s16 =	sadd.s32 s15, s4;
	s26 =	sadd.s32 $0x4000, s24;
	[dreg:$0xf] =	wrdreg s0  }
0x20: {  	s15 =	simm.s32 $0x80;
	[dreg:$0x13] =	wrdreg s9;
	s0 =	sadd.s32 s3, s31  }
0x21: {  	s20 =	sadd.s32 s22, s4;
	s22 =	sshrl.u32 s17, $0x3;
	[dreg:$0x1a] =	wrdreg s26  }
0x22: {  	s25 =	sshrl.u32 s21, $0x3;
	s31 =	sadd.s32 $0x10000, s24;
	[dreg:$0x14] =	wrdreg s0  }
0x23: {  	s17 =	simm.s32 $0x280;
	s21 =	simm.s32 $0x4480;
	[dreg:$0x17] =	wrdreg s22  }
0x24: {  	s0 =	sshrl.u32 s16, $0x3;
	s23 =	sshrl.u32 s20, $0x3;
	[dreg:$0x19] =	wrdreg s25  }
0x25: {  	[dreg:$0x1d] =	wrdreg s31;
	s16 =	simm.s32 $0x180;
	s20 =	simm.s32 $0x2  }
0x26: {  	s22 =	simm.s32 $0x3;
	s25 =	simm.s32 $0x6;
	[dreg:$0x16] =	wrdreg s0  }
0x27: {  	v0 =	vimm.f32 $0.0e+00;
	[dreg:$0x18] =	wrdreg s23;
	s23 =	simm.s32 $0x4;
	s0 =	simm.s32 $0x0  }
.LBB2_1:
0x28: {  	s5 =	simm.s32 $0x0;
	s9 =	simm.s32 $0x200  }
.LBB2_2:
0x29: {  	p0 =	sne.s32 s9, $0xFE00;
	[tilespmem:s5+$0x4F0] =	vst v0  }
0x2a: {  	[tilespmem:s5+$0x480] =	vst v0  }
0x2b: {  	[tilespmem:s5+$0x490] =	vst v0  }
.Ltmp0:
0x2c: {  	[tilespmem:s5+$0x4A0] =	vst v0;
	(pc) =	sbr.rel @p0 .LBB2_2-.Ltmp0, $4  }
0x2d: {  	[tilespmem:s5+$0x4B0] =	vst v0  }
0x2e: {  	[tilespmem:s5+$0x4C0] =	vst v0  }
0x2f: {  	[tilespmem:s5+$0x4D0] =	vst v0  }
0x30: {  	[tilespmem:s5+$0x4E0] =	vst v0;
	s5 =	sshra.s32 s9, $0x2;
	s9 =	sadd.s32 $0x200, s9  }
0x31: {  	[tilespmem:s5+$0x4F0] =	vst v0  }
0x32: {  	[tilespmem:s5+$0x480] =	vst v0  }
0x33: {  	[tilespmem:s5+$0x490] =	vst v0  }
0x34: {  	[tilespmem:s5+$0x4A0] =	vst v0  }
0x35: {  	[tilespmem:s5+$0x4B0] =	vst v0  }
0x36: {  	[tilespmem:s5+$0x4C0] =	vst v0  }
0x37: {  	[tilespmem:s5+$0x4D0] =	vst v0  }
0x38: {  	[tilespmem:s5+$0x4E0] =	vst v0  }
0x39: {  	[spmem:s24] =	stream.linear.scatter [tilespmem:s10], [sflag:$0x8], $0x4000, $0x38;
	[tilespmem:$0x1C480] =	vst v63  }
0x3a: {  	_ =	swait.ge [sflag:s11], $0x4000  }
0x3b: {  	[sflag:s11] =	ssyncset.done $0x0  }
0x3c: {  	s30 =	rddreg [dreg:$0x1a];
	[sflag:s11] =	ssyncadd.s32 $0xFFFFC000  }
0x3d: {  	[spmem:s30] =	stream.linear.scatter [tilespmem:s10], [sflag:$0x8], $0x4000, $0x38;
	[tilespmem:$0x1C480] =	vst v63  }
0x3e: {  	_ =	swait.ge [sflag:s11], $0x4000  }
0x3f: {  	[sflag:s11] =	ssyncset.done $0x0  }
0x40: {  	s31 =	rddreg [dreg:$0x1b];
	[sflag:s11] =	ssyncadd.s32 $0xFFFFC000  }
0x41: {  	[spmem:s31] =	stream.linear.scatter [tilespmem:s10], [sflag:$0x8], $0x4000, $0x38;
	[tilespmem:$0x1C480] =	vst v63  }
0x42: {  	_ =	swait.ge [sflag:s11], $0x4000  }
0x43: {  	[sflag:s11] =	ssyncset.done $0x0  }
0x44: {  	s8 =	rddreg [dreg:$0x1c];
	[sflag:s11] =	ssyncadd.s32 $0xFFFFC000  }
0x45: {  	[spmem:s8] =	stream.linear.scatter [tilespmem:s10], [sflag:$0x8], $0x4000, $0x38;
	[tilespmem:$0x1C480] =	vst v63  }
0x46: {  	_ =	swait.ge [sflag:s11], $0x4000  }
0x47: {  	[sflag:s11] =	ssyncset.done $0x0  }
0x48: {  	s9 =	rddreg [dreg:$0x1d];
	[sflag:s11] =	ssyncadd.s32 $0xFFFFC000  }
0x49: {  	[spmem:s9] =	stream.linear.scatter [tilespmem:s10], [sflag:$0x8], $0x4000, $0x38;
	[tilespmem:$0x1C480] =	vst v63  }
0x4a: {  	_ =	swait.ge [sflag:s11], $0x4000  }
0x4b: {  	[sflag:s11] =	ssyncset.done $0x0  }
0x4c: {  	[sflag:s11] =	ssyncadd.s32 $0xFFFFC000  }
0x4d: {  	[bflag:$0x0] =	sbarrier.arrive $0xFFFF  }
0x4e: {  	s5 =	simm.s32 $0x0;
	s8 =	rddreg [dreg:$0x7]  }
0x4f: {  	[tilespmem:s5], [sflag:$0x1] =	stream.linear.gather [hbm4b:s8+s5], $0x80, $0x38;
	[tilespmem:$0x1C480] =	vst v63  }
0x50: {  	s14 =	rddreg [dreg:$0x10]  }
0x51: {  	[tilespmem:s12], [sflag:$0x1] =	stream.linear.gather [hbm4b:s14+s5], $0x80, $0x38;
	[tilespmem:$0x1C480] =	vst v63  }
0x52: {  	s26 =	simm.s32 $0x1;
	s24 =	rddreg [dreg:$0x11]  }
0x53: {  	[tilespmem:s13], [sflag:$0x1] =	stream.linear.gather [hbm4b:s24+s5], $0x80, $0x38;
	[tilespmem:$0x1C480] =	vst v63  }
0x54: {  	_ =	swait.ge [sflag:s26], $0x80  }
0x55: {  	[sflag:s26] =	ssyncset.done $0x0  }
0x56: {  	[sflag:s26] =	ssyncadd.s32 $0xFFFFFF80  }
0x57: {  	_ =	swait.ge [sflag:s26], $0x80  }
0x58: {  	[sflag:s26] =	ssyncset.done $0x0  }
0x59: {  	[sflag:s26] =	ssyncadd.s32 $0xFFFFFF80  }
0x5a: {  	_ =	swait.ge [sflag:s26], $0x80  }
0x5b: {  	[sflag:s26] =	ssyncset.done $0x0  }
0x5c: {  	[sflag:s26] =	ssyncadd.s32 $0xFFFFFF80  }
0x5d: {  	[tilespmem:s10], [sflag:$0x3] =	stream.indirect.gather [hbm4b:s7+s15], $0x80, s5, s15, $0xb8;
	[tilespmem:$0x1C480] =	vst v63  }
0x5e: {  	s28 =	rddreg [dreg:$0x8]  }
0x5f: {  	[tilespmem:s15], [sflag:$0x2] =	stream.linear.gather [hbm4b:s28+s5], $0x80, $0x38;
	[tilespmem:$0x1C480] =	vst v63  }
0x60: {  	s30 =	rddreg [dreg:$0x9]  }
0x61: {  	[tilespmem:s16], [sflag:$0x2] =	stream.linear.gather [hbm4b:s30+s5], $0x80, $0x38;
	[tilespmem:$0x1C480] =	vst v63  }
0x62: {  	s31 =	rddreg [dreg:$0xa]  }
0x63: {  	[tilespmem:s17], [sflag:$0x2] =	stream.linear.gather [hbm4b:s31+s5], $0x80, $0x38;
	[tilespmem:$0x1C480] =	vst v63  }
0x64: {  	_ =	swait.ge [sflag:s20], $0x80  }
0x65: {  	[sflag:s20] =	ssyncset.done $0x0  }
0x66: {  	[sflag:s20] =	ssyncadd.s32 $0xFFFFFF80  }
0x67: {  	_ =	swait.ge [sflag:s20], $0x80  }
0x68: {  	[sflag:s20] =	ssyncset.done $0x0  }
0x69: {  	[sflag:s20] =	ssyncadd.s32 $0xFFFFFF80  }
0x6a: {  	_ =	swait.ge [sflag:s20], $0x80  }
0x6b: {  	[sflag:s20] =	ssyncset.done $0x0  }
0x6c: {  	s9 =	simm.s32 $0x0;
	[sflag:s20] =	ssyncadd.s32 $0xFFFFFF80  }
0x6d: {  	[tilespmem:s21], [sflag:$0x4] =	stream.indirect.gather [hbm4b:s7+s15], $0x80, s15, s15, $0xb8;
	[tilespmem:$0x1C480] =	vst v63  }
.LBB2_4:
0x6e: {  	v1 =	vmov s5  }
0x6f: {  	v1 =	vand.u32 $0xFFFFFFFC, v1  }
0x70: {  	v1 =	vbroadcast v1, $0x0;
	_ =	sdelay $0x1  }
0x71: {  	_ =	swait.ge [sflag:s22], $0x4000  }
0x72: {  	[sflag:s22] =	ssyncset.done $0x0  }
0x73: {  	s26 =	simm.s32 $0x580;
	[sflag:s22] =	ssyncadd.s32 $0xFFFFC000  }
0x74: {  	v2 =	vld [tilespmem:s26+$0xFFFFFF70]  }
0x75: {  	v1 =	vld.idx.msk [tilespmem:v1+s13+$0x0], $0xffff  }
0x76: {  	v3 =	vld [tilespmem:s26+$0xFFFFFF00]  }
0x77: {  	v4 =	vld [tilespmem:s26+$0xFFFFFF20]  }
0x78: {  	v5 =	vld [tilespmem:s26+$0xFFFFFF50]  }
0x79: {  	v6 =	vld [tilespmem:s26+$0xFFFFFF40]  }
0x7a: {  	v7 =	vld [tilespmem:s26+$0xFFFFFF60];
	v2 =	vmul.f32 v2, v1  }
0x7b: {  	s24 =	simm.s32 $0x1;
	v8 =	vld [tilespmem:s26+$0xFFFFFF30];
	v3 =	vmul.f32 v3, v1  }
0x7c: {  	v9 =	vld [tilespmem:s26+$0xFFFFFF10];
	v4 =	vmul.f32 v4, v1;
	[tilespmem:s26+$0xFFFFFF70] =	vst v2;
	v2 =	vmov s24  }
0x7d: {  	v5 =	vmul.f32 v5, v1;
	[tilespmem:s26+$0xFFFFFF00] =	vst v3;
	v2 =	vand.u32 $0xFFFFFFFD, v2  }
0x7e: {  	v3 =	vmul.f32 v6, v1;
	[tilespmem:s26+$0xFFFFFF20] =	vst v4;
	v2 =	vbroadcast v2, $0x0  }
0x7f: {  	v4 =	vmul.f32 v7, v1;
	[tilespmem:s26+$0xFFFFFF50] =	vst v5  }
0x80: {  	v5 =	vmul.f32 v8, v1;
	[tilespmem:s26+$0xFFFFFF40] =	vst v3  }
0x81: {  	v1 =	vmul.f32 v9, v1;
	[tilespmem:s26+$0xFFFFFF60] =	vst v4  }
0x82: {  	[tilespmem:s26+$0xFFFFFF30] =	vst v5  }
0x83: {  	[tilespmem:s26+$0xFFFFFF10] =	vst v1;
	v1 =	vld [tilespmem:s26+$0xFFFFFF90]  }
0x84: {  	v3 =	vld.idx.msk [tilespmem:v2+s13+$0x0], $0xffff  }
0x85: {  	v2 =	vld [tilespmem:s26+$0xFFFFFFA0]  }
0x86: {  	v4 =	vld [tilespmem:s26+$0xFFFFFF80]  }
0x87: {  	v5 =	vld [tilespmem:s26+$0xFFFFFFB0]  }
0x88: {  	v6 =	vld [tilespmem:s26+$0xFFFFFFC0]  }
0x89: {  	v7 =	vld [tilespmem:s26+$0xFFFFFFD0];
	v1 =	vmul.f32 v1, v3  }
0x8a: {  	s31 =	simm.s32 $0x2;
	v8 =	vld [tilespmem:s26+$0xFFFFFFF0];
	v2 =	vmul.f32 v2, v3  }
0x8b: {  	v63 =	vld [tilespmem:s26+$0xFFFFFFE0];
	v4 =	vmul.f32 v4, v3;
	[tilespmem:s26+$0xFFFFFF90] =	vst v1;
	v1 =	vmov s31  }
0x8c: {  	v5 =	vmul.f32 v5, v3;
	[tilespmem:s26+$0xFFFFFFA0] =	vst v2;
	v1 =	vand.u32 $0xFFFFFFFE, v1  }
0x8d: {  	v2 =	vmul.f32 v6, v3;
	[tilespmem:s26+$0xFFFFFF80] =	vst v4;
	v6 =	vld [tilespmem:s26+$0x60];
	v10 =	vbroadcast v1, $0x0  }
0x8e: {  	v4 =	vmul.f32 v7, v3;
	[tilespmem:s26+$0xFFFFFFB0] =	vst v5;
	v7 =	vld [tilespmem:s26+$0x0]  }
0x8f: {  	v5 =	vmul.f32 v8, v3;
	v1 =	vld [tilespmem:s26+$0x20];
	[tilespmem:s26+$0xFFFFFFC0] =	vst v2  }
0x90: {  	v3 =	vmul.f32 v63, v3;
	v2 =	vld [tilespmem:s26+$0x30];
	[tilespmem:s26+$0xFFFFFFD0] =	vst v4  }
0x91: {  	[tilespmem:s26+$0xFFFFFFF0] =	vst v5;
	v4 =	vld [tilespmem:s26+$0x40]  }
0x92: {  	[tilespmem:s26+$0xFFFFFFE0] =	vst v3;
	v5 =	vld [tilespmem:s26+$0x10]  }
0x93: {  	s30 =	simm.s32 $0x4;
	s28 =	simm.s32 $0x0;
	s24 =	simm.s32 $0x580;
	v3 =	vld.idx.msk [tilespmem:v10+s13+$0x0], $0xffff  }
.LBB2_5:
0x94: {  	p0 =	slt.u32 s30, $0x7C  }
0x95: {  	v8 =	vld [tilespmem:s26+$0x50];
	s24 =	sadd.s32 $0x200, s24;
	s31 =	smov.u32 s30;
	s30 =	sadd.s32 $0x4, s30  }
0x96: {  	v9 =	vld [tilespmem:s26+$0x70];
	_ =	sdelay $0x1  }
0x97: {  	v6 =	vmul.f32 v6, v3;
	v7 =	vmul.f32 v7, v3  }
0x98: {  	v4 =	vmul.f32 v4, v3;
	v5 =	vmul.f32 v5, v3  }
0x99: {  	v1 =	vmul.f32 v1, v3;
	v2 =	vmul.f32 v2, v3;
	[tilespmem:s26+$0x60] =	vst v6  }
0x9a: {  	[tilespmem:s26+$0x40] =	vst v4;
	v4 =	vmul.f32 v8, v3;
	v3 =	vmul.f32 v9, v3  }
0x9b: {  	s8 =	sadd.s32 $0x3, s28;
	s28 =	smov.u32 s31;
	[tilespmem:s26+$0x20] =	vst v1;
	v6 =	vld [tilespmem:s26+$0x80]  }
0x9c: {  	v1 =	vld [tilespmem:s24+$0x20];
	[tilespmem:s26+$0x0] =	vst v7;
	v7 =	vmov s8  }
0x9d: {  	[tilespmem:s26+$0x50] =	vst v4;
	v4 =	vld [tilespmem:s26+$0xE0]  }
0x9e: {  	[tilespmem:s26+$0x30] =	vst v2;
	v8 =	vld [tilespmem:s26+$0xC0]  }
0x9f: {  	v2 =	vld [tilespmem:s24+$0x30];
	[tilespmem:s26+$0x10] =	vst v5  }
0xa0: {  	[tilespmem:s26+$0x70] =	vst v3;
	v3 =	vld [tilespmem:s26+$0xA0]  }
0xa1: {  	v5 =	vld.idx.msk [tilespmem:v7+s13+$0x0], $0xffff  }
0xa2: {  	v7 =	vld [tilespmem:s26+$0x90]  }
0xa3: {  	v9 =	vld [tilespmem:s26+$0xB0]  }
0xa4: {  	v10 =	vld [tilespmem:s26+$0xD0]  }
0xa5: {  	v11 =	vld [tilespmem:s26+$0xF0];
	_ =	sdelay $0x1  }
0xa6: {  	v6 =	vmul.f32 v6, v5;
	v7 =	vmul.f32 v7, v5  }
0xa7: {  	v3 =	vmul.f32 v3, v5;
	v9 =	vmul.f32 v9, v5  }
0xa8: {  	v12 =	vmov s28;
	[tilespmem:s26+$0x80] =	vst v6;
	v6 =	vmul.f32 v8, v5;
	v8 =	vmul.f32 v10, v5  }
0xa9: {  	v10 =	vand.u32 $0xFFFFFFFC, v12;
	[tilespmem:s26+$0xA0] =	vst v3;
	v3 =	vmul.f32 v4, v5;
	v4 =	vmul.f32 v11, v5  }
0xaa: {  	v5 =	vbroadcast v10, $0x0;
	[tilespmem:s26+$0xC0] =	vst v6  }
0xab: {  	[tilespmem:s26+$0xF0] =	vst v4  }
0xac: {  	v4 =	vld [tilespmem:s24+$0xFFFFFF40];
	[tilespmem:s26+$0xE0] =	vst v3  }
0xad: {  	v3 =	vld [tilespmem:s24+$0xFFFFFF50];
	[tilespmem:s26+$0x90] =	vst v7  }
0xae: {  	v6 =	vld [tilespmem:s24+$0xFFFFFF60];
	[tilespmem:s26+$0xB0] =	vst v9  }
0xaf: {  	v7 =	vld [tilespmem:s24+$0xFFFFFF70];
	[tilespmem:s26+$0xD0] =	vst v8;
	s26 =	smov.u32 s24  }
0xb0: {  	v5 =	vld.idx.msk [tilespmem:v5+s13+$0x0], $0xffff  }
0xb1: {  	v8 =	vld [tilespmem:s24+$0xFFFFFF00]  }
0xb2: {  	v9 =	vld [tilespmem:s24+$0xFFFFFF20]  }
0xb3: {  	v10 =	vld [tilespmem:s24+$0xFFFFFF10]  }
0xb4: {  	v11 =	vld [tilespmem:s24+$0xFFFFFF30];
	_ =	sdelay $0x1  }
0xb5: {  	v7 =	vmul.f32 v7, v5;
	v8 =	vmul.f32 v8, v5  }
0xb6: {  	s8 =	sadd.s32 $0x1, s28;
	v6 =	vmul.f32 v6, v5;
	v9 =	vmul.f32 v9, v5  }
0xb7: {  	v3 =	vmul.f32 v3, v5;
	v10 =	vmul.f32 v10, v5;
	[tilespmem:s24+$0xFFFFFF70] =	vst v7;
	v7 =	vmov s8  }
0xb8: {  	v4 =	vmul.f32 v4, v5;
	[tilespmem:s24+$0xFFFFFF00] =	vst v8;
	v8 =	vmul.f32 v11, v5;
	v5 =	vand.u32 $0xFFFFFFFD, v7  }
0xb9: {  	[tilespmem:s24+$0xFFFFFF20] =	vst v9;
	v5 =	vbroadcast v5, $0x0  }
0xba: {  	[tilespmem:s24+$0xFFFFFF50] =	vst v3  }
0xbb: {  	[tilespmem:s24+$0xFFFFFF40] =	vst v4;
	v3 =	vld [tilespmem:s24+$0xFFFFFFF0]  }
0xbc: {  	[tilespmem:s24+$0xFFFFFF60] =	vst v6;
	v4 =	vld [tilespmem:s24+$0xFFFFFFC0]  }
0xbd: {  	[tilespmem:s24+$0xFFFFFF30] =	vst v8;
	v6 =	vld [tilespmem:s24+$0xFFFFFFD0]  }
0xbe: {  	[tilespmem:s24+$0xFFFFFF10] =	vst v10;
	v7 =	vld [tilespmem:s24+$0xFFFFFF90]  }
0xbf: {  	v5 =	vld.idx.msk [tilespmem:v5+s13+$0x0], $0xffff  }
0xc0: {  	v8 =	vld [tilespmem:s24+$0xFFFFFF80]  }
0xc1: {  	v9 =	vld [tilespmem:s24+$0xFFFFFFA0]  }
0xc2: {  	v10 =	vld [tilespmem:s24+$0xFFFFFFB0]  }
0xc3: {  	v11 =	vld [tilespmem:s24+$0xFFFFFFE0];
	_ =	sdelay $0x1  }
0xc4: {  	v7 =	vmul.f32 v7, v5;
	v8 =	vmul.f32 v8, v5  }
0xc5: {  	s8 =	sadd.s32 $0x2, s28;
	v6 =	vmul.f32 v6, v5;
	v9 =	vmul.f32 v9, v5  }
0xc6: {  	v4 =	vmul.f32 v4, v5;
	[tilespmem:s24+$0xFFFFFF90] =	vst v7;
	v7 =	vmul.f32 v10, v5;
	v10 =	vmov s8  }
0xc7: {  	v3 =	vmul.f32 v3, v5;
	[tilespmem:s24+$0xFFFFFFA0] =	vst v9;
	v9 =	vmul.f32 v11, v5;
	v5 =	vand.u32 $0xFFFFFFFE, v10  }
0xc8: {  	[tilespmem:s24+$0xFFFFFF80] =	vst v8;
	v5 =	vbroadcast v5, $0x0  }
0xc9: {  	[tilespmem:s24+$0xFFFFFFB0] =	vst v7  }
0xca: {  	[tilespmem:s24+$0xFFFFFFC0] =	vst v4  }
0xcb: {  	[tilespmem:s24+$0xFFFFFFD0] =	vst v6  }
.Ltmp1:
0xcc: {  	[tilespmem:s24+$0xFFFFFFF0] =	vst v3;
	v4 =	vld [tilespmem:s24+$0x40];
	(pc) =	sbr.rel @p0 .LBB2_5-.Ltmp1, $4  }
0xcd: {  	[tilespmem:s24+$0xFFFFFFE0] =	vst v9;
	v6 =	vld [tilespmem:s24+$0x60]  }
0xce: {  	v3 =	vld.idx.msk [tilespmem:v5+s13+$0x0], $0xffff  }
0xcf: {  	v7 =	vld [tilespmem:s24+$0x0]  }
0xd0: {  	v5 =	vld [tilespmem:s24+$0x10]  }
0xd1: {  	_ =	sdelay $0x1  }
0xd2: {  	v6 =	vmul.f32 v6, v3  }
0xd3: {  	v8 =	vld [tilespmem:s26+$0x50];
	v4 =	vmul.f32 v4, v3  }
0xd4: {  	v9 =	vld [tilespmem:s26+$0x70];
	v1 =	vmul.f32 v1, v3;
	[tilespmem:s26+$0x60] =	vst v6  }
0xd5: {  	v6 =	vmul.f32 v7, v3;
	[tilespmem:s26+$0x40] =	vst v4  }
0xd6: {  	s8 =	sadd.s32 $0x3, s28;
	[tilespmem:s26+$0x20] =	vst v1;
	v1 =	vmul.f32 v2, v3  }
0xd7: {  	v5 =	vmul.f32 v5, v3;
	[tilespmem:s26+$0x0] =	vst v6;
	v6 =	vmov s8  }
0xd8: {  	v4 =	vmul.f32 v8, v3;
	[tilespmem:s26+$0x30] =	vst v1  }
0xd9: {  	v3 =	vmul.f32 v9, v3;
	[tilespmem:s26+$0x10] =	vst v5  }
0xda: {  	[tilespmem:s26+$0x50] =	vst v4  }
0xdb: {  	v2 =	vld [tilespmem:s26+$0x80];
	[tilespmem:s26+$0x70] =	vst v3  }
0xdc: {  	v1 =	vld.idx.msk [tilespmem:v6+s13+$0x0], $0xffff  }
0xdd: {  	v3 =	vld [tilespmem:s26+$0xA0]  }
0xde: {  	v4 =	vld [tilespmem:s26+$0xC0]  }
0xdf: {  	v5 =	vld [tilespmem:s26+$0xF0]  }
0xe0: {  	v6 =	vld [tilespmem:s26+$0xE0]  }
0xe1: {  	v7 =	vld [tilespmem:s26+$0x90];
	v2 =	vmul.f32 v2, v1  }
0xe2: {  	v8 =	vld [tilespmem:s26+$0xB0];
	v3 =	vmul.f32 v3, v1  }
0xe3: {  	v61 =	vld [tilespmem:s26+$0xD0];
	[tilespmem:s26+$0x80] =	vst v2;
	v2 =	vmul.f32 v4, v1  }
0xe4: {  	[tilespmem:s26+$0xA0] =	vst v3;
	v3 =	vmul.f32 v5, v1  }
0xe5: {  	v4 =	vmul.f32 v6, v1;
	[tilespmem:s26+$0xC0] =	vst v2  }
0xe6: {  	v2 =	vmul.f32 v7, v1;
	[tilespmem:s26+$0xF0] =	vst v3  }
0xe7: {  	v3 =	vmul.f32 v8, v1;
	[tilespmem:s26+$0xE0] =	vst v4  }
0xe8: {  	v1 =	vmul.f32 v61, v1;
	[tilespmem:s26+$0x90] =	vst v2  }
0xe9: {  	p0 =	seq.s32 s9, $0x26;
	[tilespmem:s26+$0xB0] =	vst v3  }
0xea: {  	s8 =	simm.s32 @!p0 $0x5;
	[tilespmem:s26+$0xD0] =	vst v1;
	s26 =	sshll.u32 s9, $0x8  }
0xeb: {  	[spmem:s4] =	stream.indirect.scatter.add.f32 [tilespmem:s10], [sflag:$0x5], $0x80, s12, s15, $0xb8;
	[tilespmem:$0x1C480] =	vst v63  }
0xec: {  	s24 =	sadd.s32 @!p0 s26, s18;
	_ =	swait.ge @!p0 [sflag:s8], $0x4000  }
0xed: {  	s24 =	sshrl.u32 @!p0 s24, $0x3;
	[sflag:s8] =	ssyncset.done @!p0 $0x0  }
0xee: {  	s28 =	simm.s32 @!p0 $0x0;
	[sflag:s8] =	ssyncadd.s32 @!p0 $0xFFFFC000;
	s8 =	sadd.s32 @!p0 s1, s24  }
0xef: {  	[tilespmem:s28], [sflag:$0x1] =	stream.linear.gather @!p0 [hbm4b:s8+s28], $0x80, $0x38;
	[tilespmem:$0x1C480] =	vst v63  }
0xf0: {  	s30 =	simm.s32 @!p0 $0x100;
	s8 =	sadd.s32 @!p0 s2, s24  }
0xf1: {  	[tilespmem:s30], [sflag:$0x1] =	stream.linear.gather @!p0 [hbm4b:s8+s28], $0x80, $0x38;
	[tilespmem:$0x1C480] =	vst v63  }
0xf2: {  	s8 =	sadd.s32 @!p0 s3, s24;
	s24 =	simm.s32 @!p0 $0x200  }
0xf3: {  	[tilespmem:s24], [sflag:$0x1] =	stream.linear.gather @!p0 [hbm4b:s8+s28], $0x80, $0x38;
	[tilespmem:$0x1C480] =	vst v63  }
0xf4: {  	s8 =	simm.s32 @!p0 $0x1  }
0xf5: {  	_ =	swait.ge @!p0 [sflag:s8], $0x80  }
0xf6: {  	[sflag:s8] =	ssyncset.done @!p0 $0x0  }
0xf7: {  	[sflag:s8] =	ssyncadd.s32 @!p0 $0xFFFFFF80  }
0xf8: {  	_ =	swait.ge @!p0 [sflag:s8], $0x80  }
0xf9: {  	[sflag:s8] =	ssyncset.done @!p0 $0x0  }
0xfa: {  	s30 =	simm.s32 $0x0;
	[sflag:s8] =	ssyncadd.s32 @!p0 $0xFFFFFF80  }
0xfb: {  	v1 =	vmov s30;
	_ =	swait.ge @!p0 [sflag:s8], $0x80  }
0xfc: {  	v1 =	vand.u32 $0xFFFFFFFC, v1;
	[sflag:s8] =	ssyncset.done @!p0 $0x0  }
0xfd: {  	s24 =	simm.s32 @!p0 $0x480;
	v1 =	vbroadcast v1, $0x0;
	[sflag:s8] =	ssyncadd.s32 @!p0 $0xFFFFFF80;
	s8 =	simm.s32 @!p0 $0x80  }
0xfe: {  	[tilespmem:s24], [sflag:$0x3] =	stream.indirect.gather @!p0 [hbm4b:s7+s8], $0x80, s28, s8, $0xb8;
	[tilespmem:$0x1C480] =	vst v63  }
0xff: {  	_ =	swait.ge [sflag:s23], $0x4000  }
0x100: {  	[sflag:s23] =	ssyncset.done $0x0  }
0x101: {  	s28 =	simm.s32 $0x4580;
	[sflag:s23] =	ssyncadd.s32 $0xFFFFC000  }
0x102: {  	v2 =	vld [tilespmem:s28+$0xFFFFFF70]  }
0x103: {  	v1 =	vld.idx.msk [tilespmem:v1+s17+$0x0], $0xffff  }
0x104: {  	v3 =	vld [tilespmem:s28+$0xFFFFFF00]  }
0x105: {  	v4 =	vld [tilespmem:s28+$0xFFFFFF20]  }
0x106: {  	v5 =	vld [tilespmem:s28+$0xFFFFFF50]  }
0x107: {  	v6 =	vld [tilespmem:s28+$0xFFFFFF40]  }
0x108: {  	v7 =	vld [tilespmem:s28+$0xFFFFFF60];
	v2 =	vmul.f32 v2, v1  }
0x109: {  	s14 =	simm.s32 $0x1;
	v8 =	vld [tilespmem:s28+$0xFFFFFF30];
	v3 =	vmul.f32 v3, v1  }
0x10a: {  	v62 =	vld [tilespmem:s28+$0xFFFFFF10];
	v4 =	vmul.f32 v4, v1;
	[tilespmem:s28+$0xFFFFFF70] =	vst v2;
	v2 =	vmov s14  }
0x10b: {  	v5 =	vmul.f32 v5, v1;
	[tilespmem:s28+$0xFFFFFF00] =	vst v3;
	v2 =	vand.u32 $0xFFFFFFFD, v2  }
0x10c: {  	v3 =	vmul.f32 v6, v1;
	[tilespmem:s28+$0xFFFFFF20] =	vst v4;
	v2 =	vbroadcast v2, $0x0  }
0x10d: {  	v4 =	vmul.f32 v7, v1;
	[tilespmem:s28+$0xFFFFFF50] =	vst v5  }
0x10e: {  	v5 =	vmul.f32 v8, v1;
	[tilespmem:s28+$0xFFFFFF40] =	vst v3  }
0x10f: {  	v1 =	vmul.f32 v62, v1;
	[tilespmem:s28+$0xFFFFFF60] =	vst v4  }
0x110: {  	[tilespmem:s28+$0xFFFFFF30] =	vst v5  }
0x111: {  	[tilespmem:s28+$0xFFFFFF10] =	vst v1;
	v1 =	vld [tilespmem:s28+$0xFFFFFF90]  }
0x112: {  	v3 =	vld.idx.msk [tilespmem:v2+s17+$0x0], $0xffff  }
0x113: {  	v2 =	vld [tilespmem:s28+$0xFFFFFFA0]  }
0x114: {  	v4 =	vld [tilespmem:s28+$0xFFFFFF80]  }
0x115: {  	v5 =	vld [tilespmem:s28+$0xFFFFFFB0]  }
0x116: {  	v6 =	vld [tilespmem:s28+$0xFFFFFFC0]  }
0x117: {  	v7 =	vld [tilespmem:s28+$0xFFFFFFD0];
	v1 =	vmul.f32 v1, v3  }
0x118: {  	s24 =	simm.s32 $0x2;
	v8 =	vld [tilespmem:s28+$0xFFFFFFF0];
	v2 =	vmul.f32 v2, v3  }
0x119: {  	v63 =	vld [tilespmem:s28+$0xFFFFFFE0];
	v4 =	vmul.f32 v4, v3;
	[tilespmem:s28+$0xFFFFFF90] =	vst v1;
	v1 =	vmov s24  }
0x11a: {  	v5 =	vmul.f32 v5, v3;
	[tilespmem:s28+$0xFFFFFFA0] =	vst v2;
	v1 =	vand.u32 $0xFFFFFFFE, v1  }
0x11b: {  	v2 =	vmul.f32 v6, v3;
	[tilespmem:s28+$0xFFFFFF80] =	vst v4;
	v6 =	vld [tilespmem:s28+$0x60];
	v10 =	vbroadcast v1, $0x0  }
0x11c: {  	v4 =	vmul.f32 v7, v3;
	[tilespmem:s28+$0xFFFFFFB0] =	vst v5;
	v7 =	vld [tilespmem:s28+$0x0]  }
0x11d: {  	v5 =	vmul.f32 v8, v3;
	v1 =	vld [tilespmem:s28+$0x20];
	[tilespmem:s28+$0xFFFFFFC0] =	vst v2  }
0x11e: {  	v3 =	vmul.f32 v63, v3;
	v2 =	vld [tilespmem:s28+$0x30];
	[tilespmem:s28+$0xFFFFFFD0] =	vst v4  }
0x11f: {  	[tilespmem:s28+$0xFFFFFFF0] =	vst v5;
	v4 =	vld [tilespmem:s28+$0x40]  }
0x120: {  	[tilespmem:s28+$0xFFFFFFE0] =	vst v3;
	v5 =	vld [tilespmem:s28+$0x10]  }
0x121: {  	s31 =	simm.s32 $0x4580;
	s24 =	simm.s32 $0x4;
	v3 =	vld.idx.msk [tilespmem:v10+s17+$0x0], $0xffff  }
.LBB2_7:
0x122: {  	p1 =	slt.u32 s24, $0x7C  }
0x123: {  	v8 =	vld [tilespmem:s28+$0x50];
	s31 =	sadd.s32 $0x200, s31;
	s8 =	smov.u32 s24;
	s24 =	sadd.s32 $0x4, s24  }
0x124: {  	v9 =	vld [tilespmem:s28+$0x70];
	_ =	sdelay $0x1  }
0x125: {  	v6 =	vmul.f32 v6, v3;
	v7 =	vmul.f32 v7, v3  }
0x126: {  	v4 =	vmul.f32 v4, v3;
	v5 =	vmul.f32 v5, v3  }
0x127: {  	v1 =	vmul.f32 v1, v3;
	v2 =	vmul.f32 v2, v3;
	[tilespmem:s28+$0x60] =	vst v6  }
0x128: {  	[tilespmem:s28+$0x40] =	vst v4;
	v4 =	vmul.f32 v8, v3;
	v3 =	vmul.f32 v9, v3  }
0x129: {  	s14 =	sadd.s32 $0x3, s30;
	s30 =	smov.u32 s8;
	[tilespmem:s28+$0x20] =	vst v1;
	v6 =	vld [tilespmem:s28+$0x80]  }
0x12a: {  	v1 =	vld [tilespmem:s31+$0x20];
	[tilespmem:s28+$0x0] =	vst v7;
	v7 =	vmov s14  }
0x12b: {  	[tilespmem:s28+$0x50] =	vst v4;
	v4 =	vld [tilespmem:s28+$0xE0]  }
0x12c: {  	[tilespmem:s28+$0x30] =	vst v2;
	v8 =	vld [tilespmem:s28+$0xC0]  }
0x12d: {  	v2 =	vld [tilespmem:s31+$0x30];
	[tilespmem:s28+$0x10] =	vst v5  }
0x12e: {  	[tilespmem:s28+$0x70] =	vst v3;
	v3 =	vld [tilespmem:s28+$0xA0]  }
0x12f: {  	v5 =	vld.idx.msk [tilespmem:v7+s17+$0x0], $0xffff  }
0x130: {  	v7 =	vld [tilespmem:s28+$0x90]  }
0x131: {  	v9 =	vld [tilespmem:s28+$0xB0]  }
0x132: {  	v10 =	vld [tilespmem:s28+$0xD0]  }
0x133: {  	v11 =	vld [tilespmem:s28+$0xF0];
	_ =	sdelay $0x1  }
0x134: {  	v6 =	vmul.f32 v6, v5;
	v7 =	vmul.f32 v7, v5  }
0x135: {  	v3 =	vmul.f32 v3, v5;
	v9 =	vmul.f32 v9, v5  }
0x136: {  	v12 =	vmov s30;
	[tilespmem:s28+$0x80] =	vst v6;
	v6 =	vmul.f32 v8, v5;
	v8 =	vmul.f32 v10, v5  }
0x137: {  	v10 =	vand.u32 $0xFFFFFFFC, v12;
	[tilespmem:s28+$0xA0] =	vst v3;
	v3 =	vmul.f32 v4, v5;
	v4 =	vmul.f32 v11, v5  }
0x138: {  	v5 =	vbroadcast v10, $0x0;
	[tilespmem:s28+$0xC0] =	vst v6  }
0x139: {  	[tilespmem:s28+$0xF0] =	vst v4  }
0x13a: {  	v4 =	vld [tilespmem:s31+$0xFFFFFF40];
	[tilespmem:s28+$0xE0] =	vst v3  }
0x13b: {  	v3 =	vld [tilespmem:s31+$0xFFFFFF50];
	[tilespmem:s28+$0x90] =	vst v7  }
0x13c: {  	v6 =	vld [tilespmem:s31+$0xFFFFFF60];
	[tilespmem:s28+$0xB0] =	vst v9  }
0x13d: {  	v7 =	vld [tilespmem:s31+$0xFFFFFF70];
	[tilespmem:s28+$0xD0] =	vst v8;
	s28 =	smov.u32 s31  }
0x13e: {  	v5 =	vld.idx.msk [tilespmem:v5+s17+$0x0], $0xffff  }
0x13f: {  	v8 =	vld [tilespmem:s31+$0xFFFFFF00]  }
0x140: {  	v9 =	vld [tilespmem:s31+$0xFFFFFF20]  }
0x141: {  	v10 =	vld [tilespmem:s31+$0xFFFFFF10]  }
0x142: {  	v11 =	vld [tilespmem:s31+$0xFFFFFF30];
	_ =	sdelay $0x1  }
0x143: {  	v7 =	vmul.f32 v7, v5;
	v8 =	vmul.f32 v8, v5  }
0x144: {  	s8 =	sadd.s32 $0x1, s30;
	v6 =	vmul.f32 v6, v5;
	v9 =	vmul.f32 v9, v5  }
0x145: {  	v3 =	vmul.f32 v3, v5;
	v10 =	vmul.f32 v10, v5;
	[tilespmem:s31+$0xFFFFFF70] =	vst v7;
	v7 =	vmov s8  }
0x146: {  	v4 =	vmul.f32 v4, v5;
	[tilespmem:s31+$0xFFFFFF00] =	vst v8;
	v8 =	vmul.f32 v11, v5;
	v5 =	vand.u32 $0xFFFFFFFD, v7  }
0x147: {  	[tilespmem:s31+$0xFFFFFF20] =	vst v9;
	v5 =	vbroadcast v5, $0x0  }
0x148: {  	[tilespmem:s31+$0xFFFFFF50] =	vst v3  }
0x149: {  	[tilespmem:s31+$0xFFFFFF40] =	vst v4;
	v3 =	vld [tilespmem:s31+$0xFFFFFFF0]  }
0x14a: {  	[tilespmem:s31+$0xFFFFFF60] =	vst v6;
	v4 =	vld [tilespmem:s31+$0xFFFFFFC0]  }
0x14b: {  	[tilespmem:s31+$0xFFFFFF30] =	vst v8;
	v6 =	vld [tilespmem:s31+$0xFFFFFFD0]  }
0x14c: {  	[tilespmem:s31+$0xFFFFFF10] =	vst v10;
	v7 =	vld [tilespmem:s31+$0xFFFFFF90]  }
0x14d: {  	v5 =	vld.idx.msk [tilespmem:v5+s17+$0x0], $0xffff  }
0x14e: {  	v8 =	vld [tilespmem:s31+$0xFFFFFF80]  }
0x14f: {  	v9 =	vld [tilespmem:s31+$0xFFFFFFA0]  }
0x150: {  	v10 =	vld [tilespmem:s31+$0xFFFFFFB0]  }
0x151: {  	v11 =	vld [tilespmem:s31+$0xFFFFFFE0];
	_ =	sdelay $0x1  }
0x152: {  	v7 =	vmul.f32 v7, v5;
	v8 =	vmul.f32 v8, v5  }
0x153: {  	s8 =	sadd.s32 $0x2, s30;
	v6 =	vmul.f32 v6, v5;
	v9 =	vmul.f32 v9, v5  }
0x154: {  	v4 =	vmul.f32 v4, v5;
	[tilespmem:s31+$0xFFFFFF90] =	vst v7;
	v7 =	vmul.f32 v10, v5;
	v10 =	vmov s8  }
0x155: {  	v3 =	vmul.f32 v3, v5;
	[tilespmem:s31+$0xFFFFFFA0] =	vst v9;
	v9 =	vmul.f32 v11, v5;
	v5 =	vand.u32 $0xFFFFFFFE, v10  }
0x156: {  	[tilespmem:s31+$0xFFFFFF80] =	vst v8;
	v5 =	vbroadcast v5, $0x0  }
0x157: {  	[tilespmem:s31+$0xFFFFFFB0] =	vst v7  }
0x158: {  	[tilespmem:s31+$0xFFFFFFC0] =	vst v4  }
0x159: {  	[tilespmem:s31+$0xFFFFFFD0] =	vst v6  }
.Ltmp2:
0x15a: {  	[tilespmem:s31+$0xFFFFFFF0] =	vst v3;
	v4 =	vld [tilespmem:s31+$0x40];
	(pc) =	sbr.rel @p1 .LBB2_7-.Ltmp2, $4  }
0x15b: {  	[tilespmem:s31+$0xFFFFFFE0] =	vst v9;
	v6 =	vld [tilespmem:s31+$0x60]  }
0x15c: {  	v3 =	vld.idx.msk [tilespmem:v5+s17+$0x0], $0xffff  }
0x15d: {  	v7 =	vld [tilespmem:s31+$0x0]  }
0x15e: {  	v5 =	vld [tilespmem:s31+$0x10]  }
0x15f: {  	_ =	sdelay $0x1  }
0x160: {  	v6 =	vmul.f32 v6, v3  }
0x161: {  	v8 =	vld [tilespmem:s28+$0x50];
	v4 =	vmul.f32 v4, v3  }
0x162: {  	v9 =	vld [tilespmem:s28+$0x70];
	v1 =	vmul.f32 v1, v3;
	[tilespmem:s28+$0x60] =	vst v6  }
0x163: {  	v54 =	vmul.f32 v7, v3;
	[tilespmem:s28+$0x40] =	vst v4  }
0x164: {  	s8 =	sadd.s32 $0x3, s30;
	[tilespmem:s28+$0x20] =	vst v1;
	v1 =	vmul.f32 v2, v3  }
0x165: {  	v56 =	vmov s8;
	v5 =	vmul.f32 v5, v3;
	[tilespmem:s28+$0x0] =	vst v54  }
0x166: {  	v55 =	vmul.f32 v8, v3;
	[tilespmem:s28+$0x30] =	vst v1  }
0x167: {  	v3 =	vmul.f32 v9, v3;
	[tilespmem:s28+$0x10] =	vst v5  }
0x168: {  	[tilespmem:s28+$0x50] =	vst v55  }
0x169: {  	v2 =	vld [tilespmem:s28+$0x80];
	[tilespmem:s28+$0x70] =	vst v3  }
0x16a: {  	v1 =	vld.idx.msk [tilespmem:v56+s17+$0x0], $0xffff  }
0x16b: {  	v3 =	vld [tilespmem:s28+$0xA0]  }
0x16c: {  	v59 =	vld [tilespmem:s28+$0xE0]  }
0x16d: {  	v57 =	vld [tilespmem:s28+$0xC0]  }
0x16e: {  	v58 =	vld [tilespmem:s28+$0xF0]  }
0x16f: {  	v60 =	vld [tilespmem:s28+$0x90];
	v2 =	vmul.f32 v2, v1  }
0x170: {  	v61 =	vld [tilespmem:s28+$0xB0];
	v3 =	vmul.f32 v3, v1  }
0x171: {  	v62 =	vld [tilespmem:s28+$0xD0];
	v63 =	vmul.f32 v59, v1;
	[tilespmem:s28+$0x80] =	vst v2  }
0x172: {  	v2 =	vmul.f32 v57, v1;
	[tilespmem:s28+$0xA0] =	vst v3  }
0x173: {  	v3 =	vmul.f32 v58, v1;
	[tilespmem:s28+$0xE0] =	vst v63  }
0x174: {  	[tilespmem:s28+$0xC0] =	vst v2;
	v2 =	vmul.f32 v60, v1  }
.Ltmp3:
0x175: {  	[tilespmem:s28+$0xF0] =	vst v3;
	v3 =	vmul.f32 v61, v1;
	(pc) =	sbr.rel @p0 .LBB2_10-.Ltmp3, $4  }
0x176: {  	v1 =	vmul.f32 v62, v1;
	[tilespmem:s28+$0x90] =	vst v2  }
0x177: {  	[tilespmem:s28+$0xB0] =	vst v3  }
0x178: {  	[tilespmem:s28+$0xD0] =	vst v1  }
0x179: {  	[spmem:s4] =	stream.indirect.scatter.add.f32 [tilespmem:s21], [sflag:$0x6], $0x80, s16, s15, $0xb8;
	[tilespmem:$0x1C480] =	vst v63  }
0x17a: {  	_ =	swait.ge [sflag:s25], $0x4000;
	s8 =	sadd.s32 s26, s19  }
0x17b: {  	[sflag:s25] =	ssyncset.done $0x0;
	s8 =	sshrl.u32 s8, $0x3  }
0x17c: {  	[sflag:s25] =	ssyncadd.s32 $0xFFFFC000;
	s14 =	sadd.s32 s1, s8  }
0x17d: {  	[tilespmem:s15], [sflag:$0x2] =	stream.linear.gather [hbm4b:s14+s6], $0x80, $0x38;
	[tilespmem:$0x1C480] =	vst v63  }
0x17e: {  	s31 =	sadd.s32 s2, s8  }
0x17f: {  	[tilespmem:s16], [sflag:$0x2] =	stream.linear.gather [hbm4b:s31+s6], $0x80, $0x38;
	[tilespmem:$0x1C480] =	vst v63  }
0x180: {  	s8 =	sadd.s32 s3, s8  }
0x181: {  	[tilespmem:s17], [sflag:$0x2] =	stream.linear.gather [hbm4b:s8+s6], $0x80, $0x38;
	[tilespmem:$0x1C480] =	vst v63  }
0x182: {  	_ =	swait.ge [sflag:s20], $0x80  }
0x183: {  	[sflag:s20] =	ssyncset.done $0x0  }
0x184: {  	[sflag:s20] =	ssyncadd.s32 $0xFFFFFF80  }
0x185: {  	_ =	swait.ge [sflag:s20], $0x80  }
0x186: {  	[sflag:s20] =	ssyncset.done $0x0  }
.Ltmp4:
0x187: {  	[sflag:s20] =	ssyncadd.s32 $0xFFFFFF80;
	(pc) =	sbr.rel .LBB2_4-.Ltmp4, $4  }
0x188: {  	_ =	swait.ge [sflag:s20], $0x80  }
0x189: {  	[sflag:s20] =	ssyncset.done $0x0  }
0x18a: {  	s9 =	sadd.s32 $0x1, s9;
	[sflag:s20] =	ssyncadd.s32 $0xFFFFFF80  }
0x18b: {  	[tilespmem:s21], [sflag:$0x4] =	stream.indirect.gather [hbm4b:s7+s15], $0x80, s15, s15, $0xb8;
	[tilespmem:$0x1C480] =	vst v63  }
.LBB2_10:
0x18c: {  	s5 =	simm.s32 $0x5  }
0x18d: {  	_ =	swait.ge [sflag:s5], $0x4000  }
0x18e: {  	[sflag:s5] =	ssyncset.done $0x0  }
0x18f: {  	[sflag:s5] =	ssyncadd.s32 $0xFFFFC000  }
0x190: {  	_ =	swait.ge [sflag:s25], $0x4000  }
0x191: {  	s24 =	simm.s32 $0x0;
	[sflag:s25] =	ssyncset.done $0x0  }
0x192: {  	s9 =	simm.s32 $0x300;
	s8 =	rddreg [dreg:$0x12];
	[sflag:s25] =	ssyncadd.s32 $0xFFFFC000  }
0x193: {  	[tilespmem:s9], [sflag:$0x8] =	stream.linear.gather [hbm4b:s8+s24], $0x10, $0x38;
	[tilespmem:$0x1C480] =	vst v63  }
0x194: {  	_ =	swait.ge [sflag:s11], $0x10  }
0x195: {  	[sflag:s11] =	ssyncset.done $0x0  }
0x196: {  	s14 =	simm.s32 $0x380;
	s28 =	rddreg [dreg:$0x13];
	[sflag:s11] =	ssyncadd.s32 $0xFFFFFFF0  }
0x197: {  	[tilespmem:s14], [sflag:$0x8] =	stream.linear.gather [hbm4b:s28+s24], $0x10, $0x38;
	[tilespmem:$0x1C480] =	vst v63  }
0x198: {  	_ =	swait.ge [sflag:s11], $0x10  }
0x199: {  	[sflag:s11] =	ssyncset.done $0x0  }
0x19a: {  	s30 =	rddreg [dreg:$0x14];
	[sflag:s11] =	ssyncadd.s32 $0xFFFFFFF0  }
0x19b: {  	[tilespmem:s29], [sflag:$0x8] =	stream.linear.gather [hbm4b:s30+s24], $0x10, $0x38;
	[tilespmem:$0x1C480] =	vst v63  }
0x19c: {  	_ =	swait.ge [sflag:s11], $0x10  }
0x19d: {  	[sflag:s11] =	ssyncset.done $0x0  }
0x19e: {  	s26 =	simm.s32 $0x10;
	s31 =	simm.s32 $0x7;
	[sflag:s11] =	ssyncadd.s32 $0xFFFFFFF0  }
0x19f: {  	[tilespmem:s10], [sflag:$0x7] =	stream.indirect.gather [hbm4b:s7+s26], $0x80, s9, s26, $0xb8;
	[tilespmem:$0x1C480] =	vst v63  }
0x1a0: {  	_ =	swait.ge [sflag:s31], $0x800  }
0x1a1: {  	v1 =	vmov s24;
	[sflag:s31] =	ssyncset.done $0x0  }
0x1a2: {  	s5 =	simm.s32 $0x4C0;
	[sflag:s31] =	ssyncadd.s32 $0xFFFFF800  }
0x1a3: {  	v5 =	vld [tilespmem:s5+$0x30]  }
0x1a4: {  	v8 =	vld [tilespmem:s5+$0x10]  }
0x1a5: {  	v6 =	vld [tilespmem:s5+$0xFFFFFFC0]  }
0x1a6: {  	v2 =	vld.idx.msk [tilespmem:v1+s29+$0x0], $0xffff  }
0x1a7: {  	v10 =	vld [tilespmem:s5+$0xFFFFFFE0]  }
0x1a8: {  	v1 =	vld [tilespmem:s5+$0xFFFFFFF0]  }
0x1a9: {  	v3 =	vld [tilespmem:s5+$0x20]  }
0x1aa: {  	v4 =	vld [tilespmem:s5+$0xFFFFFFD0]  }
0x1ab: {  	v9 =	vmul.f32 v5, v2;
	v5 =	vld [tilespmem:s5+$0x0]  }
0x1ac: {  	v7 =	vmul.f32 v6, v2  }
0x1ad: {  	s24 =	simm.s32 $0x4C0;
	s9 =	simm.s32 $0x1;
	v6 =	vmul.f32 v10, v2;
	v8 =	vmul.f32 v8, v2  }
.LBB2_11:
0x1ae: {  	p0 =	sne.s32 s9, $0xF  }
0x1af: {  	v4 =	vmul.f32 v4, v2;
	v3 =	vmul.f32 v3, v2;
	[tilespmem:s5+$0x30] =	vst v9;
	s24 =	sadd.s32 $0x80, s24;
	s8 =	smov.u32 s9;
	s9 =	sadd.s32 $0x1, s9  }
0x1b0: {  	[tilespmem:s5+$0xFFFFFFC0] =	vst v7;
	v7 =	vmul.f32 v1, v2;
	v2 =	vmul.f32 v5, v2  }
0x1b1: {  	[tilespmem:s5+$0x10] =	vst v8  }
0x1b2: {  	v5 =	vmov s8;
	[tilespmem:s5+$0xFFFFFFE0] =	vst v6  }
0x1b3: {  	v1 =	vld [tilespmem:s24+$0xFFFFFFF0];
	[tilespmem:s5+$0xFFFFFFF0] =	vst v7  }
0x1b4: {  	v6 =	vld [tilespmem:s24+$0x30];
	[tilespmem:s5+$0x0] =	vst v2  }
0x1b5: {  	v8 =	vld [tilespmem:s24+$0x10];
	[tilespmem:s5+$0x20] =	vst v3  }
0x1b6: {  	v7 =	vld [tilespmem:s24+$0xFFFFFFC0];
	[tilespmem:s5+$0xFFFFFFD0] =	vst v4;
	s5 =	smov.u32 s24  }
0x1b7: {  	v2 =	vld.idx.msk [tilespmem:v5+s29+$0x0], $0xffff  }
0x1b8: {  	v10 =	vld [tilespmem:s24+$0xFFFFFFE0]  }
0x1b9: {  	v3 =	vld [tilespmem:s24+$0x20]  }
.Ltmp5:
0x1ba: {  	v4 =	vld [tilespmem:s24+$0xFFFFFFD0];
	(pc) =	sbr.rel @p0 .LBB2_11-.Ltmp5, $3  }
0x1bb: {  	v5 =	vld [tilespmem:s24+$0x0];
	_ =	sdelay $0x1  }
0x1bc: {  	v7 =	vmul.f32 v7, v2;
	v9 =	vmul.f32 v6, v2  }
0x1bd: {  	v8 =	vmul.f32 v8, v2;
	v6 =	vmul.f32 v10, v2  }
0x1be: {  	[tilespmem:s5+$0x30] =	vst v9  }
0x1bf: {  	[tilespmem:s5+$0xFFFFFFC0] =	vst v7  }
0x1c0: {  	v1 =	vmul.f32 v1, v2;
	[tilespmem:s5+$0x10] =	vst v8  }
0x1c1: {  	v3 =	vmul.f32 v3, v2;
	[tilespmem:s5+$0xFFFFFFE0] =	vst v6  }
0x1c2: {  	v5 =	vmul.f32 v5, v2;
	[tilespmem:s5+$0xFFFFFFF0] =	vst v1  }
0x1c3: {  	v1 =	vmul.f32 v4, v2;
	[tilespmem:s5+$0x20] =	vst v3  }
0x1c4: {  	[tilespmem:s5+$0x0] =	vst v5  }
0x1c5: {  	[tilespmem:s5+$0xFFFFFFD0] =	vst v1  }
0x1c6: {  	[spmem:s4] =	stream.indirect.scatter.add.f32 [tilespmem:s10], [sflag:$0x8], $0x80, s14, s26, $0xb8;
	[tilespmem:$0x1C480] =	vst v63  }
0x1c7: {  	_ =	swait.ge [sflag:s11], $0x800  }
0x1c8: {  	[sflag:s11] =	ssyncset.done $0x0  }
0x1c9: {  	[sflag:s11] =	ssyncadd.s32 $0xFFFFF800  }
0x1ca: {  	s24 =	stileid.u32;
	[bflag:$0x0] =	sbarrier.arrive $0xFFFF  }
0x1cb: {  	s5 =	sshll.u32 s24, $0x6;
	s24 =	rddreg [dreg:$0x6]  }
0x1cc: {  	s5 =	sor.u32 $0x1C08, s5;
	s9 =	rddreg [dreg:$0xb];
	s8 =	sshrl.u32 s24, $0x3  }
0x1cd: {  	[hbm:s9], [sflag:s5] =	dma.local [spmem:s8], $0x800  }
0x1ce: {  	_ =	swait.ge [sflag:s11], $0x800  }
0x1cf: {  	[sflag:s11] =	ssyncset.done $0x0;
	s26 =	rddreg [dreg:$0xc]  }
0x1d0: {  	s28 =	rddreg [dreg:$0x16];
	[sflag:s11] =	ssyncadd.s32 $0xFFFFF800  }
0x1d1: {  	[hbm:s26], [sflag:s5] =	dma.local [spmem:s28], $0x800  }
0x1d2: {  	_ =	swait.ge [sflag:s11], $0x800  }
0x1d3: {  	[sflag:s11] =	ssyncset.done $0x0;
	s30 =	rddreg [dreg:$0xd]  }
0x1d4: {  	s31 =	rddreg [dreg:$0x17];
	[sflag:s11] =	ssyncadd.s32 $0xFFFFF800  }
0x1d5: {  	[hbm:s30], [sflag:s5] =	dma.local [spmem:s31], $0x800  }
0x1d6: {  	_ =	swait.ge [sflag:s11], $0x800  }
0x1d7: {  	[sflag:s11] =	ssyncset.done $0x0;
	s14 =	rddreg [dreg:$0xe]  }
0x1d8: {  	s26 =	rddreg [dreg:$0x18];
	[sflag:s11] =	ssyncadd.s32 $0xFFFFF800  }
0x1d9: {  	[hbm:s14], [sflag:s5] =	dma.local [spmem:s26], $0x800  }
0x1da: {  	_ =	swait.ge [sflag:s11], $0x800  }
0x1db: {  	[sflag:s11] =	ssyncset.done $0x0;
	s28 =	rddreg [dreg:$0xf]  }
0x1dc: {  	s30 =	rddreg [dreg:$0x19];
	[sflag:s11] =	ssyncadd.s32 $0xFFFFF800  }
0x1dd: {  	[hbm:s28], [sflag:s5] =	dma.local [spmem:s30], $0x800  }
0x1de: {  	_ =	swait.ge [sflag:s11], $0x800  }
0x1df: {  	s0 =	sadd.s32 $0x1, s0;
	s31 =	rddreg [dreg:$0x15]  }
0x1e0: {  	p0 =	sne.s32 s0, s31  }
.Ltmp6:
0x1e1: {  	_ = 	snop;
	(pc) =	sbr.rel @p0 .LBB2_1-.Ltmp6, $3  }
0x1e2: {  	_ =	sdelay $0x1  }
0x1e3: {  	[sflag:s11] =	ssyncset.done $0x0  }
0x1e4: {  	[sflag:s11] =	ssyncadd.s32 $0xFFFFF800  }
0x1e5: {  	_ =	sfence.sel $0x180000  }
0x1e6: {  	[bflag:$0x0] =	sbarrier.arrive $0xFFFF  }
0x1e7: {  	_ =	strace $0x9000004A  }
0x1e8: {  	s0 =	stileid.u32;
	[bflag:$0x2] =	sbarrier.arrive $0xFFFF  }
0x1e9: {  	p0 =	sne.s32 s0, $0x0;
	s0 =	rddreg [dreg:$0x5]  }
0x1ea: {  	s0 =	sadd.s32 @!p0 $0x100000, s0  }
0x1eb: {  	[sflag:s0] =	ssyncadd.tile.s32 @!p0 $0x1;
	_ =	shalt  }
.Lfunc_end2:
_tile_overlayer_lowered:
.L_overlay_start_2:
0x1ec: {  	(tag) =	ssettag $0x2  }
0x1ed: {  	s0 =	rddreg [dreg:$0x0];
	s2 =	stileid.u32  }
0x1ee: {  	s1 =	rddreg [dreg:$0x1];
	p0 =	sne.s32 s2, $0x0  }
0x1ef: {  	s3 =	rddreg [dreg:$0x2];
	[bflag:$0x3] =	sbarrier.arrive $0xFFFF;
	s2 =	simm.s32 @!p0 $0x1C08  }
0x1f0: {  	[timem:s3], [sflag:s2] =	dma.local @!p0 [hbm:s0], s1  }
0x1f1: {  	s0 =	simm.s32 @!p0 $0x8  }
0x1f2: {  	_ =	swait.ge @!p0 [sflag:s0], s1  }
0x1f3: {  	s1 =	ssub.s32 @!p0 $0x0, s1;
	[sflag:s0] =	ssyncset.done @!p0 $0x0  }
0x1f4: {  	[sflag:s0] =	ssyncadd.s32 @!p0 s1  }
0x1f5: {  	[bflag:$0x3] =	sbarrier.arrive $0xFFFF  }
0x1f6: {  	_ =	shalt  }

// kernel: kernel.14.cloned.1.call-start
scs
__scs_entry_jumppad:
0x0: {  	(pc) =	sbr.rel $0x88, $3  }
0x1: {  	(tag) =	ssettag $0x0;
	lr =	simm.s32 $0x1  }
0x2: {  	[smem:$0x3F98] =	sst lr;
	_ =	strace $0xD0000000  }
0x3: {  	_ = 	snop  }
0x4: {  	_ = 	snop  }
0x5: {  	_ = 	snop  }
0x6: {  	_ = 	snop  }
0x7: {  	_ = 	snop  }
__scs_overlays_trampoline_lowered:
0x8: {  	[smem:$0x3FA7] =	sst s0  }
0x9: {  	[smem:$0x3FA8] =	sst s1  }
0xa: {  	[smem:$0x3FA9] =	sst s2  }
0xb: {  	[smem:$0x3FAA] =	sst s3  }
0xc: {  	[smem:$0x3FAB] =	sst s4  }
0xd: {  	[smem:$0x3FAC] =	sst s5  }
0xe: {  	[smem:$0x3FAD] =	sst s6  }
0xf: {  	[smem:$0x3FAE] =	sst s7  }
0x10: {  	[smem:$0x3FAF] =	sst s8  }
0x11: {  	[smem:$0x3FB0] =	sst s9;
	s0 =	simm.s32 @!p0 $0x0  }
0x12: {  	s1 =	sld [smem:$0x3F96];
	s0 =	simm.s32 @p0 $0x1  }
0x13: {  	[smem:$0x3FB1] =	sst s0;
	s0 =	simm.s32 @!p1 $0x0  }
0x14: {  	s2 =	sld [smem:$0x3F95];
	s0 =	simm.s32 @p1 $0x1  }
0x15: {  	[smem:$0x3FB2] =	sst s0;
	s0 =	simm.s32 @!p2 $0x0  }
0x16: {  	s3 =	sld [smem:$0x3FDB];
	s0 =	simm.s32 @p2 $0x1  }
0x17: {  	s4 =	simm.s32 $0x1BF5;
	[smem:$0x3FB4] =	sst s0  }
0x18: {  	s0 =	sld [smem:$0x3F97];
	_ =	swait.ge [sflag:s4], $0x0  }
0x19: {  	s7 =	sld [smem:$0x3F98]  }
0x1a: {  	s8 =	sadd.s32 $0xFFFFE003, lr  }
0x1b: {  	s9 =	sadd.s32 $0xFFFFFEF7, lr;
	s5 =	simm.s32 $0xFFFFFFFF;
	p2 =	slt.u32 s8, $0xFFFFF086  }
0x1c: {  	p1 =	slt.u32 s9, $0xF7A;
	s5 =	simm.s32 @!p2 $0x0  }
0x1d: {  	s5 =	simm.s32 @p1 $0x1;
	p0 =	seq.s32 s7, s2  }
0x1e: {  	s7 =	smul.u32 @!p0 $0xF7A, s2;
	p2 =	seq.s32 @!p0 s5, $0x0  }
0x1f: {  	s9 =	smul.u32 $0xF7A, s1;
	s8 =	simm.s32 @!p0 $0x1BF5;
	p2 =	por !p2, p0  }
0x20: {  	[sflag:s8] =	ssyncset.s32 @!p0 $0xFFFFF086;
	s6 =	sadd.s32 @!p0 s3, s7;
	s7 =	simm.s32 @!p0 $0x108  }
0x21: {  	s3 =	sadd.s32 s3, s9;
	s6 =	sadd.s32 @!p0 $0x88, s6;
	s7 =	simm.s32 @p2 $0x1082  }
0x22: {  	[simem:s7], [sflag:s8] =	dma.local @!p0 [hbm:s6], $0xF7A  }
0x23: {  	s9 =	sor.u32 $0xD0000000, s2;
	s6 =	simm.s32 $0x108;
	_ =	swait.ge @!p0 [sflag:s8], $0x0  }
0x24: {  	s3 =	sadd.s32 $0x88, s3;
	s6 =	simm.s32 @!p1 $0x1082;
	[sflag:s4] =	ssyncset.s32 $0xFFFFF086  }
0x25: {  	[simem:s6], [sflag:s4] =	dma.local [hbm:s3], $0xF7A  }
0x26: {  	[smem:$0x3F98] =	sst s1;
	(tag) =	ssettag s2;
	_ =	strace s9  }
0x27: {  	s1 =	sld [smem:$0x3FA8]  }
0x28: {  	s2 =	sld [smem:$0x3FA9]  }
0x29: {  	s4 =	sld [smem:$0x3FAB]  }
0x2a: {  	p0 =	seq.s32 s5, $0x0;
	s5 =	sld [smem:$0x3FAC]  }
0x2b: {  	s6 =	sld [smem:$0x3FAD]  }
0x2c: {  	s7 =	sld [smem:$0x3FAE]  }
0x2d: {  	s3 =	simm.s32 $0x108;
	s8 =	sld [smem:$0x3FAF]  }
0x2e: {  	s3 =	simm.s32 @!p0 $0x1082;
	s9 =	sld [smem:$0x3FB0]  }
0x2f: {  	lr =	sadd.s32 s0, s3;
	s0 =	sld [smem:$0x3FA7]  }
0x30: {  	s3 =	sld [smem:$0x3FAA]  }
0x31: {  	[smem:$0x3FB3] =	sst s10  }
0x32: {  	s10 =	sld [smem:$0x3FB1];
	_ =	sdelay $0x3  }
0x33: {  	p0 =	seq.s32 s10, $0x1;
	s10 =	sld [smem:$0x3FB3];
	_ =	sdelay $0x3  }
0x34: {  	[smem:$0x3FB3] =	sst s10  }
0x35: {  	s10 =	sld [smem:$0x3FB2];
	_ =	sdelay $0x3  }
0x36: {  	p1 =	seq.s32 s10, $0x1;
	s10 =	sld [smem:$0x3FB3];
	_ =	sdelay $0x3  }
0x37: {  	[smem:$0x3FB3] =	sst s10  }
0x38: {  	s10 =	sld [smem:$0x3FB4]  }
0x39: {  	_ = 	snop;
	(pc) =	sbr.ind lr, $3  }
0x3a: {  	_ = 	snop  }
0x3b: {  	_ = 	snop  }
0x3c: {  	p2 =	seq.s32 s10, $0x1;
	s10 =	sld [smem:$0x3FB3]  }
0x3d: {  	_ =	shalt  }
0x3e: {  	_ =	shalt  }
0x3f: {  	_ =	shalt  }
0x40: {  	_ =	shalt  }
0x41: {  	_ =	shalt  }
0x42: {  	_ =	shalt  }
0x43: {  	_ =	shalt  }
0x44: {  	_ =	shalt  }
0x45: {  	_ =	shalt  }
0x46: {  	_ =	shalt  }
0x47: {  	_ =	shalt  }
0x48: {  	_ =	shalt  }
0x49: {  	_ =	shalt  }
0x4a: {  	_ =	shalt  }
0x4b: {  	_ =	shalt  }
0x4c: {  	_ =	shalt  }
0x4d: {  	_ =	shalt  }
0x4e: {  	_ =	shalt  }
0x4f: {  	_ =	shalt  }
0x50: {  	_ =	shalt  }
0x51: {  	_ =	shalt  }
0x52: {  	_ =	shalt  }
0x53: {  	_ =	shalt  }
0x54: {  	_ =	shalt  }
0x55: {  	_ =	shalt  }
0x56: {  	_ =	shalt  }
0x57: {  	_ =	shalt  }
0x58: {  	_ =	shalt  }
0x59: {  	_ =	shalt  }
0x5a: {  	_ =	shalt  }
0x5b: {  	_ =	shalt  }
0x5c: {  	_ =	shalt  }
0x5d: {  	_ =	shalt  }
0x5e: {  	_ =	shalt  }
0x5f: {  	_ =	shalt  }
0x60: {  	_ =	shalt  }
0x61: {  	_ =	shalt  }
0x62: {  	_ =	shalt  }
0x63: {  	_ =	shalt  }
0x64: {  	_ =	shalt  }
0x65: {  	_ =	shalt  }
0x66: {  	_ =	shalt  }
0x67: {  	_ =	shalt  }
0x68: {  	_ =	shalt  }
0x69: {  	_ =	shalt  }
0x6a: {  	_ =	shalt  }
0x6b: {  	_ =	shalt  }
0x6c: {  	_ =	shalt  }
0x6d: {  	_ =	shalt  }
0x6e: {  	_ =	shalt  }
0x6f: {  	_ =	shalt  }
0x70: {  	_ =	shalt  }
0x71: {  	_ =	shalt  }
0x72: {  	_ =	shalt  }
0x73: {  	_ =	shalt  }
0x74: {  	_ =	shalt  }
0x75: {  	_ =	shalt  }
0x76: {  	_ =	shalt  }
0x77: {  	_ =	shalt  }
0x78: {  	_ =	shalt  }
0x79: {  	_ =	shalt  }
0x7a: {  	_ =	shalt  }
0x7b: {  	_ =	shalt  }
0x7c: {  	_ =	shalt  }
0x7d: {  	_ =	shalt  }
0x7e: {  	_ =	shalt  }
0x7f: {  	_ =	shalt  }
0x80: {  	_ =	shalt  }
0x81: {  	_ =	shalt  }
0x82: {  	_ =	shalt  }
0x83: {  	_ =	shalt  }
0x84: {  	_ =	shalt  }
0x85: {  	_ =	shalt  }
0x86: {  	_ =	shalt  }
0x87: {  	_ =	shalt  }
.Lfunc_end0:
.L_simem_size_0:
called_computation.2_lowered:
.L_overlay_start_0:
0x88: {  	s2 =	sld [smem:$0x3FD9]  }
0x89: {  	s3 =	sld [smem:$0x3FFE];
	_ =	sdelay $0x1  }
0x8a: {  	s1 =	srdreg.scid  }
0x8b: {  	s0 =	sand.u32 $0x1, s1  }
0x8c: {  	s14 =	sshll.u32 s0, $0xA;
	s2 =	sadd.s32 s3, s2  }
0x8d: {  	s2 =	sadd.s32 s2, s14  }
0x8e: {  	[smem:$0x3FBF] =	sst s2  }
0x8f: {  	_ = 	snop  }
0x90: {  	s2 =	sld [smem:$0x3FD0];
	_ =	sdelay $0x2  }
0x91: {  	s4 =	simm.s32 $0xA;
	s5 =	simm.s32 $0x10;
	s15 =	sld [smem:$0x3FC7]  }
0x92: {  	[smem:s5], [sflag:s4] =	dma.local [hbm:s2], $0x1  }
0x93: {  	_ =	swait.eq [sflag:s4], $0x1  }
0x94: {  	[sflag:s4] =	ssyncset.done $0x0  }
0x95: {  	s16 =	sld [smem:$0x10];
	[sflag:s4] =	ssyncadd.s32 $0xFFFFFFFF  }
0x96: {  	s17 =	sld [smem:$0x11];
	(tm) =	ssettm $0x1  }
0x97: {  	s18 =	sld [smem:$0x3FFB];
	_ =	sdelay $0x3  }
0x98: {  	_ =	strace s18  }
0x99: {  	s5 =	sld [smem:$0x3FFC];
	_ =	sdelay $0x3  }
0x9a: {  	_ =	strace s5  }
0x9b: {  	s5 =	sld [smem:$0x3FFD];
	_ =	sdelay $0x3  }
0x9c: {  	_ =	strace s5  }
0x9d: {  	_ =	strace $0x8FFFFFFF  }
0x9e: {  	s19 =	sld [smem:$0x3FDB];
	_ =	sdelay $0x1  }
0x9f: {  	s6 =	simm.s32 $_scs_section_size  }
0xa0: {  	s7 =	simm.s32 $_size__tile_overlayer_lowered;
	s8 =	simm.s32 $_tile_overlayer_lowered  }
0xa1: {  	s22 =	simm.s32 $0x1BFF;
	s21 =	sshll.u32 s8, $0x1;
	s5 =	sadd.s32 s6, s19  }
0xa2: {  	s9 =	simm.s32 $0x0;
	s20 =	sshll.u32 s7, $0x1;
	s7 =	sadd.s32 s21, s5  }
0xa3: {  	[timem:s9], [sflag:s22] =	dma.local [hbm:s7], s20  }
0xa4: {  	_ =	swait.ge [sflag:s22], s20  }
0xa5: {  	s6 =	ssub.s32 $0x0, s20;
	[sflag:s22] =	ssyncset.done $0x0  }
0xa6: {  	[sflag:s22] =	ssyncadd.s32 s6;
	_ =	sdelay $0x1  }
0xa7: {  	s23 =	simm.s32 $0x1B8B  }
0xa8: {  	_ =	swait.ge [sflag:s23], $0x1  }
0xa9: {  	[sflag:s23] =	ssyncset.done $0x0  }
0xaa: {  	s25 =	simm.s32 $0x1B8E;
	s24 =	sld [smem:$0x3FFE];
	[sflag:s23] =	ssyncadd.s32 $0xFFFFFFFF  }
0xab: {  	s26 =	simm.s32 $execute0_lowered;
	[smem:$0x3FD2] =	sst s25  }
0xac: {  	s7 =	sshll.u32 s26, $0x1;
	_ =	strace $0x8000004C;
	[dreg:$0x1] =	wrdreg $0xFFFFFFFF  }
0xad: {  	s28 =	simm.s32 $_size_execute0_lowered;
	s5 =	sadd.s32 s5, s7;
	[dreg:$0x0] =	wrdreg $0x0  }
0xae: {  	s7 =	sshll.u32 s28, $0x1;
	[dreg:$0x2] =	wrdreg s5  }
0xaf: {  	[dreg:$0x3] =	wrdreg s7  }
0xb0: {  	[dreg:$0x4] =	wrdreg $0xC0  }
0xb1: {  	_ =	task [dreg:s9], $0x5FFFF  }
0xb2: {  	[dreg:$0x1] =	wrdreg $0xFFFFFFFF  }
0xb3: {  	[dreg:$0x0] =	wrdreg $0x60  }
0xb4: {  	[dreg:$0x2] =	wrdreg s24  }
0xb5: {  	[dreg:$0x3] =	wrdreg s17  }
0xb6: {  	[dreg:$0x4] =	wrdreg s16  }
0xb7: {  	[dreg:$0x5] =	wrdreg s15  }
0xb8: {  	[dreg:$0x6] =	wrdreg $0x84800  }
0xb9: {  	[dreg:$0x7] =	wrdreg $0x9  }
0xba: {  	_ =	task.clear_ibuf [dreg:s9], $0x8FFFF;
	_ =	strace $0x9000004C  }
0xbb: {  	s29 =	simm.s32 $0x9;
	_ =	strace $0x8000004E  }
0xbc: {  	_ =	swait.ge [sflag:s29], $0x1  }
0xbd: {  	[sflag:s29] =	ssyncadd.s32 $0xFFFFFFFF  }
0xbe: {  	_ =	strace $0x9000004E  }
0xbf: {  	_ =	sfence  }
0xc0: {  	s30 =	sld [smem:$0x0];
	_ =	sdelay $0x2  }
0xc1: {  	s31 =	sshll.u32 s1, $0xD;
	s1 =	sshrl.u32 s1, $0x2  }
0xc2: {  	s3 =	sand.u32 $0x4000, s31;
	s1 =	sadd.s32 s1, s30  }
0xc3: {  	s0 =	sor.u32 s3, s0;
	s1 =	sshll.u32 s1, $0x11  }
0xc4: {  	s0 =	sor.u32 s1, s0  }
0xc5: {  	s0 =	sadd.s32 $0x8F2B, s0  }
0xc6: {  	[sflag:s0] =	ssyncadd.remote.s32 $0x1  }
0xc7: {  	_ =	sfence.sel $0xFFFF  }
0xc8: {  	[dreg:$0x0] =	wrdreg $0xFFFFFFFF;
	(pc) =	sbr.abs _section_cstart, $3  }
0xc9: {  	[dreg:$0x1] =	wrdreg $0xFFFFFFFF  }
0xca: {  	_ =	task.clear_ibuf [dreg:s9], $0x2FFFF;
	_ =	strace $0x9FFFFFFF  }
0xcb: {  	(tm) =	ssettm $0x7FFFFFFF  }
tec
execute0_lowered:
.L_overlay_start_1:
0x0: {  	(tag) =	ssettag $0x1  }
0x1: {  	s0 =	rddreg [dreg:$0x0]  }
0x2: {  	s1 =	rddreg [dreg:$0x1]  }
0x3: {  	s2 =	rddreg [dreg:$0x2]  }
0x4: {  	s3 =	rddreg [dreg:$0x3]  }
0x5: {  	s4 =	rddreg [dreg:$0x4];
	s5 =	srdreg.scid  }
0x6: {  	s6 =	simm.s32 $0x0;
	s12 =	stileid.u32;
	s29 =	simm.s32 $0x400  }
0x7: {  	s5 =	sand.u32 $0x1, s5;
	[smem:$0x7FF] =	sst s6;
	s11 =	smul.u32 $0x50000, s12  }
0x8: {  	s7 =	sshll.u32 s5, $0x4;
	s8 =	ssub.s32 $0x2, s5;
	s5 =	smul.u32 $0x140000, s5  }
0x9: {  	_ =	strace $0x8000004D;
	s7 =	sor.u32 s12, s7;
	s12 =	smul.u32 $0x14000, s12  }
0xa: {  	s10 =	sshrl.u32 s8, $0x1;
	s30 =	sshrl.u32 s11, $0x2;
	s9 =	smul.u32 $0x2710, s7  }
0xb: {  	s7 =	sadd.s32 $0x2A00, s0;
	s0 =	sadd.s32 $0x29C00, s0;
	s10 =	ssub.s32 s8, s10  }
0xc: {  	s24 =	sadd.s32 s30, s4;
	s21 =	sadd.s32 $0x8000, s12;
	s22 =	sadd.s32 $0xC000, s12  }
0xd: {  	s11 =	smax.u32 s10, $0x1;
	[dreg:$0x6] =	wrdreg s24;
	s31 =	sshrl.u32 s9, $0x3  }
0xe: {  	s10 =	simm.s32 $0x480;
	[dreg:$0x15] =	wrdreg s11;
	s14 =	sadd.s32 s1, s31  }
0xf: {  	s23 =	sadd.s32 s5, s21;
	s28 =	sadd.s32 s2, s31;
	[dreg:$0x7] =	wrdreg s14  }
0x10: {  	s13 =	sadd.s32 $0x10, s31;
	s30 =	sadd.s32 s3, s31;
	[dreg:$0x10] =	wrdreg s28  }
0x11: {  	s11 =	simm.s32 $0x8;
	s15 =	sadd.s32 s1, s13;
	[dreg:$0x11] =	wrdreg s30  }
0x12: {  	s31 =	sadd.s32 $0x4E0, s31;
	s16 =	sadd.s32 s2, s13;
	[dreg:$0x8] =	wrdreg s15  }
0x13: {  	s14 =	sadd.s32 s5, s12;
	s17 =	sadd.s32 s3, s13;
	[dreg:$0x9] =	wrdreg s16  }
0x14: {  	s8 =	sadd.s32 s1, s31;
	s28 =	sadd.s32 $0x8000, s24;
	[dreg:$0xa] =	wrdreg s17  }
0x15: {  	s30 =	sadd.s32 $0xC000, s24;
	s13 =	simm.s32 $0x200;
	[dreg:$0x12] =	wrdreg s8  }
0x16: {  	s15 =	sadd.s32 $0x4000, s12;
	s14 =	sshrl.u32 s14, $0x3;
	[dreg:$0x1b] =	wrdreg s28  }
0x17: {  	s17 =	sadd.s32 s5, s22;
	s12 =	sadd.s32 $0x10000, s12;
	[dreg:$0x1c] =	wrdreg s30  }
0x18: {  	s16 =	sadd.s32 s5, s15;
	s18 =	sadd.s32 s0, s14;
	s17 =	sshrl.u32 s17, $0x3  }
0x19: {  	s5 =	sadd.s32 s5, s12;
	[dreg:$0xb] =	wrdreg s18;
	s19 =	sshrl.u32 s16, $0x3  }
0x1a: {  	s16 =	sshrl.u32 s23, $0x3;
	s26 =	sadd.s32 s0, s17;
	s5 =	sshrl.u32 s5, $0x3  }
0x1b: {  	s18 =	sadd.s32 $0x100, s9;
	s17 =	sadd.s32 s21, s4;
	s21 =	sadd.s32 s12, s4  }
0x1c: {  	s12 =	simm.s32 $0x100;
	s20 =	sadd.s32 s0, s19;
	[dreg:$0xe] =	wrdreg s26  }
0x1d: {  	s25 =	sadd.s32 s0, s16;
	s0 =	sadd.s32 s0, s5;
	[dreg:$0xc] =	wrdreg s20  }
0x1e: {  	s19 =	sadd.s32 $0x180, s9;
	s9 =	sadd.s32 s2, s31;
	[dreg:$0xd] =	wrdreg s25  }
0x1f: {  	s16 =	sadd.s32 s15, s4;
	s26 =	sadd.s32 $0x4000, s24;
	[dreg:$0xf] =	wrdreg s0  }
0x20: {  	s15 =	simm.s32 $0x80;
	[dreg:$0x13] =	wrdreg s9;
	s0 =	sadd.s32 s3, s31  }
0x21: {  	s20 =	sadd.s32 s22, s4;
	s22 =	sshrl.u32 s17, $0x3;
	[dreg:$0x1a] =	wrdreg s26  }
0x22: {  	s25 =	sshrl.u32 s21, $0x3;
	s31 =	sadd.s32 $0x10000, s24;
	[dreg:$0x14] =	wrdreg s0  }
0x23: {  	s17 =	simm.s32 $0x280;
	s21 =	simm.s32 $0x4480;
	[dreg:$0x17] =	wrdreg s22  }
0x24: {  	s0 =	sshrl.u32 s16, $0x3;
	s23 =	sshrl.u32 s20, $0x3;
	[dreg:$0x19] =	wrdreg s25  }
0x25: {  	[dreg:$0x1d] =	wrdreg s31;
	s16 =	simm.s32 $0x180;
	s20 =	simm.s32 $0x2  }
0x26: {  	s22 =	simm.s32 $0x3;
	s25 =	simm.s32 $0x6;
	[dreg:$0x16] =	wrdreg s0  }
0x27: {  	v0 =	vimm.f32 $0.0e+00;
	[dreg:$0x18] =	wrdreg s23;
	s23 =	simm.s32 $0x4;
	s0 =	simm.s32 $0x0  }
.LBB2_1:
0x28: {  	s5 =	simm.s32 $0x0;
	s9 =	simm.s32 $0x200  }
.LBB2_2:
0x29: {  	p0 =	sne.s32 s9, $0xFE00;
	[tilespmem:s5+$0x4F0] =	vst v0  }
0x2a: {  	[tilespmem:s5+$0x480] =	vst v0  }
0x2b: {  	[tilespmem:s5+$0x490] =	vst v0  }
.Ltmp0:
0x2c: {  	[tilespmem:s5+$0x4A0] =	vst v0;
	(pc) =	sbr.rel @p0 .LBB2_2-.Ltmp0, $4  }
0x2d: {  	[tilespmem:s5+$0x4B0] =	vst v0  }
0x2e: {  	[tilespmem:s5+$0x4C0] =	vst v0  }
0x2f: {  	[tilespmem:s5+$0x4D0] =	vst v0  }
0x30: {  	[tilespmem:s5+$0x4E0] =	vst v0;
	s5 =	sshra.s32 s9, $0x2;
	s9 =	sadd.s32 $0x200, s9  }
0x31: {  	[tilespmem:s5+$0x4F0] =	vst v0  }
0x32: {  	[tilespmem:s5+$0x480] =	vst v0  }
0x33: {  	[tilespmem:s5+$0x490] =	vst v0  }
0x34: {  	[tilespmem:s5+$0x4A0] =	vst v0  }
0x35: {  	[tilespmem:s5+$0x4B0] =	vst v0  }
0x36: {  	[tilespmem:s5+$0x4C0] =	vst v0  }
0x37: {  	[tilespmem:s5+$0x4D0] =	vst v0  }
0x38: {  	[tilespmem:s5+$0x4E0] =	vst v0  }
0x39: {  	[spmem:s24] =	stream.linear.scatter [tilespmem:s10], [sflag:$0x8], $0x4000, $0x38;
	[tilespmem:$0x1C480] =	vst v63  }
0x3a: {  	_ =	swait.ge [sflag:s11], $0x4000  }
0x3b: {  	[sflag:s11] =	ssyncset.done $0x0  }
0x3c: {  	s30 =	rddreg [dreg:$0x1a];
	[sflag:s11] =	ssyncadd.s32 $0xFFFFC000  }
0x3d: {  	[spmem:s30] =	stream.linear.scatter [tilespmem:s10], [sflag:$0x8], $0x4000, $0x38;
	[tilespmem:$0x1C480] =	vst v63  }
0x3e: {  	_ =	swait.ge [sflag:s11], $0x4000  }
0x3f: {  	[sflag:s11] =	ssyncset.done $0x0  }
0x40: {  	s31 =	rddreg [dreg:$0x1b];
	[sflag:s11] =	ssyncadd.s32 $0xFFFFC000  }
0x41: {  	[spmem:s31] =	stream.linear.scatter [tilespmem:s10], [sflag:$0x8], $0x4000, $0x38;
	[tilespmem:$0x1C480] =	vst v63  }
0x42: {  	_ =	swait.ge [sflag:s11], $0x4000  }
0x43: {  	[sflag:s11] =	ssyncset.done $0x0  }
0x44: {  	s8 =	rddreg [dreg:$0x1c];
	[sflag:s11] =	ssyncadd.s32 $0xFFFFC000  }
0x45: {  	[spmem:s8] =	stream.linear.scatter [tilespmem:s10], [sflag:$0x8], $0x4000, $0x38;
	[tilespmem:$0x1C480] =	vst v63  }
0x46: {  	_ =	swait.ge [sflag:s11], $0x4000  }
0x47: {  	[sflag:s11] =	ssyncset.done $0x0  }
0x48: {  	s9 =	rddreg [dreg:$0x1d];
	[sflag:s11] =	ssyncadd.s32 $0xFFFFC000  }
0x49: {  	[spmem:s9] =	stream.linear.scatter [tilespmem:s10], [sflag:$0x8], $0x4000, $0x38;
	[tilespmem:$0x1C480] =	vst v63  }
0x4a: {  	_ =	swait.ge [sflag:s11], $0x4000  }
0x4b: {  	[sflag:s11] =	ssyncset.done $0x0  }
0x4c: {  	[sflag:s11] =	ssyncadd.s32 $0xFFFFC000  }
0x4d: {  	[bflag:$0x0] =	sbarrier.arrive $0xFFFF  }
0x4e: {  	s5 =	simm.s32 $0x0;
	s8 =	rddreg [dreg:$0x7]  }
0x4f: {  	[tilespmem:s5], [sflag:$0x1] =	stream.linear.gather [hbm4b:s8+s5], $0x80, $0x38;
	[tilespmem:$0x1C480] =	vst v63  }
0x50: {  	s14 =	rddreg [dreg:$0x10]  }
0x51: {  	[tilespmem:s12], [sflag:$0x1] =	stream.linear.gather [hbm4b:s14+s5], $0x80, $0x38;
	[tilespmem:$0x1C480] =	vst v63  }
0x52: {  	s26 =	simm.s32 $0x1;
	s24 =	rddreg [dreg:$0x11]  }
0x53: {  	[tilespmem:s13], [sflag:$0x1] =	stream.linear.gather [hbm4b:s24+s5], $0x80, $0x38;
	[tilespmem:$0x1C480] =	vst v63  }
0x54: {  	_ =	swait.ge [sflag:s26], $0x80  }
0x55: {  	[sflag:s26] =	ssyncset.done $0x0  }
0x56: {  	[sflag:s26] =	ssyncadd.s32 $0xFFFFFF80  }
0x57: {  	_ =	swait.ge [sflag:s26], $0x80  }
0x58: {  	[sflag:s26] =	ssyncset.done $0x0  }
0x59: {  	[sflag:s26] =	ssyncadd.s32 $0xFFFFFF80  }
0x5a: {  	_ =	swait.ge [sflag:s26], $0x80  }
0x5b: {  	[sflag:s26] =	ssyncset.done $0x0  }
0x5c: {  	[sflag:s26] =	ssyncadd.s32 $0xFFFFFF80  }
0x5d: {  	[tilespmem:s10], [sflag:$0x3] =	stream.indirect.gather [hbm4b:s7+s15], $0x80, s5, s15, $0xb8;
	[tilespmem:$0x1C480] =	vst v63  }
0x5e: {  	s28 =	rddreg [dreg:$0x8]  }
0x5f: {  	[tilespmem:s15], [sflag:$0x2] =	stream.linear.gather [hbm4b:s28+s5], $0x80, $0x38;
	[tilespmem:$0x1C480] =	vst v63  }
0x60: {  	s30 =	rddreg [dreg:$0x9]  }
0x61: {  	[tilespmem:s16], [sflag:$0x2] =	stream.linear.gather [hbm4b:s30+s5], $0x80, $0x38;
	[tilespmem:$0x1C480] =	vst v63  }
0x62: {  	s31 =	rddreg [dreg:$0xa]  }
0x63: {  	[tilespmem:s17], [sflag:$0x2] =	stream.linear.gather [hbm4b:s31+s5], $0x80, $0x38;
	[tilespmem:$0x1C480] =	vst v63  }
0x64: {  	_ =	swait.ge [sflag:s20], $0x80  }
0x65: {  	[sflag:s20] =	ssyncset.done $0x0  }
0x66: {  	[sflag:s20] =	ssyncadd.s32 $0xFFFFFF80  }
0x67: {  	_ =	swait.ge [sflag:s20], $0x80  }
0x68: {  	[sflag:s20] =	ssyncset.done $0x0  }
0x69: {  	[sflag:s20] =	ssyncadd.s32 $0xFFFFFF80  }
0x6a: {  	_ =	swait.ge [sflag:s20], $0x80  }
0x6b: {  	[sflag:s20] =	ssyncset.done $0x0  }
0x6c: {  	s9 =	simm.s32 $0x0;
	[sflag:s20] =	ssyncadd.s32 $0xFFFFFF80  }
0x6d: {  	[tilespmem:s21], [sflag:$0x4] =	stream.indirect.gather [hbm4b:s7+s15], $0x80, s15, s15, $0xb8;
	[tilespmem:$0x1C480] =	vst v63  }
.LBB2_4:
0x6e: {  	v1 =	vmov s5  }
0x6f: {  	v1 =	vand.u32 $0xFFFFFFFC, v1  }
0x70: {  	v1 =	vbroadcast v1, $0x0;
	_ =	sdelay $0x1  }
0x71: {  	_ =	swait.ge [sflag:s22], $0x4000  }
0x72: {  	[sflag:s22] =	ssyncset.done $0x0  }
0x73: {  	s26 =	simm.s32 $0x580;
	[sflag:s22] =	ssyncadd.s32 $0xFFFFC000  }
0x74: {  	v2 =	vld [tilespmem:s26+$0xFFFFFF70]  }
0x75: {  	v1 =	vld.idx.msk [tilespmem:v1+s13+$0x0], $0xffff  }
0x76: {  	v3 =	vld [tilespmem:s26+$0xFFFFFF00]  }
0x77: {  	v4 =	vld [tilespmem:s26+$0xFFFFFF20]  }
0x78: {  	v5 =	vld [tilespmem:s26+$0xFFFFFF50]  }
0x79: {  	v6 =	vld [tilespmem:s26+$0xFFFFFF40]  }
0x7a: {  	v7 =	vld [tilespmem:s26+$0xFFFFFF60];
	v2 =	vmul.f32 v2, v1  }
0x7b: {  	s24 =	simm.s32 $0x1;
	v8 =	vld [tilespmem:s26+$0xFFFFFF30];
	v3 =	vmul.f32 v3, v1  }
0x7c: {  	v9 =	vld [tilespmem:s26+$0xFFFFFF10];
	v4 =	vmul.f32 v4, v1;
	[tilespmem:s26+$0xFFFFFF70] =	vst v2;
	v2 =	vmov s24  }
0x7d: {  	v5 =	vmul.f32 v5, v1;
	[tilespmem:s26+$0xFFFFFF00] =	vst v3;
	v2 =	vand.u32 $0xFFFFFFFD, v2  }
0x7e: {  	v3 =	vmul.f32 v6, v1;
	[tilespmem:s26+$0xFFFFFF20] =	vst v4;
	v2 =	vbroadcast v2, $0x0  }
0x7f: {  	v4 =	vmul.f32 v7, v1;
	[tilespmem:s26+$0xFFFFFF50] =	vst v5  }
0x80: {  	v5 =	vmul.f32 v8, v1;
	[tilespmem:s26+$0xFFFFFF40] =	vst v3  }
0x81: {  	v1 =	vmul.f32 v9, v1;
	[tilespmem:s26+$0xFFFFFF60] =	vst v4  }
0x82: {  	[tilespmem:s26+$0xFFFFFF30] =	vst v5  }
0x83: {  	[tilespmem:s26+$0xFFFFFF10] =	vst v1;
	v1 =	vld [tilespmem:s26+$0xFFFFFF90]  }
0x84: {  	v3 =	vld.idx.msk [tilespmem:v2+s13+$0x0], $0xffff  }
0x85: {  	v2 =	vld [tilespmem:s26+$0xFFFFFFA0]  }
0x86: {  	v4 =	vld [tilespmem:s26+$0xFFFFFF80]  }
0x87: {  	v5 =	vld [tilespmem:s26+$0xFFFFFFB0]  }
0x88: {  	v6 =	vld [tilespmem:s26+$0xFFFFFFC0]  }
0x89: {  	v7 =	vld [tilespmem:s26+$0xFFFFFFD0];
	v1 =	vmul.f32 v1, v3  }
0x8a: {  	s31 =	simm.s32 $0x2;
	v8 =	vld [tilespmem:s26+$0xFFFFFFF0];
	v2 =	vmul.f32 v2, v3  }
0x8b: {  	v63 =	vld [tilespmem:s26+$0xFFFFFFE0];
	v4 =	vmul.f32 v4, v3;
	[tilespmem:s26+$0xFFFFFF90] =	vst v1;
	v1 =	vmov s31  }
0x8c: {  	v5 =	vmul.f32 v5, v3;
	[tilespmem:s26+$0xFFFFFFA0] =	vst v2;
	v1 =	vand.u32 $0xFFFFFFFE, v1  }
0x8d: {  	v2 =	vmul.f32 v6, v3;
	[tilespmem:s26+$0xFFFFFF80] =	vst v4;
	v6 =	vld [tilespmem:s26+$0x60];
	v10 =	vbroadcast v1, $0x0  }
0x8e: {  	v4 =	vmul.f32 v7, v3;
	[tilespmem:s26+$0xFFFFFFB0] =	vst v5;
	v7 =	vld [tilespmem:s26+$0x0]  }
0x8f: {  	v5 =	vmul.f32 v8, v3;
	v1 =	vld [tilespmem:s26+$0x20];
	[tilespmem:s26+$0xFFFFFFC0] =	vst v2  }
0x90: {  	v3 =	vmul.f32 v63, v3;
	v2 =	vld [tilespmem:s26+$0x30];
	[tilespmem:s26+$0xFFFFFFD0] =	vst v4  }
0x91: {  	[tilespmem:s26+$0xFFFFFFF0] =	vst v5;
	v4 =	vld [tilespmem:s26+$0x40]  }
0x92: {  	[tilespmem:s26+$0xFFFFFFE0] =	vst v3;
	v5 =	vld [tilespmem:s26+$0x10]  }
0x93: {  	s30 =	simm.s32 $0x4;
	s28 =	simm.s32 $0x0;
	s24 =	simm.s32 $0x580;
	v3 =	vld.idx.msk [tilespmem:v10+s13+$0x0], $0xffff  }
.LBB2_5:
0x94: {  	p0 =	slt.u32 s30, $0x7C  }
0x95: {  	v8 =	vld [tilespmem:s26+$0x50];
	s24 =	sadd.s32 $0x200, s24;
	s31 =	smov.u32 s30;
	s30 =	sadd.s32 $0x4, s30  }
0x96: {  	v9 =	vld [tilespmem:s26+$0x70];
	_ =	sdelay $0x1  }
0x97: {  	v6 =	vmul.f32 v6, v3;
	v7 =	vmul.f32 v7, v3  }
0x98: {  	v4 =	vmul.f32 v4, v3;
	v5 =	vmul.f32 v5, v3  }
0x99: {  	v1 =	vmul.f32 v1, v3;
	v2 =	vmul.f32 v2, v3;
	[tilespmem:s26+$0x60] =	vst v6  }
0x9a: {  	[tilespmem:s26+$0x40] =	vst v4;
	v4 =	vmul.f32 v8, v3;
	v3 =	vmul.f32 v9, v3  }
0x9b: {  	s8 =	sadd.s32 $0x3, s28;
	s28 =	smov.u32 s31;
	[tilespmem:s26+$0x20] =	vst v1;
	v6 =	vld [tilespmem:s26+$0x80]  }
0x9c: {  	v1 =	vld [tilespmem:s24+$0x20];
	[tilespmem:s26+$0x0] =	vst v7;
	v7 =	vmov s8  }
0x9d: {  	[tilespmem:s26+$0x50] =	vst v4;
	v4 =	vld [tilespmem:s26+$0xE0]  }
0x9e: {  	[tilespmem:s26+$0x30] =	vst v2;
	v8 =	vld [tilespmem:s26+$0xC0]  }
0x9f: {  	v2 =	vld [tilespmem:s24+$0x30];
	[tilespmem:s26+$0x10] =	vst v5  }
0xa0: {  	[tilespmem:s26+$0x70] =	vst v3;
	v3 =	vld [tilespmem:s26+$0xA0]  }
0xa1: {  	v5 =	vld.idx.msk [tilespmem:v7+s13+$0x0], $0xffff  }
0xa2: {  	v7 =	vld [tilespmem:s26+$0x90]  }
0xa3: {  	v9 =	vld [tilespmem:s26+$0xB0]  }
0xa4: {  	v10 =	vld [tilespmem:s26+$0xD0]  }
0xa5: {  	v11 =	vld [tilespmem:s26+$0xF0];
	_ =	sdelay $0x1  }
0xa6: {  	v6 =	vmul.f32 v6, v5;
	v7 =	vmul.f32 v7, v5  }
0xa7: {  	v3 =	vmul.f32 v3, v5;
	v9 =	vmul.f32 v9, v5  }
0xa8: {  	v12 =	vmov s28;
	[tilespmem:s26+$0x80] =	vst v6;
	v6 =	vmul.f32 v8, v5;
	v8 =	vmul.f32 v10, v5  }
0xa9: {  	v10 =	vand.u32 $0xFFFFFFFC, v12;
	[tilespmem:s26+$0xA0] =	vst v3;
	v3 =	vmul.f32 v4, v5;
	v4 =	vmul.f32 v11, v5  }
0xaa: {  	v5 =	vbroadcast v10, $0x0;
	[tilespmem:s26+$0xC0] =	vst v6  }
0xab: {  	[tilespmem:s26+$0xF0] =	vst v4  }
0xac: {  	v4 =	vld [tilespmem:s24+$0xFFFFFF40];
	[tilespmem:s26+$0xE0] =	vst v3  }
0xad: {  	v3 =	vld [tilespmem:s24+$0xFFFFFF50];
	[tilespmem:s26+$0x90] =	vst v7  }
0xae: {  	v6 =	vld [tilespmem:s24+$0xFFFFFF60];
	[tilespmem:s26+$0xB0] =	vst v9  }
0xaf: {  	v7 =	vld [tilespmem:s24+$0xFFFFFF70];
	[tilespmem:s26+$0xD0] =	vst v8;
	s26 =	smov.u32 s24  }
0xb0: {  	v5 =	vld.idx.msk [tilespmem:v5+s13+$0x0], $0xffff  }
0xb1: {  	v8 =	vld [tilespmem:s24+$0xFFFFFF00]  }
0xb2: {  	v9 =	vld [tilespmem:s24+$0xFFFFFF20]  }
0xb3: {  	v10 =	vld [tilespmem:s24+$0xFFFFFF10]  }
0xb4: {  	v11 =	vld [tilespmem:s24+$0xFFFFFF30];
	_ =	sdelay $0x1  }
0xb5: {  	v7 =	vmul.f32 v7, v5;
	v8 =	vmul.f32 v8, v5  }
0xb6: {  	s8 =	sadd.s32 $0x1, s28;
	v6 =	vmul.f32 v6, v5;
	v9 =	vmul.f32 v9, v5  }
0xb7: {  	v3 =	vmul.f32 v3, v5;
	v10 =	vmul.f32 v10, v5;
	[tilespmem:s24+$0xFFFFFF70] =	vst v7;
	v7 =	vmov s8  }
0xb8: {  	v4 =	vmul.f32 v4, v5;
	[tilespmem:s24+$0xFFFFFF00] =	vst v8;
	v8 =	vmul.f32 v11, v5;
	v5 =	vand.u32 $0xFFFFFFFD, v7  }
0xb9: {  	[tilespmem:s24+$0xFFFFFF20] =	vst v9;
	v5 =	vbroadcast v5, $0x0  }
0xba: {  	[tilespmem:s24+$0xFFFFFF50] =	vst v3  }
0xbb: {  	[tilespmem:s24+$0xFFFFFF40] =	vst v4;
	v3 =	vld [tilespmem:s24+$0xFFFFFFF0]  }
0xbc: {  	[tilespmem:s24+$0xFFFFFF60] =	vst v6;
	v4 =	vld [tilespmem:s24+$0xFFFFFFC0]  }
0xbd: {  	[tilespmem:s24+$0xFFFFFF30] =	vst v8;
	v6 =	vld [tilespmem:s24+$0xFFFFFFD0]  }
0xbe: {  	[tilespmem:s24+$0xFFFFFF10] =	vst v10;
	v7 =	vld [tilespmem:s24+$0xFFFFFF90]  }
0xbf: {  	v5 =	vld.idx.msk [tilespmem:v5+s13+$0x0], $0xffff  }
0xc0: {  	v8 =	vld [tilespmem:s24+$0xFFFFFF80]  }
0xc1: {  	v9 =	vld [tilespmem:s24+$0xFFFFFFA0]  }
0xc2: {  	v10 =	vld [tilespmem:s24+$0xFFFFFFB0]  }
0xc3: {  	v11 =	vld [tilespmem:s24+$0xFFFFFFE0];
	_ =	sdelay $0x1  }
0xc4: {  	v7 =	vmul.f32 v7, v5;
	v8 =	vmul.f32 v8, v5  }
0xc5: {  	s8 =	sadd.s32 $0x2, s28;
	v6 =	vmul.f32 v6, v5;
	v9 =	vmul.f32 v9, v5  }
0xc6: {  	v4 =	vmul.f32 v4, v5;
	[tilespmem:s24+$0xFFFFFF90] =	vst v7;
	v7 =	vmul.f32 v10, v5;
	v10 =	vmov s8  }
0xc7: {  	v3 =	vmul.f32 v3, v5;
	[tilespmem:s24+$0xFFFFFFA0] =	vst v9;
	v9 =	vmul.f32 v11, v5;
	v5 =	vand.u32 $0xFFFFFFFE, v10  }
0xc8: {  	[tilespmem:s24+$0xFFFFFF80] =	vst v8;
	v5 =	vbroadcast v5, $0x0  }
0xc9: {  	[tilespmem:s24+$0xFFFFFFB0] =	vst v7  }
0xca: {  	[tilespmem:s24+$0xFFFFFFC0] =	vst v4  }
0xcb: {  	[tilespmem:s24+$0xFFFFFFD0] =	vst v6  }
.Ltmp1:
0xcc: {  	[tilespmem:s24+$0xFFFFFFF0] =	vst v3;
	v4 =	vld [tilespmem:s24+$0x40];
	(pc) =	sbr.rel @p0 .LBB2_5-.Ltmp1, $4  }
0xcd: {  	[tilespmem:s24+$0xFFFFFFE0] =	vst v9;
	v6 =	vld [tilespmem:s24+$0x60]  }
0xce: {  	v3 =	vld.idx.msk [tilespmem:v5+s13+$0x0], $0xffff  }
0xcf: {  	v7 =	vld [tilespmem:s24+$0x0]  }
0xd0: {  	v5 =	vld [tilespmem:s24+$0x10]  }
0xd1: {  	_ =	sdelay $0x1  }
0xd2: {  	v6 =	vmul.f32 v6, v3  }
0xd3: {  	v8 =	vld [tilespmem:s26+$0x50];
	v4 =	vmul.f32 v4, v3  }
0xd4: {  	v9 =	vld [tilespmem:s26+$0x70];
	v1 =	vmul.f32 v1, v3;
	[tilespmem:s26+$0x60] =	vst v6  }
0xd5: {  	v6 =	vmul.f32 v7, v3;
	[tilespmem:s26+$0x40] =	vst v4  }
0xd6: {  	s8 =	sadd.s32 $0x3, s28;
	[tilespmem:s26+$0x20] =	vst v1;
	v1 =	vmul.f32 v2, v3  }
0xd7: {  	v5 =	vmul.f32 v5, v3;
	[tilespmem:s26+$0x0] =	vst v6;
	v6 =	vmov s8  }
0xd8: {  	v4 =	vmul.f32 v8, v3;
	[tilespmem:s26+$0x30] =	vst v1  }
0xd9: {  	v3 =	vmul.f32 v9, v3;
	[tilespmem:s26+$0x10] =	vst v5  }
0xda: {  	[tilespmem:s26+$0x50] =	vst v4  }
0xdb: {  	v2 =	vld [tilespmem:s26+$0x80];
	[tilespmem:s26+$0x70] =	vst v3  }
0xdc: {  	v1 =	vld.idx.msk [tilespmem:v6+s13+$0x0], $0xffff  }
0xdd: {  	v3 =	vld [tilespmem:s26+$0xA0]  }
0xde: {  	v4 =	vld [tilespmem:s26+$0xC0]  }
0xdf: {  	v5 =	vld [tilespmem:s26+$0xF0]  }
0xe0: {  	v6 =	vld [tilespmem:s26+$0xE0]  }
0xe1: {  	v7 =	vld [tilespmem:s26+$0x90];
	v2 =	vmul.f32 v2, v1  }
0xe2: {  	v8 =	vld [tilespmem:s26+$0xB0];
	v3 =	vmul.f32 v3, v1  }
0xe3: {  	v61 =	vld [tilespmem:s26+$0xD0];
	[tilespmem:s26+$0x80] =	vst v2;
	v2 =	vmul.f32 v4, v1  }
0xe4: {  	[tilespmem:s26+$0xA0] =	vst v3;
	v3 =	vmul.f32 v5, v1  }
0xe5: {  	v4 =	vmul.f32 v6, v1;
	[tilespmem:s26+$0xC0] =	vst v2  }
0xe6: {  	v2 =	vmul.f32 v7, v1;
	[tilespmem:s26+$0xF0] =	vst v3  }
0xe7: {  	v3 =	vmul.f32 v8, v1;
	[tilespmem:s26+$0xE0] =	vst v4  }
0xe8: {  	v1 =	vmul.f32 v61, v1;
	[tilespmem:s26+$0x90] =	vst v2  }
0xe9: {  	p0 =	seq.s32 s9, $0x26;
	[tilespmem:s26+$0xB0] =	vst v3  }
0xea: {  	s8 =	simm.s32 @!p0 $0x5;
	[tilespmem:s26+$0xD0] =	vst v1;
	s26 =	sshll.u32 s9, $0x8  }
0xeb: {  	[spmem:s4] =	stream.indirect.scatter.add.f32 [tilespmem:s10], [sflag:$0x5], $0x80, s12, s15, $0xb8;
	[tilespmem:$0x1C480] =	vst v63  }
0xec: {  	s24 =	sadd.s32 @!p0 s26, s18;
	_ =	swait.ge @!p0 [sflag:s8], $0x4000  }
0xed: {  	s24 =	sshrl.u32 @!p0 s24, $0x3;
	[sflag:s8] =	ssyncset.done @!p0 $0x0  }
0xee: {  	s28 =	simm.s32 @!p0 $0x0;
	[sflag:s8] =	ssyncadd.s32 @!p0 $0xFFFFC000;
	s8 =	sadd.s32 @!p0 s1, s24  }
0xef: {  	[tilespmem:s28], [sflag:$0x1] =	stream.linear.gather @!p0 [hbm4b:s8+s28], $0x80, $0x38;
	[tilespmem:$0x1C480] =	vst v63  }
0xf0: {  	s30 =	simm.s32 @!p0 $0x100;
	s8 =	sadd.s32 @!p0 s2, s24  }
0xf1: {  	[tilespmem:s30], [sflag:$0x1] =	stream.linear.gather @!p0 [hbm4b:s8+s28], $0x80, $0x38;
	[tilespmem:$0x1C480] =	vst v63  }
0xf2: {  	s8 =	sadd.s32 @!p0 s3, s24;
	s24 =	simm.s32 @!p0 $0x200  }
0xf3: {  	[tilespmem:s24], [sflag:$0x1] =	stream.linear.gather @!p0 [hbm4b:s8+s28], $0x80, $0x38;
	[tilespmem:$0x1C480] =	vst v63  }
0xf4: {  	s8 =	simm.s32 @!p0 $0x1  }
0xf5: {  	_ =	swait.ge @!p0 [sflag:s8], $0x80  }
0xf6: {  	[sflag:s8] =	ssyncset.done @!p0 $0x0  }
0xf7: {  	[sflag:s8] =	ssyncadd.s32 @!p0 $0xFFFFFF80  }
0xf8: {  	_ =	swait.ge @!p0 [sflag:s8], $0x80  }
0xf9: {  	[sflag:s8] =	ssyncset.done @!p0 $0x0  }
0xfa: {  	s30 =	simm.s32 $0x0;
	[sflag:s8] =	ssyncadd.s32 @!p0 $0xFFFFFF80  }
0xfb: {  	v1 =	vmov s30;
	_ =	swait.ge @!p0 [sflag:s8], $0x80  }
0xfc: {  	v1 =	vand.u32 $0xFFFFFFFC, v1;
	[sflag:s8] =	ssyncset.done @!p0 $0x0  }
0xfd: {  	s24 =	simm.s32 @!p0 $0x480;
	v1 =	vbroadcast v1, $0x0;
	[sflag:s8] =	ssyncadd.s32 @!p0 $0xFFFFFF80;
	s8 =	simm.s32 @!p0 $0x80  }
0xfe: {  	[tilespmem:s24], [sflag:$0x3] =	stream.indirect.gather @!p0 [hbm4b:s7+s8], $0x80, s28, s8, $0xb8;
	[tilespmem:$0x1C480] =	vst v63  }
0xff: {  	_ =	swait.ge [sflag:s23], $0x4000  }
0x100: {  	[sflag:s23] =	ssyncset.done $0x0  }
0x101: {  	s28 =	simm.s32 $0x4580;
	[sflag:s23] =	ssyncadd.s32 $0xFFFFC000  }
0x102: {  	v2 =	vld [tilespmem:s28+$0xFFFFFF70]  }
0x103: {  	v1 =	vld.idx.msk [tilespmem:v1+s17+$0x0], $0xffff  }
0x104: {  	v3 =	vld [tilespmem:s28+$0xFFFFFF00]  }
0x105: {  	v4 =	vld [tilespmem:s28+$0xFFFFFF20]  }
0x106: {  	v5 =	vld [tilespmem:s28+$0xFFFFFF50]  }
0x107: {  	v6 =	vld [tilespmem:s28+$0xFFFFFF40]  }
0x108: {  	v7 =	vld [tilespmem:s28+$0xFFFFFF60];
	v2 =	vmul.f32 v2, v1  }
0x109: {  	s14 =	simm.s32 $0x1;
	v8 =	vld [tilespmem:s28+$0xFFFFFF30];
	v3 =	vmul.f32 v3, v1  }
0x10a: {  	v62 =	vld [tilespmem:s28+$0xFFFFFF10];
	v4 =	vmul.f32 v4, v1;
	[tilespmem:s28+$0xFFFFFF70] =	vst v2;
	v2 =	vmov s14  }
0x10b: {  	v5 =	vmul.f32 v5, v1;
	[tilespmem:s28+$0xFFFFFF00] =	vst v3;
	v2 =	vand.u32 $0xFFFFFFFD, v2  }
0x10c: {  	v3 =	vmul.f32 v6, v1;
	[tilespmem:s28+$0xFFFFFF20] =	vst v4;
	v2 =	vbroadcast v2, $0x0  }
0x10d: {  	v4 =	vmul.f32 v7, v1;
	[tilespmem:s28+$0xFFFFFF50] =	vst v5  }
0x10e: {  	v5 =	vmul.f32 v8, v1;
	[tilespmem:s28+$0xFFFFFF40] =	vst v3  }
0x10f: {  	v1 =	vmul.f32 v62, v1;
	[tilespmem:s28+$0xFFFFFF60] =	vst v4  }
0x110: {  	[tilespmem:s28+$0xFFFFFF30] =	vst v5  }
0x111: {  	[tilespmem:s28+$0xFFFFFF10] =	vst v1;
	v1 =	vld [tilespmem:s28+$0xFFFFFF90]  }
0x112: {  	v3 =	vld.idx.msk [tilespmem:v2+s17+$0x0], $0xffff  }
0x113: {  	v2 =	vld [tilespmem:s28+$0xFFFFFFA0]  }
0x114: {  	v4 =	vld [tilespmem:s28+$0xFFFFFF80]  }
0x115: {  	v5 =	vld [tilespmem:s28+$0xFFFFFFB0]  }
0x116: {  	v6 =	vld [tilespmem:s28+$0xFFFFFFC0]  }
0x117: {  	v7 =	vld [tilespmem:s28+$0xFFFFFFD0];
	v1 =	vmul.f32 v1, v3  }
0x118: {  	s24 =	simm.s32 $0x2;
	v8 =	vld [tilespmem:s28+$0xFFFFFFF0];
	v2 =	vmul.f32 v2, v3  }
0x119: {  	v63 =	vld [tilespmem:s28+$0xFFFFFFE0];
	v4 =	vmul.f32 v4, v3;
	[tilespmem:s28+$0xFFFFFF90] =	vst v1;
	v1 =	vmov s24  }
0x11a: {  	v5 =	vmul.f32 v5, v3;
	[tilespmem:s28+$0xFFFFFFA0] =	vst v2;
	v1 =	vand.u32 $0xFFFFFFFE, v1  }
0x11b: {  	v2 =	vmul.f32 v6, v3;
	[tilespmem:s28+$0xFFFFFF80] =	vst v4;
	v6 =	vld [tilespmem:s28+$0x60];
	v10 =	vbroadcast v1, $0x0  }
0x11c: {  	v4 =	vmul.f32 v7, v3;
	[tilespmem:s28+$0xFFFFFFB0] =	vst v5;
	v7 =	vld [tilespmem:s28+$0x0]  }
0x11d: {  	v5 =	vmul.f32 v8, v3;
	v1 =	vld [tilespmem:s28+$0x20];
	[tilespmem:s28+$0xFFFFFFC0] =	vst v2  }
0x11e: {  	v3 =	vmul.f32 v63, v3;
	v2 =	vld [tilespmem:s28+$0x30];
	[tilespmem:s28+$0xFFFFFFD0] =	vst v4  }
0x11f: {  	[tilespmem:s28+$0xFFFFFFF0] =	vst v5;
	v4 =	vld [tilespmem:s28+$0x40]  }
0x120: {  	[tilespmem:s28+$0xFFFFFFE0] =	vst v3;
	v5 =	vld [tilespmem:s28+$0x10]  }
0x121: {  	s31 =	simm.s32 $0x4580;
	s24 =	simm.s32 $0x4;
	v3 =	vld.idx.msk [tilespmem:v10+s17+$0x0], $0xffff  }
.LBB2_7:
0x122: {  	p1 =	slt.u32 s24, $0x7C  }
0x123: {  	v8 =	vld [tilespmem:s28+$0x50];
	s31 =	sadd.s32 $0x200, s31;
	s8 =	smov.u32 s24;
	s24 =	sadd.s32 $0x4, s24  }
0x124: {  	v9 =	vld [tilespmem:s28+$0x70];
	_ =	sdelay $0x1  }
0x125: {  	v6 =	vmul.f32 v6, v3;
	v7 =	vmul.f32 v7, v3  }
0x126: {  	v4 =	vmul.f32 v4, v3;
	v5 =	vmul.f32 v5, v3  }
0x127: {  	v1 =	vmul.f32 v1, v3;
	v2 =	vmul.f32 v2, v3;
	[tilespmem:s28+$0x60] =	vst v6  }
0x128: {  	[tilespmem:s28+$0x40] =	vst v4;
	v4 =	vmul.f32 v8, v3;
	v3 =	vmul.f32 v9, v3  }
0x129: {  	s14 =	sadd.s32 $0x3, s30;
	s30 =	smov.u32 s8;
	[tilespmem:s28+$0x20] =	vst v1;
	v6 =	vld [tilespmem:s28+$0x80]  }
0x12a: {  	v1 =	vld [tilespmem:s31+$0x20];
	[tilespmem:s28+$0x0] =	vst v7;
	v7 =	vmov s14  }
0x12b: {  	[tilespmem:s28+$0x50] =	vst v4;
	v4 =	vld [tilespmem:s28+$0xE0]  }
0x12c: {  	[tilespmem:s28+$0x30] =	vst v2;
	v8 =	vld [tilespmem:s28+$0xC0]  }
0x12d: {  	v2 =	vld [tilespmem:s31+$0x30];
	[tilespmem:s28+$0x10] =	vst v5  }
0x12e: {  	[tilespmem:s28+$0x70] =	vst v3;
	v3 =	vld [tilespmem:s28+$0xA0]  }
0x12f: {  	v5 =	vld.idx.msk [tilespmem:v7+s17+$0x0], $0xffff  }
0x130: {  	v7 =	vld [tilespmem:s28+$0x90]  }
0x131: {  	v9 =	vld [tilespmem:s28+$0xB0]  }
0x132: {  	v10 =	vld [tilespmem:s28+$0xD0]  }
0x133: {  	v11 =	vld [tilespmem:s28+$0xF0];
	_ =	sdelay $0x1  }
0x134: {  	v6 =	vmul.f32 v6, v5;
	v7 =	vmul.f32 v7, v5  }
0x135: {  	v3 =	vmul.f32 v3, v5;
	v9 =	vmul.f32 v9, v5  }
0x136: {  	v12 =	vmov s30;
	[tilespmem:s28+$0x80] =	vst v6;
	v6 =	vmul.f32 v8, v5;
	v8 =	vmul.f32 v10, v5  }
0x137: {  	v10 =	vand.u32 $0xFFFFFFFC, v12;
	[tilespmem:s28+$0xA0] =	vst v3;
	v3 =	vmul.f32 v4, v5;
	v4 =	vmul.f32 v11, v5  }
0x138: {  	v5 =	vbroadcast v10, $0x0;
	[tilespmem:s28+$0xC0] =	vst v6  }
0x139: {  	[tilespmem:s28+$0xF0] =	vst v4  }
0x13a: {  	v4 =	vld [tilespmem:s31+$0xFFFFFF40];
	[tilespmem:s28+$0xE0] =	vst v3  }
0x13b: {  	v3 =	vld [tilespmem:s31+$0xFFFFFF50];
	[tilespmem:s28+$0x90] =	vst v7  }
0x13c: {  	v6 =	vld [tilespmem:s31+$0xFFFFFF60];
	[tilespmem:s28+$0xB0] =	vst v9  }
0x13d: {  	v7 =	vld [tilespmem:s31+$0xFFFFFF70];
	[tilespmem:s28+$0xD0] =	vst v8;
	s28 =	smov.u32 s31  }
0x13e: {  	v5 =	vld.idx.msk [tilespmem:v5+s17+$0x0], $0xffff  }
0x13f: {  	v8 =	vld [tilespmem:s31+$0xFFFFFF00]  }
0x140: {  	v9 =	vld [tilespmem:s31+$0xFFFFFF20]  }
0x141: {  	v10 =	vld [tilespmem:s31+$0xFFFFFF10]  }
0x142: {  	v11 =	vld [tilespmem:s31+$0xFFFFFF30];
	_ =	sdelay $0x1  }
0x143: {  	v7 =	vmul.f32 v7, v5;
	v8 =	vmul.f32 v8, v5  }
0x144: {  	s8 =	sadd.s32 $0x1, s30;
	v6 =	vmul.f32 v6, v5;
	v9 =	vmul.f32 v9, v5  }
0x145: {  	v3 =	vmul.f32 v3, v5;
	v10 =	vmul.f32 v10, v5;
	[tilespmem:s31+$0xFFFFFF70] =	vst v7;
	v7 =	vmov s8  }
0x146: {  	v4 =	vmul.f32 v4, v5;
	[tilespmem:s31+$0xFFFFFF00] =	vst v8;
	v8 =	vmul.f32 v11, v5;
	v5 =	vand.u32 $0xFFFFFFFD, v7  }
0x147: {  	[tilespmem:s31+$0xFFFFFF20] =	vst v9;
	v5 =	vbroadcast v5, $0x0  }
0x148: {  	[tilespmem:s31+$0xFFFFFF50] =	vst v3  }
0x149: {  	[tilespmem:s31+$0xFFFFFF40] =	vst v4;
	v3 =	vld [tilespmem:s31+$0xFFFFFFF0]  }
0x14a: {  	[tilespmem:s31+$0xFFFFFF60] =	vst v6;
	v4 =	vld [tilespmem:s31+$0xFFFFFFC0]  }
0x14b: {  	[tilespmem:s31+$0xFFFFFF30] =	vst v8;
	v6 =	vld [tilespmem:s31+$0xFFFFFFD0]  }
0x14c: {  	[tilespmem:s31+$0xFFFFFF10] =	vst v10;
	v7 =	vld [tilespmem:s31+$0xFFFFFF90]  }
0x14d: {  	v5 =	vld.idx.msk [tilespmem:v5+s17+$0x0], $0xffff  }
0x14e: {  	v8 =	vld [tilespmem:s31+$0xFFFFFF80]  }
0x14f: {  	v9 =	vld [tilespmem:s31+$0xFFFFFFA0]  }
0x150: {  	v10 =	vld [tilespmem:s31+$0xFFFFFFB0]  }
0x151: {  	v11 =	vld [tilespmem:s31+$0xFFFFFFE0];
	_ =	sdelay $0x1  }
0x152: {  	v7 =	vmul.f32 v7, v5;
	v8 =	vmul.f32 v8, v5  }
0x153: {  	s8 =	sadd.s32 $0x2, s30;
	v6 =	vmul.f32 v6, v5;
	v9 =	vmul.f32 v9, v5  }
0x154: {  	v4 =	vmul.f32 v4, v5;
	[tilespmem:s31+$0xFFFFFF90] =	vst v7;
	v7 =	vmul.f32 v10, v5;
	v10 =	vmov s8  }
0x155: {  	v3 =	vmul.f32 v3, v5;
	[tilespmem:s31+$0xFFFFFFA0] =	vst v9;
	v9 =	vmul.f32 v11, v5;
	v5 =	vand.u32 $0xFFFFFFFE, v10  }
0x156: {  	[tilespmem:s31+$0xFFFFFF80] =	vst v8;
	v5 =	vbroadcast v5, $0x0  }
0x157: {  	[tilespmem:s31+$0xFFFFFFB0] =	vst v7  }
0x158: {  	[tilespmem:s31+$0xFFFFFFC0] =	vst v4  }
0x159: {  	[tilespmem:s31+$0xFFFFFFD0] =	vst v6  }
.Ltmp2:
0x15a: {  	[tilespmem:s31+$0xFFFFFFF0] =	vst v3;
	v4 =	vld [tilespmem:s31+$0x40];
	(pc) =	sbr.rel @p1 .LBB2_7-.Ltmp2, $4  }
0x15b: {  	[tilespmem:s31+$0xFFFFFFE0] =	vst v9;
	v6 =	vld [tilespmem:s31+$0x60]  }
0x15c: {  	v3 =	vld.idx.msk [tilespmem:v5+s17+$0x0], $0xffff  }
0x15d: {  	v7 =	vld [tilespmem:s31+$0x0]  }
0x15e: {  	v5 =	vld [tilespmem:s31+$0x10]  }
0x15f: {  	_ =	sdelay $0x1  }
0x160: {  	v6 =	vmul.f32 v6, v3  }
0x161: {  	v8 =	vld [tilespmem:s28+$0x50];
	v4 =	vmul.f32 v4, v3  }
0x162: {  	v9 =	vld [tilespmem:s28+$0x70];
	v1 =	vmul.f32 v1, v3;
	[tilespmem:s28+$0x60] =	vst v6  }
0x163: {  	v54 =	vmul.f32 v7, v3;
	[tilespmem:s28+$0x40] =	vst v4  }
0x164: {  	s8 =	sadd.s32 $0x3, s30;
	[tilespmem:s28+$0x20] =	vst v1;
	v1 =	vmul.f32 v2, v3  }
0x165: {  	v56 =	vmov s8;
	v5 =	vmul.f32 v5, v3;
	[tilespmem:s28+$0x0] =	vst v54  }
0x166: {  	v55 =	vmul.f32 v8, v3;
	[tilespmem:s28+$0x30] =	vst v1  }
0x167: {  	v3 =	vmul.f32 v9, v3;
	[tilespmem:s28+$0x10] =	vst v5  }
0x168: {  	[tilespmem:s28+$0x50] =	vst v55  }
0x169: {  	v2 =	vld [tilespmem:s28+$0x80];
	[tilespmem:s28+$0x70] =	vst v3  }
0x16a: {  	v1 =	vld.idx.msk [tilespmem:v56+s17+$0x0], $0xffff  }
0x16b: {  	v3 =	vld [tilespmem:s28+$0xA0]  }
0x16c: {  	v59 =	vld [tilespmem:s28+$0xE0]  }
0x16d: {  	v57 =	vld [tilespmem:s28+$0xC0]  }
0x16e: {  	v58 =	vld [tilespmem:s28+$0xF0]  }
0x16f: {  	v60 =	vld [tilespmem:s28+$0x90];
	v2 =	vmul.f32 v2, v1  }
0x170: {  	v61 =	vld [tilespmem:s28+$0xB0];
	v3 =	vmul.f32 v3, v1  }
0x171: {  	v62 =	vld [tilespmem:s28+$0xD0];
	v63 =	vmul.f32 v59, v1;
	[tilespmem:s28+$0x80] =	vst v2  }
0x172: {  	v2 =	vmul.f32 v57, v1;
	[tilespmem:s28+$0xA0] =	vst v3  }
0x173: {  	v3 =	vmul.f32 v58, v1;
	[tilespmem:s28+$0xE0] =	vst v63  }
0x174: {  	[tilespmem:s28+$0xC0] =	vst v2;
	v2 =	vmul.f32 v60, v1  }
.Ltmp3:
0x175: {  	[tilespmem:s28+$0xF0] =	vst v3;
	v3 =	vmul.f32 v61, v1;
	(pc) =	sbr.rel @p0 .LBB2_10-.Ltmp3, $4  }
0x176: {  	v1 =	vmul.f32 v62, v1;
	[tilespmem:s28+$0x90] =	vst v2  }
0x177: {  	[tilespmem:s28+$0xB0] =	vst v3  }
0x178: {  	[tilespmem:s28+$0xD0] =	vst v1  }
0x179: {  	[spmem:s4] =	stream.indirect.scatter.add.f32 [tilespmem:s21], [sflag:$0x6], $0x80, s16, s15, $0xb8;
	[tilespmem:$0x1C480] =	vst v63  }
0x17a: {  	_ =	swait.ge [sflag:s25], $0x4000;
	s8 =	sadd.s32 s26, s19  }
0x17b: {  	[sflag:s25] =	ssyncset.done $0x0;
	s8 =	sshrl.u32 s8, $0x3  }
0x17c: {  	[sflag:s25] =	ssyncadd.s32 $0xFFFFC000;
	s14 =	sadd.s32 s1, s8  }
0x17d: {  	[tilespmem:s15], [sflag:$0x2] =	stream.linear.gather [hbm4b:s14+s6], $0x80, $0x38;
	[tilespmem:$0x1C480] =	vst v63  }
0x17e: {  	s31 =	sadd.s32 s2, s8  }
0x17f: {  	[tilespmem:s16], [sflag:$0x2] =	stream.linear.gather [hbm4b:s31+s6], $0x80, $0x38;
	[tilespmem:$0x1C480] =	vst v63  }
0x180: {  	s8 =	sadd.s32 s3, s8  }
0x181: {  	[tilespmem:s17], [sflag:$0x2] =	stream.linear.gather [hbm4b:s8+s6], $0x80, $0x38;
	[tilespmem:$0x1C480] =	vst v63  }
0x182: {  	_ =	swait.ge [sflag:s20], $0x80  }
0x183: {  	[sflag:s20] =	ssyncset.done $0x0  }
0x184: {  	[sflag:s20] =	ssyncadd.s32 $0xFFFFFF80  }
0x185: {  	_ =	swait.ge [sflag:s20], $0x80  }
0x186: {  	[sflag:s20] =	ssyncset.done $0x0  }
.Ltmp4:
0x187: {  	[sflag:s20] =	ssyncadd.s32 $0xFFFFFF80;
	(pc) =	sbr.rel .LBB2_4-.Ltmp4, $4  }
0x188: {  	_ =	swait.ge [sflag:s20], $0x80  }
0x189: {  	[sflag:s20] =	ssyncset.done $0x0  }
0x18a: {  	s9 =	sadd.s32 $0x1, s9;
	[sflag:s20] =	ssyncadd.s32 $0xFFFFFF80  }
0x18b: {  	[tilespmem:s21], [sflag:$0x4] =	stream.indirect.gather [hbm4b:s7+s15], $0x80, s15, s15, $0xb8;
	[tilespmem:$0x1C480] =	vst v63  }
.LBB2_10:
0x18c: {  	s5 =	simm.s32 $0x5  }
0x18d: {  	_ =	swait.ge [sflag:s5], $0x4000  }
0x18e: {  	[sflag:s5] =	ssyncset.done $0x0  }
0x18f: {  	[sflag:s5] =	ssyncadd.s32 $0xFFFFC000  }
0x190: {  	_ =	swait.ge [sflag:s25], $0x4000  }
0x191: {  	s24 =	simm.s32 $0x0;
	[sflag:s25] =	ssyncset.done $0x0  }
0x192: {  	s9 =	simm.s32 $0x300;
	s8 =	rddreg [dreg:$0x12];
	[sflag:s25] =	ssyncadd.s32 $0xFFFFC000  }
0x193: {  	[tilespmem:s9], [sflag:$0x8] =	stream.linear.gather [hbm4b:s8+s24], $0x10, $0x38;
	[tilespmem:$0x1C480] =	vst v63  }
0x194: {  	_ =	swait.ge [sflag:s11], $0x10  }
0x195: {  	[sflag:s11] =	ssyncset.done $0x0  }
0x196: {  	s14 =	simm.s32 $0x380;
	s28 =	rddreg [dreg:$0x13];
	[sflag:s11] =	ssyncadd.s32 $0xFFFFFFF0  }
0x197: {  	[tilespmem:s14], [sflag:$0x8] =	stream.linear.gather [hbm4b:s28+s24], $0x10, $0x38;
	[tilespmem:$0x1C480] =	vst v63  }
0x198: {  	_ =	swait.ge [sflag:s11], $0x10  }
0x199: {  	[sflag:s11] =	ssyncset.done $0x0  }
0x19a: {  	s30 =	rddreg [dreg:$0x14];
	[sflag:s11] =	ssyncadd.s32 $0xFFFFFFF0  }
0x19b: {  	[tilespmem:s29], [sflag:$0x8] =	stream.linear.gather [hbm4b:s30+s24], $0x10, $0x38;
	[tilespmem:$0x1C480] =	vst v63  }
0x19c: {  	_ =	swait.ge [sflag:s11], $0x10  }
0x19d: {  	[sflag:s11] =	ssyncset.done $0x0  }
0x19e: {  	s26 =	simm.s32 $0x10;
	s31 =	simm.s32 $0x7;
	[sflag:s11] =	ssyncadd.s32 $0xFFFFFFF0  }
0x19f: {  	[tilespmem:s10], [sflag:$0x7] =	stream.indirect.gather [hbm4b:s7+s26], $0x80, s9, s26, $0xb8;
	[tilespmem:$0x1C480] =	vst v63  }
0x1a0: {  	_ =	swait.ge [sflag:s31], $0x800  }
0x1a1: {  	v1 =	vmov s24;
	[sflag:s31] =	ssyncset.done $0x0  }
0x1a2: {  	s5 =	simm.s32 $0x4C0;
	[sflag:s31] =	ssyncadd.s32 $0xFFFFF800  }
0x1a3: {  	v5 =	vld [tilespmem:s5+$0x30]  }
0x1a4: {  	v8 =	vld [tilespmem:s5+$0x10]  }
0x1a5: {  	v6 =	vld [tilespmem:s5+$0xFFFFFFC0]  }
0x1a6: {  	v2 =	vld.idx.msk [tilespmem:v1+s29+$0x0], $0xffff  }
0x1a7: {  	v10 =	vld [tilespmem:s5+$0xFFFFFFE0]  }
0x1a8: {  	v1 =	vld [tilespmem:s5+$0xFFFFFFF0]  }
0x1a9: {  	v3 =	vld [tilespmem:s5+$0x20]  }
0x1aa: {  	v4 =	vld [tilespmem:s5+$0xFFFFFFD0]  }
0x1ab: {  	v9 =	vmul.f32 v5, v2;
	v5 =	vld [tilespmem:s5+$0x0]  }
0x1ac: {  	v7 =	vmul.f32 v6, v2  }
0x1ad: {  	s24 =	simm.s32 $0x4C0;
	s9 =	simm.s32 $0x1;
	v6 =	vmul.f32 v10, v2;
	v8 =	vmul.f32 v8, v2  }
.LBB2_11:
0x1ae: {  	p0 =	sne.s32 s9, $0xF  }
0x1af: {  	v4 =	vmul.f32 v4, v2;
	v3 =	vmul.f32 v3, v2;
	[tilespmem:s5+$0x30] =	vst v9;
	s24 =	sadd.s32 $0x80, s24;
	s8 =	smov.u32 s9;
	s9 =	sadd.s32 $0x1, s9  }
0x1b0: {  	[tilespmem:s5+$0xFFFFFFC0] =	vst v7;
	v7 =	vmul.f32 v1, v2;
	v2 =	vmul.f32 v5, v2  }
0x1b1: {  	[tilespmem:s5+$0x10] =	vst v8  }
0x1b2: {  	v5 =	vmov s8;
	[tilespmem:s5+$0xFFFFFFE0] =	vst v6  }
0x1b3: {  	v1 =	vld [tilespmem:s24+$0xFFFFFFF0];
	[tilespmem:s5+$0xFFFFFFF0] =	vst v7  }
0x1b4: {  	v6 =	vld [tilespmem:s24+$0x30];
	[tilespmem:s5+$0x0] =	vst v2  }
0x1b5: {  	v8 =	vld [tilespmem:s24+$0x10];
	[tilespmem:s5+$0x20] =	vst v3  }
0x1b6: {  	v7 =	vld [tilespmem:s24+$0xFFFFFFC0];
	[tilespmem:s5+$0xFFFFFFD0] =	vst v4;
	s5 =	smov.u32 s24  }
0x1b7: {  	v2 =	vld.idx.msk [tilespmem:v5+s29+$0x0], $0xffff  }
0x1b8: {  	v10 =	vld [tilespmem:s24+$0xFFFFFFE0]  }
0x1b9: {  	v3 =	vld [tilespmem:s24+$0x20]  }
.Ltmp5:
0x1ba: {  	v4 =	vld [tilespmem:s24+$0xFFFFFFD0];
	(pc) =	sbr.rel @p0 .LBB2_11-.Ltmp5, $3  }
0x1bb: {  	v5 =	vld [tilespmem:s24+$0x0];
	_ =	sdelay $0x1  }
0x1bc: {  	v7 =	vmul.f32 v7, v2;
	v9 =	vmul.f32 v6, v2  }
0x1bd: {  	v8 =	vmul.f32 v8, v2;
	v6 =	vmul.f32 v10, v2  }
0x1be: {  	[tilespmem:s5+$0x30] =	vst v9  }
0x1bf: {  	[tilespmem:s5+$0xFFFFFFC0] =	vst v7  }
0x1c0: {  	v1 =	vmul.f32 v1, v2;
	[tilespmem:s5+$0x10] =	vst v8  }
0x1c1: {  	v3 =	vmul.f32 v3, v2;
	[tilespmem:s5+$0xFFFFFFE0] =	vst v6  }
0x1c2: {  	v5 =	vmul.f32 v5, v2;
	[tilespmem:s5+$0xFFFFFFF0] =	vst v1  }
0x1c3: {  	v1 =	vmul.f32 v4, v2;
	[tilespmem:s5+$0x20] =	vst v3  }
0x1c4: {  	[tilespmem:s5+$0x0] =	vst v5  }
0x1c5: {  	[tilespmem:s5+$0xFFFFFFD0] =	vst v1  }
0x1c6: {  	[spmem:s4] =	stream.indirect.scatter.add.f32 [tilespmem:s10], [sflag:$0x8], $0x80, s14, s26, $0xb8;
	[tilespmem:$0x1C480] =	vst v63  }
0x1c7: {  	_ =	swait.ge [sflag:s11], $0x800  }
0x1c8: {  	[sflag:s11] =	ssyncset.done $0x0  }
0x1c9: {  	[sflag:s11] =	ssyncadd.s32 $0xFFFFF800  }
0x1ca: {  	s24 =	stileid.u32;
	[bflag:$0x0] =	sbarrier.arrive $0xFFFF  }
0x1cb: {  	s5 =	sshll.u32 s24, $0x6;
	s24 =	rddreg [dreg:$0x6]  }
0x1cc: {  	s5 =	sor.u32 $0x1C08, s5;
	s9 =	rddreg [dreg:$0xb];
	s8 =	sshrl.u32 s24, $0x3  }
0x1cd: {  	[hbm:s9], [sflag:s5] =	dma.local [spmem:s8], $0x800  }
0x1ce: {  	_ =	swait.ge [sflag:s11], $0x800  }
0x1cf: {  	[sflag:s11] =	ssyncset.done $0x0;
	s26 =	rddreg [dreg:$0xc]  }
0x1d0: {  	s28 =	rddreg [dreg:$0x16];
	[sflag:s11] =	ssyncadd.s32 $0xFFFFF800  }
0x1d1: {  	[hbm:s26], [sflag:s5] =	dma.local [spmem:s28], $0x800  }
0x1d2: {  	_ =	swait.ge [sflag:s11], $0x800  }
0x1d3: {  	[sflag:s11] =	ssyncset.done $0x0;
	s30 =	rddreg [dreg:$0xd]  }
0x1d4: {  	s31 =	rddreg [dreg:$0x17];
	[sflag:s11] =	ssyncadd.s32 $0xFFFFF800  }
0x1d5: {  	[hbm:s30], [sflag:s5] =	dma.local [spmem:s31], $0x800  }
0x1d6: {  	_ =	swait.ge [sflag:s11], $0x800  }
0x1d7: {  	[sflag:s11] =	ssyncset.done $0x0;
	s14 =	rddreg [dreg:$0xe]  }
0x1d8: {  	s26 =	rddreg [dreg:$0x18];
	[sflag:s11] =	ssyncadd.s32 $0xFFFFF800  }
0x1d9: {  	[hbm:s14], [sflag:s5] =	dma.local [spmem:s26], $0x800  }
0x1da: {  	_ =	swait.ge [sflag:s11], $0x800  }
0x1db: {  	[sflag:s11] =	ssyncset.done $0x0;
	s28 =	rddreg [dreg:$0xf]  }
0x1dc: {  	s30 =	rddreg [dreg:$0x19];
	[sflag:s11] =	ssyncadd.s32 $0xFFFFF800  }
0x1dd: {  	[hbm:s28], [sflag:s5] =	dma.local [spmem:s30], $0x800  }
0x1de: {  	_ =	swait.ge [sflag:s11], $0x800  }
0x1df: {  	s0 =	sadd.s32 $0x1, s0;
	s31 =	rddreg [dreg:$0x15]  }
0x1e0: {  	p0 =	sne.s32 s0, s31  }
.Ltmp6:
0x1e1: {  	_ = 	snop;
	(pc) =	sbr.rel @p0 .LBB2_1-.Ltmp6, $3  }
0x1e2: {  	_ =	sdelay $0x1  }
0x1e3: {  	[sflag:s11] =	ssyncset.done $0x0  }
0x1e4: {  	[sflag:s11] =	ssyncadd.s32 $0xFFFFF800  }
0x1e5: {  	_ =	sfence.sel $0x180000  }
0x1e6: {  	[bflag:$0x0] =	sbarrier.arrive $0xFFFF  }
0x1e7: {  	_ =	strace $0x9000004D  }
0x1e8: {  	s0 =	stileid.u32;
	[bflag:$0x2] =	sbarrier.arrive $0xFFFF  }
0x1e9: {  	p0 =	sne.s32 s0, $0x0;
	s0 =	rddreg [dreg:$0x5]  }
0x1ea: {  	s0 =	sadd.s32 @!p0 $0x100000, s0  }
0x1eb: {  	[sflag:s0] =	ssyncadd.tile.s32 @!p0 $0x1;
	_ =	shalt  }
.Lfunc_end2:
_tile_overlayer_lowered:
.L_overlay_start_2:
0x1ec: {  	(tag) =	ssettag $0x2  }
0x1ed: {  	s0 =	rddreg [dreg:$0x0];
	s2 =	stileid.u32  }
0x1ee: {  	s1 =	rddreg [dreg:$0x1];
	p0 =	sne.s32 s2, $0x0  }
0x1ef: {  	s3 =	rddreg [dreg:$0x2];
	[bflag:$0x3] =	sbarrier.arrive $0xFFFF;
	s2 =	simm.s32 @!p0 $0x1C08  }
0x1f0: {  	[timem:s3], [sflag:s2] =	dma.local @!p0 [hbm:s0], s1  }
0x1f1: {  	s0 =	simm.s32 @!p0 $0x8  }
0x1f2: {  	_ =	swait.ge @!p0 [sflag:s0], s1  }
0x1f3: {  	s1 =	ssub.s32 @!p0 $0x0, s1;
	[sflag:s0] =	ssyncset.done @!p0 $0x0  }
0x1f4: {  	[sflag:s0] =	ssyncadd.s32 @!p0 s1  }
0x1f5: {  	[bflag:$0x3] =	sbarrier.arrive $0xFFFF  }
0x1f6: {  	_ =	shalt  }

// kernel: kernel.8.cloned.1.call-start
scs
__scs_entry_jumppad:
0x0: {  	(pc) =	sbr.rel $0x88, $3  }
0x1: {  	(tag) =	ssettag $0x0;
	lr =	simm.s32 $0x1  }
0x2: {  	[smem:$0x3F98] =	sst lr;
	_ =	strace $0xD0000000  }
0x3: {  	_ = 	snop  }
0x4: {  	_ = 	snop  }
0x5: {  	_ = 	snop  }
0x6: {  	_ = 	snop  }
0x7: {  	_ = 	snop  }
__scs_overlays_trampoline_lowered:
0x8: {  	[smem:$0x3FA7] =	sst s0  }
0x9: {  	[smem:$0x3FA8] =	sst s1  }
0xa: {  	[smem:$0x3FA9] =	sst s2  }
0xb: {  	[smem:$0x3FAA] =	sst s3  }
0xc: {  	[smem:$0x3FAB] =	sst s4  }
0xd: {  	[smem:$0x3FAC] =	sst s5  }
0xe: {  	[smem:$0x3FAD] =	sst s6  }
0xf: {  	[smem:$0x3FAE] =	sst s7  }
0x10: {  	[smem:$0x3FAF] =	sst s8  }
0x11: {  	[smem:$0x3FB0] =	sst s9;
	s0 =	simm.s32 @!p0 $0x0  }
0x12: {  	s1 =	sld [smem:$0x3F96];
	s0 =	simm.s32 @p0 $0x1  }
0x13: {  	[smem:$0x3FB1] =	sst s0;
	s0 =	simm.s32 @!p1 $0x0  }
0x14: {  	s2 =	sld [smem:$0x3F95];
	s0 =	simm.s32 @p1 $0x1  }
0x15: {  	[smem:$0x3FB2] =	sst s0;
	s0 =	simm.s32 @!p2 $0x0  }
0x16: {  	s3 =	sld [smem:$0x3FDB];
	s0 =	simm.s32 @p2 $0x1  }
0x17: {  	s4 =	simm.s32 $0x1BF5;
	[smem:$0x3FB4] =	sst s0  }
0x18: {  	s0 =	sld [smem:$0x3F97];
	_ =	swait.ge [sflag:s4], $0x0  }
0x19: {  	s7 =	sld [smem:$0x3F98]  }
0x1a: {  	s8 =	sadd.s32 $0xFFFFE003, lr  }
0x1b: {  	s9 =	sadd.s32 $0xFFFFFEF7, lr;
	s5 =	simm.s32 $0xFFFFFFFF;
	p2 =	slt.u32 s8, $0xFFFFF086  }
0x1c: {  	p1 =	slt.u32 s9, $0xF7A;
	s5 =	simm.s32 @!p2 $0x0  }
0x1d: {  	s5 =	simm.s32 @p1 $0x1;
	p0 =	seq.s32 s7, s2  }
0x1e: {  	s7 =	smul.u32 @!p0 $0xF7A, s2;
	p2 =	seq.s32 @!p0 s5, $0x0  }
0x1f: {  	s9 =	smul.u32 $0xF7A, s1;
	s8 =	simm.s32 @!p0 $0x1BF5;
	p2 =	por !p2, p0  }
0x20: {  	[sflag:s8] =	ssyncset.s32 @!p0 $0xFFFFF086;
	s6 =	sadd.s32 @!p0 s3, s7;
	s7 =	simm.s32 @!p0 $0x108  }
0x21: {  	s3 =	sadd.s32 s3, s9;
	s6 =	sadd.s32 @!p0 $0x88, s6;
	s7 =	simm.s32 @p2 $0x1082  }
0x22: {  	[simem:s7], [sflag:s8] =	dma.local @!p0 [hbm:s6], $0xF7A  }
0x23: {  	s9 =	sor.u32 $0xD0000000, s2;
	s6 =	simm.s32 $0x108;
	_ =	swait.ge @!p0 [sflag:s8], $0x0  }
0x24: {  	s3 =	sadd.s32 $0x88, s3;
	s6 =	simm.s32 @!p1 $0x1082;
	[sflag:s4] =	ssyncset.s32 $0xFFFFF086  }
0x25: {  	[simem:s6], [sflag:s4] =	dma.local [hbm:s3], $0xF7A  }
0x26: {  	[smem:$0x3F98] =	sst s1;
	(tag) =	ssettag s2;
	_ =	strace s9  }
0x27: {  	s1 =	sld [smem:$0x3FA8]  }
0x28: {  	s2 =	sld [smem:$0x3FA9]  }
0x29: {  	s4 =	sld [smem:$0x3FAB]  }
0x2a: {  	p0 =	seq.s32 s5, $0x0;
	s5 =	sld [smem:$0x3FAC]  }
0x2b: {  	s6 =	sld [smem:$0x3FAD]  }
0x2c: {  	s7 =	sld [smem:$0x3FAE]  }
0x2d: {  	s3 =	simm.s32 $0x108;
	s8 =	sld [smem:$0x3FAF]  }
0x2e: {  	s3 =	simm.s32 @!p0 $0x1082;
	s9 =	sld [smem:$0x3FB0]  }
0x2f: {  	lr =	sadd.s32 s0, s3;
	s0 =	sld [smem:$0x3FA7]  }
0x30: {  	s3 =	sld [smem:$0x3FAA]  }
0x31: {  	[smem:$0x3FB3] =	sst s10  }
0x32: {  	s10 =	sld [smem:$0x3FB1];
	_ =	sdelay $0x3  }
0x33: {  	p0 =	seq.s32 s10, $0x1;
	s10 =	sld [smem:$0x3FB3];
	_ =	sdelay $0x3  }
0x34: {  	[smem:$0x3FB3] =	sst s10  }
0x35: {  	s10 =	sld [smem:$0x3FB2];
	_ =	sdelay $0x3  }
0x36: {  	p1 =	seq.s32 s10, $0x1;
	s10 =	sld [smem:$0x3FB3];
	_ =	sdelay $0x3  }
0x37: {  	[smem:$0x3FB3] =	sst s10  }
0x38: {  	s10 =	sld [smem:$0x3FB4]  }
0x39: {  	_ = 	snop;
	(pc) =	sbr.ind lr, $3  }
0x3a: {  	_ = 	snop  }
0x3b: {  	_ = 	snop  }
0x3c: {  	p2 =	seq.s32 s10, $0x1;
	s10 =	sld [smem:$0x3FB3]  }
0x3d: {  	_ =	shalt  }
0x3e: {  	_ =	shalt  }
0x3f: {  	_ =	shalt  }
0x40: {  	_ =	shalt  }
0x41: {  	_ =	shalt  }
0x42: {  	_ =	shalt  }
0x43: {  	_ =	shalt  }
0x44: {  	_ =	shalt  }
0x45: {  	_ =	shalt  }
0x46: {  	_ =	shalt  }
0x47: {  	_ =	shalt  }
0x48: {  	_ =	shalt  }
0x49: {  	_ =	shalt  }
0x4a: {  	_ =	shalt  }
0x4b: {  	_ =	shalt  }
0x4c: {  	_ =	shalt  }
0x4d: {  	_ =	shalt  }
0x4e: {  	_ =	shalt  }
0x4f: {  	_ =	shalt  }
0x50: {  	_ =	shalt  }
0x51: {  	_ =	shalt  }
0x52: {  	_ =	shalt  }
0x53: {  	_ =	shalt  }
0x54: {  	_ =	shalt  }
0x55: {  	_ =	shalt  }
0x56: {  	_ =	shalt  }
0x57: {  	_ =	shalt  }
0x58: {  	_ =	shalt  }
0x59: {  	_ =	shalt  }
0x5a: {  	_ =	shalt  }
0x5b: {  	_ =	shalt  }
0x5c: {  	_ =	shalt  }
0x5d: {  	_ =	shalt  }
0x5e: {  	_ =	shalt  }
0x5f: {  	_ =	shalt  }
0x60: {  	_ =	shalt  }
0x61: {  	_ =	shalt  }
0x62: {  	_ =	shalt  }
0x63: {  	_ =	shalt  }
0x64: {  	_ =	shalt  }
0x65: {  	_ =	shalt  }
0x66: {  	_ =	shalt  }
0x67: {  	_ =	shalt  }
0x68: {  	_ =	shalt  }
0x69: {  	_ =	shalt  }
0x6a: {  	_ =	shalt  }
0x6b: {  	_ =	shalt  }
0x6c: {  	_ =	shalt  }
0x6d: {  	_ =	shalt  }
0x6e: {  	_ =	shalt  }
0x6f: {  	_ =	shalt  }
0x70: {  	_ =	shalt  }
0x71: {  	_ =	shalt  }
0x72: {  	_ =	shalt  }
0x73: {  	_ =	shalt  }
0x74: {  	_ =	shalt  }
0x75: {  	_ =	shalt  }
0x76: {  	_ =	shalt  }
0x77: {  	_ =	shalt  }
0x78: {  	_ =	shalt  }
0x79: {  	_ =	shalt  }
0x7a: {  	_ =	shalt  }
0x7b: {  	_ =	shalt  }
0x7c: {  	_ =	shalt  }
0x7d: {  	_ =	shalt  }
0x7e: {  	_ =	shalt  }
0x7f: {  	_ =	shalt  }
0x80: {  	_ =	shalt  }
0x81: {  	_ =	shalt  }
0x82: {  	_ =	shalt  }
0x83: {  	_ =	shalt  }
0x84: {  	_ =	shalt  }
0x85: {  	_ =	shalt  }
0x86: {  	_ =	shalt  }
0x87: {  	_ =	shalt  }
.Lfunc_end0:
.L_simem_size_0:
called_computation_lowered:
.L_overlay_start_0:
0x88: {  	s2 =	sld [smem:$0x3FD9]  }
0x89: {  	s3 =	sld [smem:$0x3FFE];
	_ =	sdelay $0x1  }
0x8a: {  	s1 =	srdreg.scid  }
0x8b: {  	s0 =	sand.u32 $0x1, s1  }
0x8c: {  	s14 =	sshll.u32 s0, $0xA;
	s2 =	sadd.s32 s3, s2  }
0x8d: {  	s2 =	sadd.s32 s2, s14  }
0x8e: {  	[smem:$0x3FBF] =	sst s2  }
0x8f: {  	_ = 	snop  }
0x90: {  	s2 =	sld [smem:$0x3FD0];
	_ =	sdelay $0x2  }
0x91: {  	s4 =	simm.s32 $0xA;
	s5 =	simm.s32 $0x10;
	s15 =	sld [smem:$0x3FC7]  }
0x92: {  	[smem:s5], [sflag:s4] =	dma.local [hbm:s2], $0x1  }
0x93: {  	_ =	swait.eq [sflag:s4], $0x1  }
0x94: {  	[sflag:s4] =	ssyncset.done $0x0  }
0x95: {  	[sflag:s4] =	ssyncadd.s32 $0xFFFFFFFF  }
0x96: {  	s16 =	sld [smem:$0x10];
	(tm) =	ssettm $0x1  }
0x97: {  	s17 =	sld [smem:$0x3FFB];
	_ =	sdelay $0x3  }
0x98: {  	_ =	strace s17  }
0x99: {  	s4 =	sld [smem:$0x3FFC];
	_ =	sdelay $0x3  }
0x9a: {  	_ =	strace s4  }
0x9b: {  	s4 =	sld [smem:$0x3FFD];
	_ =	sdelay $0x3  }
0x9c: {  	_ =	strace s4  }
0x9d: {  	_ =	strace $0x8FFFFFFF  }
0x9e: {  	s18 =	sld [smem:$0x3FDB];
	_ =	sdelay $0x1  }
0x9f: {  	s19 =	simm.s32 $_scs_section_size  }
0xa0: {  	s6 =	simm.s32 $_size__tile_overlayer_lowered;
	s7 =	simm.s32 $_tile_overlayer_lowered  }
0xa1: {  	s22 =	simm.s32 $0x1BFF;
	s21 =	sshll.u32 s7, $0x1;
	s4 =	sadd.s32 s19, s18  }
0xa2: {  	s8 =	simm.s32 $0x0;
	s20 =	sshll.u32 s6, $0x1;
	s6 =	sadd.s32 s21, s4  }
0xa3: {  	[timem:s8], [sflag:s22] =	dma.local [hbm:s6], s20  }
0xa4: {  	_ =	swait.ge [sflag:s22], s20  }
0xa5: {  	s5 =	ssub.s32 $0x0, s20;
	[sflag:s22] =	ssyncset.done $0x0  }
0xa6: {  	[sflag:s22] =	ssyncadd.s32 s5;
	_ =	sdelay $0x1  }
0xa7: {  	s23 =	simm.s32 $0x1B8B  }
0xa8: {  	_ =	swait.ge [sflag:s23], $0x1  }
0xa9: {  	[sflag:s23] =	ssyncset.done $0x0  }
0xaa: {  	s25 =	simm.s32 $0x1B8E;
	s24 =	sld [smem:$0x3FFE];
	[sflag:s23] =	ssyncadd.s32 $0xFFFFFFFF  }
0xab: {  	s26 =	simm.s32 $execute0_lowered;
	[smem:$0x3FD2] =	sst s25  }
0xac: {  	s6 =	sshll.u32 s26, $0x1;
	_ =	strace $0x80000046;
	[dreg:$0x1] =	wrdreg $0xFFFFFFFF  }
0xad: {  	s28 =	simm.s32 $_size_execute0_lowered;
	s4 =	sadd.s32 s4, s6;
	[dreg:$0x0] =	wrdreg $0x0  }
0xae: {  	s6 =	sshll.u32 s28, $0x1;
	[dreg:$0x2] =	wrdreg s4  }
0xaf: {  	[dreg:$0x3] =	wrdreg s6  }
0xb0: {  	[dreg:$0x4] =	wrdreg $0xC0  }
0xb1: {  	_ =	task [dreg:s8], $0x5FFFF  }
0xb2: {  	[dreg:$0x1] =	wrdreg $0xFFFFFFFF  }
0xb3: {  	[dreg:$0x0] =	wrdreg $0x60  }
0xb4: {  	[dreg:$0x2] =	wrdreg s16  }
0xb5: {  	[dreg:$0x3] =	wrdreg s15  }
0xb6: {  	[dreg:$0x4] =	wrdreg s24  }
0xb7: {  	[dreg:$0x5] =	wrdreg $0x1B0000  }
0xb8: {  	[dreg:$0x6] =	wrdreg $0x9  }
0xb9: {  	_ =	task.clear_ibuf [dreg:s8], $0x7FFFF;
	_ =	strace $0x90000046  }
0xba: {  	s29 =	simm.s32 $0x9;
	_ =	strace $0x80000048  }
0xbb: {  	_ =	swait.ge [sflag:s29], $0x1  }
0xbc: {  	[sflag:s29] =	ssyncadd.s32 $0xFFFFFFFF  }
0xbd: {  	_ =	strace $0x90000048  }
0xbe: {  	_ =	sfence  }
0xbf: {  	s30 =	sld [smem:$0x0];
	_ =	sdelay $0x2  }
0xc0: {  	s31 =	sshll.u32 s1, $0xD;
	s1 =	sshrl.u32 s1, $0x2  }
0xc1: {  	s3 =	sand.u32 $0x4000, s31;
	s1 =	sadd.s32 s1, s30  }
0xc2: {  	s0 =	sor.u32 s3, s0;
	s1 =	sshll.u32 s1, $0x11  }
0xc3: {  	s0 =	sor.u32 s1, s0  }
0xc4: {  	s0 =	sadd.s32 $0x8F2B, s0  }
0xc5: {  	[sflag:s0] =	ssyncadd.remote.s32 $0x1  }
0xc6: {  	_ =	sfence.sel $0xFFFF  }
0xc7: {  	[dreg:$0x0] =	wrdreg $0xFFFFFFFF;
	(pc) =	sbr.abs _section_cstart, $3  }
0xc8: {  	[dreg:$0x1] =	wrdreg $0xFFFFFFFF  }
0xc9: {  	_ =	task.clear_ibuf [dreg:s8], $0x2FFFF;
	_ =	strace $0x9FFFFFFF  }
0xca: {  	(tm) =	ssettm $0x7FFFFFFF  }
0xcb: {  	_ =	shalt  }
tec
execute0_lowered:
.L_overlay_start_1:
0x0: {  	(tag) =	ssettag $0x1  }
0x1: {  	s4 =	rddreg [dreg:$0x0]  }
0x2: {  	s5 =	rddreg [dreg:$0x1]  }
0x3: {  	s6 =	rddreg [dreg:$0x2]  }
0x4: {  	s1 =	rddreg [dreg:$0x3];
	s2 =	srdreg.scid  }
0x5: {  	s0 =	rddreg [dreg:$0x4];
	s3 =	stileid.u32  }
0x6: {  	s12 =	simm.s32 $0x1AF80;
	s13 =	simm.s32 $0x18780;
	s15 =	simm.s32 $0x0  }
0x7: {  	s7 =	sand.u32 $0x1, s2;
	s2 =	simm.s32 $0x0;
	s9 =	sshll.u32 s3, $0xA  }
0x8: {  	p0 =	sne.s32 s3, $0x0;
	p1 =	sgt.u32 s3, $0x9;
	s8 =	smul.u32 $0x2800, s7  }
0x9: {  	[smem:$0x7FF] =	sst s2;
	s10 =	sshll.u32 s7, $0x4;
	s7 =	ssub.s32 $0x2, s7  }
0xa: {  	v0 =	vimm.f32 $0.0e+00;
	v1 =	vlaneseq.u32;
	s14 =	sadd.s32 s9, s1;
	s10 =	sor.u32 s3, s10;
	s11 =	sshrl.u32 s7, $0x1  }
0xb: {  	vm0 =	vcmask $0x3F20;
	v2 =	vor.u32 $0x10, v1;
	v4 =	vmul.u32 $0x8, v1;
	_ =	strace $0x80000047;
	s14 =	sshrl.u32 @!p1 s14, $0x3;
	s8 =	sadd.s32 s9, s8  }
0xc: {  	v3 =	vor.u32 $0x20, v1;
	v5 =	vor.u32 $0x30, v1;
	v6 =	vor.u32 $0x40, v1;
	s10 =	smul.u32 $0x4E2, s10;
	s7 =	ssub.s32 s7, s11;
	s9 =	simm.s32 $0x2780  }
0xd: {  	v7 =	vadd.s32 $0xFFFFFFF8, v1;
	v8 =	vor.u32 $0x13800, v4;
	v9 =	vor.u32 $0x13801, v4;
	s11 =	simm.s32 $0x50;
	s8 =	sshrl.u32 s8, $0x3;
	s7 =	smax.u32 s7, $0x1  }
0xe: {  	v10 =	vor.u32 $0x13802, v4;
	v11 =	vor.u32 $0x13803, v4;
	v12 =	vor.u32 $0x13804, v4;
	s6 =	sadd.s32 s8, s6;
	s4 =	sadd.s32 s4, s10;
	s5 =	sadd.s32 s5, s10  }
0xf: {  	v13 =	vor.u32 $0x13805, v4;
	v14 =	vor.u32 $0x13806, v4;
	v15 =	vor.u32 $0x13807, v4;
	s8 =	simm.s32 $0x1;
	s10 =	simm.s32 $0x4F00;
	s6 =	sadd.s32 $0x2A00, s6  }
.LBB2_1:
0x10: {  	[tilespmem:s2], [sflag:$0x1] =	stream.linear.gather [hbm4b:s4+s2], $0x2710, $0x38;
	[tilespmem:$0x1B280] =	vst v63  }
0x11: {  	_ =	swait.ge [sflag:s8], $0x2710  }
0x12: {  	[sflag:s8] =	ssyncset.done $0x0  }
0x13: {  	[sflag:s8] =	ssyncadd.s32 $0xFFFFD8F0  }
0x14: {  	[tilespmem:s9], [sflag:$0x1] =	stream.linear.gather [hbm4b:s5+s2], $0x2710, $0x38;
	[tilespmem:$0x1B280] =	vst v63  }
0x15: {  	_ =	swait.ge [sflag:s8], $0x2710  }
0x16: {  	[sflag:s8] =	ssyncset.done $0x0  }
0x17: {  	s16 =	simm.s32 $0x0;
	[sflag:s8] =	ssyncadd.s32 $0xFFFFD8F0  }
.LBB2_2:
0x18: {  	p2 =	sne.s32 s16, $0x4E1C0  }
.Ltmp0:
0x19: {  	_ = 	snop;
	(pc) =	sbr.rel @p2 .LBB2_2-.Ltmp0, $3  }
0x1a: {  	_ =	sdelay $0x1  }
0x1b: {  	s17 =	sshra.s32 s16, $0x2  }
0x1c: {  	s16 =	sadd.s32 $0x40, s16;
	[tilespmem:s17+$0x4F00] =	vst v0  }
0x1d: {  	s16 =	simm.s32 $0x0;
	s17 =	simm.s32 $0x200  }
.LBB2_4:
0x1e: {  	p2 =	sne.s32 s17, $0x9E00;
	[tilespmem:s16+$0x187F0] =	vst v0  }
0x1f: {  	[tilespmem:s16+$0x18780] =	vst v0  }
0x20: {  	[tilespmem:s16+$0x18790] =	vst v0  }
.Ltmp1:
0x21: {  	[tilespmem:s16+$0x187A0] =	vst v0;
	(pc) =	sbr.rel @p2 .LBB2_4-.Ltmp1, $4  }
0x22: {  	[tilespmem:s16+$0x187B0] =	vst v0  }
0x23: {  	[tilespmem:s16+$0x187C0] =	vst v0  }
0x24: {  	[tilespmem:s16+$0x187D0] =	vst v0  }
0x25: {  	[tilespmem:s16+$0x187E0] =	vst v0;
	s16 =	sshra.s32 s17, $0x2;
	s17 =	sadd.s32 $0x200, s17  }
0x26: {  	[tilespmem:s16+$0x187F0] =	vst v0  }
0x27: {  	[tilespmem:s16+$0x18780] =	vst v0  }
0x28: {  	[tilespmem:s16+$0x18790] =	vst v0  }
0x29: {  	[tilespmem:s16+$0x187A0] =	vst v0  }
0x2a: {  	[tilespmem:s16+$0x187B0] =	vst v0  }
0x2b: {  	[tilespmem:s16+$0x187C0] =	vst v0  }
0x2c: {  	[tilespmem:s16+$0x187D0] =	vst v0  }
0x2d: {  	[tilespmem:s16+$0x187E0] =	vst v0  }
0x2e: {  	[tilespmem:$0x1AF80] =	vst v1  }
0x2f: {  	[tilespmem:$0x1AF90] =	vst v2  }
0x30: {  	[tilespmem:$0x1AFA0] =	vst v3  }
0x31: {  	[tilespmem:$0x1AFB0] =	vst v5  }
0x32: {  	s16 =	simm.s32 @!p0 $0x18780;
	[tilespmem:$0x1AFC0] =	vst v6  }
0x33: {  	[spmem:s1] =	stream.linear.scatter @!p0 [tilespmem:s16], [sflag:$0x1], $0x2800, $0x38;
	[tilespmem:$0x1B280] =	vst v63  }
0x34: {  	s16 =	simm.s32 @!p0 $0x1  }
0x35: {  	_ =	swait.ge @!p0 [sflag:s16], $0x2800  }
0x36: {  	[sflag:s16] =	ssyncset.done @!p0 $0x0  }
0x37: {  	s17 =	simm.s32 $0x27A0;
	[sflag:s16] =	ssyncadd.s32 @!p0 $0xFFFFD800  }
0x38: {  	s18 =	simm.s32 $0x20;
	s16 =	simm.s32 $0xFFFFFFFC;
	[bflag:$0x0] =	sbarrier.arrive $0xFFFF  }
.LBB2_6:
0x39: {  	v16 =	vld [tilespmem:s18+$0xFFFFFFE0];
	_ =	sdelay $0x4  }
0x3a: {  	v16 =	vshll.u32 v16, $0x3  }
0x3b: {  	v17 =	vld [tilespmem:s17+$0xFFFFFFE0];
	v18 =	vadd.s32 v1, v16  }
0x3c: {  	v16 =	vadd.s32 v7, v16;
	_ =	sdelay $0x3  }
0x3d: {  	[tilespmem:v18+s10+$0x0] =	vst.idx.add.f32.msk $0xff, v17  }
0x3e: {  	[tilespmem:v16+s10+$0x0] =	vst.idx.add.f32.msk vm0, v17  }
0x3f: {  	v16 =	vld [tilespmem:s18+$0xFFFFFFF0];
	_ =	sdelay $0x4  }
0x40: {  	v16 =	vshll.u32 v16, $0x3  }
0x41: {  	v17 =	vld [tilespmem:s17+$0xFFFFFFF0];
	v61 =	vadd.s32 v1, v16  }
0x42: {  	v16 =	vadd.s32 v7, v16;
	_ =	sdelay $0x3  }
0x43: {  	[tilespmem:v61+s10+$0x0] =	vst.idx.add.f32.msk $0xff, v17  }
0x44: {  	[tilespmem:v16+s10+$0x0] =	vst.idx.add.f32.msk vm0, v17  }
0x45: {  	v16 =	vld [tilespmem:s18+$0x0];
	_ =	sdelay $0x4  }
0x46: {  	v16 =	vshll.u32 v16, $0x3  }
0x47: {  	v17 =	vld [tilespmem:s17+$0x0];
	v62 =	vadd.s32 v1, v16  }
0x48: {  	v16 =	vadd.s32 v7, v16;
	_ =	sdelay $0x3  }
0x49: {  	[tilespmem:v62+s10+$0x0] =	vst.idx.add.f32.msk $0xff, v17  }
0x4a: {  	[tilespmem:v16+s10+$0x0] =	vst.idx.add.f32.msk vm0, v17  }
0x4b: {  	v16 =	vld [tilespmem:s18+$0x10];
	_ =	sdelay $0x4  }
0x4c: {  	v16 =	vshll.u32 v16, $0x3  }
0x4d: {  	s16 =	sadd.s32 $0x4, s16;
	v17 =	vld [tilespmem:s17+$0x10];
	v63 =	vadd.s32 v1, v16  }
0x4e: {  	p2 =	slt.u32 s16, $0x26C;
	v16 =	vadd.s32 v7, v16  }
.Ltmp2:
0x4f: {  	_ = 	snop;
	(pc) =	sbr.rel @p2 .LBB2_6-.Ltmp2, $3  }
0x50: {  	_ =	sdelay $0x1  }
0x51: {  	[tilespmem:v63+s10+$0x0] =	vst.idx.add.f32.msk $0xff, v17  }
0x52: {  	s17 =	sadd.s32 $0x40, s17;
	s18 =	sadd.s32 $0x40, s18;
	[tilespmem:v16+s10+$0x0] =	vst.idx.add.f32.msk vm0, v17  }
0x53: {  	v16 =	vld [tilespmem:$0x2700];
	_ =	sdelay $0x4  }
0x54: {  	s17 =	simm.s32 $0x0;
	v16 =	vshll.u32 v16, $0x3  }
0x55: {  	v17 =	vld [tilespmem:$0x4E80];
	v19 =	vmov s17;
	v18 =	vadd.s32 v1, v16  }
0x56: {  	v19 =	vshll.u32 v19, $0x3;
	v16 =	vadd.s32 v7, v16  }
0x57: {  	v19 =	vor.u32 v4, v19;
	_ =	sdelay $0x1  }
0x58: {  	v20 =	vor.u32 $0x1, v19  }
0x59: {  	[tilespmem:v18+s10+$0x0] =	vst.idx.add.f32.msk $0xff, v17  }
0x5a: {  	[tilespmem:v16+s10+$0x0] =	vst.idx.add.f32.msk vm0, v17;
	v16 =	vor.u32 $0x2, v19  }
0x5b: {  	v17 =	vld.idx.msk [tilespmem:v19+s10+$0x0], $0xffff  }
0x5c: {  	v18 =	vor.u32 $0x3, v19  }
0x5d: {  	v20 =	vld.idx.msk [tilespmem:v20+s10+$0x0], $0xffff  }
0x5e: {  	v21 =	vor.u32 $0x4, v19  }
0x5f: {  	v16 =	vld.idx.msk [tilespmem:v16+s10+$0x0], $0xffff  }
0x60: {  	v22 =	vor.u32 $0x5, v19;
	v17 =	vadd.f32 $0.0e+00, v17  }
0x61: {  	v18 =	vld.idx.msk [tilespmem:v18+s10+$0x0], $0xffff  }
0x62: {  	v23 =	vor.u32 $0x6, v19;
	v17 =	vadd.f32 v20, v17  }
0x63: {  	v20 =	vld.idx.msk [tilespmem:v21+s10+$0x0], $0xffff  }
0x64: {  	v19 =	vor.u32 $0x7, v19;
	v16 =	vadd.f32 v16, v17  }
0x65: {  	v17 =	vld.idx.msk [tilespmem:v22+s10+$0x0], $0xffff  }
0x66: {  	v16 =	vadd.f32 v18, v16  }
0x67: {  	v18 =	vld.idx.msk [tilespmem:v23+s10+$0x0], $0xffff  }
0x68: {  	v16 =	vadd.f32 v20, v16  }
0x69: {  	s20 =	simm.s32 $0x10;
	v19 =	vld.idx.msk [tilespmem:v19+s10+$0x0], $0xffff  }
0x6a: {  	v16 =	vadd.f32 v17, v16;
	v17 =	vmov s20  }
0x6b: {  	s16 =	simm.s32 $0x0;
	v17 =	vshll.u32 v17, $0x3  }
0x6c: {  	s18 =	sand.u32 $0xFE00, s16;
	v16 =	vadd.f32 v18, v16;
	v17 =	vor.u32 v4, v17  }
0x6d: {  	s18 =	sshrl.u32 s18, $0x2  }
0x6e: {  	s17 =	sand.u32 $0x60, s17;
	s21 =	sadd.s32 $0x18780, s18;
	v18 =	vor.u32 $0x1, v17;
	v16 =	vadd.f32 v19, v16  }
0x6f: {  	s17 =	sor.u32 s17, s21  }
0x70: {  	[tilespmem:s17+$0x0] =	vst v16;
	v16 =	vor.u32 $0x2, v17  }
0x71: {  	v19 =	vld.idx.msk [tilespmem:v17+s10+$0x0], $0xffff  }
0x72: {  	v20 =	vor.u32 $0x3, v17  }
0x73: {  	v18 =	vld.idx.msk [tilespmem:v18+s10+$0x0], $0xffff  }
0x74: {  	v21 =	vor.u32 $0x4, v17  }
0x75: {  	v16 =	vld.idx.msk [tilespmem:v16+s10+$0x0], $0xffff  }
0x76: {  	v22 =	vor.u32 $0x5, v17;
	v19 =	vadd.f32 $0.0e+00, v19  }
0x77: {  	v20 =	vld.idx.msk [tilespmem:v20+s10+$0x0], $0xffff  }
0x78: {  	v23 =	vor.u32 $0x6, v17;
	v18 =	vadd.f32 v18, v19  }
0x79: {  	v19 =	vld.idx.msk [tilespmem:v21+s10+$0x0], $0xffff  }
0x7a: {  	v17 =	vor.u32 $0x7, v17;
	v16 =	vadd.f32 v16, v18  }
0x7b: {  	v18 =	vld.idx.msk [tilespmem:v22+s10+$0x0], $0xffff  }
0x7c: {  	v16 =	vadd.f32 v20, v16  }
0x7d: {  	v20 =	vld.idx.msk [tilespmem:v23+s10+$0x0], $0xffff  }
0x7e: {  	v16 =	vadd.f32 v19, v16  }
0x7f: {  	s31 =	simm.s32 $0x20;
	v24 =	vld.idx.msk [tilespmem:v17+s10+$0x0], $0xffff  }
0x80: {  	v17 =	vmov s31;
	v16 =	vadd.f32 v18, v16  }
0x81: {  	v17 =	vshll.u32 v17, $0x3  }
0x82: {  	v22 =	vor.u32 v4, v17;
	v16 =	vadd.f32 v20, v16  }
0x83: {  	v21 =	vor.u32 $0x2, v22;
	v17 =	vor.u32 $0x5, v22  }
0x84: {  	s19 =	simm.s32 $0x2;
	s22 =	sand.u32 $0x70, s20;
	s18 =	simm.s32 $0x30;
	v23 =	vor.u32 $0x1, v22;
	v19 =	vor.u32 $0x4, v22;
	v24 =	vadd.f32 v24, v16  }
0x85: {  	s21 =	sor.u32 s22, s21;
	s20 =	sand.u32 $0x60, s31;
	s17 =	simm.s32 $0x30;
	v18 =	vor.u32 $0x6, v22;
	v20 =	vor.u32 $0x3, v22;
	v16 =	vor.u32 $0x7, v22  }
.LBB2_8:
0x86: {  	s19 =	sadd.s32 $0x2, s19;
	[tilespmem:s21+$0x0] =	vst v24;
	s16 =	sadd.s32 $0x80, s16  }
0x87: {  	p2 =	slt.u32 s19, $0x26E;
	v22 =	vld.idx.msk [tilespmem:v22+s10+$0x0], $0xffff;
	_ =	sdelay $0x1  }
0x88: {  	v23 =	vld.idx.msk [tilespmem:v23+s10+$0x0], $0xffff;
	_ =	sdelay $0x1  }
0x89: {  	v21 =	vld.idx.msk [tilespmem:v21+s10+$0x0], $0xffff;
	_ =	sdelay $0x1  }
0x8a: {  	v22 =	vadd.f32 $0.0e+00, v22;
	v20 =	vld.idx.msk [tilespmem:v20+s10+$0x0], $0xffff;
	_ =	sdelay $0x1  }
0x8b: {  	v22 =	vadd.f32 v23, v22;
	v19 =	vld.idx.msk [tilespmem:v19+s10+$0x0], $0xffff;
	_ =	sdelay $0x1  }
0x8c: {  	v21 =	vadd.f32 v21, v22;
	v17 =	vld.idx.msk [tilespmem:v17+s10+$0x0], $0xffff;
	_ =	sdelay $0x1  }
0x8d: {  	v20 =	vadd.f32 v20, v21;
	v18 =	vld.idx.msk [tilespmem:v18+s10+$0x0], $0xffff;
	_ =	sdelay $0x1  }
0x8e: {  	v19 =	vadd.f32 v19, v20;
	v16 =	vld.idx.msk [tilespmem:v16+s10+$0x0], $0xffff;
	_ =	sdelay $0x1  }
0x8f: {  	v17 =	vadd.f32 v17, v19;
	v19 =	vmov s18  }
0x90: {  	v19 =	vshll.u32 v19, $0x3  }
0x91: {  	s21 =	sand.u32 $0xFE00, s16;
	v17 =	vadd.f32 v18, v17;
	v18 =	vor.u32 v4, v19  }
0x92: {  	s21 =	sshrl.u32 s21, $0x2  }
0x93: {  	s21 =	sadd.s32 $0x18780, s21;
	v16 =	vadd.f32 v16, v17;
	v17 =	vor.u32 $0x1, v18  }
0x94: {  	s20 =	sor.u32 s20, s21  }
0x95: {  	[tilespmem:s20+$0x0] =	vst v16;
	v16 =	vor.u32 $0x2, v18  }
0x96: {  	v19 =	vld.idx.msk [tilespmem:v18+s10+$0x0], $0xffff  }
0x97: {  	v20 =	vor.u32 $0x3, v18  }
0x98: {  	v17 =	vld.idx.msk [tilespmem:v17+s10+$0x0], $0xffff  }
0x99: {  	v21 =	vor.u32 $0x4, v18  }
0x9a: {  	v16 =	vld.idx.msk [tilespmem:v16+s10+$0x0], $0xffff  }
0x9b: {  	v22 =	vor.u32 $0x5, v18  }
0x9c: {  	v19 =	vadd.f32 $0.0e+00, v19;
	v20 =	vld.idx.msk [tilespmem:v20+s10+$0x0], $0xffff  }
0x9d: {  	v23 =	vor.u32 $0x6, v18  }
0x9e: {  	v17 =	vadd.f32 v17, v19;
	v19 =	vld.idx.msk [tilespmem:v21+s10+$0x0], $0xffff  }
0x9f: {  	v18 =	vor.u32 $0x7, v18  }
0xa0: {  	v16 =	vadd.f32 v16, v17;
	v17 =	vld.idx.msk [tilespmem:v22+s10+$0x0], $0xffff;
	_ =	sdelay $0x1  }
0xa1: {  	v16 =	vadd.f32 v20, v16;
	v20 =	vld.idx.msk [tilespmem:v23+s10+$0x0], $0xffff;
	_ =	sdelay $0x1  }
0xa2: {  	s18 =	sadd.s32 $0x20, s18;
	v16 =	vadd.f32 v19, v16;
	v18 =	vld.idx.msk [tilespmem:v18+s10+$0x0], $0xffff  }
0xa3: {  	s20 =	sadd.s32 $0xFFFFFFF0, s18  }
0xa4: {  	v19 =	vmov s20;
	s20 =	sand.u32 $0x60, s20;
	v16 =	vadd.f32 v17, v16  }
.Ltmp3:
0xa5: {  	v17 =	vshll.u32 v19, $0x3;
	(pc) =	sbr.rel @p2 .LBB2_8-.Ltmp3, $4  }
0xa6: {  	v22 =	vor.u32 v4, v17;
	v16 =	vadd.f32 v20, v16  }
0xa7: {  	v23 =	vor.u32 $0x1, v22;
	v21 =	vor.u32 $0x2, v22;
	v20 =	vor.u32 $0x3, v22  }
0xa8: {  	s22 =	sand.u32 $0x70, s17;
	s17 =	smov.u32 s18;
	v19 =	vor.u32 $0x4, v22;
	v17 =	vor.u32 $0x5, v22;
	v24 =	vadd.f32 v18, v16  }
0xa9: {  	s21 =	sor.u32 s22, s21;
	v18 =	vor.u32 $0x6, v22;
	v16 =	vor.u32 $0x7, v22  }
0xaa: {  	_ =	sdelay $0x2  }
0xab: {  	[tilespmem:s21+$0x0] =	vst v24  }
0xac: {  	v22 =	vld.idx.msk [tilespmem:v22+s10+$0x0], $0xffff;
	_ =	sdelay $0x1  }
0xad: {  	v23 =	vld.idx.msk [tilespmem:v23+s10+$0x0], $0xffff;
	_ =	sdelay $0x1  }
0xae: {  	v21 =	vld.idx.msk [tilespmem:v21+s10+$0x0], $0xffff  }
0xaf: {  	v22 =	vadd.f32 $0.0e+00, v22  }
0xb0: {  	v20 =	vld.idx.msk [tilespmem:v20+s10+$0x0], $0xffff  }
0xb1: {  	v22 =	vadd.f32 v23, v22  }
0xb2: {  	v19 =	vld.idx.msk [tilespmem:v19+s10+$0x0], $0xffff  }
0xb3: {  	v21 =	vadd.f32 v21, v22  }
0xb4: {  	v17 =	vld.idx.msk [tilespmem:v17+s10+$0x0], $0xffff  }
0xb5: {  	v20 =	vadd.f32 v20, v21  }
0xb6: {  	v18 =	vld.idx.msk [tilespmem:v18+s10+$0x0], $0xffff  }
0xb7: {  	v19 =	vadd.f32 v19, v20  }
0xb8: {  	v16 =	vld.idx.msk [tilespmem:v16+s10+$0x0], $0xffff  }
0xb9: {  	v52 =	vmov s18;
	v17 =	vadd.f32 v17, v19  }
0xba: {  	s16 =	sadd.s32 $0x80, s16;
	v19 =	vshll.u32 v52, $0x3  }
0xbb: {  	s16 =	sand.u32 $0xFE00, s16;
	v53 =	vor.u32 v4, v19;
	v17 =	vadd.f32 v18, v17  }
0xbc: {  	s16 =	sshrl.u32 s16, $0x2  }
0xbd: {  	s16 =	sadd.s32 $0x18780, s16;
	v16 =	vadd.f32 v16, v17;
	v17 =	vor.u32 $0x1, v53  }
0xbe: {  	s31 =	sor.u32 s20, s16  }
0xbf: {  	[tilespmem:s31+$0x0] =	vst v16;
	v16 =	vor.u32 $0x2, v53  }
0xc0: {  	v19 =	vld.idx.msk [tilespmem:v53+s10+$0x0], $0xffff  }
0xc1: {  	v54 =	vor.u32 $0x3, v53  }
0xc2: {  	v17 =	vld.idx.msk [tilespmem:v17+s10+$0x0], $0xffff  }
0xc3: {  	v55 =	vor.u32 $0x4, v53  }
0xc4: {  	v16 =	vld.idx.msk [tilespmem:v16+s10+$0x0], $0xffff  }
0xc5: {  	v56 =	vor.u32 $0x5, v53;
	v19 =	vadd.f32 $0.0e+00, v19  }
0xc6: {  	v20 =	vld.idx.msk [tilespmem:v54+s10+$0x0], $0xffff  }
0xc7: {  	v57 =	vor.u32 $0x6, v53;
	v17 =	vadd.f32 v17, v19  }
0xc8: {  	v58 =	vld.idx.msk [tilespmem:v55+s10+$0x0], $0xffff  }
0xc9: {  	v18 =	vor.u32 $0x7, v53;
	v16 =	vadd.f32 v16, v17  }
0xca: {  	v17 =	vld.idx.msk [tilespmem:v56+s10+$0x0], $0xffff  }
0xcb: {  	v16 =	vadd.f32 v20, v16  }
0xcc: {  	v59 =	vld.idx.msk [tilespmem:v57+s10+$0x0], $0xffff  }
0xcd: {  	v16 =	vadd.f32 v58, v16  }
0xce: {  	v18 =	vld.idx.msk [tilespmem:v18+s10+$0x0], $0xffff  }
0xcf: {  	v16 =	vadd.f32 v17, v16;
	_ =	sdelay $0x1  }
0xd0: {  	v16 =	vadd.f32 v59, v16;
	_ =	sdelay $0x1  }
0xd1: {  	s17 =	sand.u32 $0x70, s17;
	v16 =	vadd.f32 v18, v16  }
0xd2: {  	s16 =	sor.u32 s17, s16  }
0xd3: {  	[tilespmem:s16+$0x0] =	vst v16  }
0xd4: {  	v16 =	vld.idx.msk [tilespmem:v8+s10+$0x0], $0xffff;
	_ =	sdelay $0x1  }
0xd5: {  	v17 =	vld.idx.msk [tilespmem:v9+s10+$0x0], $0xffff;
	_ =	sdelay $0x1  }
0xd6: {  	v60 =	vld.idx.msk [tilespmem:v10+s10+$0x0], $0xffff  }
0xd7: {  	v16 =	vadd.f32 $0.0e+00, v16  }
0xd8: {  	v61 =	vld.idx.msk [tilespmem:v11+s10+$0x0], $0xffff  }
0xd9: {  	v16 =	vadd.f32 v17, v16  }
0xda: {  	v17 =	vld.idx.msk [tilespmem:v12+s10+$0x0], $0xffff  }
0xdb: {  	v16 =	vadd.f32 v60, v16  }
0xdc: {  	v62 =	vld.idx.msk [tilespmem:v13+s10+$0x0], $0xffff  }
0xdd: {  	v16 =	vadd.f32 v61, v16  }
0xde: {  	v63 =	vld.idx.msk [tilespmem:v14+s10+$0x0], $0xffff  }
0xdf: {  	v16 =	vadd.f32 v17, v16  }
0xe0: {  	v17 =	vld.idx.msk [tilespmem:v15+s10+$0x0], $0xffff  }
0xe1: {  	v16 =	vadd.f32 v62, v16;
	_ =	sdelay $0x1  }
0xe2: {  	v16 =	vadd.f32 v63, v16;
	_ =	sdelay $0x1  }
0xe3: {  	v16 =	vadd.f32 v17, v16;
	_ =	sdelay $0x1  }
0xe4: {  	[tilespmem:$0x1AE80] =	vst v16  }
0xe5: {  	[spmem:s1] =	stream.indirect.scatter.add.f32 [tilespmem:s13], [sflag:$0x1], $0x80, s12, s11, $0xb8;
	[tilespmem:$0x1B280] =	vst v63  }
0xe6: {  	_ =	swait.ge [sflag:s8], $0x2800  }
0xe7: {  	[sflag:s8] =	ssyncset.done $0x0  }
0xe8: {  	s15 =	sadd.s32 $0x1, s15;
	s16 =	sshll.u32 @!p1 s3, $0x6;
	[sflag:s8] =	ssyncadd.s32 $0xFFFFD800  }
0xe9: {  	p2 =	sne.s32 s15, s7;
	s16 =	sor.u32 @!p1 $0x1C01, s16;
	[bflag:$0x0] =	sbarrier.arrive $0xFFFF  }
0xea: {  	[hbm:s6], [sflag:s16] =	dma.local @!p1 [spmem:s14], $0x80  }
.Ltmp4:
0xeb: {  	_ = 	snop;
	(pc) =	sbr.rel @p2 .LBB2_1-.Ltmp4, $4  }
0xec: {  	s16 =	simm.s32 @!p1 $0x1  }
0xed: {  	_ =	swait.ge @!p1 [sflag:s16], $0x80  }
0xee: {  	[sflag:s16] =	ssyncset.done @!p1 $0x0  }
0xef: {  	[sflag:s16] =	ssyncadd.s32 @!p1 $0xFFFFFF80  }
0xf0: {  	_ =	sfence.sel $0x180000  }
0xf1: {  	[bflag:$0x0] =	sbarrier.arrive $0xFFFF  }
0xf2: {  	_ =	strace $0x90000047  }
0xf3: {  	s0 =	sadd.s32 @!p0 $0x100000, s0;
	[bflag:$0x2] =	sbarrier.arrive $0xFFFF  }
0xf4: {  	[sflag:s0] =	ssyncadd.tile.s32 @!p0 $0x1;
	_ =	shalt  }
.Lfunc_end2:
_tile_overlayer_lowered:
.L_overlay_start_2:
0xf5: {  	(tag) =	ssettag $0x2  }
0xf6: {  	s0 =	rddreg [dreg:$0x0];
	s2 =	stileid.u32  }
0xf7: {  	s1 =	rddreg [dreg:$0x1];
	p0 =	sne.s32 s2, $0x0  }
0xf8: {  	s3 =	rddreg [dreg:$0x2];
	[bflag:$0x3] =	sbarrier.arrive $0xFFFF;
	s2 =	simm.s32 @!p0 $0x1C01  }
0xf9: {  	[timem:s3], [sflag:s2] =	dma.local @!p0 [hbm:s0], s1  }
0xfa: {  	s0 =	simm.s32 @!p0 $0x1  }
0xfb: {  	_ =	swait.ge @!p0 [sflag:s0], s1  }
0xfc: {  	s1 =	ssub.s32 @!p0 $0x0, s1;
	[sflag:s0] =	ssyncset.done @!p0 $0x0  }
0xfd: {  	[sflag:s0] =	ssyncadd.s32 @!p0 s1  }
0xfe: {  	[bflag:$0x3] =	sbarrier.arrive $0xFFFF  }
0xff: {  	_ =	shalt  }

</sc_bundles>
